<compile_context>
chip_gen: v7x
topology: tpu7x:2x2x1
jax: 0.10.2.dev20260603
libtpu: 0.0.44.dev20260713+nightly
codegen_flags: <defaults>
</compile_context>

<pallas_src>
import functools
import math

import jax
import jax.numpy as jnp
from jax import lax
from jax.experimental import pallas as pl
from jax.experimental.pallas import tpu as pltpu
from jax.experimental.pallas import tpu_sc as plsc

N_NODES = 10000
N_EDGES = 320000
DIM = 128
HALF = 64
ONSET = 0.8
CUT = 1.0
LN2 = math.log(2.0)

BE = 2560
NEB = N_EDGES // BE
SPLITS = [(0, 10), (10, 20), (30, 30), (60, 32), (92, 33)]
BN = 400
NNB = N_NODES // BN
BF = 1280
NFB = 10240 // BF
NSUB = 16
KCH = 80
NPAD = 10240
RPT = NPAD // NSUB
RZ = 64


def _softplus(v):
    return jnp.maximum(v, 0.0) + jnp.log1p(jnp.exp(-jnp.abs(v)))


def _edge_stage_body(dist_ref, ef_ref, w1_ref, b1_ref, w2_ref, b2_ref,
                     g_ref):
    d = dist_ref[0, 0, :]
    gamma = DIM / (CUT - 0.0)
    mu = (lax.broadcasted_iota(jnp.int32, (1, DIM), 1).astype(jnp.float32)
          * (CUT / (DIM - 1)))
    bf = jnp.exp(-gamma * (d[:, None] - mu) ** 2)
    h = _softplus(jnp.dot(bf, w1_ref[...], preferred_element_type=jnp.float32)
                  + b1_ref[0, :]) - LN2
    h = _softplus(jnp.dot(h, w2_ref[...], preferred_element_type=jnp.float32)
                  + b2_ref[0, :]) - LN2
    t = (d - ONSET) / (CUT - ONSET)
    ramp = 0.5 * (jnp.cos(jnp.pi * jnp.clip(t, 0.0, 1.0)) + 1.0)
    co = jnp.where(d < ONSET, 1.0, jnp.where(d > CUT, 0.0, ramp))
    g = ef_ref[...] * h * co[:, None]
    gl = jnp.log(jnp.abs(g))
    gs = jnp.where(g < 0.0, 1.0, 0.0)
    g_ref[0, 0] = jnp.concatenate([gl[:, :HALF], gs[:, :HALF]], axis=1)
    g_ref[1, 0] = jnp.concatenate([gl[:, HALF:], gs[:, HALF:]], axis=1)


def _node_stage_body(x_ref, a_ref):
    xv = x_ref[...]
    al = jnp.log(jnp.abs(xv))
    asg = jnp.where(xv < 0.0, 1.0, 0.0)
    a_ref[0, 0] = jnp.concatenate([al[:, :HALF], asg[:, :HALF]], axis=1)
    a_ref[1, 0] = jnp.concatenate([al[:, HALF:], asg[:, HALF:]], axis=1)


def _final_stage_body(h0_ref, h1_ref, h2_ref, h3_ref, h4_ref, w3_ref,
                      b3_ref, out_ref):
    hc = (h0_ref[...] + h1_ref[...] + h2_ref[...] + h3_ref[...]
          + h4_ref[...])
    h = jnp.concatenate([hc[0, :, :HALF], hc[1, :, :HALF]], axis=1)
    sc = jnp.concatenate([hc[0, :, HALF:], hc[1, :, HALF:]], axis=1)
    parity = sc - 2.0 * jnp.floor(sc * 0.5)
    sign = 1.0 - 2.0 * parity
    hv = sign * jnp.exp(h)
    out_ref[...] = _softplus(
        jnp.dot(hv, w3_ref[...], preferred_element_type=jnp.float32)
        + b3_ref[0, :]) - LN2


def _make_sc_scatter_body(nch):
    eps = nch * KCH
    esz = NSUB * eps
    npair = nch // 2

    def body(ipk, a2, g2, zrows,
             acc_out,
             acc_sh, ibuf_a, ibuf_b,
             abuf_a, gbuf_a, abuf_b, gbuf_b,
             sem_aa, sem_ga, sem_ab, sem_gb, sem_s1, sem_s2):
        c = lax.axis_index("c")
        s = lax.axis_index("s")
        base = s * RPT

        pltpu.sync_copy(zrows, abuf_a.at[pl.ds(0, RZ)])

        def zbody(j, carry):
            pltpu.sync_copy(abuf_a.at[pl.ds(0, RZ)],
                            acc_sh.at[pl.ds(base + j * RZ, RZ)])
            return carry

        lax.fori_loop(0, RPT // RZ, zbody, 0)
        plsc.subcore_barrier()

        e0 = s * eps
        lin0 = (c * NSUB + s) * nch

        def load_idx(chunk, ibuf):
            pltpu.sync_copy(ipk.at[lin0 + chunk], ibuf)

        def start_gathers(chunk, ibuf, abuf, gbuf, sem_a, sem_g):
            eoff = e0 + chunk * KCH
            pltpu.async_copy(a2.at[ibuf.at[0]], abuf, sem_a)
            pltpu.async_copy(g2.at[pl.ds(c * esz + eoff, KCH)],
                             gbuf, sem_g)

        def wait_and_scatter(chunk, ibuf, abuf, gbuf, sem_a, sem_g):
            eoff = e0 + chunk * KCH
            pltpu.make_async_copy(a2.at[ibuf.at[0]], abuf, sem_a).wait()
            pltpu.make_async_copy(g2.at[pl.ds(c * esz + eoff, KCH)],
                                  gbuf, sem_g).wait()
            ca = pltpu.async_copy(abuf, acc_sh.at[ibuf.at[1]], sem_s1,
                                  add=True)
            cg = pltpu.async_copy(gbuf, acc_sh.at[ibuf.at[1]], sem_s2,
                                  add=True)
            ca.wait()
            cg.wait()

        load_idx(0, ibuf_a)
        start_gathers(0, ibuf_a, abuf_a, gbuf_a, sem_aa, sem_ga)

        def ebody(i, carry):
            ca = 2 * i
            cb = 2 * i + 1
            load_idx(cb, ibuf_b)
            start_gathers(cb, ibuf_b, abuf_b, gbuf_b, sem_ab, sem_gb)
            wait_and_scatter(ca, ibuf_a, abuf_a, gbuf_a, sem_aa, sem_ga)

            @pl.when(i < npair - 1)
            def _():
                load_idx(ca + 2, ibuf_a)
                start_gathers(ca + 2, ibuf_a, abuf_a, gbuf_a, sem_aa,
                              sem_ga)

            wait_and_scatter(cb, ibuf_b, abuf_b, gbuf_b, sem_ab, sem_gb)
            return carry

        lax.fori_loop(0, npair, ebody, 0)
        plsc.subcore_barrier()

        def obody(j, carry):
            r0 = base + j * RZ
            pltpu.sync_copy(acc_sh.at[pl.ds(r0, RZ)],
                            abuf_a.at[pl.ds(0, RZ)])
            pltpu.sync_copy(abuf_a.at[pl.ds(0, RZ)],
                            acc_out.at[pl.ds(c * NPAD + r0, RZ)])
            return carry

        lax.fori_loop(0, RPT // RZ, obody, 0)

    return body


def _make_edge_stage(blk0, nb):
    return pl.pallas_call(
        _edge_stage_body,
        grid=(nb,),
        in_specs=[
            pl.BlockSpec((1, 1, BE), lambda i: (blk0 + i, 0, 0)),
            pl.BlockSpec((BE, DIM), lambda i: (blk0 + i, 0)),
            pl.BlockSpec((DIM, DIM), lambda i: (0, 0)),
            pl.BlockSpec((1, DIM), lambda i: (0, 0)),
            pl.BlockSpec((DIM, DIM), lambda i: (0, 0)),
            pl.BlockSpec((1, DIM), lambda i: (0, 0)),
        ],
        out_specs=pl.BlockSpec((2, 1, BE, DIM), lambda i: (0, i, 0, 0)),
        out_shape=jax.ShapeDtypeStruct((2, nb, BE, DIM), jnp.float32),
    )


def _make_sc_scatter(nch):
    return functools.partial(
        pl.kernel,
        mesh=plsc.VectorSubcoreMesh(core_axis_name="c", subcore_axis_name="s"),
        compiler_params=pltpu.CompilerParams(use_tc_tiling_on_sc=False),
        out_type=jax.ShapeDtypeStruct((2 * NPAD, DIM), jnp.float32),
        scratch_types=[
            pltpu.VMEM_SHARED((NPAD, DIM), jnp.float32),
            pltpu.VMEM((2, KCH), jnp.int32),
            pltpu.VMEM((2, KCH), jnp.int32),
            pltpu.VMEM((KCH, DIM), jnp.float32),
            pltpu.VMEM((KCH, DIM), jnp.float32),
            pltpu.VMEM((KCH, DIM), jnp.float32),
            pltpu.VMEM((KCH, DIM), jnp.float32),
            pltpu.SemaphoreType.DMA,
            pltpu.SemaphoreType.DMA,
            pltpu.SemaphoreType.DMA,
            pltpu.SemaphoreType.DMA,
            pltpu.SemaphoreType.DMA,
            pltpu.SemaphoreType.DMA,
        ],
    )(_make_sc_scatter_body(nch))


_edge_stages = [_make_edge_stage(b0, nb) for b0, nb in SPLITS]
_sc_scatters = [_make_sc_scatter(nb * BE // (NSUB * KCH)) for _, nb in SPLITS]

_node_stage = pl.pallas_call(
    _node_stage_body,
    grid=(NNB,),
    in_specs=[pl.BlockSpec((BN, DIM), lambda i: (i, 0))],
    out_specs=pl.BlockSpec((2, 1, BN, DIM), lambda i: (0, i, 0, 0)),
    out_shape=jax.ShapeDtypeStruct((2, NNB, BN, DIM), jnp.float32),
)

_final_stage = pl.pallas_call(
    _final_stage_body,
    grid=(NFB,),
    in_specs=[
        pl.BlockSpec((2, BF, DIM), lambda i: (0, i, 0)),
        pl.BlockSpec((2, BF, DIM), lambda i: (0, i, 0)),
        pl.BlockSpec((2, BF, DIM), lambda i: (0, i, 0)),
        pl.BlockSpec((2, BF, DIM), lambda i: (0, i, 0)),
        pl.BlockSpec((2, BF, DIM), lambda i: (0, i, 0)),
        pl.BlockSpec((DIM, DIM), lambda i: (0, 0)),
        pl.BlockSpec((1, DIM), lambda i: (0, 0)),
    ],
    out_specs=pl.BlockSpec((BF, DIM), lambda i: (i, 0)),
    out_shape=jax.ShapeDtypeStruct((NPAD, DIM), jnp.float32),
)


def _pack_idx(srch, dsth, nch):
    srcr = srch.reshape(NSUB * nch, KCH)
    dstr = dsth.reshape(NSUB * nch, KCH)
    return jnp.concatenate(
        [jnp.stack([srcr, dstr], axis=1),
         jnp.stack([srcr + N_NODES, dstr], axis=1)], axis=0)


def kernel(x, edge_index, edge_feat, dist, W1, b1, W2, b2, W3, b3):
    src = edge_index[0].astype(jnp.int32)
    dst = edge_index[1].astype(jnp.int32)
    dist3 = dist.reshape(NEB, 1, BE)
    b1r = b1.reshape(1, DIM)
    b2r = b2.reshape(1, DIM)
    b3r = b3.reshape(1, DIM)

    a4 = _node_stage(x)
    a2 = a4.reshape(2 * N_NODES, DIM)
    zrows = jnp.zeros((RZ, DIM), jnp.float32)

    accs = []
    for k, (b0, nb) in enumerate(SPLITS):
        e0 = b0 * BE
        esz = nb * BE
        nch = esz // (NSUB * KCH)
        ipk = _pack_idx(src[e0:e0 + esz], dst[e0:e0 + esz], nch)
        g4 = _edge_stages[k](dist3, edge_feat, W1, b1r, W2, b2r)
        g2r = g4.reshape(2 * esz, DIM)
        if accs:
            ipk, accs[-1] = lax.optimization_barrier((ipk, accs[-1]))
        accs.append(_sc_scatters[k](ipk, a2, g2r, zrows))

    out = _final_stage(*[a.reshape(2, NPAD, DIM) for a in accs], W3, b3r)
    return out[:N_NODES]

# --- scband reference (transcript-rebuilt; emitter-appended) ---
"""Pipeline reference for scband-schnet-conv-18528488915037 (READ-ONLY COPY).

The authoritative reference and input builder live on the scoring server;
editing this copy changes nothing except your own understanding.
"""

import jax, jax.numpy as jnp
import numpy as np

N = 10000
E = 320000
D = 128
ONSET = 0.8
CUT = 1.0


def smooth_cutoff(d):
    # smooth cosine cutoff: 1 below onset, 0 above cutoff, cosine ramp between
    t = (d - ONSET) / (CUT - ONSET)
    ramp = 0.5 * (jnp.cos(jnp.pi * jnp.clip(t, 0.0, 1.0)) + 1.0)
    return jnp.where(d < ONSET, 1.0, jnp.where(d > CUT, 0.0, ramp))


def mlp(h, W, b):
    # MLP(in, out): Linear + shifted softplus (SchNet-style activation)
    return jax.nn.softplus(h @ W + b) - jnp.log(2.0)


def setup_inputs(seed: int = 0) -> dict:
    key = jax.random.key(seed)
    ks = jax.random.split(key, 10)
    x = jax.random.normal(ks[0], (N, D), dtype=jnp.float32)
    edge_index = jax.random.randint(ks[1], (2, E), 0, N)
    edge_feat = jax.random.normal(ks[2], (E, D), dtype=jnp.float32)
    dist = jax.random.uniform(ks[3], (E,), dtype=jnp.float32)
    W1 = jax.random.normal(ks[4], (D, D), dtype=jnp.float32) * 0.05
    b1 = jnp.zeros((D,), dtype=jnp.float32)
    W2 = jax.random.normal(ks[5], (D, D), dtype=jnp.float32) * 0.05
    b2 = jnp.zeros((D,), dtype=jnp.float32)
    W3 = jax.random.normal(ks[6], (D, D), dtype=jnp.float32) * 0.05
    b3 = jnp.zeros((D,), dtype=jnp.float32)
    return {"x": x, "edge_index": edge_index, "edge_feat": edge_feat, "dist": dist,
            "W1": W1, "b1": b1, "W2": W2, "b2": b2, "W3": W3, "b3": b3}


def reference(x, edge_index, edge_feat, dist, W1, b1, W2, b2, W3, b3):
    src = edge_index[0]
    dst = edge_index[1]
    gamma = D / (CUT - 0.0)
    muk = jnp.linspace(0.0, CUT, D)
    # radial basis expansion of distances
    bf = jnp.exp(-gamma * (dist[:, None] - muk[None, :]) ** 2)
    bf = mlp(bf, W1, b1)
    bf = mlp(bf, W2, b2)
    co = smooth_cutoff(dist)
    # cfconv message per edge
    msg = x[src] * edge_feat * bf * co[:, None]
    # reduce: product of incoming messages per destination node (scatter-multiply)
    h = jnp.ones((N, D), dtype=msg.dtype).at[dst].multiply(msg)
    out = mlp(h, W3, b3)
    return out

if __name__ == "__main__":
    import jax
    _d = setup_inputs()
    print(jax.jit(kernel)(*tuple(_d.values())))

</pallas_src>

<mosaic_0001>
#map = affine_map<(d0, d1) -> (0, 0, 0)>
#map1 = affine_map<(d0, d1) -> (0, 0)>
module attributes {stable_mosaic.version = 14 : i64} {
  func.func @body(%arg0: i32, %arg1: i32, %arg2: memref<640x2x80xi32, #tpu.memory_space<hbm>>, %arg3: memref<20000x128xf32, #tpu.memory_space<hbm>>, %arg4: memref<51200x128xf32, #tpu.memory_space<hbm>>, %arg5: memref<64x128xf32, #tpu.memory_space<hbm>>, %arg6: memref<20480x128xf32, #tpu.memory_space<hbm>>, %arg7: memref<10240x128xf32, #tpu.memory_space<vmem_shared>>, %arg8: memref<2x80xi32, #tpu.memory_space<vmem>>, %arg9: memref<2x80xi32, #tpu.memory_space<vmem>>, %arg10: memref<80x128xf32, #tpu.memory_space<vmem>>, %arg11: memref<80x128xf32, #tpu.memory_space<vmem>>, %arg12: memref<80x128xf32, #tpu.memory_space<vmem>>, %arg13: memref<80x128xf32, #tpu.memory_space<vmem>>, %arg14: memref<!tpu.dma_semaphore, #tpu.memory_space<semaphore_mem>>, %arg15: memref<!tpu.dma_semaphore, #tpu.memory_space<semaphore_mem>>, %arg16: memref<!tpu.dma_semaphore, #tpu.memory_space<semaphore_mem>>, %arg17: memref<!tpu.dma_semaphore, #tpu.memory_space<semaphore_mem>>, %arg18: memref<!tpu.dma_semaphore, #tpu.memory_space<semaphore_mem>>, %arg19: memref<!tpu.dma_semaphore, #tpu.memory_space<semaphore_mem>>) attributes {dimension_semantics = [#tpu.dimension_semantics<core_parallel>, #tpu.dimension_semantics<subcore_parallel>], iteration_bounds = array<i64: 2, 16>, scalar_prefetch = 0 : i64, scratch_operands = 13 : i64, tpu.core_type = #tpu.core_type<sc_vector_subcore>, window_params = [{transform_indices = #map}, {transform_indices = #map1}, {transform_indices = #map1}, {transform_indices = #map1}, {transform_indices = #map1}]} {
    %mul3A = arith.constant 640 : i32
    %mul3A_0 = arith.muli %arg1, %mul3A : i32
    "tpu.region"() ({
      %run_scoped3A = tpu.sem_alloc : memref<!tpu.dma_semaphore, #tpu.memory_space<semaphore_mem>>
      %dma_start3A_42 = arith.constant 0 : i32
      %dma_start3A_43 = arith.constant 0 : i32
      %dma_start3A_44 = tpu.memref_slice %arg10[%dma_start3A_42, %dma_start3A_43] : memref<80x128xf32, #tpu.memory_space<vmem>> -> memref<64x128xf32, #tpu.memory_space<vmem>>
      %dma_start3A_45 = arith.constant 0 : i32
      %dma_start3A_46 = arith.constant 0 : i32
      %dma_start3A_47 = tpu.memref_slice %arg10[%dma_start3A_45, %dma_start3A_46] : memref<80x128xf32, #tpu.memory_space<vmem>> -> memref<64x128xf32, #tpu.memory_space<vmem>>
      tpu.enqueue_dma source(%arg5 : memref<64x128xf32, #tpu.memory_space<hbm>>) target(%dma_start3A_47 : memref<64x128xf32, #tpu.memory_space<vmem>>) target_semaphore(%run_scoped3A : memref<!tpu.dma_semaphore, #tpu.memory_space<semaphore_mem>>)
      %dma_wait3A = arith.constant 0 : i32
      %dma_wait3A_48 = arith.constant 0 : i32
      %dma_wait3A_49 = tpu.memref_slice %arg10[%dma_wait3A, %dma_wait3A_48] : memref<80x128xf32, #tpu.memory_space<vmem>> -> memref<64x128xf32, #tpu.memory_space<vmem>>
      %dma_wait3A_50 = arith.constant 0 : i32
      %dma_wait3A_51 = arith.constant 0 : i32
      %dma_wait3A_52 = tpu.memref_slice %arg10[%dma_wait3A_50, %dma_wait3A_51] : memref<80x128xf32, #tpu.memory_space<vmem>> -> memref<64x128xf32, #tpu.memory_space<vmem>>
      tpu.wait_dma2 semaphore(%run_scoped3A : memref<!tpu.dma_semaphore, #tpu.memory_space<semaphore_mem>>) src(%arg5 : memref<64x128xf32, #tpu.memory_space<hbm>>) dst(%dma_wait3A_52 : memref<64x128xf32, #tpu.memory_space<vmem>>)
      tpu.yield
    }) : () -> ()
    %scan3A = arith.constant 0 : i32
    %scan3A_1 = arith.constant 0 : i32
    %scan3A_2 = arith.constant 10 : i32
    %scan3A_3 = arith.addi %scan3A_1, %scan3A_2 : i32
    %scan3A_4 = arith.constant 1 : i32
    scf.for %scan3A_42 = %scan3A_1 to %scan3A_3 step %scan3A_4  : i32 {
      %mul3A_43 = arith.constant 64 : i32
      %mul3A_44 = arith.muli %scan3A_42, %mul3A_43 : i32
      %add3A_45 = arith.addi %mul3A_0, %mul3A_44 : i32
      "tpu.region"() ({
        %run_scoped3A = tpu.sem_alloc : memref<!tpu.dma_semaphore, #tpu.memory_space<semaphore_mem>>
        %dma_start3A_46 = arith.constant 0 : i32
        %dma_start3A_47 = arith.constant 0 : i32
        %dma_start3A_48 = tpu.memref_slice %arg10[%dma_start3A_46, %dma_start3A_47] : memref<80x128xf32, #tpu.memory_space<vmem>> -> memref<64x128xf32, #tpu.memory_space<vmem>>
        %dma_start3A_49 = arith.constant 0 : i32
        %dma_start3A_50 = tpu.memref_slice %arg7[%add3A_45, %dma_start3A_49] : memref<10240x128xf32, #tpu.memory_space<vmem_shared>> -> memref<64x128xf32, #tpu.memory_space<vmem_shared>>
        %dma_start3A_51 = arith.constant 0 : i32
        %dma_start3A_52 = tpu.memref_slice %arg7[%add3A_45, %dma_start3A_51] : memref<10240x128xf32, #tpu.memory_space<vmem_shared>> -> memref<64x128xf32, #tpu.memory_space<vmem_shared>>
        %dma_start3A_53 = arith.constant 0 : i32
        %dma_start3A_54 = arith.constant 0 : i32
        %dma_start3A_55 = tpu.memref_slice %arg10[%dma_start3A_53, %dma_start3A_54] : memref<80x128xf32, #tpu.memory_space<vmem>> -> memref<64x128xf32, #tpu.memory_space<vmem>>
        tpu.enqueue_dma source(%dma_start3A_55 : memref<64x128xf32, #tpu.memory_space<vmem>>) target(%dma_start3A_52 : memref<64x128xf32, #tpu.memory_space<vmem_shared>>) target_semaphore(%run_scoped3A : memref<!tpu.dma_semaphore, #tpu.memory_space<semaphore_mem>>)
        %dma_wait3A = arith.constant 0 : i32
        %dma_wait3A_56 = arith.constant 0 : i32
        %dma_wait3A_57 = tpu.memref_slice %arg10[%dma_wait3A, %dma_wait3A_56] : memref<80x128xf32, #tpu.memory_space<vmem>> -> memref<64x128xf32, #tpu.memory_space<vmem>>
        %dma_wait3A_58 = arith.constant 0 : i32
        %dma_wait3A_59 = tpu.memref_slice %arg7[%add3A_45, %dma_wait3A_58] : memref<10240x128xf32, #tpu.memory_space<vmem_shared>> -> memref<64x128xf32, #tpu.memory_space<vmem_shared>>
        %dma_wait3A_60 = arith.constant 0 : i32
        %dma_wait3A_61 = tpu.memref_slice %arg7[%add3A_45, %dma_wait3A_60] : memref<10240x128xf32, #tpu.memory_space<vmem_shared>> -> memref<64x128xf32, #tpu.memory_space<vmem_shared>>
        %dma_wait3A_62 = arith.constant 0 : i32
        %dma_wait3A_63 = arith.constant 0 : i32
        %dma_wait3A_64 = tpu.memref_slice %arg10[%dma_wait3A_62, %dma_wait3A_63] : memref<80x128xf32, #tpu.memory_space<vmem>> -> memref<64x128xf32, #tpu.memory_space<vmem>>
        tpu.wait_dma2 semaphore(%run_scoped3A : memref<!tpu.dma_semaphore, #tpu.memory_space<semaphore_mem>>) src(%dma_wait3A_64 : memref<64x128xf32, #tpu.memory_space<vmem>>) dst(%dma_wait3A_61 : memref<64x128xf32, #tpu.memory_space<vmem_shared>>)
        tpu.yield
      }) : () -> ()
    }
    %scan3A_5 = arith.constant 10 : i32
    %barrier3A = arith.constant 0 : index
    tpu.barrier barrier_id(%barrier3A)
    %mul3A_6 = arith.constant 1600 : i32
    %mul3A_7 = arith.muli %arg1, %mul3A_6 : i32
    %mul3A_8 = arith.constant 16 : i32
    %mul3A_9 = arith.muli %arg0, %mul3A_8 : i32
    %add3A = arith.addi %mul3A_9, %arg1 : i32
    %mul3A_10 = arith.constant 20 : i32
    %mul3A_11 = arith.muli %add3A, %mul3A_10 : i32
    %add3A_12 = arith.constant 0 : i32
    %add3A_13 = arith.addi %mul3A_11, %add3A_12 : i32
    "tpu.region"() ({
      %run_scoped3A = tpu.sem_alloc : memref<!tpu.dma_semaphore, #tpu.memory_space<semaphore_mem>>
      %dma_start3A_42 = arith.constant 0 : i32
      %dma_start3A_43 = arith.constant 0 : i32
      %dma_start3A_44 = tpu.memref_slice %arg2[%add3A_13, %dma_start3A_42, %dma_start3A_43] : memref<640x2x80xi32, #tpu.memory_space<hbm>> -> memref<1x2x80xi32, #tpu.memory_space<hbm>>
      %dma_start3A_45 = tpu.memref_squeeze %dma_start3A_44 : memref<1x2x80xi32, #tpu.memory_space<hbm>> -> memref<2x80xi32, #tpu.memory_space<hbm>>
      %dma_start3A_46 = arith.constant 0 : i32
      %dma_start3A_47 = arith.constant 0 : i32
      %dma_start3A_48 = tpu.memref_slice %arg2[%add3A_13, %dma_start3A_46, %dma_start3A_47] : memref<640x2x80xi32, #tpu.memory_space<hbm>> -> memref<1x2x80xi32, #tpu.memory_space<hbm>>
      %dma_start3A_49 = tpu.memref_squeeze %dma_start3A_48 : memref<1x2x80xi32, #tpu.memory_space<hbm>> -> memref<2x80xi32, #tpu.memory_space<hbm>>
      tpu.enqueue_dma source(%dma_start3A_49 : memref<2x80xi32, #tpu.memory_space<hbm>>) target(%arg8 : memref<2x80xi32, #tpu.memory_space<vmem>>) target_semaphore(%run_scoped3A : memref<!tpu.dma_semaphore, #tpu.memory_space<semaphore_mem>>)
      %dma_wait3A = arith.constant 0 : i32
      %dma_wait3A_50 = arith.constant 0 : i32
      %dma_wait3A_51 = tpu.memref_slice %arg2[%add3A_13, %dma_wait3A, %dma_wait3A_50] : memref<640x2x80xi32, #tpu.memory_space<hbm>> -> memref<1x2x80xi32, #tpu.memory_space<hbm>>
      %dma_wait3A_52 = tpu.memref_squeeze %dma_wait3A_51 : memref<1x2x80xi32, #tpu.memory_space<hbm>> -> memref<2x80xi32, #tpu.memory_space<hbm>>
      %dma_wait3A_53 = arith.constant 0 : i32
      %dma_wait3A_54 = arith.constant 0 : i32
      %dma_wait3A_55 = tpu.memref_slice %arg2[%add3A_13, %dma_wait3A_53, %dma_wait3A_54] : memref<640x2x80xi32, #tpu.memory_space<hbm>> -> memref<1x2x80xi32, #tpu.memory_space<hbm>>
      %dma_wait3A_56 = tpu.memref_squeeze %dma_wait3A_55 : memref<1x2x80xi32, #tpu.memory_space<hbm>> -> memref<2x80xi32, #tpu.memory_space<hbm>>
      tpu.wait_dma2 semaphore(%run_scoped3A : memref<!tpu.dma_semaphore, #tpu.memory_space<semaphore_mem>>) src(%dma_wait3A_56 : memref<2x80xi32, #tpu.memory_space<hbm>>) dst(%arg8 : memref<2x80xi32, #tpu.memory_space<vmem>>)
      tpu.yield
    }) : () -> ()
    %add3A_14 = arith.constant 0 : i32
    %add3A_15 = arith.addi %mul3A_7, %add3A_14 : i32
    %dma_start3A = arith.constant 0 : i32
    %dma_start3A_16 = arith.constant 0 : i32
    %dma_start3A_17 = tpu.memref_slice %arg8[%dma_start3A, %dma_start3A_16] : memref<2x80xi32, #tpu.memory_space<vmem>> -> memref<1x80xi32, #tpu.memory_space<vmem>>
    %dma_start3A_18 = tpu.memref_squeeze %dma_start3A_17 : memref<1x80xi32, #tpu.memory_space<vmem>> -> memref<80xi32, #tpu.memory_space<vmem>>
    %dma_start3A_19 = arith.constant 0 : i32
    %dma_start3A_20 = arith.constant 0 : i32
    %dma_start3A_21 = tpu.memref_slice %arg3[%dma_start3A_19, %dma_start3A_20] : memref<20000x128xf32, #tpu.memory_space<hbm>> -> memref<20000x128xf32, #tpu.memory_space<hbm>>
    tpu.enqueue_indirect_dma source(%dma_start3A_21 : memref<20000x128xf32, #tpu.memory_space<hbm>>) target(%arg10 : memref<80x128xf32, #tpu.memory_space<vmem>>) offsets(%dma_start3A_18 : memref<80xi32, #tpu.memory_space<vmem>>) semaphore(%arg14 : memref<!tpu.dma_semaphore, #tpu.memory_space<semaphore_mem>>)
    %mul3A_22 = arith.constant 25600 : i32
    %mul3A_23 = arith.muli %arg0, %mul3A_22 : i32
    %add3A_24 = arith.addi %mul3A_23, %add3A_15 : i32
    %dma_start3A_25 = arith.constant 0 : i32
    %dma_start3A_26 = tpu.memref_slice %arg4[%add3A_24, %dma_start3A_25] : memref<51200x128xf32, #tpu.memory_space<hbm>> -> memref<80x128xf32, #tpu.memory_space<hbm>>
    %dma_start3A_27 = arith.constant 0 : i32
    %dma_start3A_28 = tpu.memref_slice %arg4[%add3A_24, %dma_start3A_27] : memref<51200x128xf32, #tpu.memory_space<hbm>> -> memref<80x128xf32, #tpu.memory_space<hbm>>
    tpu.enqueue_dma source(%dma_start3A_28 : memref<80x128xf32, #tpu.memory_space<hbm>>) target(%arg11 : memref<80x128xf32, #tpu.memory_space<vmem>>) target_semaphore(%arg15 : memref<!tpu.dma_semaphore, #tpu.memory_space<semaphore_mem>>)
    %scan3A_29 = arith.constant 0 : i32
    %scan3A_30 = arith.constant 0 : i32
    %scan3A_31 = arith.constant 10 : i32
    %scan3A_32 = arith.addi %scan3A_30, %scan3A_31 : i32
    %scan3A_33 = arith.constant 1 : i32
    scf.for %scan3A_42 = %scan3A_30 to %scan3A_32 step %scan3A_33  : i32 {
      %mul3A_43 = arith.constant 2 : i32
      %mul3A_44 = arith.muli %mul3A_43, %scan3A_42 : i32
      %mul3A_45 = arith.constant 2 : i32
      %mul3A_46 = arith.muli %mul3A_45, %scan3A_42 : i32
      %add3A_47 = arith.constant 1 : i32
      %add3A_48 = arith.addi %mul3A_46, %add3A_47 : i32
      %add3A_49 = arith.addi %mul3A_11, %add3A_48 : i32
      "tpu.region"() ({
        %run_scoped3A = tpu.sem_alloc : memref<!tpu.dma_semaphore, #tpu.memory_space<semaphore_mem>>
        %dma_start3A_158 = arith.constant 0 : i32
        %dma_start3A_159 = arith.constant 0 : i32
        %dma_start3A_160 = tpu.memref_slice %arg2[%add3A_49, %dma_start3A_158, %dma_start3A_159] : memref<640x2x80xi32, #tpu.memory_space<hbm>> -> memref<1x2x80xi32, #tpu.memory_space<hbm>>
        %dma_start3A_161 = tpu.memref_squeeze %dma_start3A_160 : memref<1x2x80xi32, #tpu.memory_space<hbm>> -> memref<2x80xi32, #tpu.memory_space<hbm>>
        %dma_start3A_162 = arith.constant 0 : i32
        %dma_start3A_163 = arith.constant 0 : i32
        %dma_start3A_164 = tpu.memref_slice %arg2[%add3A_49, %dma_start3A_162, %dma_start3A_163] : memref<640x2x80xi32, #tpu.memory_space<hbm>> -> memref<1x2x80xi32, #tpu.memory_space<hbm>>
        %dma_start3A_165 = tpu.memref_squeeze %dma_start3A_164 : memref<1x2x80xi32, #tpu.memory_space<hbm>> -> memref<2x80xi32, #tpu.memory_space<hbm>>
        tpu.enqueue_dma source(%dma_start3A_165 : memref<2x80xi32, #tpu.memory_space<hbm>>) target(%arg9 : memref<2x80xi32, #tpu.memory_space<vmem>>) target_semaphore(%run_scoped3A : memref<!tpu.dma_semaphore, #tpu.memory_space<semaphore_mem>>)
        %dma_wait3A_166 = arith.constant 0 : i32
        %dma_wait3A_167 = arith.constant 0 : i32
        %dma_wait3A_168 = tpu.memref_slice %arg2[%add3A_49, %dma_wait3A_166, %dma_wait3A_167] : memref<640x2x80xi32, #tpu.memory_space<hbm>> -> memref<1x2x80xi32, #tpu.memory_space<hbm>>
        %dma_wait3A_169 = tpu.memref_squeeze %dma_wait3A_168 : memref<1x2x80xi32, #tpu.memory_space<hbm>> -> memref<2x80xi32, #tpu.memory_space<hbm>>
        %dma_wait3A_170 = arith.constant 0 : i32
        %dma_wait3A_171 = arith.constant 0 : i32
        %dma_wait3A_172 = tpu.memref_slice %arg2[%add3A_49, %dma_wait3A_170, %dma_wait3A_171] : memref<640x2x80xi32, #tpu.memory_space<hbm>> -> memref<1x2x80xi32, #tpu.memory_space<hbm>>
        %dma_wait3A_173 = tpu.memref_squeeze %dma_wait3A_172 : memref<1x2x80xi32, #tpu.memory_space<hbm>> -> memref<2x80xi32, #tpu.memory_space<hbm>>
        tpu.wait_dma2 semaphore(%run_scoped3A : memref<!tpu.dma_semaphore, #tpu.memory_space<semaphore_mem>>) src(%dma_wait3A_173 : memref<2x80xi32, #tpu.memory_space<hbm>>) dst(%arg9 : memref<2x80xi32, #tpu.memory_space<vmem>>)
        tpu.yield
      }) : () -> ()
      %mul3A_50 = arith.constant 80 : i32
      %mul3A_51 = arith.muli %add3A_48, %mul3A_50 : i32
      %add3A_52 = arith.addi %mul3A_7, %mul3A_51 : i32
      %dma_start3A_53 = arith.constant 0 : i32
      %dma_start3A_54 = arith.constant 0 : i32
      %dma_start3A_55 = tpu.memref_slice %arg9[%dma_start3A_53, %dma_start3A_54] : memref<2x80xi32, #tpu.memory_space<vmem>> -> memref<1x80xi32, #tpu.memory_space<vmem>>
      %dma_start3A_56 = tpu.memref_squeeze %dma_start3A_55 : memref<1x80xi32, #tpu.memory_space<vmem>> -> memref<80xi32, #tpu.memory_space<vmem>>
      %dma_start3A_57 = arith.constant 0 : i32
      %dma_start3A_58 = arith.constant 0 : i32
      %dma_start3A_59 = tpu.memref_slice %arg3[%dma_start3A_57, %dma_start3A_58] : memref<20000x128xf32, #tpu.memory_space<hbm>> -> memref<20000x128xf32, #tpu.memory_space<hbm>>
      tpu.enqueue_indirect_dma source(%dma_start3A_59 : memref<20000x128xf32, #tpu.memory_space<hbm>>) target(%arg12 : memref<80x128xf32, #tpu.memory_space<vmem>>) offsets(%dma_start3A_56 : memref<80xi32, #tpu.memory_space<vmem>>) semaphore(%arg16 : memref<!tpu.dma_semaphore, #tpu.memory_space<semaphore_mem>>)
      %mul3A_60 = arith.constant 25600 : i32
      %mul3A_61 = arith.muli %arg0, %mul3A_60 : i32
      %add3A_62 = arith.addi %mul3A_61, %add3A_52 : i32
      %dma_start3A_63 = arith.constant 0 : i32
      %dma_start3A_64 = tpu.memref_slice %arg4[%add3A_62, %dma_start3A_63] : memref<51200x128xf32, #tpu.memory_space<hbm>> -> memref<80x128xf32, #tpu.memory_space<hbm>>
      %dma_start3A_65 = arith.constant 0 : i32
      %dma_start3A_66 = tpu.memref_slice %arg4[%add3A_62, %dma_start3A_65] : memref<51200x128xf32, #tpu.memory_space<hbm>> -> memref<80x128xf32, #tpu.memory_space<hbm>>
      tpu.enqueue_dma source(%dma_start3A_66 : memref<80x128xf32, #tpu.memory_space<hbm>>) target(%arg13 : memref<80x128xf32, #tpu.memory_space<vmem>>) target_semaphore(%arg17 : memref<!tpu.dma_semaphore, #tpu.memory_space<semaphore_mem>>)
      %mul3A_67 = arith.constant 80 : i32
      %mul3A_68 = arith.muli %mul3A_44, %mul3A_67 : i32
      %add3A_69 = arith.addi %mul3A_7, %mul3A_68 : i32
      %dma_wait3A = arith.constant 0 : i32
      %dma_wait3A_70 = arith.constant 0 : i32
      %dma_wait3A_71 = tpu.memref_slice %arg8[%dma_wait3A, %dma_wait3A_70] : memref<2x80xi32, #tpu.memory_space<vmem>> -> memref<1x80xi32, #tpu.memory_space<vmem>>
      %dma_wait3A_72 = tpu.memref_squeeze %dma_wait3A_71 : memref<1x80xi32, #tpu.memory_space<vmem>> -> memref<80xi32, #tpu.memory_space<vmem>>
      %dma_wait3A_73 = arith.constant 0 : i32
      %dma_wait3A_74 = arith.constant 0 : i32
      %dma_wait3A_75 = tpu.memref_slice %arg3[%dma_wait3A_73, %dma_wait3A_74] : memref<20000x128xf32, #tpu.memory_space<hbm>> -> memref<20000x128xf32, #tpu.memory_space<hbm>>
      tpu.wait_indirect_dma semaphore(%arg14 : memref<!tpu.dma_semaphore, #tpu.memory_space<semaphore_mem>>) src(%dma_wait3A_75 : memref<20000x128xf32, #tpu.memory_space<hbm>>) dst(%arg10 : memref<80x128xf32, #tpu.memory_space<vmem>>)
      %mul3A_76 = arith.constant 25600 : i32
      %mul3A_77 = arith.muli %arg0, %mul3A_76 : i32
      %add3A_78 = arith.addi %mul3A_77, %add3A_69 : i32
      %dma_wait3A_79 = arith.constant 0 : i32
      %dma_wait3A_80 = tpu.memref_slice %arg4[%add3A_78, %dma_wait3A_79] : memref<51200x128xf32, #tpu.memory_space<hbm>> -> memref<80x128xf32, #tpu.memory_space<hbm>>
      %dma_wait3A_81 = arith.constant 0 : i32
      %dma_wait3A_82 = tpu.memref_slice %arg4[%add3A_78, %dma_wait3A_81] : memref<51200x128xf32, #tpu.memory_space<hbm>> -> memref<80x128xf32, #tpu.memory_space<hbm>>
      tpu.wait_dma2 semaphore(%arg15 : memref<!tpu.dma_semaphore, #tpu.memory_space<semaphore_mem>>) src(%dma_wait3A_82 : memref<80x128xf32, #tpu.memory_space<hbm>>) dst(%arg11 : memref<80x128xf32, #tpu.memory_space<vmem>>)
      %dma_start3A_83 = arith.constant 1 : i32
      %dma_start3A_84 = arith.constant 0 : i32
      %dma_start3A_85 = tpu.memref_slice %arg8[%dma_start3A_83, %dma_start3A_84] : memref<2x80xi32, #tpu.memory_space<vmem>> -> memref<1x80xi32, #tpu.memory_space<vmem>>
      %dma_start3A_86 = tpu.memref_squeeze %dma_start3A_85 : memref<1x80xi32, #tpu.memory_space<vmem>> -> memref<80xi32, #tpu.memory_space<vmem>>
      %dma_start3A_87 = arith.constant 0 : i32
      %dma_start3A_88 = arith.constant 0 : i32
      %dma_start3A_89 = tpu.memref_slice %arg7[%dma_start3A_87, %dma_start3A_88] : memref<10240x128xf32, #tpu.memory_space<vmem_shared>> -> memref<10240x128xf32, #tpu.memory_space<vmem_shared>>
      tpu.enqueue_indirect_dma source(%arg10 : memref<80x128xf32, #tpu.memory_space<vmem>>) target(%dma_start3A_89 : memref<10240x128xf32, #tpu.memory_space<vmem_shared>>) offsets(%dma_start3A_86 : memref<80xi32, #tpu.memory_space<vmem>>) semaphore(%arg18 : memref<!tpu.dma_semaphore, #tpu.memory_space<semaphore_mem>>) {add = true}
      %dma_start3A_90 = arith.constant 1 : i32
      %dma_start3A_91 = arith.constant 0 : i32
      %dma_start3A_92 = tpu.memref_slice %arg8[%dma_start3A_90, %dma_start3A_91] : memref<2x80xi32, #tpu.memory_space<vmem>> -> memref<1x80xi32, #tpu.memory_space<vmem>>
      %dma_start3A_93 = tpu.memref_squeeze %dma_start3A_92 : memref<1x80xi32, #tpu.memory_space<vmem>> -> memref<80xi32, #tpu.memory_space<vmem>>
      %dma_start3A_94 = arith.constant 0 : i32
      %dma_start3A_95 = arith.constant 0 : i32
      %dma_start3A_96 = tpu.memref_slice %arg7[%dma_start3A_94, %dma_start3A_95] : memref<10240x128xf32, #tpu.memory_space<vmem_shared>> -> memref<10240x128xf32, #tpu.memory_space<vmem_shared>>
      tpu.enqueue_indirect_dma source(%arg11 : memref<80x128xf32, #tpu.memory_space<vmem>>) target(%dma_start3A_96 : memref<10240x128xf32, #tpu.memory_space<vmem_shared>>) offsets(%dma_start3A_93 : memref<80xi32, #tpu.memory_space<vmem>>) semaphore(%arg19 : memref<!tpu.dma_semaphore, #tpu.memory_space<semaphore_mem>>) {add = true}
      %dma_wait3A_97 = arith.constant 1 : i32
      %dma_wait3A_98 = arith.constant 0 : i32
      %dma_wait3A_99 = tpu.memref_slice %arg8[%dma_wait3A_97, %dma_wait3A_98] : memref<2x80xi32, #tpu.memory_space<vmem>> -> memref<1x80xi32, #tpu.memory_space<vmem>>
      %dma_wait3A_100 = tpu.memref_squeeze %dma_wait3A_99 : memref<1x80xi32, #tpu.memory_space<vmem>> -> memref<80xi32, #tpu.memory_space<vmem>>
      %dma_wait3A_101 = arith.constant 0 : i32
      %dma_wait3A_102 = arith.constant 0 : i32
      %dma_wait3A_103 = tpu.memref_slice %arg7[%dma_wait3A_101, %dma_wait3A_102] : memref<10240x128xf32, #tpu.memory_space<vmem_shared>> -> memref<10240x128xf32, #tpu.memory_space<vmem_shared>>
      tpu.wait_indirect_dma semaphore(%arg18 : memref<!tpu.dma_semaphore, #tpu.memory_space<semaphore_mem>>) src(%arg10 : memref<80x128xf32, #tpu.memory_space<vmem>>) dst(%dma_wait3A_103 : memref<10240x128xf32, #tpu.memory_space<vmem_shared>>)
      %dma_wait3A_104 = arith.constant 1 : i32
      %dma_wait3A_105 = arith.constant 0 : i32
      %dma_wait3A_106 = tpu.memref_slice %arg8[%dma_wait3A_104, %dma_wait3A_105] : memref<2x80xi32, #tpu.memory_space<vmem>> -> memref<1x80xi32, #tpu.memory_space<vmem>>
      %dma_wait3A_107 = tpu.memref_squeeze %dma_wait3A_106 : memref<1x80xi32, #tpu.memory_space<vmem>> -> memref<80xi32, #tpu.memory_space<vmem>>
      %dma_wait3A_108 = arith.constant 0 : i32
      %dma_wait3A_109 = arith.constant 0 : i32
      %dma_wait3A_110 = tpu.memref_slice %arg7[%dma_wait3A_108, %dma_wait3A_109] : memref<10240x128xf32, #tpu.memory_space<vmem_shared>> -> memref<10240x128xf32, #tpu.memory_space<vmem_shared>>
      tpu.wait_indirect_dma semaphore(%arg19 : memref<!tpu.dma_semaphore, #tpu.memory_space<semaphore_mem>>) src(%arg11 : memref<80x128xf32, #tpu.memory_space<vmem>>) dst(%dma_wait3A_110 : memref<10240x128xf32, #tpu.memory_space<vmem_shared>>)
      %lt3A = arith.constant 9 : i32
      %lt3A_111 = arith.cmpi slt, %scan3A_42, %lt3A : i32
      %convert_element_type3A = arith.extui %lt3A_111 : i1 to i32
      %cond3A = arith.constant 0 : i32
      %cond3A_112 = arith.cmpi ne, %convert_element_type3A, %cond3A : i32
      scf.if %cond3A_112 {
        %add3A_158 = arith.constant 2 : i32
        %add3A_159 = arith.addi %mul3A_44, %add3A_158 : i32
        %add3A_160 = arith.addi %mul3A_11, %add3A_159 : i32
        "tpu.region"() ({
          %run_scoped3A = tpu.sem_alloc : memref<!tpu.dma_semaphore, #tpu.memory_space<semaphore_mem>>
          %dma_start3A_180 = arith.constant 0 : i32
          %dma_start3A_181 = arith.constant 0 : i32
          %dma_start3A_182 = tpu.memref_slice %arg2[%add3A_160, %dma_start3A_180, %dma_start3A_181] : memref<640x2x80xi32, #tpu.memory_space<hbm>> -> memref<1x2x80xi32, #tpu.memory_space<hbm>>
          %dma_start3A_183 = tpu.memref_squeeze %dma_start3A_182 : memref<1x2x80xi32, #tpu.memory_space<hbm>> -> memref<2x80xi32, #tpu.memory_space<hbm>>
          %dma_start3A_184 = arith.constant 0 : i32
          %dma_start3A_185 = arith.constant 0 : i32
          %dma_start3A_186 = tpu.memref_slice %arg2[%add3A_160, %dma_start3A_184, %dma_start3A_185] : memref<640x2x80xi32, #tpu.memory_space<hbm>> -> memref<1x2x80xi32, #tpu.memory_space<hbm>>
          %dma_start3A_187 = tpu.memref_squeeze %dma_start3A_186 : memref<1x2x80xi32, #tpu.memory_space<hbm>> -> memref<2x80xi32, #tpu.memory_space<hbm>>
          tpu.enqueue_dma source(%dma_start3A_187 : memref<2x80xi32, #tpu.memory_space<hbm>>) target(%arg8 : memref<2x80xi32, #tpu.memory_space<vmem>>) target_semaphore(%run_scoped3A : memref<!tpu.dma_semaphore, #tpu.memory_space<semaphore_mem>>)
          %dma_wait3A_188 = arith.constant 0 : i32
          %dma_wait3A_189 = arith.constant 0 : i32
          %dma_wait3A_190 = tpu.memref_slice %arg2[%add3A_160, %dma_wait3A_188, %dma_wait3A_189] : memref<640x2x80xi32, #tpu.memory_space<hbm>> -> memref<1x2x80xi32, #tpu.memory_space<hbm>>
          %dma_wait3A_191 = tpu.memref_squeeze %dma_wait3A_190 : memref<1x2x80xi32, #tpu.memory_space<hbm>> -> memref<2x80xi32, #tpu.memory_space<hbm>>
          %dma_wait3A_192 = arith.constant 0 : i32
          %dma_wait3A_193 = arith.constant 0 : i32
          %dma_wait3A_194 = tpu.memref_slice %arg2[%add3A_160, %dma_wait3A_192, %dma_wait3A_193] : memref<640x2x80xi32, #tpu.memory_space<hbm>> -> memref<1x2x80xi32, #tpu.memory_space<hbm>>
          %dma_wait3A_195 = tpu.memref_squeeze %dma_wait3A_194 : memref<1x2x80xi32, #tpu.memory_space<hbm>> -> memref<2x80xi32, #tpu.memory_space<hbm>>
          tpu.wait_dma2 semaphore(%run_scoped3A : memref<!tpu.dma_semaphore, #tpu.memory_space<semaphore_mem>>) src(%dma_wait3A_195 : memref<2x80xi32, #tpu.memory_space<hbm>>) dst(%arg8 : memref<2x80xi32, #tpu.memory_space<vmem>>)
          tpu.yield
        }) : () -> ()
        %add3A_161 = arith.constant 2 : i32
        %add3A_162 = arith.addi %mul3A_44, %add3A_161 : i32
        %mul3A_163 = arith.constant 80 : i32
        %mul3A_164 = arith.muli %add3A_162, %mul3A_163 : i32
        %add3A_165 = arith.addi %mul3A_7, %mul3A_164 : i32
        %dma_start3A_166 = arith.constant 0 : i32
        %dma_start3A_167 = arith.constant 0 : i32
        %dma_start3A_168 = tpu.memref_slice %arg8[%dma_start3A_166, %dma_start3A_167] : memref<2x80xi32, #tpu.memory_space<vmem>> -> memref<1x80xi32, #tpu.memory_space<vmem>>
        %dma_start3A_169 = tpu.memref_squeeze %dma_start3A_168 : memref<1x80xi32, #tpu.memory_space<vmem>> -> memref<80xi32, #tpu.memory_space<vmem>>
        %dma_start3A_170 = arith.constant 0 : i32
        %dma_start3A_171 = arith.constant 0 : i32
        %dma_start3A_172 = tpu.memref_slice %arg3[%dma_start3A_170, %dma_start3A_171] : memref<20000x128xf32, #tpu.memory_space<hbm>> -> memref<20000x128xf32, #tpu.memory_space<hbm>>
        tpu.enqueue_indirect_dma source(%dma_start3A_172 : memref<20000x128xf32, #tpu.memory_space<hbm>>) target(%arg10 : memref<80x128xf32, #tpu.memory_space<vmem>>) offsets(%dma_start3A_169 : memref<80xi32, #tpu.memory_space<vmem>>) semaphore(%arg14 : memref<!tpu.dma_semaphore, #tpu.memory_space<semaphore_mem>>)
        %mul3A_173 = arith.constant 25600 : i32
        %mul3A_174 = arith.muli %arg0, %mul3A_173 : i32
        %add3A_175 = arith.addi %mul3A_174, %add3A_165 : i32
        %dma_start3A_176 = arith.constant 0 : i32
        %dma_start3A_177 = tpu.memref_slice %arg4[%add3A_175, %dma_start3A_176] : memref<51200x128xf32, #tpu.memory_space<hbm>> -> memref<80x128xf32, #tpu.memory_space<hbm>>
        %dma_start3A_178 = arith.constant 0 : i32
        %dma_start3A_179 = tpu.memref_slice %arg4[%add3A_175, %dma_start3A_178] : memref<51200x128xf32, #tpu.memory_space<hbm>> -> memref<80x128xf32, #tpu.memory_space<hbm>>
        tpu.enqueue_dma source(%dma_start3A_179 : memref<80x128xf32, #tpu.memory_space<hbm>>) target(%arg11 : memref<80x128xf32, #tpu.memory_space<vmem>>) target_semaphore(%arg15 : memref<!tpu.dma_semaphore, #tpu.memory_space<semaphore_mem>>)
      } else {
      }
      %mul3A_113 = arith.constant 80 : i32
      %mul3A_114 = arith.muli %add3A_48, %mul3A_113 : i32
      %add3A_115 = arith.addi %mul3A_7, %mul3A_114 : i32
      %dma_wait3A_116 = arith.constant 0 : i32
      %dma_wait3A_117 = arith.constant 0 : i32
      %dma_wait3A_118 = tpu.memref_slice %arg9[%dma_wait3A_116, %dma_wait3A_117] : memref<2x80xi32, #tpu.memory_space<vmem>> -> memref<1x80xi32, #tpu.memory_space<vmem>>
      %dma_wait3A_119 = tpu.memref_squeeze %dma_wait3A_118 : memref<1x80xi32, #tpu.memory_space<vmem>> -> memref<80xi32, #tpu.memory_space<vmem>>
      %dma_wait3A_120 = arith.constant 0 : i32
      %dma_wait3A_121 = arith.constant 0 : i32
      %dma_wait3A_122 = tpu.memref_slice %arg3[%dma_wait3A_120, %dma_wait3A_121] : memref<20000x128xf32, #tpu.memory_space<hbm>> -> memref<20000x128xf32, #tpu.memory_space<hbm>>
      tpu.wait_indirect_dma semaphore(%arg16 : memref<!tpu.dma_semaphore, #tpu.memory_space<semaphore_mem>>) src(%dma_wait3A_122 : memref<20000x128xf32, #tpu.memory_space<hbm>>) dst(%arg12 : memref<80x128xf32, #tpu.memory_space<vmem>>)
      %mul3A_123 = arith.constant 25600 : i32
      %mul3A_124 = arith.muli %arg0, %mul3A_123 : i32
      %add3A_125 = arith.addi %mul3A_124, %add3A_115 : i32
      %dma_wait3A_126 = arith.constant 0 : i32
      %dma_wait3A_127 = tpu.memref_slice %arg4[%add3A_125, %dma_wait3A_126] : memref<51200x128xf32, #tpu.memory_space<hbm>> -> memref<80x128xf32, #tpu.memory_space<hbm>>
      %dma_wait3A_128 = arith.constant 0 : i32
      %dma_wait3A_129 = tpu.memref_slice %arg4[%add3A_125, %dma_wait3A_128] : memref<51200x128xf32, #tpu.memory_space<hbm>> -> memref<80x128xf32, #tpu.memory_space<hbm>>
      tpu.wait_dma2 semaphore(%arg17 : memref<!tpu.dma_semaphore, #tpu.memory_space<semaphore_mem>>) src(%dma_wait3A_129 : memref<80x128xf32, #tpu.memory_space<hbm>>) dst(%arg13 : memref<80x128xf32, #tpu.memory_space<vmem>>)
      %dma_start3A_130 = arith.constant 1 : i32
      %dma_start3A_131 = arith.constant 0 : i32
      %dma_start3A_132 = tpu.memref_slice %arg9[%dma_start3A_130, %dma_start3A_131] : memref<2x80xi32, #tpu.memory_space<vmem>> -> memref<1x80xi32, #tpu.memory_space<vmem>>
      %dma_start3A_133 = tpu.memref_squeeze %dma_start3A_132 : memref<1x80xi32, #tpu.memory_space<vmem>> -> memref<80xi32, #tpu.memory_space<vmem>>
      %dma_start3A_134 = arith.constant 0 : i32
      %dma_start3A_135 = arith.constant 0 : i32
      %dma_start3A_136 = tpu.memref_slice %arg7[%dma_start3A_134, %dma_start3A_135] : memref<10240x128xf32, #tpu.memory_space<vmem_shared>> -> memref<10240x128xf32, #tpu.memory_space<vmem_shared>>
      tpu.enqueue_indirect_dma source(%arg12 : memref<80x128xf32, #tpu.memory_space<vmem>>) target(%dma_start3A_136 : memref<10240x128xf32, #tpu.memory_space<vmem_shared>>) offsets(%dma_start3A_133 : memref<80xi32, #tpu.memory_space<vmem>>) semaphore(%arg18 : memref<!tpu.dma_semaphore, #tpu.memory_space<semaphore_mem>>) {add = true}
      %dma_start3A_137 = arith.constant 1 : i32
      %dma_start3A_138 = arith.constant 0 : i32
      %dma_start3A_139 = tpu.memref_slice %arg9[%dma_start3A_137, %dma_start3A_138] : memref<2x80xi32, #tpu.memory_space<vmem>> -> memref<1x80xi32, #tpu.memory_space<vmem>>
      %dma_start3A_140 = tpu.memref_squeeze %dma_start3A_139 : memref<1x80xi32, #tpu.memory_space<vmem>> -> memref<80xi32, #tpu.memory_space<vmem>>
      %dma_start3A_141 = arith.constant 0 : i32
      %dma_start3A_142 = arith.constant 0 : i32
      %dma_start3A_143 = tpu.memref_slice %arg7[%dma_start3A_141, %dma_start3A_142] : memref<10240x128xf32, #tpu.memory_space<vmem_shared>> -> memref<10240x128xf32, #tpu.memory_space<vmem_shared>>
      tpu.enqueue_indirect_dma source(%arg13 : memref<80x128xf32, #tpu.memory_space<vmem>>) target(%dma_start3A_143 : memref<10240x128xf32, #tpu.memory_space<vmem_shared>>) offsets(%dma_start3A_140 : memref<80xi32, #tpu.memory_space<vmem>>) semaphore(%arg19 : memref<!tpu.dma_semaphore, #tpu.memory_space<semaphore_mem>>) {add = true}
      %dma_wait3A_144 = arith.constant 1 : i32
      %dma_wait3A_145 = arith.constant 0 : i32
      %dma_wait3A_146 = tpu.memref_slice %arg9[%dma_wait3A_144, %dma_wait3A_145] : memref<2x80xi32, #tpu.memory_space<vmem>> -> memref<1x80xi32, #tpu.memory_space<vmem>>
      %dma_wait3A_147 = tpu.memref_squeeze %dma_wait3A_146 : memref<1x80xi32, #tpu.memory_space<vmem>> -> memref<80xi32, #tpu.memory_space<vmem>>
      %dma_wait3A_148 = arith.constant 0 : i32
      %dma_wait3A_149 = arith.constant 0 : i32
      %dma_wait3A_150 = tpu.memref_slice %arg7[%dma_wait3A_148, %dma_wait3A_149] : memref<10240x128xf32, #tpu.memory_space<vmem_shared>> -> memref<10240x128xf32, #tpu.memory_space<vmem_shared>>
      tpu.wait_indirect_dma semaphore(%arg18 : memref<!tpu.dma_semaphore, #tpu.memory_space<semaphore_mem>>) src(%arg12 : memref<80x128xf32, #tpu.memory_space<vmem>>) dst(%dma_wait3A_150 : memref<10240x128xf32, #tpu.memory_space<vmem_shared>>)
      %dma_wait3A_151 = arith.constant 1 : i32
      %dma_wait3A_152 = arith.constant 0 : i32
      %dma_wait3A_153 = tpu.memref_slice %arg9[%dma_wait3A_151, %dma_wait3A_152] : memref<2x80xi32, #tpu.memory_space<vmem>> -> memref<1x80xi32, #tpu.memory_space<vmem>>
      %dma_wait3A_154 = tpu.memref_squeeze %dma_wait3A_153 : memref<1x80xi32, #tpu.memory_space<vmem>> -> memref<80xi32, #tpu.memory_space<vmem>>
      %dma_wait3A_155 = arith.constant 0 : i32
      %dma_wait3A_156 = arith.constant 0 : i32
      %dma_wait3A_157 = tpu.memref_slice %arg7[%dma_wait3A_155, %dma_wait3A_156] : memref<10240x128xf32, #tpu.memory_space<vmem_shared>> -> memref<10240x128xf32, #tpu.memory_space<vmem_shared>>
      tpu.wait_indirect_dma semaphore(%arg19 : memref<!tpu.dma_semaphore, #tpu.memory_space<semaphore_mem>>) src(%arg13 : memref<80x128xf32, #tpu.memory_space<vmem>>) dst(%dma_wait3A_157 : memref<10240x128xf32, #tpu.memory_space<vmem_shared>>)
    }
    %scan3A_34 = arith.constant 10 : i32
    %barrier3A_35 = arith.constant 0 : index
    tpu.barrier barrier_id(%barrier3A_35)
    %scan3A_36 = arith.constant 0 : i32
    %scan3A_37 = arith.constant 0 : i32
    %scan3A_38 = arith.constant 10 : i32
    %scan3A_39 = arith.addi %scan3A_37, %scan3A_38 : i32
    %scan3A_40 = arith.constant 1 : i32
    scf.for %scan3A_42 = %scan3A_37 to %scan3A_39 step %scan3A_40  : i32 {
      %mul3A_43 = arith.constant 64 : i32
      %mul3A_44 = arith.muli %scan3A_42, %mul3A_43 : i32
      %add3A_45 = arith.addi %mul3A_0, %mul3A_44 : i32
      "tpu.region"() ({
        %run_scoped3A = tpu.sem_alloc : memref<!tpu.dma_semaphore, #tpu.memory_space<semaphore_mem>>
        %dma_start3A_49 = arith.constant 0 : i32
        %dma_start3A_50 = arith.constant 0 : i32
        %dma_start3A_51 = tpu.memref_slice %arg10[%dma_start3A_49, %dma_start3A_50] : memref<80x128xf32, #tpu.memory_space<vmem>> -> memref<64x128xf32, #tpu.memory_space<vmem>>
        %dma_start3A_52 = arith.constant 0 : i32
        %dma_start3A_53 = tpu.memref_slice %arg7[%add3A_45, %dma_start3A_52] : memref<10240x128xf32, #tpu.memory_space<vmem_shared>> -> memref<64x128xf32, #tpu.memory_space<vmem_shared>>
        %dma_start3A_54 = arith.constant 0 : i32
        %dma_start3A_55 = arith.constant 0 : i32
        %dma_start3A_56 = tpu.memref_slice %arg10[%dma_start3A_54, %dma_start3A_55] : memref<80x128xf32, #tpu.memory_space<vmem>> -> memref<64x128xf32, #tpu.memory_space<vmem>>
        %dma_start3A_57 = arith.constant 0 : i32
        %dma_start3A_58 = tpu.memref_slice %arg7[%add3A_45, %dma_start3A_57] : memref<10240x128xf32, #tpu.memory_space<vmem_shared>> -> memref<64x128xf32, #tpu.memory_space<vmem_shared>>
        tpu.enqueue_dma source(%dma_start3A_58 : memref<64x128xf32, #tpu.memory_space<vmem_shared>>) target(%dma_start3A_56 : memref<64x128xf32, #tpu.memory_space<vmem>>) target_semaphore(%run_scoped3A : memref<!tpu.dma_semaphore, #tpu.memory_space<semaphore_mem>>)
        %dma_wait3A = arith.constant 0 : i32
        %dma_wait3A_59 = arith.constant 0 : i32
        %dma_wait3A_60 = tpu.memref_slice %arg10[%dma_wait3A, %dma_wait3A_59] : memref<80x128xf32, #tpu.memory_space<vmem>> -> memref<64x128xf32, #tpu.memory_space<vmem>>
        %dma_wait3A_61 = arith.constant 0 : i32
        %dma_wait3A_62 = tpu.memref_slice %arg7[%add3A_45, %dma_wait3A_61] : memref<10240x128xf32, #tpu.memory_space<vmem_shared>> -> memref<64x128xf32, #tpu.memory_space<vmem_shared>>
        %dma_wait3A_63 = arith.constant 0 : i32
        %dma_wait3A_64 = arith.constant 0 : i32
        %dma_wait3A_65 = tpu.memref_slice %arg10[%dma_wait3A_63, %dma_wait3A_64] : memref<80x128xf32, #tpu.memory_space<vmem>> -> memref<64x128xf32, #tpu.memory_space<vmem>>
        %dma_wait3A_66 = arith.constant 0 : i32
        %dma_wait3A_67 = tpu.memref_slice %arg7[%add3A_45, %dma_wait3A_66] : memref<10240x128xf32, #tpu.memory_space<vmem_shared>> -> memref<64x128xf32, #tpu.memory_space<vmem_shared>>
        tpu.wait_dma2 semaphore(%run_scoped3A : memref<!tpu.dma_semaphore, #tpu.memory_space<semaphore_mem>>) src(%dma_wait3A_67 : memref<64x128xf32, #tpu.memory_space<vmem_shared>>) dst(%dma_wait3A_65 : memref<64x128xf32, #tpu.memory_space<vmem>>)
        tpu.yield
      }) : () -> ()
      %mul3A_46 = arith.constant 10240 : i32
      %mul3A_47 = arith.muli %arg0, %mul3A_46 : i32
      %add3A_48 = arith.addi %mul3A_47, %add3A_45 : i32
      "tpu.region"() ({
        %run_scoped3A = tpu.sem_alloc : memref<!tpu.dma_semaphore, #tpu.memory_space<semaphore_mem>>
        %dma_start3A_49 = arith.constant 0 : i32
        %dma_start3A_50 = arith.constant 0 : i32
        %dma_start3A_51 = tpu.memref_slice %arg10[%dma_start3A_49, %dma_start3A_50] : memref<80x128xf32, #tpu.memory_space<vmem>> -> memref<64x128xf32, #tpu.memory_space<vmem>>
        %dma_start3A_52 = arith.constant 0 : i32
        %dma_start3A_53 = tpu.memref_slice %arg6[%add3A_48, %dma_start3A_52] : memref<20480x128xf32, #tpu.memory_space<hbm>> -> memref<64x128xf32, #tpu.memory_space<hbm>>
        %dma_start3A_54 = arith.constant 0 : i32
        %dma_start3A_55 = tpu.memref_slice %arg6[%add3A_48, %dma_start3A_54] : memref<20480x128xf32, #tpu.memory_space<hbm>> -> memref<64x128xf32, #tpu.memory_space<hbm>>
        %dma_start3A_56 = arith.constant 0 : i32
        %dma_start3A_57 = arith.constant 0 : i32
        %dma_start3A_58 = tpu.memref_slice %arg10[%dma_start3A_56, %dma_start3A_57] : memref<80x128xf32, #tpu.memory_space<vmem>> -> memref<64x128xf32, #tpu.memory_space<vmem>>
        tpu.enqueue_dma source(%dma_start3A_58 : memref<64x128xf32, #tpu.memory_space<vmem>>) target(%dma_start3A_55 : memref<64x128xf32, #tpu.memory_space<hbm>>) target_semaphore(%run_scoped3A : memref<!tpu.dma_semaphore, #tpu.memory_space<semaphore_mem>>)
        %dma_wait3A = arith.constant 0 : i32
        %dma_wait3A_59 = arith.constant 0 : i32
        %dma_wait3A_60 = tpu.memref_slice %arg10[%dma_wait3A, %dma_wait3A_59] : memref<80x128xf32, #tpu.memory_space<vmem>> -> memref<64x128xf32, #tpu.memory_space<vmem>>
        %dma_wait3A_61 = arith.constant 0 : i32
        %dma_wait3A_62 = tpu.memref_slice %arg6[%add3A_48, %dma_wait3A_61] : memref<20480x128xf32, #tpu.memory_space<hbm>> -> memref<64x128xf32, #tpu.memory_space<hbm>>
        %dma_wait3A_63 = arith.constant 0 : i32
        %dma_wait3A_64 = tpu.memref_slice %arg6[%add3A_48, %dma_wait3A_63] : memref<20480x128xf32, #tpu.memory_space<hbm>> -> memref<64x128xf32, #tpu.memory_space<hbm>>
        %dma_wait3A_65 = arith.constant 0 : i32
        %dma_wait3A_66 = arith.constant 0 : i32
        %dma_wait3A_67 = tpu.memref_slice %arg10[%dma_wait3A_65, %dma_wait3A_66] : memref<80x128xf32, #tpu.memory_space<vmem>> -> memref<64x128xf32, #tpu.memory_space<vmem>>
        tpu.wait_dma2 semaphore(%run_scoped3A : memref<!tpu.dma_semaphore, #tpu.memory_space<semaphore_mem>>) src(%dma_wait3A_67 : memref<64x128xf32, #tpu.memory_space<vmem>>) dst(%dma_wait3A_64 : memref<64x128xf32, #tpu.memory_space<hbm>>)
        tpu.yield
      }) : () -> ()
    }
    %scan3A_41 = arith.constant 10 : i32
    return
  }
}

#map = affine_map<(d0, d1) -> (0, 0, 0)>
#map1 = affine_map<(d0, d1) -> (0, 0)>
module attributes {stable_mosaic.version = 14 : i64} {
  func.func @body(%arg0: i32, %arg1: i32, %arg2: memref<1280x2x80xi32, #tpu.memory_space<hbm>>, %arg3: memref<20000x128xf32, #tpu.memory_space<hbm>>, %arg4: memref<102400x128xf32, #tpu.memory_space<hbm>>, %arg5: memref<64x128xf32, #tpu.memory_space<hbm>>, %arg6: memref<20480x128xf32, #tpu.memory_space<hbm>>, %arg7: memref<10240x128xf32, #tpu.memory_space<vmem_shared>>, %arg8: memref<2x80xi32, #tpu.memory_space<vmem>>, %arg9: memref<2x80xi32, #tpu.memory_space<vmem>>, %arg10: memref<80x128xf32, #tpu.memory_space<vmem>>, %arg11: memref<80x128xf32, #tpu.memory_space<vmem>>, %arg12: memref<80x128xf32, #tpu.memory_space<vmem>>, %arg13: memref<80x128xf32, #tpu.memory_space<vmem>>, %arg14: memref<!tpu.dma_semaphore, #tpu.memory_space<semaphore_mem>>, %arg15: memref<!tpu.dma_semaphore, #tpu.memory_space<semaphore_mem>>, %arg16: memref<!tpu.dma_semaphore, #tpu.memory_space<semaphore_mem>>, %arg17: memref<!tpu.dma_semaphore, #tpu.memory_space<semaphore_mem>>, %arg18: memref<!tpu.dma_semaphore, #tpu.memory_space<semaphore_mem>>, %arg19: memref<!tpu.dma_semaphore, #tpu.memory_space<semaphore_mem>>) attributes {dimension_semantics = [#tpu.dimension_semantics<core_parallel>, #tpu.dimension_semantics<subcore_parallel>], iteration_bounds = array<i64: 2, 16>, scalar_prefetch = 0 : i64, scratch_operands = 13 : i64, tpu.core_type = #tpu.core_type<sc_vector_subcore>, window_params = [{transform_indices = #map}, {transform_indices = #map1}, {transform_indices = #map1}, {transform_indices = #map1}, {transform_indices = #map1}]} {
    %mul3A = arith.constant 640 : i32
    %mul3A_0 = arith.muli %arg1, %mul3A : i32
    "tpu.region"() ({
      %run_scoped3A = tpu.sem_alloc : memref<!tpu.dma_semaphore, #tpu.memory_space<semaphore_mem>>
      %dma_start3A_42 = arith.constant 0 : i32
      %dma_start3A_43 = arith.constant 0 : i32
      %dma_start3A_44 = tpu.memref_slice %arg10[%dma_start3A_42, %dma_start3A_43] : memref<80x128xf32, #tpu.memory_space<vmem>> -> memref<64x128xf32, #tpu.memory_space<vmem>>
      %dma_start3A_45 = arith.constant 0 : i32
      %dma_start3A_46 = arith.constant 0 : i32
      %dma_start3A_47 = tpu.memref_slice %arg10[%dma_start3A_45, %dma_start3A_46] : memref<80x128xf32, #tpu.memory_space<vmem>> -> memref<64x128xf32, #tpu.memory_space<vmem>>
      tpu.enqueue_dma source(%arg5 : memref<64x128xf32, #tpu.memory_space<hbm>>) target(%dma_start3A_47 : memref<64x128xf32, #tpu.memory_space<vmem>>) target_semaphore(%run_scoped3A : memref<!tpu.dma_semaphore, #tpu.memory_space<semaphore_mem>>)
      %dma_wait3A = arith.constant 0 : i32
      %dma_wait3A_48 = arith.constant 0 : i32
      %dma_wait3A_49 = tpu.memref_slice %arg10[%dma_wait3A, %dma_wait3A_48] : memref<80x128xf32, #tpu.memory_space<vmem>> -> memref<64x128xf32, #tpu.memory_space<vmem>>
      %dma_wait3A_50 = arith.constant 0 : i32
      %dma_wait3A_51 = arith.constant 0 : i32
      %dma_wait3A_52 = tpu.memref_slice %arg10[%dma_wait3A_50, %dma_wait3A_51] : memref<80x128xf32, #tpu.memory_space<vmem>> -> memref<64x128xf32, #tpu.memory_space<vmem>>
      tpu.wait_dma2 semaphore(%run_scoped3A : memref<!tpu.dma_semaphore, #tpu.memory_space<semaphore_mem>>) src(%arg5 : memref<64x128xf32, #tpu.memory_space<hbm>>) dst(%dma_wait3A_52 : memref<64x128xf32, #tpu.memory_space<vmem>>)
      tpu.yield
    }) : () -> ()
    %scan3A = arith.constant 0 : i32
    %scan3A_1 = arith.constant 0 : i32
    %scan3A_2 = arith.constant 10 : i32
    %scan3A_3 = arith.addi %scan3A_1, %scan3A_2 : i32
    %scan3A_4 = arith.constant 1 : i32
    scf.for %scan3A_42 = %scan3A_1 to %scan3A_3 step %scan3A_4  : i32 {
      %mul3A_43 = arith.constant 64 : i32
      %mul3A_44 = arith.muli %scan3A_42, %mul3A_43 : i32
      %add3A_45 = arith.addi %mul3A_0, %mul3A_44 : i32
      "tpu.region"() ({
        %run_scoped3A = tpu.sem_alloc : memref<!tpu.dma_semaphore, #tpu.memory_space<semaphore_mem>>
        %dma_start3A_46 = arith.constant 0 : i32
        %dma_start3A_47 = arith.constant 0 : i32
        %dma_start3A_48 = tpu.memref_slice %arg10[%dma_start3A_46, %dma_start3A_47] : memref<80x128xf32, #tpu.memory_space<vmem>> -> memref<64x128xf32, #tpu.memory_space<vmem>>
        %dma_start3A_49 = arith.constant 0 : i32
        %dma_start3A_50 = tpu.memref_slice %arg7[%add3A_45, %dma_start3A_49] : memref<10240x128xf32, #tpu.memory_space<vmem_shared>> -> memref<64x128xf32, #tpu.memory_space<vmem_shared>>
        %dma_start3A_51 = arith.constant 0 : i32
        %dma_start3A_52 = tpu.memref_slice %arg7[%add3A_45, %dma_start3A_51] : memref<10240x128xf32, #tpu.memory_space<vmem_shared>> -> memref<64x128xf32, #tpu.memory_space<vmem_shared>>
        %dma_start3A_53 = arith.constant 0 : i32
        %dma_start3A_54 = arith.constant 0 : i32
        %dma_start3A_55 = tpu.memref_slice %arg10[%dma_start3A_53, %dma_start3A_54] : memref<80x128xf32, #tpu.memory_space<vmem>> -> memref<64x128xf32, #tpu.memory_space<vmem>>
        tpu.enqueue_dma source(%dma_start3A_55 : memref<64x128xf32, #tpu.memory_space<vmem>>) target(%dma_start3A_52 : memref<64x128xf32, #tpu.memory_space<vmem_shared>>) target_semaphore(%run_scoped3A : memref<!tpu.dma_semaphore, #tpu.memory_space<semaphore_mem>>)
        %dma_wait3A = arith.constant 0 : i32
        %dma_wait3A_56 = arith.constant 0 : i32
        %dma_wait3A_57 = tpu.memref_slice %arg10[%dma_wait3A, %dma_wait3A_56] : memref<80x128xf32, #tpu.memory_space<vmem>> -> memref<64x128xf32, #tpu.memory_space<vmem>>
        %dma_wait3A_58 = arith.constant 0 : i32
        %dma_wait3A_59 = tpu.memref_slice %arg7[%add3A_45, %dma_wait3A_58] : memref<10240x128xf32, #tpu.memory_space<vmem_shared>> -> memref<64x128xf32, #tpu.memory_space<vmem_shared>>
        %dma_wait3A_60 = arith.constant 0 : i32
        %dma_wait3A_61 = tpu.memref_slice %arg7[%add3A_45, %dma_wait3A_60] : memref<10240x128xf32, #tpu.memory_space<vmem_shared>> -> memref<64x128xf32, #tpu.memory_space<vmem_shared>>
        %dma_wait3A_62 = arith.constant 0 : i32
        %dma_wait3A_63 = arith.constant 0 : i32
        %dma_wait3A_64 = tpu.memref_slice %arg10[%dma_wait3A_62, %dma_wait3A_63] : memref<80x128xf32, #tpu.memory_space<vmem>> -> memref<64x128xf32, #tpu.memory_space<vmem>>
        tpu.wait_dma2 semaphore(%run_scoped3A : memref<!tpu.dma_semaphore, #tpu.memory_space<semaphore_mem>>) src(%dma_wait3A_64 : memref<64x128xf32, #tpu.memory_space<vmem>>) dst(%dma_wait3A_61 : memref<64x128xf32, #tpu.memory_space<vmem_shared>>)
        tpu.yield
      }) : () -> ()
    }
    %scan3A_5 = arith.constant 10 : i32
    %barrier3A = arith.constant 0 : index
    tpu.barrier barrier_id(%barrier3A)
    %mul3A_6 = arith.constant 3200 : i32
    %mul3A_7 = arith.muli %arg1, %mul3A_6 : i32
    %mul3A_8 = arith.constant 16 : i32
    %mul3A_9 = arith.muli %arg0, %mul3A_8 : i32
    %add3A = arith.addi %mul3A_9, %arg1 : i32
    %mul3A_10 = arith.constant 40 : i32
    %mul3A_11 = arith.muli %add3A, %mul3A_10 : i32
    %add3A_12 = arith.constant 0 : i32
    %add3A_13 = arith.addi %mul3A_11, %add3A_12 : i32
    "tpu.region"() ({
      %run_scoped3A = tpu.sem_alloc : memref<!tpu.dma_semaphore, #tpu.memory_space<semaphore_mem>>
      %dma_start3A_42 = arith.constant 0 : i32
      %dma_start3A_43 = arith.constant 0 : i32
      %dma_start3A_44 = tpu.memref_slice %arg2[%add3A_13, %dma_start3A_42, %dma_start3A_43] : memref<1280x2x80xi32, #tpu.memory_space<hbm>> -> memref<1x2x80xi32, #tpu.memory_space<hbm>>
      %dma_start3A_45 = tpu.memref_squeeze %dma_start3A_44 : memref<1x2x80xi32, #tpu.memory_space<hbm>> -> memref<2x80xi32, #tpu.memory_space<hbm>>
      %dma_start3A_46 = arith.constant 0 : i32
      %dma_start3A_47 = arith.constant 0 : i32
      %dma_start3A_48 = tpu.memref_slice %arg2[%add3A_13, %dma_start3A_46, %dma_start3A_47] : memref<1280x2x80xi32, #tpu.memory_space<hbm>> -> memref<1x2x80xi32, #tpu.memory_space<hbm>>
      %dma_start3A_49 = tpu.memref_squeeze %dma_start3A_48 : memref<1x2x80xi32, #tpu.memory_space<hbm>> -> memref<2x80xi32, #tpu.memory_space<hbm>>
      tpu.enqueue_dma source(%dma_start3A_49 : memref<2x80xi32, #tpu.memory_space<hbm>>) target(%arg8 : memref<2x80xi32, #tpu.memory_space<vmem>>) target_semaphore(%run_scoped3A : memref<!tpu.dma_semaphore, #tpu.memory_space<semaphore_mem>>)
      %dma_wait3A = arith.constant 0 : i32
      %dma_wait3A_50 = arith.constant 0 : i32
      %dma_wait3A_51 = tpu.memref_slice %arg2[%add3A_13, %dma_wait3A, %dma_wait3A_50] : memref<1280x2x80xi32, #tpu.memory_space<hbm>> -> memref<1x2x80xi32, #tpu.memory_space<hbm>>
      %dma_wait3A_52 = tpu.memref_squeeze %dma_wait3A_51 : memref<1x2x80xi32, #tpu.memory_space<hbm>> -> memref<2x80xi32, #tpu.memory_space<hbm>>
      %dma_wait3A_53 = arith.constant 0 : i32
      %dma_wait3A_54 = arith.constant 0 : i32
      %dma_wait3A_55 = tpu.memref_slice %arg2[%add3A_13, %dma_wait3A_53, %dma_wait3A_54] : memref<1280x2x80xi32, #tpu.memory_space<hbm>> -> memref<1x2x80xi32, #tpu.memory_space<hbm>>
      %dma_wait3A_56 = tpu.memref_squeeze %dma_wait3A_55 : memref<1x2x80xi32, #tpu.memory_space<hbm>> -> memref<2x80xi32, #tpu.memory_space<hbm>>
      tpu.wait_dma2 semaphore(%run_scoped3A : memref<!tpu.dma_semaphore, #tpu.memory_space<semaphore_mem>>) src(%dma_wait3A_56 : memref<2x80xi32, #tpu.memory_space<hbm>>) dst(%arg8 : memref<2x80xi32, #tpu.memory_space<vmem>>)
      tpu.yield
    }) : () -> ()
    %add3A_14 = arith.constant 0 : i32
    %add3A_15 = arith.addi %mul3A_7, %add3A_14 : i32
    %dma_start3A = arith.constant 0 : i32
    %dma_start3A_16 = arith.constant 0 : i32
    %dma_start3A_17 = tpu.memref_slice %arg8[%dma_start3A, %dma_start3A_16] : memref<2x80xi32, #tpu.memory_space<vmem>> -> memref<1x80xi32, #tpu.memory_space<vmem>>
    %dma_start3A_18 = tpu.memref_squeeze %dma_start3A_17 : memref<1x80xi32, #tpu.memory_space<vmem>> -> memref<80xi32, #tpu.memory_space<vmem>>
    %dma_start3A_19 = arith.constant 0 : i32
    %dma_start3A_20 = arith.constant 0 : i32
    %dma_start3A_21 = tpu.memref_slice %arg3[%dma_start3A_19, %dma_start3A_20] : memref<20000x128xf32, #tpu.memory_space<hbm>> -> memref<20000x128xf32, #tpu.memory_space<hbm>>
    tpu.enqueue_indirect_dma source(%dma_start3A_21 : memref<20000x128xf32, #tpu.memory_space<hbm>>) target(%arg10 : memref<80x128xf32, #tpu.memory_space<vmem>>) offsets(%dma_start3A_18 : memref<80xi32, #tpu.memory_space<vmem>>) semaphore(%arg14 : memref<!tpu.dma_semaphore, #tpu.memory_space<semaphore_mem>>)
    %mul3A_22 = arith.constant 51200 : i32
    %mul3A_23 = arith.muli %arg0, %mul3A_22 : i32
    %add3A_24 = arith.addi %mul3A_23, %add3A_15 : i32
    %dma_start3A_25 = arith.constant 0 : i32
    %dma_start3A_26 = tpu.memref_slice %arg4[%add3A_24, %dma_start3A_25] : memref<102400x128xf32, #tpu.memory_space<hbm>> -> memref<80x128xf32, #tpu.memory_space<hbm>>
    %dma_start3A_27 = arith.constant 0 : i32
    %dma_start3A_28 = tpu.memref_slice %arg4[%add3A_24, %dma_start3A_27] : memref<102400x128xf32, #tpu.memory_space<hbm>> -> memref<80x128xf32, #tpu.memory_space<hbm>>
    tpu.enqueue_dma source(%dma_start3A_28 : memref<80x128xf32, #tpu.memory_space<hbm>>) target(%arg11 : memref<80x128xf32, #tpu.memory_space<vmem>>) target_semaphore(%arg15 : memref<!tpu.dma_semaphore, #tpu.memory_space<semaphore_mem>>)
    %scan3A_29 = arith.constant 0 : i32
    %scan3A_30 = arith.constant 0 : i32
    %scan3A_31 = arith.constant 20 : i32
    %scan3A_32 = arith.addi %scan3A_30, %scan3A_31 : i32
    %scan3A_33 = arith.constant 1 : i32
    scf.for %scan3A_42 = %scan3A_30 to %scan3A_32 step %scan3A_33  : i32 {
      %mul3A_43 = arith.constant 2 : i32
      %mul3A_44 = arith.muli %mul3A_43, %scan3A_42 : i32
      %mul3A_45 = arith.constant 2 : i32
      %mul3A_46 = arith.muli %mul3A_45, %scan3A_42 : i32
      %add3A_47 = arith.constant 1 : i32
      %add3A_48 = arith.addi %mul3A_46, %add3A_47 : i32
      %add3A_49 = arith.addi %mul3A_11, %add3A_48 : i32
      "tpu.region"() ({
        %run_scoped3A = tpu.sem_alloc : memref<!tpu.dma_semaphore, #tpu.memory_space<semaphore_mem>>
        %dma_start3A_158 = arith.constant 0 : i32
        %dma_start3A_159 = arith.constant 0 : i32
        %dma_start3A_160 = tpu.memref_slice %arg2[%add3A_49, %dma_start3A_158, %dma_start3A_159] : memref<1280x2x80xi32, #tpu.memory_space<hbm>> -> memref<1x2x80xi32, #tpu.memory_space<hbm>>
        %dma_start3A_161 = tpu.memref_squeeze %dma_start3A_160 : memref<1x2x80xi32, #tpu.memory_space<hbm>> -> memref<2x80xi32, #tpu.memory_space<hbm>>
        %dma_start3A_162 = arith.constant 0 : i32
        %dma_start3A_163 = arith.constant 0 : i32
        %dma_start3A_164 = tpu.memref_slice %arg2[%add3A_49, %dma_start3A_162, %dma_start3A_163] : memref<1280x2x80xi32, #tpu.memory_space<hbm>> -> memref<1x2x80xi32, #tpu.memory_space<hbm>>
        %dma_start3A_165 = tpu.memref_squeeze %dma_start3A_164 : memref<1x2x80xi32, #tpu.memory_space<hbm>> -> memref<2x80xi32, #tpu.memory_space<hbm>>
        tpu.enqueue_dma source(%dma_start3A_165 : memref<2x80xi32, #tpu.memory_space<hbm>>) target(%arg9 : memref<2x80xi32, #tpu.memory_space<vmem>>) target_semaphore(%run_scoped3A : memref<!tpu.dma_semaphore, #tpu.memory_space<semaphore_mem>>)
        %dma_wait3A_166 = arith.constant 0 : i32
        %dma_wait3A_167 = arith.constant 0 : i32
        %dma_wait3A_168 = tpu.memref_slice %arg2[%add3A_49, %dma_wait3A_166, %dma_wait3A_167] : memref<1280x2x80xi32, #tpu.memory_space<hbm>> -> memref<1x2x80xi32, #tpu.memory_space<hbm>>
        %dma_wait3A_169 = tpu.memref_squeeze %dma_wait3A_168 : memref<1x2x80xi32, #tpu.memory_space<hbm>> -> memref<2x80xi32, #tpu.memory_space<hbm>>
        %dma_wait3A_170 = arith.constant 0 : i32
        %dma_wait3A_171 = arith.constant 0 : i32
        %dma_wait3A_172 = tpu.memref_slice %arg2[%add3A_49, %dma_wait3A_170, %dma_wait3A_171] : memref<1280x2x80xi32, #tpu.memory_space<hbm>> -> memref<1x2x80xi32, #tpu.memory_space<hbm>>
        %dma_wait3A_173 = tpu.memref_squeeze %dma_wait3A_172 : memref<1x2x80xi32, #tpu.memory_space<hbm>> -> memref<2x80xi32, #tpu.memory_space<hbm>>
        tpu.wait_dma2 semaphore(%run_scoped3A : memref<!tpu.dma_semaphore, #tpu.memory_space<semaphore_mem>>) src(%dma_wait3A_173 : memref<2x80xi32, #tpu.memory_space<hbm>>) dst(%arg9 : memref<2x80xi32, #tpu.memory_space<vmem>>)
        tpu.yield
      }) : () -> ()
      %mul3A_50 = arith.constant 80 : i32
      %mul3A_51 = arith.muli %add3A_48, %mul3A_50 : i32
      %add3A_52 = arith.addi %mul3A_7, %mul3A_51 : i32
      %dma_start3A_53 = arith.constant 0 : i32
      %dma_start3A_54 = arith.constant 0 : i32
      %dma_start3A_55 = tpu.memref_slice %arg9[%dma_start3A_53, %dma_start3A_54] : memref<2x80xi32, #tpu.memory_space<vmem>> -> memref<1x80xi32, #tpu.memory_space<vmem>>
      %dma_start3A_56 = tpu.memref_squeeze %dma_start3A_55 : memref<1x80xi32, #tpu.memory_space<vmem>> -> memref<80xi32, #tpu.memory_space<vmem>>
      %dma_start3A_57 = arith.constant 0 : i32
      %dma_start3A_58 = arith.constant 0 : i32
      %dma_start3A_59 = tpu.memref_slice %arg3[%dma_start3A_57, %dma_start3A_58] : memref<20000x128xf32, #tpu.memory_space<hbm>> -> memref<20000x128xf32, #tpu.memory_space<hbm>>
      tpu.enqueue_indirect_dma source(%dma_start3A_59 : memref<20000x128xf32, #tpu.memory_space<hbm>>) target(%arg12 : memref<80x128xf32, #tpu.memory_space<vmem>>) offsets(%dma_start3A_56 : memref<80xi32, #tpu.memory_space<vmem>>) semaphore(%arg16 : memref<!tpu.dma_semaphore, #tpu.memory_space<semaphore_mem>>)
      %mul3A_60 = arith.constant 51200 : i32
      %mul3A_61 = arith.muli %arg0, %mul3A_60 : i32
      %add3A_62 = arith.addi %mul3A_61, %add3A_52 : i32
      %dma_start3A_63 = arith.constant 0 : i32
      %dma_start3A_64 = tpu.memref_slice %arg4[%add3A_62, %dma_start3A_63] : memref<102400x128xf32, #tpu.memory_space<hbm>> -> memref<80x128xf32, #tpu.memory_space<hbm>>
      %dma_start3A_65 = arith.constant 0 : i32
      %dma_start3A_66 = tpu.memref_slice %arg4[%add3A_62, %dma_start3A_65] : memref<102400x128xf32, #tpu.memory_space<hbm>> -> memref<80x128xf32, #tpu.memory_space<hbm>>
      tpu.enqueue_dma source(%dma_start3A_66 : memref<80x128xf32, #tpu.memory_space<hbm>>) target(%arg13 : memref<80x128xf32, #tpu.memory_space<vmem>>) target_semaphore(%arg17 : memref<!tpu.dma_semaphore, #tpu.memory_space<semaphore_mem>>)
      %mul3A_67 = arith.constant 80 : i32
      %mul3A_68 = arith.muli %mul3A_44, %mul3A_67 : i32
      %add3A_69 = arith.addi %mul3A_7, %mul3A_68 : i32
      %dma_wait3A = arith.constant 0 : i32
      %dma_wait3A_70 = arith.constant 0 : i32
      %dma_wait3A_71 = tpu.memref_slice %arg8[%dma_wait3A, %dma_wait3A_70] : memref<2x80xi32, #tpu.memory_space<vmem>> -> memref<1x80xi32, #tpu.memory_space<vmem>>
      %dma_wait3A_72 = tpu.memref_squeeze %dma_wait3A_71 : memref<1x80xi32, #tpu.memory_space<vmem>> -> memref<80xi32, #tpu.memory_space<vmem>>
      %dma_wait3A_73 = arith.constant 0 : i32
      %dma_wait3A_74 = arith.constant 0 : i32
      %dma_wait3A_75 = tpu.memref_slice %arg3[%dma_wait3A_73, %dma_wait3A_74] : memref<20000x128xf32, #tpu.memory_space<hbm>> -> memref<20000x128xf32, #tpu.memory_space<hbm>>
      tpu.wait_indirect_dma semaphore(%arg14 : memref<!tpu.dma_semaphore, #tpu.memory_space<semaphore_mem>>) src(%dma_wait3A_75 : memref<20000x128xf32, #tpu.memory_space<hbm>>) dst(%arg10 : memref<80x128xf32, #tpu.memory_space<vmem>>)
      %mul3A_76 = arith.constant 51200 : i32
      %mul3A_77 = arith.muli %arg0, %mul3A_76 : i32
      %add3A_78 = arith.addi %mul3A_77, %add3A_69 : i32
      %dma_wait3A_79 = arith.constant 0 : i32
      %dma_wait3A_80 = tpu.memref_slice %arg4[%add3A_78, %dma_wait3A_79] : memref<102400x128xf32, #tpu.memory_space<hbm>> -> memref<80x128xf32, #tpu.memory_space<hbm>>
      %dma_wait3A_81 = arith.constant 0 : i32
      %dma_wait3A_82 = tpu.memref_slice %arg4[%add3A_78, %dma_wait3A_81] : memref<102400x128xf32, #tpu.memory_space<hbm>> -> memref<80x128xf32, #tpu.memory_space<hbm>>
      tpu.wait_dma2 semaphore(%arg15 : memref<!tpu.dma_semaphore, #tpu.memory_space<semaphore_mem>>) src(%dma_wait3A_82 : memref<80x128xf32, #tpu.memory_space<hbm>>) dst(%arg11 : memref<80x128xf32, #tpu.memory_space<vmem>>)
      %dma_start3A_83 = arith.constant 1 : i32
      %dma_start3A_84 = arith.constant 0 : i32
      %dma_start3A_85 = tpu.memref_slice %arg8[%dma_start3A_83, %dma_start3A_84] : memref<2x80xi32, #tpu.memory_space<vmem>> -> memref<1x80xi32, #tpu.memory_space<vmem>>
      %dma_start3A_86 = tpu.memref_squeeze %dma_start3A_85 : memref<1x80xi32, #tpu.memory_space<vmem>> -> memref<80xi32, #tpu.memory_space<vmem>>
      %dma_start3A_87 = arith.constant 0 : i32
      %dma_start3A_88 = arith.constant 0 : i32
      %dma_start3A_89 = tpu.memref_slice %arg7[%dma_start3A_87, %dma_start3A_88] : memref<10240x128xf32, #tpu.memory_space<vmem_shared>> -> memref<10240x128xf32, #tpu.memory_space<vmem_shared>>
      tpu.enqueue_indirect_dma source(%arg10 : memref<80x128xf32, #tpu.memory_space<vmem>>) target(%dma_start3A_89 : memref<10240x128xf32, #tpu.memory_space<vmem_shared>>) offsets(%dma_start3A_86 : memref<80xi32, #tpu.memory_space<vmem>>) semaphore(%arg18 : memref<!tpu.dma_semaphore, #tpu.memory_space<semaphore_mem>>) {add = true}
      %dma_start3A_90 = arith.constant 1 : i32
      %dma_start3A_91 = arith.constant 0 : i32
      %dma_start3A_92 = tpu.memref_slice %arg8[%dma_start3A_90, %dma_start3A_91] : memref<2x80xi32, #tpu.memory_space<vmem>> -> memref<1x80xi32, #tpu.memory_space<vmem>>
      %dma_start3A_93 = tpu.memref_squeeze %dma_start3A_92 : memref<1x80xi32, #tpu.memory_space<vmem>> -> memref<80xi32, #tpu.memory_space<vmem>>
      %dma_start3A_94 = arith.constant 0 : i32
      %dma_start3A_95 = arith.constant 0 : i32
      %dma_start3A_96 = tpu.memref_slice %arg7[%dma_start3A_94, %dma_start3A_95] : memref<10240x128xf32, #tpu.memory_space<vmem_shared>> -> memref<10240x128xf32, #tpu.memory_space<vmem_shared>>
      tpu.enqueue_indirect_dma source(%arg11 : memref<80x128xf32, #tpu.memory_space<vmem>>) target(%dma_start3A_96 : memref<10240x128xf32, #tpu.memory_space<vmem_shared>>) offsets(%dma_start3A_93 : memref<80xi32, #tpu.memory_space<vmem>>) semaphore(%arg19 : memref<!tpu.dma_semaphore, #tpu.memory_space<semaphore_mem>>) {add = true}
      %dma_wait3A_97 = arith.constant 1 : i32
      %dma_wait3A_98 = arith.constant 0 : i32
      %dma_wait3A_99 = tpu.memref_slice %arg8[%dma_wait3A_97, %dma_wait3A_98] : memref<2x80xi32, #tpu.memory_space<vmem>> -> memref<1x80xi32, #tpu.memory_space<vmem>>
      %dma_wait3A_100 = tpu.memref_squeeze %dma_wait3A_99 : memref<1x80xi32, #tpu.memory_space<vmem>> -> memref<80xi32, #tpu.memory_space<vmem>>
      %dma_wait3A_101 = arith.constant 0 : i32
      %dma_wait3A_102 = arith.constant 0 : i32
      %dma_wait3A_103 = tpu.memref_slice %arg7[%dma_wait3A_101, %dma_wait3A_102] : memref<10240x128xf32, #tpu.memory_space<vmem_shared>> -> memref<10240x128xf32, #tpu.memory_space<vmem_shared>>
      tpu.wait_indirect_dma semaphore(%arg18 : memref<!tpu.dma_semaphore, #tpu.memory_space<semaphore_mem>>) src(%arg10 : memref<80x128xf32, #tpu.memory_space<vmem>>) dst(%dma_wait3A_103 : memref<10240x128xf32, #tpu.memory_space<vmem_shared>>)
      %dma_wait3A_104 = arith.constant 1 : i32
      %dma_wait3A_105 = arith.constant 0 : i32
      %dma_wait3A_106 = tpu.memref_slice %arg8[%dma_wait3A_104, %dma_wait3A_105] : memref<2x80xi32, #tpu.memory_space<vmem>> -> memref<1x80xi32, #tpu.memory_space<vmem>>
      %dma_wait3A_107 = tpu.memref_squeeze %dma_wait3A_106 : memref<1x80xi32, #tpu.memory_space<vmem>> -> memref<80xi32, #tpu.memory_space<vmem>>
      %dma_wait3A_108 = arith.constant 0 : i32
      %dma_wait3A_109 = arith.constant 0 : i32
      %dma_wait3A_110 = tpu.memref_slice %arg7[%dma_wait3A_108, %dma_wait3A_109] : memref<10240x128xf32, #tpu.memory_space<vmem_shared>> -> memref<10240x128xf32, #tpu.memory_space<vmem_shared>>
      tpu.wait_indirect_dma semaphore(%arg19 : memref<!tpu.dma_semaphore, #tpu.memory_space<semaphore_mem>>) src(%arg11 : memref<80x128xf32, #tpu.memory_space<vmem>>) dst(%dma_wait3A_110 : memref<10240x128xf32, #tpu.memory_space<vmem_shared>>)
      %lt3A = arith.constant 19 : i32
      %lt3A_111 = arith.cmpi slt, %scan3A_42, %lt3A : i32
      %convert_element_type3A = arith.extui %lt3A_111 : i1 to i32
      %cond3A = arith.constant 0 : i32
      %cond3A_112 = arith.cmpi ne, %convert_element_type3A, %cond3A : i32
      scf.if %cond3A_112 {
        %add3A_158 = arith.constant 2 : i32
        %add3A_159 = arith.addi %mul3A_44, %add3A_158 : i32
        %add3A_160 = arith.addi %mul3A_11, %add3A_159 : i32
        "tpu.region"() ({
          %run_scoped3A = tpu.sem_alloc : memref<!tpu.dma_semaphore, #tpu.memory_space<semaphore_mem>>
          %dma_start3A_180 = arith.constant 0 : i32
          %dma_start3A_181 = arith.constant 0 : i32
          %dma_start3A_182 = tpu.memref_slice %arg2[%add3A_160, %dma_start3A_180, %dma_start3A_181] : memref<1280x2x80xi32, #tpu.memory_space<hbm>> -> memref<1x2x80xi32, #tpu.memory_space<hbm>>
          %dma_start3A_183 = tpu.memref_squeeze %dma_start3A_182 : memref<1x2x80xi32, #tpu.memory_space<hbm>> -> memref<2x80xi32, #tpu.memory_space<hbm>>
          %dma_start3A_184 = arith.constant 0 : i32
          %dma_start3A_185 = arith.constant 0 : i32
          %dma_start3A_186 = tpu.memref_slice %arg2[%add3A_160, %dma_start3A_184, %dma_start3A_185] : memref<1280x2x80xi32, #tpu.memory_space<hbm>> -> memref<1x2x80xi32, #tpu.memory_space<hbm>>
          %dma_start3A_187 = tpu.memref_squeeze %dma_start3A_186 : memref<1x2x80xi32, #tpu.memory_space<hbm>> -> memref<2x80xi32, #tpu.memory_space<hbm>>
          tpu.enqueue_dma source(%dma_start3A_187 : memref<2x80xi32, #tpu.memory_space<hbm>>) target(%arg8 : memref<2x80xi32, #tpu.memory_space<vmem>>) target_semaphore(%run_scoped3A : memref<!tpu.dma_semaphore, #tpu.memory_space<semaphore_mem>>)
          %dma_wait3A_188 = arith.constant 0 : i32
          %dma_wait3A_189 = arith.constant 0 : i32
          %dma_wait3A_190 = tpu.memref_slice %arg2[%add3A_160, %dma_wait3A_188, %dma_wait3A_189] : memref<1280x2x80xi32, #tpu.memory_space<hbm>> -> memref<1x2x80xi32, #tpu.memory_space<hbm>>
          %dma_wait3A_191 = tpu.memref_squeeze %dma_wait3A_190 : memref<1x2x80xi32, #tpu.memory_space<hbm>> -> memref<2x80xi32, #tpu.memory_space<hbm>>
          %dma_wait3A_192 = arith.constant 0 : i32
          %dma_wait3A_193 = arith.constant 0 : i32
          %dma_wait3A_194 = tpu.memref_slice %arg2[%add3A_160, %dma_wait3A_192, %dma_wait3A_193] : memref<1280x2x80xi32, #tpu.memory_space<hbm>> -> memref<1x2x80xi32, #tpu.memory_space<hbm>>
          %dma_wait3A_195 = tpu.memref_squeeze %dma_wait3A_194 : memref<1x2x80xi32, #tpu.memory_space<hbm>> -> memref<2x80xi32, #tpu.memory_space<hbm>>
          tpu.wait_dma2 semaphore(%run_scoped3A : memref<!tpu.dma_semaphore, #tpu.memory_space<semaphore_mem>>) src(%dma_wait3A_195 : memref<2x80xi32, #tpu.memory_space<hbm>>) dst(%arg8 : memref<2x80xi32, #tpu.memory_space<vmem>>)
          tpu.yield
        }) : () -> ()
        %add3A_161 = arith.constant 2 : i32
        %add3A_162 = arith.addi %mul3A_44, %add3A_161 : i32
        %mul3A_163 = arith.constant 80 : i32
        %mul3A_164 = arith.muli %add3A_162, %mul3A_163 : i32
        %add3A_165 = arith.addi %mul3A_7, %mul3A_164 : i32
        %dma_start3A_166 = arith.constant 0 : i32
        %dma_start3A_167 = arith.constant 0 : i32
        %dma_start3A_168 = tpu.memref_slice %arg8[%dma_start3A_166, %dma_start3A_167] : memref<2x80xi32, #tpu.memory_space<vmem>> -> memref<1x80xi32, #tpu.memory_space<vmem>>
        %dma_start3A_169 = tpu.memref_squeeze %dma_start3A_168 : memref<1x80xi32, #tpu.memory_space<vmem>> -> memref<80xi32, #tpu.memory_space<vmem>>
        %dma_start3A_170 = arith.constant 0 : i32
        %dma_start3A_171 = arith.constant 0 : i32
        %dma_start3A_172 = tpu.memref_slice %arg3[%dma_start3A_170, %dma_start3A_171] : memref<20000x128xf32, #tpu.memory_space<hbm>> -> memref<20000x128xf32, #tpu.memory_space<hbm>>
        tpu.enqueue_indirect_dma source(%dma_start3A_172 : memref<20000x128xf32, #tpu.memory_space<hbm>>) target(%arg10 : memref<80x128xf32, #tpu.memory_space<vmem>>) offsets(%dma_start3A_169 : memref<80xi32, #tpu.memory_space<vmem>>) semaphore(%arg14 : memref<!tpu.dma_semaphore, #tpu.memory_space<semaphore_mem>>)
        %mul3A_173 = arith.constant 51200 : i32
        %mul3A_174 = arith.muli %arg0, %mul3A_173 : i32
        %add3A_175 = arith.addi %mul3A_174, %add3A_165 : i32
        %dma_start3A_176 = arith.constant 0 : i32
        %dma_start3A_177 = tpu.memref_slice %arg4[%add3A_175, %dma_start3A_176] : memref<102400x128xf32, #tpu.memory_space<hbm>> -> memref<80x128xf32, #tpu.memory_space<hbm>>
        %dma_start3A_178 = arith.constant 0 : i32
        %dma_start3A_179 = tpu.memref_slice %arg4[%add3A_175, %dma_start3A_178] : memref<102400x128xf32, #tpu.memory_space<hbm>> -> memref<80x128xf32, #tpu.memory_space<hbm>>
        tpu.enqueue_dma source(%dma_start3A_179 : memref<80x128xf32, #tpu.memory_space<hbm>>) target(%arg11 : memref<80x128xf32, #tpu.memory_space<vmem>>) target_semaphore(%arg15 : memref<!tpu.dma_semaphore, #tpu.memory_space<semaphore_mem>>)
      } else {
      }
      %mul3A_113 = arith.constant 80 : i32
      %mul3A_114 = arith.muli %add3A_48, %mul3A_113 : i32
      %add3A_115 = arith.addi %mul3A_7, %mul3A_114 : i32
      %dma_wait3A_116 = arith.constant 0 : i32
      %dma_wait3A_117 = arith.constant 0 : i32
      %dma_wait3A_118 = tpu.memref_slice %arg9[%dma_wait3A_116, %dma_wait3A_117] : memref<2x80xi32, #tpu.memory_space<vmem>> -> memref<1x80xi32, #tpu.memory_space<vmem>>
      %dma_wait3A_119 = tpu.memref_squeeze %dma_wait3A_118 : memref<1x80xi32, #tpu.memory_space<vmem>> -> memref<80xi32, #tpu.memory_space<vmem>>
      %dma_wait3A_120 = arith.constant 0 : i32
      %dma_wait3A_121 = arith.constant 0 : i32
      %dma_wait3A_122 = tpu.memref_slice %arg3[%dma_wait3A_120, %dma_wait3A_121] : memref<20000x128xf32, #tpu.memory_space<hbm>> -> memref<20000x128xf32, #tpu.memory_space<hbm>>
      tpu.wait_indirect_dma semaphore(%arg16 : memref<!tpu.dma_semaphore, #tpu.memory_space<semaphore_mem>>) src(%dma_wait3A_122 : memref<20000x128xf32, #tpu.memory_space<hbm>>) dst(%arg12 : memref<80x128xf32, #tpu.memory_space<vmem>>)
      %mul3A_123 = arith.constant 51200 : i32
      %mul3A_124 = arith.muli %arg0, %mul3A_123 : i32
      %add3A_125 = arith.addi %mul3A_124, %add3A_115 : i32
      %dma_wait3A_126 = arith.constant 0 : i32
      %dma_wait3A_127 = tpu.memref_slice %arg4[%add3A_125, %dma_wait3A_126] : memref<102400x128xf32, #tpu.memory_space<hbm>> -> memref<80x128xf32, #tpu.memory_space<hbm>>
      %dma_wait3A_128 = arith.constant 0 : i32
      %dma_wait3A_129 = tpu.memref_slice %arg4[%add3A_125, %dma_wait3A_128] : memref<102400x128xf32, #tpu.memory_space<hbm>> -> memref<80x128xf32, #tpu.memory_space<hbm>>
      tpu.wait_dma2 semaphore(%arg17 : memref<!tpu.dma_semaphore, #tpu.memory_space<semaphore_mem>>) src(%dma_wait3A_129 : memref<80x128xf32, #tpu.memory_space<hbm>>) dst(%arg13 : memref<80x128xf32, #tpu.memory_space<vmem>>)
      %dma_start3A_130 = arith.constant 1 : i32
      %dma_start3A_131 = arith.constant 0 : i32
      %dma_start3A_132 = tpu.memref_slice %arg9[%dma_start3A_130, %dma_start3A_131] : memref<2x80xi32, #tpu.memory_space<vmem>> -> memref<1x80xi32, #tpu.memory_space<vmem>>
      %dma_start3A_133 = tpu.memref_squeeze %dma_start3A_132 : memref<1x80xi32, #tpu.memory_space<vmem>> -> memref<80xi32, #tpu.memory_space<vmem>>
      %dma_start3A_134 = arith.constant 0 : i32
      %dma_start3A_135 = arith.constant 0 : i32
      %dma_start3A_136 = tpu.memref_slice %arg7[%dma_start3A_134, %dma_start3A_135] : memref<10240x128xf32, #tpu.memory_space<vmem_shared>> -> memref<10240x128xf32, #tpu.memory_space<vmem_shared>>
      tpu.enqueue_indirect_dma source(%arg12 : memref<80x128xf32, #tpu.memory_space<vmem>>) target(%dma_start3A_136 : memref<10240x128xf32, #tpu.memory_space<vmem_shared>>) offsets(%dma_start3A_133 : memref<80xi32, #tpu.memory_space<vmem>>) semaphore(%arg18 : memref<!tpu.dma_semaphore, #tpu.memory_space<semaphore_mem>>) {add = true}
      %dma_start3A_137 = arith.constant 1 : i32
      %dma_start3A_138 = arith.constant 0 : i32
      %dma_start3A_139 = tpu.memref_slice %arg9[%dma_start3A_137, %dma_start3A_138] : memref<2x80xi32, #tpu.memory_space<vmem>> -> memref<1x80xi32, #tpu.memory_space<vmem>>
      %dma_start3A_140 = tpu.memref_squeeze %dma_start3A_139 : memref<1x80xi32, #tpu.memory_space<vmem>> -> memref<80xi32, #tpu.memory_space<vmem>>
      %dma_start3A_141 = arith.constant 0 : i32
      %dma_start3A_142 = arith.constant 0 : i32
      %dma_start3A_143 = tpu.memref_slice %arg7[%dma_start3A_141, %dma_start3A_142] : memref<10240x128xf32, #tpu.memory_space<vmem_shared>> -> memref<10240x128xf32, #tpu.memory_space<vmem_shared>>
      tpu.enqueue_indirect_dma source(%arg13 : memref<80x128xf32, #tpu.memory_space<vmem>>) target(%dma_start3A_143 : memref<10240x128xf32, #tpu.memory_space<vmem_shared>>) offsets(%dma_start3A_140 : memref<80xi32, #tpu.memory_space<vmem>>) semaphore(%arg19 : memref<!tpu.dma_semaphore, #tpu.memory_space<semaphore_mem>>) {add = true}
      %dma_wait3A_144 = arith.constant 1 : i32
      %dma_wait3A_145 = arith.constant 0 : i32
      %dma_wait3A_146 = tpu.memref_slice %arg9[%dma_wait3A_144, %dma_wait3A_145] : memref<2x80xi32, #tpu.memory_space<vmem>> -> memref<1x80xi32, #tpu.memory_space<vmem>>
      %dma_wait3A_147 = tpu.memref_squeeze %dma_wait3A_146 : memref<1x80xi32, #tpu.memory_space<vmem>> -> memref<80xi32, #tpu.memory_space<vmem>>
      %dma_wait3A_148 = arith.constant 0 : i32
      %dma_wait3A_149 = arith.constant 0 : i32
      %dma_wait3A_150 = tpu.memref_slice %arg7[%dma_wait3A_148, %dma_wait3A_149] : memref<10240x128xf32, #tpu.memory_space<vmem_shared>> -> memref<10240x128xf32, #tpu.memory_space<vmem_shared>>
      tpu.wait_indirect_dma semaphore(%arg18 : memref<!tpu.dma_semaphore, #tpu.memory_space<semaphore_mem>>) src(%arg12 : memref<80x128xf32, #tpu.memory_space<vmem>>) dst(%dma_wait3A_150 : memref<10240x128xf32, #tpu.memory_space<vmem_shared>>)
      %dma_wait3A_151 = arith.constant 1 : i32
      %dma_wait3A_152 = arith.constant 0 : i32
      %dma_wait3A_153 = tpu.memref_slice %arg9[%dma_wait3A_151, %dma_wait3A_152] : memref<2x80xi32, #tpu.memory_space<vmem>> -> memref<1x80xi32, #tpu.memory_space<vmem>>
      %dma_wait3A_154 = tpu.memref_squeeze %dma_wait3A_153 : memref<1x80xi32, #tpu.memory_space<vmem>> -> memref<80xi32, #tpu.memory_space<vmem>>
      %dma_wait3A_155 = arith.constant 0 : i32
      %dma_wait3A_156 = arith.constant 0 : i32
      %dma_wait3A_157 = tpu.memref_slice %arg7[%dma_wait3A_155, %dma_wait3A_156] : memref<10240x128xf32, #tpu.memory_space<vmem_shared>> -> memref<10240x128xf32, #tpu.memory_space<vmem_shared>>
      tpu.wait_indirect_dma semaphore(%arg19 : memref<!tpu.dma_semaphore, #tpu.memory_space<semaphore_mem>>) src(%arg13 : memref<80x128xf32, #tpu.memory_space<vmem>>) dst(%dma_wait3A_157 : memref<10240x128xf32, #tpu.memory_space<vmem_shared>>)
    }
    %scan3A_34 = arith.constant 20 : i32
    %barrier3A_35 = arith.constant 0 : index
    tpu.barrier barrier_id(%barrier3A_35)
    %scan3A_36 = arith.constant 0 : i32
    %scan3A_37 = arith.constant 0 : i32
    %scan3A_38 = arith.constant 10 : i32
    %scan3A_39 = arith.addi %scan3A_37, %scan3A_38 : i32
    %scan3A_40 = arith.constant 1 : i32
    scf.for %scan3A_42 = %scan3A_37 to %scan3A_39 step %scan3A_40  : i32 {
      %mul3A_43 = arith.constant 64 : i32
      %mul3A_44 = arith.muli %scan3A_42, %mul3A_43 : i32
      %add3A_45 = arith.addi %mul3A_0, %mul3A_44 : i32
      "tpu.region"() ({
        %run_scoped3A = tpu.sem_alloc : memref<!tpu.dma_semaphore, #tpu.memory_space<semaphore_mem>>
        %dma_start3A_49 = arith.constant 0 : i32
        %dma_start3A_50 = arith.constant 0 : i32
        %dma_start3A_51 = tpu.memref_slice %arg10[%dma_start3A_49, %dma_start3A_50] : memref<80x128xf32, #tpu.memory_space<vmem>> -> memref<64x128xf32, #tpu.memory_space<vmem>>
        %dma_start3A_52 = arith.constant 0 : i32
        %dma_start3A_53 = tpu.memref_slice %arg7[%add3A_45, %dma_start3A_52] : memref<10240x128xf32, #tpu.memory_space<vmem_shared>> -> memref<64x128xf32, #tpu.memory_space<vmem_shared>>
        %dma_start3A_54 = arith.constant 0 : i32
        %dma_start3A_55 = arith.constant 0 : i32
        %dma_start3A_56 = tpu.memref_slice %arg10[%dma_start3A_54, %dma_start3A_55] : memref<80x128xf32, #tpu.memory_space<vmem>> -> memref<64x128xf32, #tpu.memory_space<vmem>>
        %dma_start3A_57 = arith.constant 0 : i32
        %dma_start3A_58 = tpu.memref_slice %arg7[%add3A_45, %dma_start3A_57] : memref<10240x128xf32, #tpu.memory_space<vmem_shared>> -> memref<64x128xf32, #tpu.memory_space<vmem_shared>>
        tpu.enqueue_dma source(%dma_start3A_58 : memref<64x128xf32, #tpu.memory_space<vmem_shared>>) target(%dma_start3A_56 : memref<64x128xf32, #tpu.memory_space<vmem>>) target_semaphore(%run_scoped3A : memref<!tpu.dma_semaphore, #tpu.memory_space<semaphore_mem>>)
        %dma_wait3A = arith.constant 0 : i32
        %dma_wait3A_59 = arith.constant 0 : i32
        %dma_wait3A_60 = tpu.memref_slice %arg10[%dma_wait3A, %dma_wait3A_59] : memref<80x128xf32, #tpu.memory_space<vmem>> -> memref<64x128xf32, #tpu.memory_space<vmem>>
        %dma_wait3A_61 = arith.constant 0 : i32
        %dma_wait3A_62 = tpu.memref_slice %arg7[%add3A_45, %dma_wait3A_61] : memref<10240x128xf32, #tpu.memory_space<vmem_shared>> -> memref<64x128xf32, #tpu.memory_space<vmem_shared>>
        %dma_wait3A_63 = arith.constant 0 : i32
        %dma_wait3A_64 = arith.constant 0 : i32
        %dma_wait3A_65 = tpu.memref_slice %arg10[%dma_wait3A_63, %dma_wait3A_64] : memref<80x128xf32, #tpu.memory_space<vmem>> -> memref<64x128xf32, #tpu.memory_space<vmem>>
        %dma_wait3A_66 = arith.constant 0 : i32
        %dma_wait3A_67 = tpu.memref_slice %arg7[%add3A_45, %dma_wait3A_66] : memref<10240x128xf32, #tpu.memory_space<vmem_shared>> -> memref<64x128xf32, #tpu.memory_space<vmem_shared>>
        tpu.wait_dma2 semaphore(%run_scoped3A : memref<!tpu.dma_semaphore, #tpu.memory_space<semaphore_mem>>) src(%dma_wait3A_67 : memref<64x128xf32, #tpu.memory_space<vmem_shared>>) dst(%dma_wait3A_65 : memref<64x128xf32, #tpu.memory_space<vmem>>)
        tpu.yield
      }) : () -> ()
      %mul3A_46 = arith.constant 10240 : i32
      %mul3A_47 = arith.muli %arg0, %mul3A_46 : i32
      %add3A_48 = arith.addi %mul3A_47, %add3A_45 : i32
      "tpu.region"() ({
        %run_scoped3A = tpu.sem_alloc : memref<!tpu.dma_semaphore, #tpu.memory_space<semaphore_mem>>
        %dma_start3A_49 = arith.constant 0 : i32
        %dma_start3A_50 = arith.constant 0 : i32
        %dma_start3A_51 = tpu.memref_slice %arg10[%dma_start3A_49, %dma_start3A_50] : memref<80x128xf32, #tpu.memory_space<vmem>> -> memref<64x128xf32, #tpu.memory_space<vmem>>
        %dma_start3A_52 = arith.constant 0 : i32
        %dma_start3A_53 = tpu.memref_slice %arg6[%add3A_48, %dma_start3A_52] : memref<20480x128xf32, #tpu.memory_space<hbm>> -> memref<64x128xf32, #tpu.memory_space<hbm>>
        %dma_start3A_54 = arith.constant 0 : i32
        %dma_start3A_55 = tpu.memref_slice %arg6[%add3A_48, %dma_start3A_54] : memref<20480x128xf32, #tpu.memory_space<hbm>> -> memref<64x128xf32, #tpu.memory_space<hbm>>
        %dma_start3A_56 = arith.constant 0 : i32
        %dma_start3A_57 = arith.constant 0 : i32
        %dma_start3A_58 = tpu.memref_slice %arg10[%dma_start3A_56, %dma_start3A_57] : memref<80x128xf32, #tpu.memory_space<vmem>> -> memref<64x128xf32, #tpu.memory_space<vmem>>
        tpu.enqueue_dma source(%dma_start3A_58 : memref<64x128xf32, #tpu.memory_space<vmem>>) target(%dma_start3A_55 : memref<64x128xf32, #tpu.memory_space<hbm>>) target_semaphore(%run_scoped3A : memref<!tpu.dma_semaphore, #tpu.memory_space<semaphore_mem>>)
        %dma_wait3A = arith.constant 0 : i32
        %dma_wait3A_59 = arith.constant 0 : i32
        %dma_wait3A_60 = tpu.memref_slice %arg10[%dma_wait3A, %dma_wait3A_59] : memref<80x128xf32, #tpu.memory_space<vmem>> -> memref<64x128xf32, #tpu.memory_space<vmem>>
        %dma_wait3A_61 = arith.constant 0 : i32
        %dma_wait3A_62 = tpu.memref_slice %arg6[%add3A_48, %dma_wait3A_61] : memref<20480x128xf32, #tpu.memory_space<hbm>> -> memref<64x128xf32, #tpu.memory_space<hbm>>
        %dma_wait3A_63 = arith.constant 0 : i32
        %dma_wait3A_64 = tpu.memref_slice %arg6[%add3A_48, %dma_wait3A_63] : memref<20480x128xf32, #tpu.memory_space<hbm>> -> memref<64x128xf32, #tpu.memory_space<hbm>>
        %dma_wait3A_65 = arith.constant 0 : i32
        %dma_wait3A_66 = arith.constant 0 : i32
        %dma_wait3A_67 = tpu.memref_slice %arg10[%dma_wait3A_65, %dma_wait3A_66] : memref<80x128xf32, #tpu.memory_space<vmem>> -> memref<64x128xf32, #tpu.memory_space<vmem>>
        tpu.wait_dma2 semaphore(%run_scoped3A : memref<!tpu.dma_semaphore, #tpu.memory_space<semaphore_mem>>) src(%dma_wait3A_67 : memref<64x128xf32, #tpu.memory_space<vmem>>) dst(%dma_wait3A_64 : memref<64x128xf32, #tpu.memory_space<hbm>>)
        tpu.yield
      }) : () -> ()
    }
    %scan3A_41 = arith.constant 10 : i32
    return
  }
}

#map = affine_map<(d0, d1) -> (0, 0, 0)>
#map1 = affine_map<(d0, d1) -> (0, 0)>
module attributes {stable_mosaic.version = 14 : i64} {
  func.func @body(%arg0: i32, %arg1: i32, %arg2: memref<1920x2x80xi32, #tpu.memory_space<hbm>>, %arg3: memref<20000x128xf32, #tpu.memory_space<hbm>>, %arg4: memref<153600x128xf32, #tpu.memory_space<hbm>>, %arg5: memref<64x128xf32, #tpu.memory_space<hbm>>, %arg6: memref<20480x128xf32, #tpu.memory_space<hbm>>, %arg7: memref<10240x128xf32, #tpu.memory_space<vmem_shared>>, %arg8: memref<2x80xi32, #tpu.memory_space<vmem>>, %arg9: memref<2x80xi32, #tpu.memory_space<vmem>>, %arg10: memref<80x128xf32, #tpu.memory_space<vmem>>, %arg11: memref<80x128xf32, #tpu.memory_space<vmem>>, %arg12: memref<80x128xf32, #tpu.memory_space<vmem>>, %arg13: memref<80x128xf32, #tpu.memory_space<vmem>>, %arg14: memref<!tpu.dma_semaphore, #tpu.memory_space<semaphore_mem>>, %arg15: memref<!tpu.dma_semaphore, #tpu.memory_space<semaphore_mem>>, %arg16: memref<!tpu.dma_semaphore, #tpu.memory_space<semaphore_mem>>, %arg17: memref<!tpu.dma_semaphore, #tpu.memory_space<semaphore_mem>>, %arg18: memref<!tpu.dma_semaphore, #tpu.memory_space<semaphore_mem>>, %arg19: memref<!tpu.dma_semaphore, #tpu.memory_space<semaphore_mem>>) attributes {dimension_semantics = [#tpu.dimension_semantics<core_parallel>, #tpu.dimension_semantics<subcore_parallel>], iteration_bounds = array<i64: 2, 16>, scalar_prefetch = 0 : i64, scratch_operands = 13 : i64, tpu.core_type = #tpu.core_type<sc_vector_subcore>, window_params = [{transform_indices = #map}, {transform_indices = #map1}, {transform_indices = #map1}, {transform_indices = #map1}, {transform_indices = #map1}]} {
    %mul3A = arith.constant 640 : i32
    %mul3A_0 = arith.muli %arg1, %mul3A : i32
    "tpu.region"() ({
      %run_scoped3A = tpu.sem_alloc : memref<!tpu.dma_semaphore, #tpu.memory_space<semaphore_mem>>
      %dma_start3A_42 = arith.constant 0 : i32
      %dma_start3A_43 = arith.constant 0 : i32
      %dma_start3A_44 = tpu.memref_slice %arg10[%dma_start3A_42, %dma_start3A_43] : memref<80x128xf32, #tpu.memory_space<vmem>> -> memref<64x128xf32, #tpu.memory_space<vmem>>
      %dma_start3A_45 = arith.constant 0 : i32
      %dma_start3A_46 = arith.constant 0 : i32
      %dma_start3A_47 = tpu.memref_slice %arg10[%dma_start3A_45, %dma_start3A_46] : memref<80x128xf32, #tpu.memory_space<vmem>> -> memref<64x128xf32, #tpu.memory_space<vmem>>
      tpu.enqueue_dma source(%arg5 : memref<64x128xf32, #tpu.memory_space<hbm>>) target(%dma_start3A_47 : memref<64x128xf32, #tpu.memory_space<vmem>>) target_semaphore(%run_scoped3A : memref<!tpu.dma_semaphore, #tpu.memory_space<semaphore_mem>>)
      %dma_wait3A = arith.constant 0 : i32
      %dma_wait3A_48 = arith.constant 0 : i32
      %dma_wait3A_49 = tpu.memref_slice %arg10[%dma_wait3A, %dma_wait3A_48] : memref<80x128xf32, #tpu.memory_space<vmem>> -> memref<64x128xf32, #tpu.memory_space<vmem>>
      %dma_wait3A_50 = arith.constant 0 : i32
      %dma_wait3A_51 = arith.constant 0 : i32
      %dma_wait3A_52 = tpu.memref_slice %arg10[%dma_wait3A_50, %dma_wait3A_51] : memref<80x128xf32, #tpu.memory_space<vmem>> -> memref<64x128xf32, #tpu.memory_space<vmem>>
      tpu.wait_dma2 semaphore(%run_scoped3A : memref<!tpu.dma_semaphore, #tpu.memory_space<semaphore_mem>>) src(%arg5 : memref<64x128xf32, #tpu.memory_space<hbm>>) dst(%dma_wait3A_52 : memref<64x128xf32, #tpu.memory_space<vmem>>)
      tpu.yield
    }) : () -> ()
    %scan3A = arith.constant 0 : i32
    %scan3A_1 = arith.constant 0 : i32
    %scan3A_2 = arith.constant 10 : i32
    %scan3A_3 = arith.addi %scan3A_1, %scan3A_2 : i32
    %scan3A_4 = arith.constant 1 : i32
    scf.for %scan3A_42 = %scan3A_1 to %scan3A_3 step %scan3A_4  : i32 {
      %mul3A_43 = arith.constant 64 : i32
      %mul3A_44 = arith.muli %scan3A_42, %mul3A_43 : i32
      %add3A_45 = arith.addi %mul3A_0, %mul3A_44 : i32
      "tpu.region"() ({
        %run_scoped3A = tpu.sem_alloc : memref<!tpu.dma_semaphore, #tpu.memory_space<semaphore_mem>>
        %dma_start3A_46 = arith.constant 0 : i32
        %dma_start3A_47 = arith.constant 0 : i32
        %dma_start3A_48 = tpu.memref_slice %arg10[%dma_start3A_46, %dma_start3A_47] : memref<80x128xf32, #tpu.memory_space<vmem>> -> memref<64x128xf32, #tpu.memory_space<vmem>>
        %dma_start3A_49 = arith.constant 0 : i32
        %dma_start3A_50 = tpu.memref_slice %arg7[%add3A_45, %dma_start3A_49] : memref<10240x128xf32, #tpu.memory_space<vmem_shared>> -> memref<64x128xf32, #tpu.memory_space<vmem_shared>>
        %dma_start3A_51 = arith.constant 0 : i32
        %dma_start3A_52 = tpu.memref_slice %arg7[%add3A_45, %dma_start3A_51] : memref<10240x128xf32, #tpu.memory_space<vmem_shared>> -> memref<64x128xf32, #tpu.memory_space<vmem_shared>>
        %dma_start3A_53 = arith.constant 0 : i32
        %dma_start3A_54 = arith.constant 0 : i32
        %dma_start3A_55 = tpu.memref_slice %arg10[%dma_start3A_53, %dma_start3A_54] : memref<80x128xf32, #tpu.memory_space<vmem>> -> memref<64x128xf32, #tpu.memory_space<vmem>>
        tpu.enqueue_dma source(%dma_start3A_55 : memref<64x128xf32, #tpu.memory_space<vmem>>) target(%dma_start3A_52 : memref<64x128xf32, #tpu.memory_space<vmem_shared>>) target_semaphore(%run_scoped3A : memref<!tpu.dma_semaphore, #tpu.memory_space<semaphore_mem>>)
        %dma_wait3A = arith.constant 0 : i32
        %dma_wait3A_56 = arith.constant 0 : i32
        %dma_wait3A_57 = tpu.memref_slice %arg10[%dma_wait3A, %dma_wait3A_56] : memref<80x128xf32, #tpu.memory_space<vmem>> -> memref<64x128xf32, #tpu.memory_space<vmem>>
        %dma_wait3A_58 = arith.constant 0 : i32
        %dma_wait3A_59 = tpu.memref_slice %arg7[%add3A_45, %dma_wait3A_58] : memref<10240x128xf32, #tpu.memory_space<vmem_shared>> -> memref<64x128xf32, #tpu.memory_space<vmem_shared>>
        %dma_wait3A_60 = arith.constant 0 : i32
        %dma_wait3A_61 = tpu.memref_slice %arg7[%add3A_45, %dma_wait3A_60] : memref<10240x128xf32, #tpu.memory_space<vmem_shared>> -> memref<64x128xf32, #tpu.memory_space<vmem_shared>>
        %dma_wait3A_62 = arith.constant 0 : i32
        %dma_wait3A_63 = arith.constant 0 : i32
        %dma_wait3A_64 = tpu.memref_slice %arg10[%dma_wait3A_62, %dma_wait3A_63] : memref<80x128xf32, #tpu.memory_space<vmem>> -> memref<64x128xf32, #tpu.memory_space<vmem>>
        tpu.wait_dma2 semaphore(%run_scoped3A : memref<!tpu.dma_semaphore, #tpu.memory_space<semaphore_mem>>) src(%dma_wait3A_64 : memref<64x128xf32, #tpu.memory_space<vmem>>) dst(%dma_wait3A_61 : memref<64x128xf32, #tpu.memory_space<vmem_shared>>)
        tpu.yield
      }) : () -> ()
    }
    %scan3A_5 = arith.constant 10 : i32
    %barrier3A = arith.constant 0 : index
    tpu.barrier barrier_id(%barrier3A)
    %mul3A_6 = arith.constant 4800 : i32
    %mul3A_7 = arith.muli %arg1, %mul3A_6 : i32
    %mul3A_8 = arith.constant 16 : i32
    %mul3A_9 = arith.muli %arg0, %mul3A_8 : i32
    %add3A = arith.addi %mul3A_9, %arg1 : i32
    %mul3A_10 = arith.constant 60 : i32
    %mul3A_11 = arith.muli %add3A, %mul3A_10 : i32
    %add3A_12 = arith.constant 0 : i32
    %add3A_13 = arith.addi %mul3A_11, %add3A_12 : i32
    "tpu.region"() ({
      %run_scoped3A = tpu.sem_alloc : memref<!tpu.dma_semaphore, #tpu.memory_space<semaphore_mem>>
      %dma_start3A_42 = arith.constant 0 : i32
      %dma_start3A_43 = arith.constant 0 : i32
      %dma_start3A_44 = tpu.memref_slice %arg2[%add3A_13, %dma_start3A_42, %dma_start3A_43] : memref<1920x2x80xi32, #tpu.memory_space<hbm>> -> memref<1x2x80xi32, #tpu.memory_space<hbm>>
      %dma_start3A_45 = tpu.memref_squeeze %dma_start3A_44 : memref<1x2x80xi32, #tpu.memory_space<hbm>> -> memref<2x80xi32, #tpu.memory_space<hbm>>
      %dma_start3A_46 = arith.constant 0 : i32
      %dma_start3A_47 = arith.constant 0 : i32
      %dma_start3A_48 = tpu.memref_slice %arg2[%add3A_13, %dma_start3A_46, %dma_start3A_47] : memref<1920x2x80xi32, #tpu.memory_space<hbm>> -> memref<1x2x80xi32, #tpu.memory_space<hbm>>
      %dma_start3A_49 = tpu.memref_squeeze %dma_start3A_48 : memref<1x2x80xi32, #tpu.memory_space<hbm>> -> memref<2x80xi32, #tpu.memory_space<hbm>>
      tpu.enqueue_dma source(%dma_start3A_49 : memref<2x80xi32, #tpu.memory_space<hbm>>) target(%arg8 : memref<2x80xi32, #tpu.memory_space<vmem>>) target_semaphore(%run_scoped3A : memref<!tpu.dma_semaphore, #tpu.memory_space<semaphore_mem>>)
      %dma_wait3A = arith.constant 0 : i32
      %dma_wait3A_50 = arith.constant 0 : i32
      %dma_wait3A_51 = tpu.memref_slice %arg2[%add3A_13, %dma_wait3A, %dma_wait3A_50] : memref<1920x2x80xi32, #tpu.memory_space<hbm>> -> memref<1x2x80xi32, #tpu.memory_space<hbm>>
      %dma_wait3A_52 = tpu.memref_squeeze %dma_wait3A_51 : memref<1x2x80xi32, #tpu.memory_space<hbm>> -> memref<2x80xi32, #tpu.memory_space<hbm>>
      %dma_wait3A_53 = arith.constant 0 : i32
      %dma_wait3A_54 = arith.constant 0 : i32
      %dma_wait3A_55 = tpu.memref_slice %arg2[%add3A_13, %dma_wait3A_53, %dma_wait3A_54] : memref<1920x2x80xi32, #tpu.memory_space<hbm>> -> memref<1x2x80xi32, #tpu.memory_space<hbm>>
      %dma_wait3A_56 = tpu.memref_squeeze %dma_wait3A_55 : memref<1x2x80xi32, #tpu.memory_space<hbm>> -> memref<2x80xi32, #tpu.memory_space<hbm>>
      tpu.wait_dma2 semaphore(%run_scoped3A : memref<!tpu.dma_semaphore, #tpu.memory_space<semaphore_mem>>) src(%dma_wait3A_56 : memref<2x80xi32, #tpu.memory_space<hbm>>) dst(%arg8 : memref<2x80xi32, #tpu.memory_space<vmem>>)
      tpu.yield
    }) : () -> ()
    %add3A_14 = arith.constant 0 : i32
    %add3A_15 = arith.addi %mul3A_7, %add3A_14 : i32
    %dma_start3A = arith.constant 0 : i32
    %dma_start3A_16 = arith.constant 0 : i32
    %dma_start3A_17 = tpu.memref_slice %arg8[%dma_start3A, %dma_start3A_16] : memref<2x80xi32, #tpu.memory_space<vmem>> -> memref<1x80xi32, #tpu.memory_space<vmem>>
    %dma_start3A_18 = tpu.memref_squeeze %dma_start3A_17 : memref<1x80xi32, #tpu.memory_space<vmem>> -> memref<80xi32, #tpu.memory_space<vmem>>
    %dma_start3A_19 = arith.constant 0 : i32
    %dma_start3A_20 = arith.constant 0 : i32
    %dma_start3A_21 = tpu.memref_slice %arg3[%dma_start3A_19, %dma_start3A_20] : memref<20000x128xf32, #tpu.memory_space<hbm>> -> memref<20000x128xf32, #tpu.memory_space<hbm>>
    tpu.enqueue_indirect_dma source(%dma_start3A_21 : memref<20000x128xf32, #tpu.memory_space<hbm>>) target(%arg10 : memref<80x128xf32, #tpu.memory_space<vmem>>) offsets(%dma_start3A_18 : memref<80xi32, #tpu.memory_space<vmem>>) semaphore(%arg14 : memref<!tpu.dma_semaphore, #tpu.memory_space<semaphore_mem>>)
    %mul3A_22 = arith.constant 76800 : i32
    %mul3A_23 = arith.muli %arg0, %mul3A_22 : i32
    %add3A_24 = arith.addi %mul3A_23, %add3A_15 : i32
    %dma_start3A_25 = arith.constant 0 : i32
    %dma_start3A_26 = tpu.memref_slice %arg4[%add3A_24, %dma_start3A_25] : memref<153600x128xf32, #tpu.memory_space<hbm>> -> memref<80x128xf32, #tpu.memory_space<hbm>>
    %dma_start3A_27 = arith.constant 0 : i32
    %dma_start3A_28 = tpu.memref_slice %arg4[%add3A_24, %dma_start3A_27] : memref<153600x128xf32, #tpu.memory_space<hbm>> -> memref<80x128xf32, #tpu.memory_space<hbm>>
    tpu.enqueue_dma source(%dma_start3A_28 : memref<80x128xf32, #tpu.memory_space<hbm>>) target(%arg11 : memref<80x128xf32, #tpu.memory_space<vmem>>) target_semaphore(%arg15 : memref<!tpu.dma_semaphore, #tpu.memory_space<semaphore_mem>>)
    %scan3A_29 = arith.constant 0 : i32
    %scan3A_30 = arith.constant 0 : i32
    %scan3A_31 = arith.constant 30 : i32
    %scan3A_32 = arith.addi %scan3A_30, %scan3A_31 : i32
    %scan3A_33 = arith.constant 1 : i32
    scf.for %scan3A_42 = %scan3A_30 to %scan3A_32 step %scan3A_33  : i32 {
      %mul3A_43 = arith.constant 2 : i32
      %mul3A_44 = arith.muli %mul3A_43, %scan3A_42 : i32
      %mul3A_45 = arith.constant 2 : i32
      %mul3A_46 = arith.muli %mul3A_45, %scan3A_42 : i32
      %add3A_47 = arith.constant 1 : i32
      %add3A_48 = arith.addi %mul3A_46, %add3A_47 : i32
      %add3A_49 = arith.addi %mul3A_11, %add3A_48 : i32
      "tpu.region"() ({
        %run_scoped3A = tpu.sem_alloc : memref<!tpu.dma_semaphore, #tpu.memory_space<semaphore_mem>>
        %dma_start3A_158 = arith.constant 0 : i32
        %dma_start3A_159 = arith.constant 0 : i32
        %dma_start3A_160 = tpu.memref_slice %arg2[%add3A_49, %dma_start3A_158, %dma_start3A_159] : memref<1920x2x80xi32, #tpu.memory_space<hbm>> -> memref<1x2x80xi32, #tpu.memory_space<hbm>>
        %dma_start3A_161 = tpu.memref_squeeze %dma_start3A_160 : memref<1x2x80xi32, #tpu.memory_space<hbm>> -> memref<2x80xi32, #tpu.memory_space<hbm>>
        %dma_start3A_162 = arith.constant 0 : i32
        %dma_start3A_163 = arith.constant 0 : i32
        %dma_start3A_164 = tpu.memref_slice %arg2[%add3A_49, %dma_start3A_162, %dma_start3A_163] : memref<1920x2x80xi32, #tpu.memory_space<hbm>> -> memref<1x2x80xi32, #tpu.memory_space<hbm>>
        %dma_start3A_165 = tpu.memref_squeeze %dma_start3A_164 : memref<1x2x80xi32, #tpu.memory_space<hbm>> -> memref<2x80xi32, #tpu.memory_space<hbm>>
        tpu.enqueue_dma source(%dma_start3A_165 : memref<2x80xi32, #tpu.memory_space<hbm>>) target(%arg9 : memref<2x80xi32, #tpu.memory_space<vmem>>) target_semaphore(%run_scoped3A : memref<!tpu.dma_semaphore, #tpu.memory_space<semaphore_mem>>)
        %dma_wait3A_166 = arith.constant 0 : i32
        %dma_wait3A_167 = arith.constant 0 : i32
        %dma_wait3A_168 = tpu.memref_slice %arg2[%add3A_49, %dma_wait3A_166, %dma_wait3A_167] : memref<1920x2x80xi32, #tpu.memory_space<hbm>> -> memref<1x2x80xi32, #tpu.memory_space<hbm>>
        %dma_wait3A_169 = tpu.memref_squeeze %dma_wait3A_168 : memref<1x2x80xi32, #tpu.memory_space<hbm>> -> memref<2x80xi32, #tpu.memory_space<hbm>>
        %dma_wait3A_170 = arith.constant 0 : i32
        %dma_wait3A_171 = arith.constant 0 : i32
        %dma_wait3A_172 = tpu.memref_slice %arg2[%add3A_49, %dma_wait3A_170, %dma_wait3A_171] : memref<1920x2x80xi32, #tpu.memory_space<hbm>> -> memref<1x2x80xi32, #tpu.memory_space<hbm>>
        %dma_wait3A_173 = tpu.memref_squeeze %dma_wait3A_172 : memref<1x2x80xi32, #tpu.memory_space<hbm>> -> memref<2x80xi32, #tpu.memory_space<hbm>>
        tpu.wait_dma2 semaphore(%run_scoped3A : memref<!tpu.dma_semaphore, #tpu.memory_space<semaphore_mem>>) src(%dma_wait3A_173 : memref<2x80xi32, #tpu.memory_space<hbm>>) dst(%arg9 : memref<2x80xi32, #tpu.memory_space<vmem>>)
        tpu.yield
      }) : () -> ()
      %mul3A_50 = arith.constant 80 : i32
      %mul3A_51 = arith.muli %add3A_48, %mul3A_50 : i32
      %add3A_52 = arith.addi %mul3A_7, %mul3A_51 : i32
      %dma_start3A_53 = arith.constant 0 : i32
      %dma_start3A_54 = arith.constant 0 : i32
      %dma_start3A_55 = tpu.memref_slice %arg9[%dma_start3A_53, %dma_start3A_54] : memref<2x80xi32, #tpu.memory_space<vmem>> -> memref<1x80xi32, #tpu.memory_space<vmem>>
      %dma_start3A_56 = tpu.memref_squeeze %dma_start3A_55 : memref<1x80xi32, #tpu.memory_space<vmem>> -> memref<80xi32, #tpu.memory_space<vmem>>
      %dma_start3A_57 = arith.constant 0 : i32
      %dma_start3A_58 = arith.constant 0 : i32
      %dma_start3A_59 = tpu.memref_slice %arg3[%dma_start3A_57, %dma_start3A_58] : memref<20000x128xf32, #tpu.memory_space<hbm>> -> memref<20000x128xf32, #tpu.memory_space<hbm>>
      tpu.enqueue_indirect_dma source(%dma_start3A_59 : memref<20000x128xf32, #tpu.memory_space<hbm>>) target(%arg12 : memref<80x128xf32, #tpu.memory_space<vmem>>) offsets(%dma_start3A_56 : memref<80xi32, #tpu.memory_space<vmem>>) semaphore(%arg16 : memref<!tpu.dma_semaphore, #tpu.memory_space<semaphore_mem>>)
      %mul3A_60 = arith.constant 76800 : i32
      %mul3A_61 = arith.muli %arg0, %mul3A_60 : i32
      %add3A_62 = arith.addi %mul3A_61, %add3A_52 : i32
      %dma_start3A_63 = arith.constant 0 : i32
      %dma_start3A_64 = tpu.memref_slice %arg4[%add3A_62, %dma_start3A_63] : memref<153600x128xf32, #tpu.memory_space<hbm>> -> memref<80x128xf32, #tpu.memory_space<hbm>>
      %dma_start3A_65 = arith.constant 0 : i32
      %dma_start3A_66 = tpu.memref_slice %arg4[%add3A_62, %dma_start3A_65] : memref<153600x128xf32, #tpu.memory_space<hbm>> -> memref<80x128xf32, #tpu.memory_space<hbm>>
      tpu.enqueue_dma source(%dma_start3A_66 : memref<80x128xf32, #tpu.memory_space<hbm>>) target(%arg13 : memref<80x128xf32, #tpu.memory_space<vmem>>) target_semaphore(%arg17 : memref<!tpu.dma_semaphore, #tpu.memory_space<semaphore_mem>>)
      %mul3A_67 = arith.constant 80 : i32
      %mul3A_68 = arith.muli %mul3A_44, %mul3A_67 : i32
      %add3A_69 = arith.addi %mul3A_7, %mul3A_68 : i32
      %dma_wait3A = arith.constant 0 : i32
      %dma_wait3A_70 = arith.constant 0 : i32
      %dma_wait3A_71 = tpu.memref_slice %arg8[%dma_wait3A, %dma_wait3A_70] : memref<2x80xi32, #tpu.memory_space<vmem>> -> memref<1x80xi32, #tpu.memory_space<vmem>>
      %dma_wait3A_72 = tpu.memref_squeeze %dma_wait3A_71 : memref<1x80xi32, #tpu.memory_space<vmem>> -> memref<80xi32, #tpu.memory_space<vmem>>
      %dma_wait3A_73 = arith.constant 0 : i32
      %dma_wait3A_74 = arith.constant 0 : i32
      %dma_wait3A_75 = tpu.memref_slice %arg3[%dma_wait3A_73, %dma_wait3A_74] : memref<20000x128xf32, #tpu.memory_space<hbm>> -> memref<20000x128xf32, #tpu.memory_space<hbm>>
      tpu.wait_indirect_dma semaphore(%arg14 : memref<!tpu.dma_semaphore, #tpu.memory_space<semaphore_mem>>) src(%dma_wait3A_75 : memref<20000x128xf32, #tpu.memory_space<hbm>>) dst(%arg10 : memref<80x128xf32, #tpu.memory_space<vmem>>)
      %mul3A_76 = arith.constant 76800 : i32
      %mul3A_77 = arith.muli %arg0, %mul3A_76 : i32
      %add3A_78 = arith.addi %mul3A_77, %add3A_69 : i32
      %dma_wait3A_79 = arith.constant 0 : i32
      %dma_wait3A_80 = tpu.memref_slice %arg4[%add3A_78, %dma_wait3A_79] : memref<153600x128xf32, #tpu.memory_space<hbm>> -> memref<80x128xf32, #tpu.memory_space<hbm>>
      %dma_wait3A_81 = arith.constant 0 : i32
      %dma_wait3A_82 = tpu.memref_slice %arg4[%add3A_78, %dma_wait3A_81] : memref<153600x128xf32, #tpu.memory_space<hbm>> -> memref<80x128xf32, #tpu.memory_space<hbm>>
      tpu.wait_dma2 semaphore(%arg15 : memref<!tpu.dma_semaphore, #tpu.memory_space<semaphore_mem>>) src(%dma_wait3A_82 : memref<80x128xf32, #tpu.memory_space<hbm>>) dst(%arg11 : memref<80x128xf32, #tpu.memory_space<vmem>>)
      %dma_start3A_83 = arith.constant 1 : i32
      %dma_start3A_84 = arith.constant 0 : i32
      %dma_start3A_85 = tpu.memref_slice %arg8[%dma_start3A_83, %dma_start3A_84] : memref<2x80xi32, #tpu.memory_space<vmem>> -> memref<1x80xi32, #tpu.memory_space<vmem>>
      %dma_start3A_86 = tpu.memref_squeeze %dma_start3A_85 : memref<1x80xi32, #tpu.memory_space<vmem>> -> memref<80xi32, #tpu.memory_space<vmem>>
      %dma_start3A_87 = arith.constant 0 : i32
      %dma_start3A_88 = arith.constant 0 : i32
      %dma_start3A_89 = tpu.memref_slice %arg7[%dma_start3A_87, %dma_start3A_88] : memref<10240x128xf32, #tpu.memory_space<vmem_shared>> -> memref<10240x128xf32, #tpu.memory_space<vmem_shared>>
      tpu.enqueue_indirect_dma source(%arg10 : memref<80x128xf32, #tpu.memory_space<vmem>>) target(%dma_start3A_89 : memref<10240x128xf32, #tpu.memory_space<vmem_shared>>) offsets(%dma_start3A_86 : memref<80xi32, #tpu.memory_space<vmem>>) semaphore(%arg18 : memref<!tpu.dma_semaphore, #tpu.memory_space<semaphore_mem>>) {add = true}
      %dma_start3A_90 = arith.constant 1 : i32
      %dma_start3A_91 = arith.constant 0 : i32
      %dma_start3A_92 = tpu.memref_slice %arg8[%dma_start3A_90, %dma_start3A_91] : memref<2x80xi32, #tpu.memory_space<vmem>> -> memref<1x80xi32, #tpu.memory_space<vmem>>
      %dma_start3A_93 = tpu.memref_squeeze %dma_start3A_92 : memref<1x80xi32, #tpu.memory_space<vmem>> -> memref<80xi32, #tpu.memory_space<vmem>>
      %dma_start3A_94 = arith.constant 0 : i32
      %dma_start3A_95 = arith.constant 0 : i32
      %dma_start3A_96 = tpu.memref_slice %arg7[%dma_start3A_94, %dma_start3A_95] : memref<10240x128xf32, #tpu.memory_space<vmem_shared>> -> memref<10240x128xf32, #tpu.memory_space<vmem_shared>>
      tpu.enqueue_indirect_dma source(%arg11 : memref<80x128xf32, #tpu.memory_space<vmem>>) target(%dma_start3A_96 : memref<10240x128xf32, #tpu.memory_space<vmem_shared>>) offsets(%dma_start3A_93 : memref<80xi32, #tpu.memory_space<vmem>>) semaphore(%arg19 : memref<!tpu.dma_semaphore, #tpu.memory_space<semaphore_mem>>) {add = true}
      %dma_wait3A_97 = arith.constant 1 : i32
      %dma_wait3A_98 = arith.constant 0 : i32
      %dma_wait3A_99 = tpu.memref_slice %arg8[%dma_wait3A_97, %dma_wait3A_98] : memref<2x80xi32, #tpu.memory_space<vmem>> -> memref<1x80xi32, #tpu.memory_space<vmem>>
      %dma_wait3A_100 = tpu.memref_squeeze %dma_wait3A_99 : memref<1x80xi32, #tpu.memory_space<vmem>> -> memref<80xi32, #tpu.memory_space<vmem>>
      %dma_wait3A_101 = arith.constant 0 : i32
      %dma_wait3A_102 = arith.constant 0 : i32
      %dma_wait3A_103 = tpu.memref_slice %arg7[%dma_wait3A_101, %dma_wait3A_102] : memref<10240x128xf32, #tpu.memory_space<vmem_shared>> -> memref<10240x128xf32, #tpu.memory_space<vmem_shared>>
      tpu.wait_indirect_dma semaphore(%arg18 : memref<!tpu.dma_semaphore, #tpu.memory_space<semaphore_mem>>) src(%arg10 : memref<80x128xf32, #tpu.memory_space<vmem>>) dst(%dma_wait3A_103 : memref<10240x128xf32, #tpu.memory_space<vmem_shared>>)
      %dma_wait3A_104 = arith.constant 1 : i32
      %dma_wait3A_105 = arith.constant 0 : i32
      %dma_wait3A_106 = tpu.memref_slice %arg8[%dma_wait3A_104, %dma_wait3A_105] : memref<2x80xi32, #tpu.memory_space<vmem>> -> memref<1x80xi32, #tpu.memory_space<vmem>>
      %dma_wait3A_107 = tpu.memref_squeeze %dma_wait3A_106 : memref<1x80xi32, #tpu.memory_space<vmem>> -> memref<80xi32, #tpu.memory_space<vmem>>
      %dma_wait3A_108 = arith.constant 0 : i32
      %dma_wait3A_109 = arith.constant 0 : i32
      %dma_wait3A_110 = tpu.memref_slice %arg7[%dma_wait3A_108, %dma_wait3A_109] : memref<10240x128xf32, #tpu.memory_space<vmem_shared>> -> memref<10240x128xf32, #tpu.memory_space<vmem_shared>>
      tpu.wait_indirect_dma semaphore(%arg19 : memref<!tpu.dma_semaphore, #tpu.memory_space<semaphore_mem>>) src(%arg11 : memref<80x128xf32, #tpu.memory_space<vmem>>) dst(%dma_wait3A_110 : memref<10240x128xf32, #tpu.memory_space<vmem_shared>>)
      %lt3A = arith.constant 29 : i32
      %lt3A_111 = arith.cmpi slt, %scan3A_42, %lt3A : i32
      %convert_element_type3A = arith.extui %lt3A_111 : i1 to i32
      %cond3A = arith.constant 0 : i32
      %cond3A_112 = arith.cmpi ne, %convert_element_type3A, %cond3A : i32
      scf.if %cond3A_112 {
        %add3A_158 = arith.constant 2 : i32
        %add3A_159 = arith.addi %mul3A_44, %add3A_158 : i32
        %add3A_160 = arith.addi %mul3A_11, %add3A_159 : i32
        "tpu.region"() ({
          %run_scoped3A = tpu.sem_alloc : memref<!tpu.dma_semaphore, #tpu.memory_space<semaphore_mem>>
          %dma_start3A_180 = arith.constant 0 : i32
          %dma_start3A_181 = arith.constant 0 : i32
          %dma_start3A_182 = tpu.memref_slice %arg2[%add3A_160, %dma_start3A_180, %dma_start3A_181] : memref<1920x2x80xi32, #tpu.memory_space<hbm>> -> memref<1x2x80xi32, #tpu.memory_space<hbm>>
          %dma_start3A_183 = tpu.memref_squeeze %dma_start3A_182 : memref<1x2x80xi32, #tpu.memory_space<hbm>> -> memref<2x80xi32, #tpu.memory_space<hbm>>
          %dma_start3A_184 = arith.constant 0 : i32
          %dma_start3A_185 = arith.constant 0 : i32
          %dma_start3A_186 = tpu.memref_slice %arg2[%add3A_160, %dma_start3A_184, %dma_start3A_185] : memref<1920x2x80xi32, #tpu.memory_space<hbm>> -> memref<1x2x80xi32, #tpu.memory_space<hbm>>
          %dma_start3A_187 = tpu.memref_squeeze %dma_start3A_186 : memref<1x2x80xi32, #tpu.memory_space<hbm>> -> memref<2x80xi32, #tpu.memory_space<hbm>>
          tpu.enqueue_dma source(%dma_start3A_187 : memref<2x80xi32, #tpu.memory_space<hbm>>) target(%arg8 : memref<2x80xi32, #tpu.memory_space<vmem>>) target_semaphore(%run_scoped3A : memref<!tpu.dma_semaphore, #tpu.memory_space<semaphore_mem>>)
          %dma_wait3A_188 = arith.constant 0 : i32
          %dma_wait3A_189 = arith.constant 0 : i32
          %dma_wait3A_190 = tpu.memref_slice %arg2[%add3A_160, %dma_wait3A_188, %dma_wait3A_189] : memref<1920x2x80xi32, #tpu.memory_space<hbm>> -> memref<1x2x80xi32, #tpu.memory_space<hbm>>
          %dma_wait3A_191 = tpu.memref_squeeze %dma_wait3A_190 : memref<1x2x80xi32, #tpu.memory_space<hbm>> -> memref<2x80xi32, #tpu.memory_space<hbm>>
          %dma_wait3A_192 = arith.constant 0 : i32
          %dma_wait3A_193 = arith.constant 0 : i32
          %dma_wait3A_194 = tpu.memref_slice %arg2[%add3A_160, %dma_wait3A_192, %dma_wait3A_193] : memref<1920x2x80xi32, #tpu.memory_space<hbm>> -> memref<1x2x80xi32, #tpu.memory_space<hbm>>
          %dma_wait3A_195 = tpu.memref_squeeze %dma_wait3A_194 : memref<1x2x80xi32, #tpu.memory_space<hbm>> -> memref<2x80xi32, #tpu.memory_space<hbm>>
          tpu.wait_dma2 semaphore(%run_scoped3A : memref<!tpu.dma_semaphore, #tpu.memory_space<semaphore_mem>>) src(%dma_wait3A_195 : memref<2x80xi32, #tpu.memory_space<hbm>>) dst(%arg8 : memref<2x80xi32, #tpu.memory_space<vmem>>)
          tpu.yield
        }) : () -> ()
        %add3A_161 = arith.constant 2 : i32
        %add3A_162 = arith.addi %mul3A_44, %add3A_161 : i32
        %mul3A_163 = arith.constant 80 : i32
        %mul3A_164 = arith.muli %add3A_162, %mul3A_163 : i32
        %add3A_165 = arith.addi %mul3A_7, %mul3A_164 : i32
        %dma_start3A_166 = arith.constant 0 : i32
        %dma_start3A_167 = arith.constant 0 : i32
        %dma_start3A_168 = tpu.memref_slice %arg8[%dma_start3A_166, %dma_start3A_167] : memref<2x80xi32, #tpu.memory_space<vmem>> -> memref<1x80xi32, #tpu.memory_space<vmem>>
        %dma_start3A_169 = tpu.memref_squeeze %dma_start3A_168 : memref<1x80xi32, #tpu.memory_space<vmem>> -> memref<80xi32, #tpu.memory_space<vmem>>
        %dma_start3A_170 = arith.constant 0 : i32
        %dma_start3A_171 = arith.constant 0 : i32
        %dma_start3A_172 = tpu.memref_slice %arg3[%dma_start3A_170, %dma_start3A_171] : memref<20000x128xf32, #tpu.memory_space<hbm>> -> memref<20000x128xf32, #tpu.memory_space<hbm>>
        tpu.enqueue_indirect_dma source(%dma_start3A_172 : memref<20000x128xf32, #tpu.memory_space<hbm>>) target(%arg10 : memref<80x128xf32, #tpu.memory_space<vmem>>) offsets(%dma_start3A_169 : memref<80xi32, #tpu.memory_space<vmem>>) semaphore(%arg14 : memref<!tpu.dma_semaphore, #tpu.memory_space<semaphore_mem>>)
        %mul3A_173 = arith.constant 76800 : i32
        %mul3A_174 = arith.muli %arg0, %mul3A_173 : i32
        %add3A_175 = arith.addi %mul3A_174, %add3A_165 : i32
        %dma_start3A_176 = arith.constant 0 : i32
        %dma_start3A_177 = tpu.memref_slice %arg4[%add3A_175, %dma_start3A_176] : memref<153600x128xf32, #tpu.memory_space<hbm>> -> memref<80x128xf32, #tpu.memory_space<hbm>>
        %dma_start3A_178 = arith.constant 0 : i32
        %dma_start3A_179 = tpu.memref_slice %arg4[%add3A_175, %dma_start3A_178] : memref<153600x128xf32, #tpu.memory_space<hbm>> -> memref<80x128xf32, #tpu.memory_space<hbm>>
        tpu.enqueue_dma source(%dma_start3A_179 : memref<80x128xf32, #tpu.memory_space<hbm>>) target(%arg11 : memref<80x128xf32, #tpu.memory_space<vmem>>) target_semaphore(%arg15 : memref<!tpu.dma_semaphore, #tpu.memory_space<semaphore_mem>>)
      } else {
      }
      %mul3A_113 = arith.constant 80 : i32
      %mul3A_114 = arith.muli %add3A_48, %mul3A_113 : i32
      %add3A_115 = arith.addi %mul3A_7, %mul3A_114 : i32
      %dma_wait3A_116 = arith.constant 0 : i32
      %dma_wait3A_117 = arith.constant 0 : i32
      %dma_wait3A_118 = tpu.memref_slice %arg9[%dma_wait3A_116, %dma_wait3A_117] : memref<2x80xi32, #tpu.memory_space<vmem>> -> memref<1x80xi32, #tpu.memory_space<vmem>>
      %dma_wait3A_119 = tpu.memref_squeeze %dma_wait3A_118 : memref<1x80xi32, #tpu.memory_space<vmem>> -> memref<80xi32, #tpu.memory_space<vmem>>
      %dma_wait3A_120 = arith.constant 0 : i32
      %dma_wait3A_121 = arith.constant 0 : i32
      %dma_wait3A_122 = tpu.memref_slice %arg3[%dma_wait3A_120, %dma_wait3A_121] : memref<20000x128xf32, #tpu.memory_space<hbm>> -> memref<20000x128xf32, #tpu.memory_space<hbm>>
      tpu.wait_indirect_dma semaphore(%arg16 : memref<!tpu.dma_semaphore, #tpu.memory_space<semaphore_mem>>) src(%dma_wait3A_122 : memref<20000x128xf32, #tpu.memory_space<hbm>>) dst(%arg12 : memref<80x128xf32, #tpu.memory_space<vmem>>)
      %mul3A_123 = arith.constant 76800 : i32
      %mul3A_124 = arith.muli %arg0, %mul3A_123 : i32
      %add3A_125 = arith.addi %mul3A_124, %add3A_115 : i32
      %dma_wait3A_126 = arith.constant 0 : i32
      %dma_wait3A_127 = tpu.memref_slice %arg4[%add3A_125, %dma_wait3A_126] : memref<153600x128xf32, #tpu.memory_space<hbm>> -> memref<80x128xf32, #tpu.memory_space<hbm>>
      %dma_wait3A_128 = arith.constant 0 : i32
      %dma_wait3A_129 = tpu.memref_slice %arg4[%add3A_125, %dma_wait3A_128] : memref<153600x128xf32, #tpu.memory_space<hbm>> -> memref<80x128xf32, #tpu.memory_space<hbm>>
      tpu.wait_dma2 semaphore(%arg17 : memref<!tpu.dma_semaphore, #tpu.memory_space<semaphore_mem>>) src(%dma_wait3A_129 : memref<80x128xf32, #tpu.memory_space<hbm>>) dst(%arg13 : memref<80x128xf32, #tpu.memory_space<vmem>>)
      %dma_start3A_130 = arith.constant 1 : i32
      %dma_start3A_131 = arith.constant 0 : i32
      %dma_start3A_132 = tpu.memref_slice %arg9[%dma_start3A_130, %dma_start3A_131] : memref<2x80xi32, #tpu.memory_space<vmem>> -> memref<1x80xi32, #tpu.memory_space<vmem>>
      %dma_start3A_133 = tpu.memref_squeeze %dma_start3A_132 : memref<1x80xi32, #tpu.memory_space<vmem>> -> memref<80xi32, #tpu.memory_space<vmem>>
      %dma_start3A_134 = arith.constant 0 : i32
      %dma_start3A_135 = arith.constant 0 : i32
      %dma_start3A_136 = tpu.memref_slice %arg7[%dma_start3A_134, %dma_start3A_135] : memref<10240x128xf32, #tpu.memory_space<vmem_shared>> -> memref<10240x128xf32, #tpu.memory_space<vmem_shared>>
      tpu.enqueue_indirect_dma source(%arg12 : memref<80x128xf32, #tpu.memory_space<vmem>>) target(%dma_start3A_136 : memref<10240x128xf32, #tpu.memory_space<vmem_shared>>) offsets(%dma_start3A_133 : memref<80xi32, #tpu.memory_space<vmem>>) semaphore(%arg18 : memref<!tpu.dma_semaphore, #tpu.memory_space<semaphore_mem>>) {add = true}
      %dma_start3A_137 = arith.constant 1 : i32
      %dma_start3A_138 = arith.constant 0 : i32
      %dma_start3A_139 = tpu.memref_slice %arg9[%dma_start3A_137, %dma_start3A_138] : memref<2x80xi32, #tpu.memory_space<vmem>> -> memref<1x80xi32, #tpu.memory_space<vmem>>
      %dma_start3A_140 = tpu.memref_squeeze %dma_start3A_139 : memref<1x80xi32, #tpu.memory_space<vmem>> -> memref<80xi32, #tpu.memory_space<vmem>>
      %dma_start3A_141 = arith.constant 0 : i32
      %dma_start3A_142 = arith.constant 0 : i32
      %dma_start3A_143 = tpu.memref_slice %arg7[%dma_start3A_141, %dma_start3A_142] : memref<10240x128xf32, #tpu.memory_space<vmem_shared>> -> memref<10240x128xf32, #tpu.memory_space<vmem_shared>>
      tpu.enqueue_indirect_dma source(%arg13 : memref<80x128xf32, #tpu.memory_space<vmem>>) target(%dma_start3A_143 : memref<10240x128xf32, #tpu.memory_space<vmem_shared>>) offsets(%dma_start3A_140 : memref<80xi32, #tpu.memory_space<vmem>>) semaphore(%arg19 : memref<!tpu.dma_semaphore, #tpu.memory_space<semaphore_mem>>) {add = true}
      %dma_wait3A_144 = arith.constant 1 : i32
      %dma_wait3A_145 = arith.constant 0 : i32
      %dma_wait3A_146 = tpu.memref_slice %arg9[%dma_wait3A_144, %dma_wait3A_145] : memref<2x80xi32, #tpu.memory_space<vmem>> -> memref<1x80xi32, #tpu.memory_space<vmem>>
      %dma_wait3A_147 = tpu.memref_squeeze %dma_wait3A_146 : memref<1x80xi32, #tpu.memory_space<vmem>> -> memref<80xi32, #tpu.memory_space<vmem>>
      %dma_wait3A_148 = arith.constant 0 : i32
      %dma_wait3A_149 = arith.constant 0 : i32
      %dma_wait3A_150 = tpu.memref_slice %arg7[%dma_wait3A_148, %dma_wait3A_149] : memref<10240x128xf32, #tpu.memory_space<vmem_shared>> -> memref<10240x128xf32, #tpu.memory_space<vmem_shared>>
      tpu.wait_indirect_dma semaphore(%arg18 : memref<!tpu.dma_semaphore, #tpu.memory_space<semaphore_mem>>) src(%arg12 : memref<80x128xf32, #tpu.memory_space<vmem>>) dst(%dma_wait3A_150 : memref<10240x128xf32, #tpu.memory_space<vmem_shared>>)
      %dma_wait3A_151 = arith.constant 1 : i32
      %dma_wait3A_152 = arith.constant 0 : i32
      %dma_wait3A_153 = tpu.memref_slice %arg9[%dma_wait3A_151, %dma_wait3A_152] : memref<2x80xi32, #tpu.memory_space<vmem>> -> memref<1x80xi32, #tpu.memory_space<vmem>>
      %dma_wait3A_154 = tpu.memref_squeeze %dma_wait3A_153 : memref<1x80xi32, #tpu.memory_space<vmem>> -> memref<80xi32, #tpu.memory_space<vmem>>
      %dma_wait3A_155 = arith.constant 0 : i32
      %dma_wait3A_156 = arith.constant 0 : i32
      %dma_wait3A_157 = tpu.memref_slice %arg7[%dma_wait3A_155, %dma_wait3A_156] : memref<10240x128xf32, #tpu.memory_space<vmem_shared>> -> memref<10240x128xf32, #tpu.memory_space<vmem_shared>>
      tpu.wait_indirect_dma semaphore(%arg19 : memref<!tpu.dma_semaphore, #tpu.memory_space<semaphore_mem>>) src(%arg13 : memref<80x128xf32, #tpu.memory_space<vmem>>) dst(%dma_wait3A_157 : memref<10240x128xf32, #tpu.memory_space<vmem_shared>>)
    }
    %scan3A_34 = arith.constant 30 : i32
    %barrier3A_35 = arith.constant 0 : index
    tpu.barrier barrier_id(%barrier3A_35)
    %scan3A_36 = arith.constant 0 : i32
    %scan3A_37 = arith.constant 0 : i32
    %scan3A_38 = arith.constant 10 : i32
    %scan3A_39 = arith.addi %scan3A_37, %scan3A_38 : i32
    %scan3A_40 = arith.constant 1 : i32
    scf.for %scan3A_42 = %scan3A_37 to %scan3A_39 step %scan3A_40  : i32 {
      %mul3A_43 = arith.constant 64 : i32
      %mul3A_44 = arith.muli %scan3A_42, %mul3A_43 : i32
      %add3A_45 = arith.addi %mul3A_0, %mul3A_44 : i32
      "tpu.region"() ({
        %run_scoped3A = tpu.sem_alloc : memref<!tpu.dma_semaphore, #tpu.memory_space<semaphore_mem>>
        %dma_start3A_49 = arith.constant 0 : i32
        %dma_start3A_50 = arith.constant 0 : i32
        %dma_start3A_51 = tpu.memref_slice %arg10[%dma_start3A_49, %dma_start3A_50] : memref<80x128xf32, #tpu.memory_space<vmem>> -> memref<64x128xf32, #tpu.memory_space<vmem>>
        %dma_start3A_52 = arith.constant 0 : i32
        %dma_start3A_53 = tpu.memref_slice %arg7[%add3A_45, %dma_start3A_52] : memref<10240x128xf32, #tpu.memory_space<vmem_shared>> -> memref<64x128xf32, #tpu.memory_space<vmem_shared>>
        %dma_start3A_54 = arith.constant 0 : i32
        %dma_start3A_55 = arith.constant 0 : i32
        %dma_start3A_56 = tpu.memref_slice %arg10[%dma_start3A_54, %dma_start3A_55] : memref<80x128xf32, #tpu.memory_space<vmem>> -> memref<64x128xf32, #tpu.memory_space<vmem>>
        %dma_start3A_57 = arith.constant 0 : i32
        %dma_start3A_58 = tpu.memref_slice %arg7[%add3A_45, %dma_start3A_57] : memref<10240x128xf32, #tpu.memory_space<vmem_shared>> -> memref<64x128xf32, #tpu.memory_space<vmem_shared>>
        tpu.enqueue_dma source(%dma_start3A_58 : memref<64x128xf32, #tpu.memory_space<vmem_shared>>) target(%dma_start3A_56 : memref<64x128xf32, #tpu.memory_space<vmem>>) target_semaphore(%run_scoped3A : memref<!tpu.dma_semaphore, #tpu.memory_space<semaphore_mem>>)
        %dma_wait3A = arith.constant 0 : i32
        %dma_wait3A_59 = arith.constant 0 : i32
        %dma_wait3A_60 = tpu.memref_slice %arg10[%dma_wait3A, %dma_wait3A_59] : memref<80x128xf32, #tpu.memory_space<vmem>> -> memref<64x128xf32, #tpu.memory_space<vmem>>
        %dma_wait3A_61 = arith.constant 0 : i32
        %dma_wait3A_62 = tpu.memref_slice %arg7[%add3A_45, %dma_wait3A_61] : memref<10240x128xf32, #tpu.memory_space<vmem_shared>> -> memref<64x128xf32, #tpu.memory_space<vmem_shared>>
        %dma_wait3A_63 = arith.constant 0 : i32
        %dma_wait3A_64 = arith.constant 0 : i32
        %dma_wait3A_65 = tpu.memref_slice %arg10[%dma_wait3A_63, %dma_wait3A_64] : memref<80x128xf32, #tpu.memory_space<vmem>> -> memref<64x128xf32, #tpu.memory_space<vmem>>
        %dma_wait3A_66 = arith.constant 0 : i32
        %dma_wait3A_67 = tpu.memref_slice %arg7[%add3A_45, %dma_wait3A_66] : memref<10240x128xf32, #tpu.memory_space<vmem_shared>> -> memref<64x128xf32, #tpu.memory_space<vmem_shared>>
        tpu.wait_dma2 semaphore(%run_scoped3A : memref<!tpu.dma_semaphore, #tpu.memory_space<semaphore_mem>>) src(%dma_wait3A_67 : memref<64x128xf32, #tpu.memory_space<vmem_shared>>) dst(%dma_wait3A_65 : memref<64x128xf32, #tpu.memory_space<vmem>>)
        tpu.yield
      }) : () -> ()
      %mul3A_46 = arith.constant 10240 : i32
      %mul3A_47 = arith.muli %arg0, %mul3A_46 : i32
      %add3A_48 = arith.addi %mul3A_47, %add3A_45 : i32
      "tpu.region"() ({
        %run_scoped3A = tpu.sem_alloc : memref<!tpu.dma_semaphore, #tpu.memory_space<semaphore_mem>>
        %dma_start3A_49 = arith.constant 0 : i32
        %dma_start3A_50 = arith.constant 0 : i32
        %dma_start3A_51 = tpu.memref_slice %arg10[%dma_start3A_49, %dma_start3A_50] : memref<80x128xf32, #tpu.memory_space<vmem>> -> memref<64x128xf32, #tpu.memory_space<vmem>>
        %dma_start3A_52 = arith.constant 0 : i32
        %dma_start3A_53 = tpu.memref_slice %arg6[%add3A_48, %dma_start3A_52] : memref<20480x128xf32, #tpu.memory_space<hbm>> -> memref<64x128xf32, #tpu.memory_space<hbm>>
        %dma_start3A_54 = arith.constant 0 : i32
        %dma_start3A_55 = tpu.memref_slice %arg6[%add3A_48, %dma_start3A_54] : memref<20480x128xf32, #tpu.memory_space<hbm>> -> memref<64x128xf32, #tpu.memory_space<hbm>>
        %dma_start3A_56 = arith.constant 0 : i32
        %dma_start3A_57 = arith.constant 0 : i32
        %dma_start3A_58 = tpu.memref_slice %arg10[%dma_start3A_56, %dma_start3A_57] : memref<80x128xf32, #tpu.memory_space<vmem>> -> memref<64x128xf32, #tpu.memory_space<vmem>>
        tpu.enqueue_dma source(%dma_start3A_58 : memref<64x128xf32, #tpu.memory_space<vmem>>) target(%dma_start3A_55 : memref<64x128xf32, #tpu.memory_space<hbm>>) target_semaphore(%run_scoped3A : memref<!tpu.dma_semaphore, #tpu.memory_space<semaphore_mem>>)
        %dma_wait3A = arith.constant 0 : i32
        %dma_wait3A_59 = arith.constant 0 : i32
        %dma_wait3A_60 = tpu.memref_slice %arg10[%dma_wait3A, %dma_wait3A_59] : memref<80x128xf32, #tpu.memory_space<vmem>> -> memref<64x128xf32, #tpu.memory_space<vmem>>
        %dma_wait3A_61 = arith.constant 0 : i32
        %dma_wait3A_62 = tpu.memref_slice %arg6[%add3A_48, %dma_wait3A_61] : memref<20480x128xf32, #tpu.memory_space<hbm>> -> memref<64x128xf32, #tpu.memory_space<hbm>>
        %dma_wait3A_63 = arith.constant 0 : i32
        %dma_wait3A_64 = tpu.memref_slice %arg6[%add3A_48, %dma_wait3A_63] : memref<20480x128xf32, #tpu.memory_space<hbm>> -> memref<64x128xf32, #tpu.memory_space<hbm>>
        %dma_wait3A_65 = arith.constant 0 : i32
        %dma_wait3A_66 = arith.constant 0 : i32
        %dma_wait3A_67 = tpu.memref_slice %arg10[%dma_wait3A_65, %dma_wait3A_66] : memref<80x128xf32, #tpu.memory_space<vmem>> -> memref<64x128xf32, #tpu.memory_space<vmem>>
        tpu.wait_dma2 semaphore(%run_scoped3A : memref<!tpu.dma_semaphore, #tpu.memory_space<semaphore_mem>>) src(%dma_wait3A_67 : memref<64x128xf32, #tpu.memory_space<vmem>>) dst(%dma_wait3A_64 : memref<64x128xf32, #tpu.memory_space<hbm>>)
        tpu.yield
      }) : () -> ()
    }
    %scan3A_41 = arith.constant 10 : i32
    return
  }
}

#map = affine_map<(d0, d1) -> (0, 0, 0)>
#map1 = affine_map<(d0, d1) -> (0, 0)>
module attributes {stable_mosaic.version = 14 : i64} {
  func.func @body(%arg0: i32, %arg1: i32, %arg2: memref<2048x2x80xi32, #tpu.memory_space<hbm>>, %arg3: memref<20000x128xf32, #tpu.memory_space<hbm>>, %arg4: memref<163840x128xf32, #tpu.memory_space<hbm>>, %arg5: memref<64x128xf32, #tpu.memory_space<hbm>>, %arg6: memref<20480x128xf32, #tpu.memory_space<hbm>>, %arg7: memref<10240x128xf32, #tpu.memory_space<vmem_shared>>, %arg8: memref<2x80xi32, #tpu.memory_space<vmem>>, %arg9: memref<2x80xi32, #tpu.memory_space<vmem>>, %arg10: memref<80x128xf32, #tpu.memory_space<vmem>>, %arg11: memref<80x128xf32, #tpu.memory_space<vmem>>, %arg12: memref<80x128xf32, #tpu.memory_space<vmem>>, %arg13: memref<80x128xf32, #tpu.memory_space<vmem>>, %arg14: memref<!tpu.dma_semaphore, #tpu.memory_space<semaphore_mem>>, %arg15: memref<!tpu.dma_semaphore, #tpu.memory_space<semaphore_mem>>, %arg16: memref<!tpu.dma_semaphore, #tpu.memory_space<semaphore_mem>>, %arg17: memref<!tpu.dma_semaphore, #tpu.memory_space<semaphore_mem>>, %arg18: memref<!tpu.dma_semaphore, #tpu.memory_space<semaphore_mem>>, %arg19: memref<!tpu.dma_semaphore, #tpu.memory_space<semaphore_mem>>) attributes {dimension_semantics = [#tpu.dimension_semantics<core_parallel>, #tpu.dimension_semantics<subcore_parallel>], iteration_bounds = array<i64: 2, 16>, scalar_prefetch = 0 : i64, scratch_operands = 13 : i64, tpu.core_type = #tpu.core_type<sc_vector_subcore>, window_params = [{transform_indices = #map}, {transform_indices = #map1}, {transform_indices = #map1}, {transform_indices = #map1}, {transform_indices = #map1}]} {
    %mul3A = arith.constant 640 : i32
    %mul3A_0 = arith.muli %arg1, %mul3A : i32
    "tpu.region"() ({
      %run_scoped3A = tpu.sem_alloc : memref<!tpu.dma_semaphore, #tpu.memory_space<semaphore_mem>>
      %dma_start3A_42 = arith.constant 0 : i32
      %dma_start3A_43 = arith.constant 0 : i32
      %dma_start3A_44 = tpu.memref_slice %arg10[%dma_start3A_42, %dma_start3A_43] : memref<80x128xf32, #tpu.memory_space<vmem>> -> memref<64x128xf32, #tpu.memory_space<vmem>>
      %dma_start3A_45 = arith.constant 0 : i32
      %dma_start3A_46 = arith.constant 0 : i32
      %dma_start3A_47 = tpu.memref_slice %arg10[%dma_start3A_45, %dma_start3A_46] : memref<80x128xf32, #tpu.memory_space<vmem>> -> memref<64x128xf32, #tpu.memory_space<vmem>>
      tpu.enqueue_dma source(%arg5 : memref<64x128xf32, #tpu.memory_space<hbm>>) target(%dma_start3A_47 : memref<64x128xf32, #tpu.memory_space<vmem>>) target_semaphore(%run_scoped3A : memref<!tpu.dma_semaphore, #tpu.memory_space<semaphore_mem>>)
      %dma_wait3A = arith.constant 0 : i32
      %dma_wait3A_48 = arith.constant 0 : i32
      %dma_wait3A_49 = tpu.memref_slice %arg10[%dma_wait3A, %dma_wait3A_48] : memref<80x128xf32, #tpu.memory_space<vmem>> -> memref<64x128xf32, #tpu.memory_space<vmem>>
      %dma_wait3A_50 = arith.constant 0 : i32
      %dma_wait3A_51 = arith.constant 0 : i32
      %dma_wait3A_52 = tpu.memref_slice %arg10[%dma_wait3A_50, %dma_wait3A_51] : memref<80x128xf32, #tpu.memory_space<vmem>> -> memref<64x128xf32, #tpu.memory_space<vmem>>
      tpu.wait_dma2 semaphore(%run_scoped3A : memref<!tpu.dma_semaphore, #tpu.memory_space<semaphore_mem>>) src(%arg5 : memref<64x128xf32, #tpu.memory_space<hbm>>) dst(%dma_wait3A_52 : memref<64x128xf32, #tpu.memory_space<vmem>>)
      tpu.yield
    }) : () -> ()
    %scan3A = arith.constant 0 : i32
    %scan3A_1 = arith.constant 0 : i32
    %scan3A_2 = arith.constant 10 : i32
    %scan3A_3 = arith.addi %scan3A_1, %scan3A_2 : i32
    %scan3A_4 = arith.constant 1 : i32
    scf.for %scan3A_42 = %scan3A_1 to %scan3A_3 step %scan3A_4  : i32 {
      %mul3A_43 = arith.constant 64 : i32
      %mul3A_44 = arith.muli %scan3A_42, %mul3A_43 : i32
      %add3A_45 = arith.addi %mul3A_0, %mul3A_44 : i32
      "tpu.region"() ({
        %run_scoped3A = tpu.sem_alloc : memref<!tpu.dma_semaphore, #tpu.memory_space<semaphore_mem>>
        %dma_start3A_46 = arith.constant 0 : i32
        %dma_start3A_47 = arith.constant 0 : i32
        %dma_start3A_48 = tpu.memref_slice %arg10[%dma_start3A_46, %dma_start3A_47] : memref<80x128xf32, #tpu.memory_space<vmem>> -> memref<64x128xf32, #tpu.memory_space<vmem>>
        %dma_start3A_49 = arith.constant 0 : i32
        %dma_start3A_50 = tpu.memref_slice %arg7[%add3A_45, %dma_start3A_49] : memref<10240x128xf32, #tpu.memory_space<vmem_shared>> -> memref<64x128xf32, #tpu.memory_space<vmem_shared>>
        %dma_start3A_51 = arith.constant 0 : i32
        %dma_start3A_52 = tpu.memref_slice %arg7[%add3A_45, %dma_start3A_51] : memref<10240x128xf32, #tpu.memory_space<vmem_shared>> -> memref<64x128xf32, #tpu.memory_space<vmem_shared>>
        %dma_start3A_53 = arith.constant 0 : i32
        %dma_start3A_54 = arith.constant 0 : i32
        %dma_start3A_55 = tpu.memref_slice %arg10[%dma_start3A_53, %dma_start3A_54] : memref<80x128xf32, #tpu.memory_space<vmem>> -> memref<64x128xf32, #tpu.memory_space<vmem>>
        tpu.enqueue_dma source(%dma_start3A_55 : memref<64x128xf32, #tpu.memory_space<vmem>>) target(%dma_start3A_52 : memref<64x128xf32, #tpu.memory_space<vmem_shared>>) target_semaphore(%run_scoped3A : memref<!tpu.dma_semaphore, #tpu.memory_space<semaphore_mem>>)
        %dma_wait3A = arith.constant 0 : i32
        %dma_wait3A_56 = arith.constant 0 : i32
        %dma_wait3A_57 = tpu.memref_slice %arg10[%dma_wait3A, %dma_wait3A_56] : memref<80x128xf32, #tpu.memory_space<vmem>> -> memref<64x128xf32, #tpu.memory_space<vmem>>
        %dma_wait3A_58 = arith.constant 0 : i32
        %dma_wait3A_59 = tpu.memref_slice %arg7[%add3A_45, %dma_wait3A_58] : memref<10240x128xf32, #tpu.memory_space<vmem_shared>> -> memref<64x128xf32, #tpu.memory_space<vmem_shared>>
        %dma_wait3A_60 = arith.constant 0 : i32
        %dma_wait3A_61 = tpu.memref_slice %arg7[%add3A_45, %dma_wait3A_60] : memref<10240x128xf32, #tpu.memory_space<vmem_shared>> -> memref<64x128xf32, #tpu.memory_space<vmem_shared>>
        %dma_wait3A_62 = arith.constant 0 : i32
        %dma_wait3A_63 = arith.constant 0 : i32
        %dma_wait3A_64 = tpu.memref_slice %arg10[%dma_wait3A_62, %dma_wait3A_63] : memref<80x128xf32, #tpu.memory_space<vmem>> -> memref<64x128xf32, #tpu.memory_space<vmem>>
        tpu.wait_dma2 semaphore(%run_scoped3A : memref<!tpu.dma_semaphore, #tpu.memory_space<semaphore_mem>>) src(%dma_wait3A_64 : memref<64x128xf32, #tpu.memory_space<vmem>>) dst(%dma_wait3A_61 : memref<64x128xf32, #tpu.memory_space<vmem_shared>>)
        tpu.yield
      }) : () -> ()
    }
    %scan3A_5 = arith.constant 10 : i32
    %barrier3A = arith.constant 0 : index
    tpu.barrier barrier_id(%barrier3A)
    %mul3A_6 = arith.constant 5120 : i32
    %mul3A_7 = arith.muli %arg1, %mul3A_6 : i32
    %mul3A_8 = arith.constant 16 : i32
    %mul3A_9 = arith.muli %arg0, %mul3A_8 : i32
    %add3A = arith.addi %mul3A_9, %arg1 : i32
    %mul3A_10 = arith.constant 64 : i32
    %mul3A_11 = arith.muli %add3A, %mul3A_10 : i32
    %add3A_12 = arith.constant 0 : i32
    %add3A_13 = arith.addi %mul3A_11, %add3A_12 : i32
    "tpu.region"() ({
      %run_scoped3A = tpu.sem_alloc : memref<!tpu.dma_semaphore, #tpu.memory_space<semaphore_mem>>
      %dma_start3A_42 = arith.constant 0 : i32
      %dma_start3A_43 = arith.constant 0 : i32
      %dma_start3A_44 = tpu.memref_slice %arg2[%add3A_13, %dma_start3A_42, %dma_start3A_43] : memref<2048x2x80xi32, #tpu.memory_space<hbm>> -> memref<1x2x80xi32, #tpu.memory_space<hbm>>
      %dma_start3A_45 = tpu.memref_squeeze %dma_start3A_44 : memref<1x2x80xi32, #tpu.memory_space<hbm>> -> memref<2x80xi32, #tpu.memory_space<hbm>>
      %dma_start3A_46 = arith.constant 0 : i32
      %dma_start3A_47 = arith.constant 0 : i32
      %dma_start3A_48 = tpu.memref_slice %arg2[%add3A_13, %dma_start3A_46, %dma_start3A_47] : memref<2048x2x80xi32, #tpu.memory_space<hbm>> -> memref<1x2x80xi32, #tpu.memory_space<hbm>>
      %dma_start3A_49 = tpu.memref_squeeze %dma_start3A_48 : memref<1x2x80xi32, #tpu.memory_space<hbm>> -> memref<2x80xi32, #tpu.memory_space<hbm>>
      tpu.enqueue_dma source(%dma_start3A_49 : memref<2x80xi32, #tpu.memory_space<hbm>>) target(%arg8 : memref<2x80xi32, #tpu.memory_space<vmem>>) target_semaphore(%run_scoped3A : memref<!tpu.dma_semaphore, #tpu.memory_space<semaphore_mem>>)
      %dma_wait3A = arith.constant 0 : i32
      %dma_wait3A_50 = arith.constant 0 : i32
      %dma_wait3A_51 = tpu.memref_slice %arg2[%add3A_13, %dma_wait3A, %dma_wait3A_50] : memref<2048x2x80xi32, #tpu.memory_space<hbm>> -> memref<1x2x80xi32, #tpu.memory_space<hbm>>
      %dma_wait3A_52 = tpu.memref_squeeze %dma_wait3A_51 : memref<1x2x80xi32, #tpu.memory_space<hbm>> -> memref<2x80xi32, #tpu.memory_space<hbm>>
      %dma_wait3A_53 = arith.constant 0 : i32
      %dma_wait3A_54 = arith.constant 0 : i32
      %dma_wait3A_55 = tpu.memref_slice %arg2[%add3A_13, %dma_wait3A_53, %dma_wait3A_54] : memref<2048x2x80xi32, #tpu.memory_space<hbm>> -> memref<1x2x80xi32, #tpu.memory_space<hbm>>
      %dma_wait3A_56 = tpu.memref_squeeze %dma_wait3A_55 : memref<1x2x80xi32, #tpu.memory_space<hbm>> -> memref<2x80xi32, #tpu.memory_space<hbm>>
      tpu.wait_dma2 semaphore(%run_scoped3A : memref<!tpu.dma_semaphore, #tpu.memory_space<semaphore_mem>>) src(%dma_wait3A_56 : memref<2x80xi32, #tpu.memory_space<hbm>>) dst(%arg8 : memref<2x80xi32, #tpu.memory_space<vmem>>)
      tpu.yield
    }) : () -> ()
    %add3A_14 = arith.constant 0 : i32
    %add3A_15 = arith.addi %mul3A_7, %add3A_14 : i32
    %dma_start3A = arith.constant 0 : i32
    %dma_start3A_16 = arith.constant 0 : i32
    %dma_start3A_17 = tpu.memref_slice %arg8[%dma_start3A, %dma_start3A_16] : memref<2x80xi32, #tpu.memory_space<vmem>> -> memref<1x80xi32, #tpu.memory_space<vmem>>
    %dma_start3A_18 = tpu.memref_squeeze %dma_start3A_17 : memref<1x80xi32, #tpu.memory_space<vmem>> -> memref<80xi32, #tpu.memory_space<vmem>>
    %dma_start3A_19 = arith.constant 0 : i32
    %dma_start3A_20 = arith.constant 0 : i32
    %dma_start3A_21 = tpu.memref_slice %arg3[%dma_start3A_19, %dma_start3A_20] : memref<20000x128xf32, #tpu.memory_space<hbm>> -> memref<20000x128xf32, #tpu.memory_space<hbm>>
    tpu.enqueue_indirect_dma source(%dma_start3A_21 : memref<20000x128xf32, #tpu.memory_space<hbm>>) target(%arg10 : memref<80x128xf32, #tpu.memory_space<vmem>>) offsets(%dma_start3A_18 : memref<80xi32, #tpu.memory_space<vmem>>) semaphore(%arg14 : memref<!tpu.dma_semaphore, #tpu.memory_space<semaphore_mem>>)
    %mul3A_22 = arith.constant 81920 : i32
    %mul3A_23 = arith.muli %arg0, %mul3A_22 : i32
    %add3A_24 = arith.addi %mul3A_23, %add3A_15 : i32
    %dma_start3A_25 = arith.constant 0 : i32
    %dma_start3A_26 = tpu.memref_slice %arg4[%add3A_24, %dma_start3A_25] : memref<163840x128xf32, #tpu.memory_space<hbm>> -> memref<80x128xf32, #tpu.memory_space<hbm>>
    %dma_start3A_27 = arith.constant 0 : i32
    %dma_start3A_28 = tpu.memref_slice %arg4[%add3A_24, %dma_start3A_27] : memref<163840x128xf32, #tpu.memory_space<hbm>> -> memref<80x128xf32, #tpu.memory_space<hbm>>
    tpu.enqueue_dma source(%dma_start3A_28 : memref<80x128xf32, #tpu.memory_space<hbm>>) target(%arg11 : memref<80x128xf32, #tpu.memory_space<vmem>>) target_semaphore(%arg15 : memref<!tpu.dma_semaphore, #tpu.memory_space<semaphore_mem>>)
    %scan3A_29 = arith.constant 0 : i32
    %scan3A_30 = arith.constant 0 : i32
    %scan3A_31 = arith.constant 32 : i32
    %scan3A_32 = arith.addi %scan3A_30, %scan3A_31 : i32
    %scan3A_33 = arith.constant 1 : i32
    scf.for %scan3A_42 = %scan3A_30 to %scan3A_32 step %scan3A_33  : i32 {
      %mul3A_43 = arith.constant 2 : i32
      %mul3A_44 = arith.muli %mul3A_43, %scan3A_42 : i32
      %mul3A_45 = arith.constant 2 : i32
      %mul3A_46 = arith.muli %mul3A_45, %scan3A_42 : i32
      %add3A_47 = arith.constant 1 : i32
      %add3A_48 = arith.addi %mul3A_46, %add3A_47 : i32
      %add3A_49 = arith.addi %mul3A_11, %add3A_48 : i32
      "tpu.region"() ({
        %run_scoped3A = tpu.sem_alloc : memref<!tpu.dma_semaphore, #tpu.memory_space<semaphore_mem>>
        %dma_start3A_158 = arith.constant 0 : i32
        %dma_start3A_159 = arith.constant 0 : i32
        %dma_start3A_160 = tpu.memref_slice %arg2[%add3A_49, %dma_start3A_158, %dma_start3A_159] : memref<2048x2x80xi32, #tpu.memory_space<hbm>> -> memref<1x2x80xi32, #tpu.memory_space<hbm>>
        %dma_start3A_161 = tpu.memref_squeeze %dma_start3A_160 : memref<1x2x80xi32, #tpu.memory_space<hbm>> -> memref<2x80xi32, #tpu.memory_space<hbm>>
        %dma_start3A_162 = arith.constant 0 : i32
        %dma_start3A_163 = arith.constant 0 : i32
        %dma_start3A_164 = tpu.memref_slice %arg2[%add3A_49, %dma_start3A_162, %dma_start3A_163] : memref<2048x2x80xi32, #tpu.memory_space<hbm>> -> memref<1x2x80xi32, #tpu.memory_space<hbm>>
        %dma_start3A_165 = tpu.memref_squeeze %dma_start3A_164 : memref<1x2x80xi32, #tpu.memory_space<hbm>> -> memref<2x80xi32, #tpu.memory_space<hbm>>
        tpu.enqueue_dma source(%dma_start3A_165 : memref<2x80xi32, #tpu.memory_space<hbm>>) target(%arg9 : memref<2x80xi32, #tpu.memory_space<vmem>>) target_semaphore(%run_scoped3A : memref<!tpu.dma_semaphore, #tpu.memory_space<semaphore_mem>>)
        %dma_wait3A_166 = arith.constant 0 : i32
        %dma_wait3A_167 = arith.constant 0 : i32
        %dma_wait3A_168 = tpu.memref_slice %arg2[%add3A_49, %dma_wait3A_166, %dma_wait3A_167] : memref<2048x2x80xi32, #tpu.memory_space<hbm>> -> memref<1x2x80xi32, #tpu.memory_space<hbm>>
        %dma_wait3A_169 = tpu.memref_squeeze %dma_wait3A_168 : memref<1x2x80xi32, #tpu.memory_space<hbm>> -> memref<2x80xi32, #tpu.memory_space<hbm>>
        %dma_wait3A_170 = arith.constant 0 : i32
        %dma_wait3A_171 = arith.constant 0 : i32
        %dma_wait3A_172 = tpu.memref_slice %arg2[%add3A_49, %dma_wait3A_170, %dma_wait3A_171] : memref<2048x2x80xi32, #tpu.memory_space<hbm>> -> memref<1x2x80xi32, #tpu.memory_space<hbm>>
        %dma_wait3A_173 = tpu.memref_squeeze %dma_wait3A_172 : memref<1x2x80xi32, #tpu.memory_space<hbm>> -> memref<2x80xi32, #tpu.memory_space<hbm>>
        tpu.wait_dma2 semaphore(%run_scoped3A : memref<!tpu.dma_semaphore, #tpu.memory_space<semaphore_mem>>) src(%dma_wait3A_173 : memref<2x80xi32, #tpu.memory_space<hbm>>) dst(%arg9 : memref<2x80xi32, #tpu.memory_space<vmem>>)
        tpu.yield
      }) : () -> ()
      %mul3A_50 = arith.constant 80 : i32
      %mul3A_51 = arith.muli %add3A_48, %mul3A_50 : i32
      %add3A_52 = arith.addi %mul3A_7, %mul3A_51 : i32
      %dma_start3A_53 = arith.constant 0 : i32
      %dma_start3A_54 = arith.constant 0 : i32
      %dma_start3A_55 = tpu.memref_slice %arg9[%dma_start3A_53, %dma_start3A_54] : memref<2x80xi32, #tpu.memory_space<vmem>> -> memref<1x80xi32, #tpu.memory_space<vmem>>
      %dma_start3A_56 = tpu.memref_squeeze %dma_start3A_55 : memref<1x80xi32, #tpu.memory_space<vmem>> -> memref<80xi32, #tpu.memory_space<vmem>>
      %dma_start3A_57 = arith.constant 0 : i32
      %dma_start3A_58 = arith.constant 0 : i32
      %dma_start3A_59 = tpu.memref_slice %arg3[%dma_start3A_57, %dma_start3A_58] : memref<20000x128xf32, #tpu.memory_space<hbm>> -> memref<20000x128xf32, #tpu.memory_space<hbm>>
      tpu.enqueue_indirect_dma source(%dma_start3A_59 : memref<20000x128xf32, #tpu.memory_space<hbm>>) target(%arg12 : memref<80x128xf32, #tpu.memory_space<vmem>>) offsets(%dma_start3A_56 : memref<80xi32, #tpu.memory_space<vmem>>) semaphore(%arg16 : memref<!tpu.dma_semaphore, #tpu.memory_space<semaphore_mem>>)
      %mul3A_60 = arith.constant 81920 : i32
      %mul3A_61 = arith.muli %arg0, %mul3A_60 : i32
      %add3A_62 = arith.addi %mul3A_61, %add3A_52 : i32
      %dma_start3A_63 = arith.constant 0 : i32
      %dma_start3A_64 = tpu.memref_slice %arg4[%add3A_62, %dma_start3A_63] : memref<163840x128xf32, #tpu.memory_space<hbm>> -> memref<80x128xf32, #tpu.memory_space<hbm>>
      %dma_start3A_65 = arith.constant 0 : i32
      %dma_start3A_66 = tpu.memref_slice %arg4[%add3A_62, %dma_start3A_65] : memref<163840x128xf32, #tpu.memory_space<hbm>> -> memref<80x128xf32, #tpu.memory_space<hbm>>
      tpu.enqueue_dma source(%dma_start3A_66 : memref<80x128xf32, #tpu.memory_space<hbm>>) target(%arg13 : memref<80x128xf32, #tpu.memory_space<vmem>>) target_semaphore(%arg17 : memref<!tpu.dma_semaphore, #tpu.memory_space<semaphore_mem>>)
      %mul3A_67 = arith.constant 80 : i32
      %mul3A_68 = arith.muli %mul3A_44, %mul3A_67 : i32
      %add3A_69 = arith.addi %mul3A_7, %mul3A_68 : i32
      %dma_wait3A = arith.constant 0 : i32
      %dma_wait3A_70 = arith.constant 0 : i32
      %dma_wait3A_71 = tpu.memref_slice %arg8[%dma_wait3A, %dma_wait3A_70] : memref<2x80xi32, #tpu.memory_space<vmem>> -> memref<1x80xi32, #tpu.memory_space<vmem>>
      %dma_wait3A_72 = tpu.memref_squeeze %dma_wait3A_71 : memref<1x80xi32, #tpu.memory_space<vmem>> -> memref<80xi32, #tpu.memory_space<vmem>>
      %dma_wait3A_73 = arith.constant 0 : i32
      %dma_wait3A_74 = arith.constant 0 : i32
      %dma_wait3A_75 = tpu.memref_slice %arg3[%dma_wait3A_73, %dma_wait3A_74] : memref<20000x128xf32, #tpu.memory_space<hbm>> -> memref<20000x128xf32, #tpu.memory_space<hbm>>
      tpu.wait_indirect_dma semaphore(%arg14 : memref<!tpu.dma_semaphore, #tpu.memory_space<semaphore_mem>>) src(%dma_wait3A_75 : memref<20000x128xf32, #tpu.memory_space<hbm>>) dst(%arg10 : memref<80x128xf32, #tpu.memory_space<vmem>>)
      %mul3A_76 = arith.constant 81920 : i32
      %mul3A_77 = arith.muli %arg0, %mul3A_76 : i32
      %add3A_78 = arith.addi %mul3A_77, %add3A_69 : i32
      %dma_wait3A_79 = arith.constant 0 : i32
      %dma_wait3A_80 = tpu.memref_slice %arg4[%add3A_78, %dma_wait3A_79] : memref<163840x128xf32, #tpu.memory_space<hbm>> -> memref<80x128xf32, #tpu.memory_space<hbm>>
      %dma_wait3A_81 = arith.constant 0 : i32
      %dma_wait3A_82 = tpu.memref_slice %arg4[%add3A_78, %dma_wait3A_81] : memref<163840x128xf32, #tpu.memory_space<hbm>> -> memref<80x128xf32, #tpu.memory_space<hbm>>
      tpu.wait_dma2 semaphore(%arg15 : memref<!tpu.dma_semaphore, #tpu.memory_space<semaphore_mem>>) src(%dma_wait3A_82 : memref<80x128xf32, #tpu.memory_space<hbm>>) dst(%arg11 : memref<80x128xf32, #tpu.memory_space<vmem>>)
      %dma_start3A_83 = arith.constant 1 : i32
      %dma_start3A_84 = arith.constant 0 : i32
      %dma_start3A_85 = tpu.memref_slice %arg8[%dma_start3A_83, %dma_start3A_84] : memref<2x80xi32, #tpu.memory_space<vmem>> -> memref<1x80xi32, #tpu.memory_space<vmem>>
      %dma_start3A_86 = tpu.memref_squeeze %dma_start3A_85 : memref<1x80xi32, #tpu.memory_space<vmem>> -> memref<80xi32, #tpu.memory_space<vmem>>
      %dma_start3A_87 = arith.constant 0 : i32
      %dma_start3A_88 = arith.constant 0 : i32
      %dma_start3A_89 = tpu.memref_slice %arg7[%dma_start3A_87, %dma_start3A_88] : memref<10240x128xf32, #tpu.memory_space<vmem_shared>> -> memref<10240x128xf32, #tpu.memory_space<vmem_shared>>
      tpu.enqueue_indirect_dma source(%arg10 : memref<80x128xf32, #tpu.memory_space<vmem>>) target(%dma_start3A_89 : memref<10240x128xf32, #tpu.memory_space<vmem_shared>>) offsets(%dma_start3A_86 : memref<80xi32, #tpu.memory_space<vmem>>) semaphore(%arg18 : memref<!tpu.dma_semaphore, #tpu.memory_space<semaphore_mem>>) {add = true}
      %dma_start3A_90 = arith.constant 1 : i32
      %dma_start3A_91 = arith.constant 0 : i32
      %dma_start3A_92 = tpu.memref_slice %arg8[%dma_start3A_90, %dma_start3A_91] : memref<2x80xi32, #tpu.memory_space<vmem>> -> memref<1x80xi32, #tpu.memory_space<vmem>>
      %dma_start3A_93 = tpu.memref_squeeze %dma_start3A_92 : memref<1x80xi32, #tpu.memory_space<vmem>> -> memref<80xi32, #tpu.memory_space<vmem>>
      %dma_start3A_94 = arith.constant 0 : i32
      %dma_start3A_95 = arith.constant 0 : i32
      %dma_start3A_96 = tpu.memref_slice %arg7[%dma_start3A_94, %dma_start3A_95] : memref<10240x128xf32, #tpu.memory_space<vmem_shared>> -> memref<10240x128xf32, #tpu.memory_space<vmem_shared>>
      tpu.enqueue_indirect_dma source(%arg11 : memref<80x128xf32, #tpu.memory_space<vmem>>) target(%dma_start3A_96 : memref<10240x128xf32, #tpu.memory_space<vmem_shared>>) offsets(%dma_start3A_93 : memref<80xi32, #tpu.memory_space<vmem>>) semaphore(%arg19 : memref<!tpu.dma_semaphore, #tpu.memory_space<semaphore_mem>>) {add = true}
      %dma_wait3A_97 = arith.constant 1 : i32
      %dma_wait3A_98 = arith.constant 0 : i32
      %dma_wait3A_99 = tpu.memref_slice %arg8[%dma_wait3A_97, %dma_wait3A_98] : memref<2x80xi32, #tpu.memory_space<vmem>> -> memref<1x80xi32, #tpu.memory_space<vmem>>
      %dma_wait3A_100 = tpu.memref_squeeze %dma_wait3A_99 : memref<1x80xi32, #tpu.memory_space<vmem>> -> memref<80xi32, #tpu.memory_space<vmem>>
      %dma_wait3A_101 = arith.constant 0 : i32
      %dma_wait3A_102 = arith.constant 0 : i32
      %dma_wait3A_103 = tpu.memref_slice %arg7[%dma_wait3A_101, %dma_wait3A_102] : memref<10240x128xf32, #tpu.memory_space<vmem_shared>> -> memref<10240x128xf32, #tpu.memory_space<vmem_shared>>
      tpu.wait_indirect_dma semaphore(%arg18 : memref<!tpu.dma_semaphore, #tpu.memory_space<semaphore_mem>>) src(%arg10 : memref<80x128xf32, #tpu.memory_space<vmem>>) dst(%dma_wait3A_103 : memref<10240x128xf32, #tpu.memory_space<vmem_shared>>)
      %dma_wait3A_104 = arith.constant 1 : i32
      %dma_wait3A_105 = arith.constant 0 : i32
      %dma_wait3A_106 = tpu.memref_slice %arg8[%dma_wait3A_104, %dma_wait3A_105] : memref<2x80xi32, #tpu.memory_space<vmem>> -> memref<1x80xi32, #tpu.memory_space<vmem>>
      %dma_wait3A_107 = tpu.memref_squeeze %dma_wait3A_106 : memref<1x80xi32, #tpu.memory_space<vmem>> -> memref<80xi32, #tpu.memory_space<vmem>>
      %dma_wait3A_108 = arith.constant 0 : i32
      %dma_wait3A_109 = arith.constant 0 : i32
      %dma_wait3A_110 = tpu.memref_slice %arg7[%dma_wait3A_108, %dma_wait3A_109] : memref<10240x128xf32, #tpu.memory_space<vmem_shared>> -> memref<10240x128xf32, #tpu.memory_space<vmem_shared>>
      tpu.wait_indirect_dma semaphore(%arg19 : memref<!tpu.dma_semaphore, #tpu.memory_space<semaphore_mem>>) src(%arg11 : memref<80x128xf32, #tpu.memory_space<vmem>>) dst(%dma_wait3A_110 : memref<10240x128xf32, #tpu.memory_space<vmem_shared>>)
      %lt3A = arith.constant 31 : i32
      %lt3A_111 = arith.cmpi slt, %scan3A_42, %lt3A : i32
      %convert_element_type3A = arith.extui %lt3A_111 : i1 to i32
      %cond3A = arith.constant 0 : i32
      %cond3A_112 = arith.cmpi ne, %convert_element_type3A, %cond3A : i32
      scf.if %cond3A_112 {
        %add3A_158 = arith.constant 2 : i32
        %add3A_159 = arith.addi %mul3A_44, %add3A_158 : i32
        %add3A_160 = arith.addi %mul3A_11, %add3A_159 : i32
        "tpu.region"() ({
          %run_scoped3A = tpu.sem_alloc : memref<!tpu.dma_semaphore, #tpu.memory_space<semaphore_mem>>
          %dma_start3A_180 = arith.constant 0 : i32
          %dma_start3A_181 = arith.constant 0 : i32
          %dma_start3A_182 = tpu.memref_slice %arg2[%add3A_160, %dma_start3A_180, %dma_start3A_181] : memref<2048x2x80xi32, #tpu.memory_space<hbm>> -> memref<1x2x80xi32, #tpu.memory_space<hbm>>
          %dma_start3A_183 = tpu.memref_squeeze %dma_start3A_182 : memref<1x2x80xi32, #tpu.memory_space<hbm>> -> memref<2x80xi32, #tpu.memory_space<hbm>>
          %dma_start3A_184 = arith.constant 0 : i32
          %dma_start3A_185 = arith.constant 0 : i32
          %dma_start3A_186 = tpu.memref_slice %arg2[%add3A_160, %dma_start3A_184, %dma_start3A_185] : memref<2048x2x80xi32, #tpu.memory_space<hbm>> -> memref<1x2x80xi32, #tpu.memory_space<hbm>>
          %dma_start3A_187 = tpu.memref_squeeze %dma_start3A_186 : memref<1x2x80xi32, #tpu.memory_space<hbm>> -> memref<2x80xi32, #tpu.memory_space<hbm>>
          tpu.enqueue_dma source(%dma_start3A_187 : memref<2x80xi32, #tpu.memory_space<hbm>>) target(%arg8 : memref<2x80xi32, #tpu.memory_space<vmem>>) target_semaphore(%run_scoped3A : memref<!tpu.dma_semaphore, #tpu.memory_space<semaphore_mem>>)
          %dma_wait3A_188 = arith.constant 0 : i32
          %dma_wait3A_189 = arith.constant 0 : i32
          %dma_wait3A_190 = tpu.memref_slice %arg2[%add3A_160, %dma_wait3A_188, %dma_wait3A_189] : memref<2048x2x80xi32, #tpu.memory_space<hbm>> -> memref<1x2x80xi32, #tpu.memory_space<hbm>>
          %dma_wait3A_191 = tpu.memref_squeeze %dma_wait3A_190 : memref<1x2x80xi32, #tpu.memory_space<hbm>> -> memref<2x80xi32, #tpu.memory_space<hbm>>
          %dma_wait3A_192 = arith.constant 0 : i32
          %dma_wait3A_193 = arith.constant 0 : i32
          %dma_wait3A_194 = tpu.memref_slice %arg2[%add3A_160, %dma_wait3A_192, %dma_wait3A_193] : memref<2048x2x80xi32, #tpu.memory_space<hbm>> -> memref<1x2x80xi32, #tpu.memory_space<hbm>>
          %dma_wait3A_195 = tpu.memref_squeeze %dma_wait3A_194 : memref<1x2x80xi32, #tpu.memory_space<hbm>> -> memref<2x80xi32, #tpu.memory_space<hbm>>
          tpu.wait_dma2 semaphore(%run_scoped3A : memref<!tpu.dma_semaphore, #tpu.memory_space<semaphore_mem>>) src(%dma_wait3A_195 : memref<2x80xi32, #tpu.memory_space<hbm>>) dst(%arg8 : memref<2x80xi32, #tpu.memory_space<vmem>>)
          tpu.yield
        }) : () -> ()
        %add3A_161 = arith.constant 2 : i32
        %add3A_162 = arith.addi %mul3A_44, %add3A_161 : i32
        %mul3A_163 = arith.constant 80 : i32
        %mul3A_164 = arith.muli %add3A_162, %mul3A_163 : i32
        %add3A_165 = arith.addi %mul3A_7, %mul3A_164 : i32
        %dma_start3A_166 = arith.constant 0 : i32
        %dma_start3A_167 = arith.constant 0 : i32
        %dma_start3A_168 = tpu.memref_slice %arg8[%dma_start3A_166, %dma_start3A_167] : memref<2x80xi32, #tpu.memory_space<vmem>> -> memref<1x80xi32, #tpu.memory_space<vmem>>
        %dma_start3A_169 = tpu.memref_squeeze %dma_start3A_168 : memref<1x80xi32, #tpu.memory_space<vmem>> -> memref<80xi32, #tpu.memory_space<vmem>>
        %dma_start3A_170 = arith.constant 0 : i32
        %dma_start3A_171 = arith.constant 0 : i32
        %dma_start3A_172 = tpu.memref_slice %arg3[%dma_start3A_170, %dma_start3A_171] : memref<20000x128xf32, #tpu.memory_space<hbm>> -> memref<20000x128xf32, #tpu.memory_space<hbm>>
        tpu.enqueue_indirect_dma source(%dma_start3A_172 : memref<20000x128xf32, #tpu.memory_space<hbm>>) target(%arg10 : memref<80x128xf32, #tpu.memory_space<vmem>>) offsets(%dma_start3A_169 : memref<80xi32, #tpu.memory_space<vmem>>) semaphore(%arg14 : memref<!tpu.dma_semaphore, #tpu.memory_space<semaphore_mem>>)
        %mul3A_173 = arith.constant 81920 : i32
        %mul3A_174 = arith.muli %arg0, %mul3A_173 : i32
        %add3A_175 = arith.addi %mul3A_174, %add3A_165 : i32
        %dma_start3A_176 = arith.constant 0 : i32
        %dma_start3A_177 = tpu.memref_slice %arg4[%add3A_175, %dma_start3A_176] : memref<163840x128xf32, #tpu.memory_space<hbm>> -> memref<80x128xf32, #tpu.memory_space<hbm>>
        %dma_start3A_178 = arith.constant 0 : i32
        %dma_start3A_179 = tpu.memref_slice %arg4[%add3A_175, %dma_start3A_178] : memref<163840x128xf32, #tpu.memory_space<hbm>> -> memref<80x128xf32, #tpu.memory_space<hbm>>
        tpu.enqueue_dma source(%dma_start3A_179 : memref<80x128xf32, #tpu.memory_space<hbm>>) target(%arg11 : memref<80x128xf32, #tpu.memory_space<vmem>>) target_semaphore(%arg15 : memref<!tpu.dma_semaphore, #tpu.memory_space<semaphore_mem>>)
      } else {
      }
      %mul3A_113 = arith.constant 80 : i32
      %mul3A_114 = arith.muli %add3A_48, %mul3A_113 : i32
      %add3A_115 = arith.addi %mul3A_7, %mul3A_114 : i32
      %dma_wait3A_116 = arith.constant 0 : i32
      %dma_wait3A_117 = arith.constant 0 : i32
      %dma_wait3A_118 = tpu.memref_slice %arg9[%dma_wait3A_116, %dma_wait3A_117] : memref<2x80xi32, #tpu.memory_space<vmem>> -> memref<1x80xi32, #tpu.memory_space<vmem>>
      %dma_wait3A_119 = tpu.memref_squeeze %dma_wait3A_118 : memref<1x80xi32, #tpu.memory_space<vmem>> -> memref<80xi32, #tpu.memory_space<vmem>>
      %dma_wait3A_120 = arith.constant 0 : i32
      %dma_wait3A_121 = arith.constant 0 : i32
      %dma_wait3A_122 = tpu.memref_slice %arg3[%dma_wait3A_120, %dma_wait3A_121] : memref<20000x128xf32, #tpu.memory_space<hbm>> -> memref<20000x128xf32, #tpu.memory_space<hbm>>
      tpu.wait_indirect_dma semaphore(%arg16 : memref<!tpu.dma_semaphore, #tpu.memory_space<semaphore_mem>>) src(%dma_wait3A_122 : memref<20000x128xf32, #tpu.memory_space<hbm>>) dst(%arg12 : memref<80x128xf32, #tpu.memory_space<vmem>>)
      %mul3A_123 = arith.constant 81920 : i32
      %mul3A_124 = arith.muli %arg0, %mul3A_123 : i32
      %add3A_125 = arith.addi %mul3A_124, %add3A_115 : i32
      %dma_wait3A_126 = arith.constant 0 : i32
      %dma_wait3A_127 = tpu.memref_slice %arg4[%add3A_125, %dma_wait3A_126] : memref<163840x128xf32, #tpu.memory_space<hbm>> -> memref<80x128xf32, #tpu.memory_space<hbm>>
      %dma_wait3A_128 = arith.constant 0 : i32
      %dma_wait3A_129 = tpu.memref_slice %arg4[%add3A_125, %dma_wait3A_128] : memref<163840x128xf32, #tpu.memory_space<hbm>> -> memref<80x128xf32, #tpu.memory_space<hbm>>
      tpu.wait_dma2 semaphore(%arg17 : memref<!tpu.dma_semaphore, #tpu.memory_space<semaphore_mem>>) src(%dma_wait3A_129 : memref<80x128xf32, #tpu.memory_space<hbm>>) dst(%arg13 : memref<80x128xf32, #tpu.memory_space<vmem>>)
      %dma_start3A_130 = arith.constant 1 : i32
      %dma_start3A_131 = arith.constant 0 : i32
      %dma_start3A_132 = tpu.memref_slice %arg9[%dma_start3A_130, %dma_start3A_131] : memref<2x80xi32, #tpu.memory_space<vmem>> -> memref<1x80xi32, #tpu.memory_space<vmem>>
      %dma_start3A_133 = tpu.memref_squeeze %dma_start3A_132 : memref<1x80xi32, #tpu.memory_space<vmem>> -> memref<80xi32, #tpu.memory_space<vmem>>
      %dma_start3A_134 = arith.constant 0 : i32
      %dma_start3A_135 = arith.constant 0 : i32
      %dma_start3A_136 = tpu.memref_slice %arg7[%dma_start3A_134, %dma_start3A_135] : memref<10240x128xf32, #tpu.memory_space<vmem_shared>> -> memref<10240x128xf32, #tpu.memory_space<vmem_shared>>
      tpu.enqueue_indirect_dma source(%arg12 : memref<80x128xf32, #tpu.memory_space<vmem>>) target(%dma_start3A_136 : memref<10240x128xf32, #tpu.memory_space<vmem_shared>>) offsets(%dma_start3A_133 : memref<80xi32, #tpu.memory_space<vmem>>) semaphore(%arg18 : memref<!tpu.dma_semaphore, #tpu.memory_space<semaphore_mem>>) {add = true}
      %dma_start3A_137 = arith.constant 1 : i32
      %dma_start3A_138 = arith.constant 0 : i32
      %dma_start3A_139 = tpu.memref_slice %arg9[%dma_start3A_137, %dma_start3A_138] : memref<2x80xi32, #tpu.memory_space<vmem>> -> memref<1x80xi32, #tpu.memory_space<vmem>>
      %dma_start3A_140 = tpu.memref_squeeze %dma_start3A_139 : memref<1x80xi32, #tpu.memory_space<vmem>> -> memref<80xi32, #tpu.memory_space<vmem>>
      %dma_start3A_141 = arith.constant 0 : i32
      %dma_start3A_142 = arith.constant 0 : i32
      %dma_start3A_143 = tpu.memref_slice %arg7[%dma_start3A_141, %dma_start3A_142] : memref<10240x128xf32, #tpu.memory_space<vmem_shared>> -> memref<10240x128xf32, #tpu.memory_space<vmem_shared>>
      tpu.enqueue_indirect_dma source(%arg13 : memref<80x128xf32, #tpu.memory_space<vmem>>) target(%dma_start3A_143 : memref<10240x128xf32, #tpu.memory_space<vmem_shared>>) offsets(%dma_start3A_140 : memref<80xi32, #tpu.memory_space<vmem>>) semaphore(%arg19 : memref<!tpu.dma_semaphore, #tpu.memory_space<semaphore_mem>>) {add = true}
      %dma_wait3A_144 = arith.constant 1 : i32
      %dma_wait3A_145 = arith.constant 0 : i32
      %dma_wait3A_146 = tpu.memref_slice %arg9[%dma_wait3A_144, %dma_wait3A_145] : memref<2x80xi32, #tpu.memory_space<vmem>> -> memref<1x80xi32, #tpu.memory_space<vmem>>
      %dma_wait3A_147 = tpu.memref_squeeze %dma_wait3A_146 : memref<1x80xi32, #tpu.memory_space<vmem>> -> memref<80xi32, #tpu.memory_space<vmem>>
      %dma_wait3A_148 = arith.constant 0 : i32
      %dma_wait3A_149 = arith.constant 0 : i32
      %dma_wait3A_150 = tpu.memref_slice %arg7[%dma_wait3A_148, %dma_wait3A_149] : memref<10240x128xf32, #tpu.memory_space<vmem_shared>> -> memref<10240x128xf32, #tpu.memory_space<vmem_shared>>
      tpu.wait_indirect_dma semaphore(%arg18 : memref<!tpu.dma_semaphore, #tpu.memory_space<semaphore_mem>>) src(%arg12 : memref<80x128xf32, #tpu.memory_space<vmem>>) dst(%dma_wait3A_150 : memref<10240x128xf32, #tpu.memory_space<vmem_shared>>)
      %dma_wait3A_151 = arith.constant 1 : i32
      %dma_wait3A_152 = arith.constant 0 : i32
      %dma_wait3A_153 = tpu.memref_slice %arg9[%dma_wait3A_151, %dma_wait3A_152] : memref<2x80xi32, #tpu.memory_space<vmem>> -> memref<1x80xi32, #tpu.memory_space<vmem>>
      %dma_wait3A_154 = tpu.memref_squeeze %dma_wait3A_153 : memref<1x80xi32, #tpu.memory_space<vmem>> -> memref<80xi32, #tpu.memory_space<vmem>>
      %dma_wait3A_155 = arith.constant 0 : i32
      %dma_wait3A_156 = arith.constant 0 : i32
      %dma_wait3A_157 = tpu.memref_slice %arg7[%dma_wait3A_155, %dma_wait3A_156] : memref<10240x128xf32, #tpu.memory_space<vmem_shared>> -> memref<10240x128xf32, #tpu.memory_space<vmem_shared>>
      tpu.wait_indirect_dma semaphore(%arg19 : memref<!tpu.dma_semaphore, #tpu.memory_space<semaphore_mem>>) src(%arg13 : memref<80x128xf32, #tpu.memory_space<vmem>>) dst(%dma_wait3A_157 : memref<10240x128xf32, #tpu.memory_space<vmem_shared>>)
    }
    %scan3A_34 = arith.constant 32 : i32
    %barrier3A_35 = arith.constant 0 : index
    tpu.barrier barrier_id(%barrier3A_35)
    %scan3A_36 = arith.constant 0 : i32
    %scan3A_37 = arith.constant 0 : i32
    %scan3A_38 = arith.constant 10 : i32
    %scan3A_39 = arith.addi %scan3A_37, %scan3A_38 : i32
    %scan3A_40 = arith.constant 1 : i32
    scf.for %scan3A_42 = %scan3A_37 to %scan3A_39 step %scan3A_40  : i32 {
      %mul3A_43 = arith.constant 64 : i32
      %mul3A_44 = arith.muli %scan3A_42, %mul3A_43 : i32
      %add3A_45 = arith.addi %mul3A_0, %mul3A_44 : i32
      "tpu.region"() ({
        %run_scoped3A = tpu.sem_alloc : memref<!tpu.dma_semaphore, #tpu.memory_space<semaphore_mem>>
        %dma_start3A_49 = arith.constant 0 : i32
        %dma_start3A_50 = arith.constant 0 : i32
        %dma_start3A_51 = tpu.memref_slice %arg10[%dma_start3A_49, %dma_start3A_50] : memref<80x128xf32, #tpu.memory_space<vmem>> -> memref<64x128xf32, #tpu.memory_space<vmem>>
        %dma_start3A_52 = arith.constant 0 : i32
        %dma_start3A_53 = tpu.memref_slice %arg7[%add3A_45, %dma_start3A_52] : memref<10240x128xf32, #tpu.memory_space<vmem_shared>> -> memref<64x128xf32, #tpu.memory_space<vmem_shared>>
        %dma_start3A_54 = arith.constant 0 : i32
        %dma_start3A_55 = arith.constant 0 : i32
        %dma_start3A_56 = tpu.memref_slice %arg10[%dma_start3A_54, %dma_start3A_55] : memref<80x128xf32, #tpu.memory_space<vmem>> -> memref<64x128xf32, #tpu.memory_space<vmem>>
        %dma_start3A_57 = arith.constant 0 : i32
        %dma_start3A_58 = tpu.memref_slice %arg7[%add3A_45, %dma_start3A_57] : memref<10240x128xf32, #tpu.memory_space<vmem_shared>> -> memref<64x128xf32, #tpu.memory_space<vmem_shared>>
        tpu.enqueue_dma source(%dma_start3A_58 : memref<64x128xf32, #tpu.memory_space<vmem_shared>>) target(%dma_start3A_56 : memref<64x128xf32, #tpu.memory_space<vmem>>) target_semaphore(%run_scoped3A : memref<!tpu.dma_semaphore, #tpu.memory_space<semaphore_mem>>)
        %dma_wait3A = arith.constant 0 : i32
        %dma_wait3A_59 = arith.constant 0 : i32
        %dma_wait3A_60 = tpu.memref_slice %arg10[%dma_wait3A, %dma_wait3A_59] : memref<80x128xf32, #tpu.memory_space<vmem>> -> memref<64x128xf32, #tpu.memory_space<vmem>>
        %dma_wait3A_61 = arith.constant 0 : i32
        %dma_wait3A_62 = tpu.memref_slice %arg7[%add3A_45, %dma_wait3A_61] : memref<10240x128xf32, #tpu.memory_space<vmem_shared>> -> memref<64x128xf32, #tpu.memory_space<vmem_shared>>
        %dma_wait3A_63 = arith.constant 0 : i32
        %dma_wait3A_64 = arith.constant 0 : i32
        %dma_wait3A_65 = tpu.memref_slice %arg10[%dma_wait3A_63, %dma_wait3A_64] : memref<80x128xf32, #tpu.memory_space<vmem>> -> memref<64x128xf32, #tpu.memory_space<vmem>>
        %dma_wait3A_66 = arith.constant 0 : i32
        %dma_wait3A_67 = tpu.memref_slice %arg7[%add3A_45, %dma_wait3A_66] : memref<10240x128xf32, #tpu.memory_space<vmem_shared>> -> memref<64x128xf32, #tpu.memory_space<vmem_shared>>
        tpu.wait_dma2 semaphore(%run_scoped3A : memref<!tpu.dma_semaphore, #tpu.memory_space<semaphore_mem>>) src(%dma_wait3A_67 : memref<64x128xf32, #tpu.memory_space<vmem_shared>>) dst(%dma_wait3A_65 : memref<64x128xf32, #tpu.memory_space<vmem>>)
        tpu.yield
      }) : () -> ()
      %mul3A_46 = arith.constant 10240 : i32
      %mul3A_47 = arith.muli %arg0, %mul3A_46 : i32
      %add3A_48 = arith.addi %mul3A_47, %add3A_45 : i32
      "tpu.region"() ({
        %run_scoped3A = tpu.sem_alloc : memref<!tpu.dma_semaphore, #tpu.memory_space<semaphore_mem>>
        %dma_start3A_49 = arith.constant 0 : i32
        %dma_start3A_50 = arith.constant 0 : i32
        %dma_start3A_51 = tpu.memref_slice %arg10[%dma_start3A_49, %dma_start3A_50] : memref<80x128xf32, #tpu.memory_space<vmem>> -> memref<64x128xf32, #tpu.memory_space<vmem>>
        %dma_start3A_52 = arith.constant 0 : i32
        %dma_start3A_53 = tpu.memref_slice %arg6[%add3A_48, %dma_start3A_52] : memref<20480x128xf32, #tpu.memory_space<hbm>> -> memref<64x128xf32, #tpu.memory_space<hbm>>
        %dma_start3A_54 = arith.constant 0 : i32
        %dma_start3A_55 = tpu.memref_slice %arg6[%add3A_48, %dma_start3A_54] : memref<20480x128xf32, #tpu.memory_space<hbm>> -> memref<64x128xf32, #tpu.memory_space<hbm>>
        %dma_start3A_56 = arith.constant 0 : i32
        %dma_start3A_57 = arith.constant 0 : i32
        %dma_start3A_58 = tpu.memref_slice %arg10[%dma_start3A_56, %dma_start3A_57] : memref<80x128xf32, #tpu.memory_space<vmem>> -> memref<64x128xf32, #tpu.memory_space<vmem>>
        tpu.enqueue_dma source(%dma_start3A_58 : memref<64x128xf32, #tpu.memory_space<vmem>>) target(%dma_start3A_55 : memref<64x128xf32, #tpu.memory_space<hbm>>) target_semaphore(%run_scoped3A : memref<!tpu.dma_semaphore, #tpu.memory_space<semaphore_mem>>)
        %dma_wait3A = arith.constant 0 : i32
        %dma_wait3A_59 = arith.constant 0 : i32
        %dma_wait3A_60 = tpu.memref_slice %arg10[%dma_wait3A, %dma_wait3A_59] : memref<80x128xf32, #tpu.memory_space<vmem>> -> memref<64x128xf32, #tpu.memory_space<vmem>>
        %dma_wait3A_61 = arith.constant 0 : i32
        %dma_wait3A_62 = tpu.memref_slice %arg6[%add3A_48, %dma_wait3A_61] : memref<20480x128xf32, #tpu.memory_space<hbm>> -> memref<64x128xf32, #tpu.memory_space<hbm>>
        %dma_wait3A_63 = arith.constant 0 : i32
        %dma_wait3A_64 = tpu.memref_slice %arg6[%add3A_48, %dma_wait3A_63] : memref<20480x128xf32, #tpu.memory_space<hbm>> -> memref<64x128xf32, #tpu.memory_space<hbm>>
        %dma_wait3A_65 = arith.constant 0 : i32
        %dma_wait3A_66 = arith.constant 0 : i32
        %dma_wait3A_67 = tpu.memref_slice %arg10[%dma_wait3A_65, %dma_wait3A_66] : memref<80x128xf32, #tpu.memory_space<vmem>> -> memref<64x128xf32, #tpu.memory_space<vmem>>
        tpu.wait_dma2 semaphore(%run_scoped3A : memref<!tpu.dma_semaphore, #tpu.memory_space<semaphore_mem>>) src(%dma_wait3A_67 : memref<64x128xf32, #tpu.memory_space<vmem>>) dst(%dma_wait3A_64 : memref<64x128xf32, #tpu.memory_space<hbm>>)
        tpu.yield
      }) : () -> ()
    }
    %scan3A_41 = arith.constant 10 : i32
    return
  }
}

#map = affine_map<(d0, d1) -> (0, 0, 0)>
#map1 = affine_map<(d0, d1) -> (0, 0)>
module attributes {stable_mosaic.version = 14 : i64} {
  func.func @body(%arg0: i32, %arg1: i32, %arg2: memref<2112x2x80xi32, #tpu.memory_space<hbm>>, %arg3: memref<20000x128xf32, #tpu.memory_space<hbm>>, %arg4: memref<168960x128xf32, #tpu.memory_space<hbm>>, %arg5: memref<64x128xf32, #tpu.memory_space<hbm>>, %arg6: memref<20480x128xf32, #tpu.memory_space<hbm>>, %arg7: memref<10240x128xf32, #tpu.memory_space<vmem_shared>>, %arg8: memref<2x80xi32, #tpu.memory_space<vmem>>, %arg9: memref<2x80xi32, #tpu.memory_space<vmem>>, %arg10: memref<80x128xf32, #tpu.memory_space<vmem>>, %arg11: memref<80x128xf32, #tpu.memory_space<vmem>>, %arg12: memref<80x128xf32, #tpu.memory_space<vmem>>, %arg13: memref<80x128xf32, #tpu.memory_space<vmem>>, %arg14: memref<!tpu.dma_semaphore, #tpu.memory_space<semaphore_mem>>, %arg15: memref<!tpu.dma_semaphore, #tpu.memory_space<semaphore_mem>>, %arg16: memref<!tpu.dma_semaphore, #tpu.memory_space<semaphore_mem>>, %arg17: memref<!tpu.dma_semaphore, #tpu.memory_space<semaphore_mem>>, %arg18: memref<!tpu.dma_semaphore, #tpu.memory_space<semaphore_mem>>, %arg19: memref<!tpu.dma_semaphore, #tpu.memory_space<semaphore_mem>>) attributes {dimension_semantics = [#tpu.dimension_semantics<core_parallel>, #tpu.dimension_semantics<subcore_parallel>], iteration_bounds = array<i64: 2, 16>, scalar_prefetch = 0 : i64, scratch_operands = 13 : i64, tpu.core_type = #tpu.core_type<sc_vector_subcore>, window_params = [{transform_indices = #map}, {transform_indices = #map1}, {transform_indices = #map1}, {transform_indices = #map1}, {transform_indices = #map1}]} {
    %mul3A = arith.constant 640 : i32
    %mul3A_0 = arith.muli %arg1, %mul3A : i32
    "tpu.region"() ({
      %run_scoped3A = tpu.sem_alloc : memref<!tpu.dma_semaphore, #tpu.memory_space<semaphore_mem>>
      %dma_start3A_42 = arith.constant 0 : i32
      %dma_start3A_43 = arith.constant 0 : i32
      %dma_start3A_44 = tpu.memref_slice %arg10[%dma_start3A_42, %dma_start3A_43] : memref<80x128xf32, #tpu.memory_space<vmem>> -> memref<64x128xf32, #tpu.memory_space<vmem>>
      %dma_start3A_45 = arith.constant 0 : i32
      %dma_start3A_46 = arith.constant 0 : i32
      %dma_start3A_47 = tpu.memref_slice %arg10[%dma_start3A_45, %dma_start3A_46] : memref<80x128xf32, #tpu.memory_space<vmem>> -> memref<64x128xf32, #tpu.memory_space<vmem>>
      tpu.enqueue_dma source(%arg5 : memref<64x128xf32, #tpu.memory_space<hbm>>) target(%dma_start3A_47 : memref<64x128xf32, #tpu.memory_space<vmem>>) target_semaphore(%run_scoped3A : memref<!tpu.dma_semaphore, #tpu.memory_space<semaphore_mem>>)
      %dma_wait3A = arith.constant 0 : i32
      %dma_wait3A_48 = arith.constant 0 : i32
      %dma_wait3A_49 = tpu.memref_slice %arg10[%dma_wait3A, %dma_wait3A_48] : memref<80x128xf32, #tpu.memory_space<vmem>> -> memref<64x128xf32, #tpu.memory_space<vmem>>
      %dma_wait3A_50 = arith.constant 0 : i32
      %dma_wait3A_51 = arith.constant 0 : i32
      %dma_wait3A_52 = tpu.memref_slice %arg10[%dma_wait3A_50, %dma_wait3A_51] : memref<80x128xf32, #tpu.memory_space<vmem>> -> memref<64x128xf32, #tpu.memory_space<vmem>>
      tpu.wait_dma2 semaphore(%run_scoped3A : memref<!tpu.dma_semaphore, #tpu.memory_space<semaphore_mem>>) src(%arg5 : memref<64x128xf32, #tpu.memory_space<hbm>>) dst(%dma_wait3A_52 : memref<64x128xf32, #tpu.memory_space<vmem>>)
      tpu.yield
    }) : () -> ()
    %scan3A = arith.constant 0 : i32
    %scan3A_1 = arith.constant 0 : i32
    %scan3A_2 = arith.constant 10 : i32
    %scan3A_3 = arith.addi %scan3A_1, %scan3A_2 : i32
    %scan3A_4 = arith.constant 1 : i32
    scf.for %scan3A_42 = %scan3A_1 to %scan3A_3 step %scan3A_4  : i32 {
      %mul3A_43 = arith.constant 64 : i32
      %mul3A_44 = arith.muli %scan3A_42, %mul3A_43 : i32
      %add3A_45 = arith.addi %mul3A_0, %mul3A_44 : i32
      "tpu.region"() ({
        %run_scoped3A = tpu.sem_alloc : memref<!tpu.dma_semaphore, #tpu.memory_space<semaphore_mem>>
        %dma_start3A_46 = arith.constant 0 : i32
        %dma_start3A_47 = arith.constant 0 : i32
        %dma_start3A_48 = tpu.memref_slice %arg10[%dma_start3A_46, %dma_start3A_47] : memref<80x128xf32, #tpu.memory_space<vmem>> -> memref<64x128xf32, #tpu.memory_space<vmem>>
        %dma_start3A_49 = arith.constant 0 : i32
        %dma_start3A_50 = tpu.memref_slice %arg7[%add3A_45, %dma_start3A_49] : memref<10240x128xf32, #tpu.memory_space<vmem_shared>> -> memref<64x128xf32, #tpu.memory_space<vmem_shared>>
        %dma_start3A_51 = arith.constant 0 : i32
        %dma_start3A_52 = tpu.memref_slice %arg7[%add3A_45, %dma_start3A_51] : memref<10240x128xf32, #tpu.memory_space<vmem_shared>> -> memref<64x128xf32, #tpu.memory_space<vmem_shared>>
        %dma_start3A_53 = arith.constant 0 : i32
        %dma_start3A_54 = arith.constant 0 : i32
        %dma_start3A_55 = tpu.memref_slice %arg10[%dma_start3A_53, %dma_start3A_54] : memref<80x128xf32, #tpu.memory_space<vmem>> -> memref<64x128xf32, #tpu.memory_space<vmem>>
        tpu.enqueue_dma source(%dma_start3A_55 : memref<64x128xf32, #tpu.memory_space<vmem>>) target(%dma_start3A_52 : memref<64x128xf32, #tpu.memory_space<vmem_shared>>) target_semaphore(%run_scoped3A : memref<!tpu.dma_semaphore, #tpu.memory_space<semaphore_mem>>)
        %dma_wait3A = arith.constant 0 : i32
        %dma_wait3A_56 = arith.constant 0 : i32
        %dma_wait3A_57 = tpu.memref_slice %arg10[%dma_wait3A, %dma_wait3A_56] : memref<80x128xf32, #tpu.memory_space<vmem>> -> memref<64x128xf32, #tpu.memory_space<vmem>>
        %dma_wait3A_58 = arith.constant 0 : i32
        %dma_wait3A_59 = tpu.memref_slice %arg7[%add3A_45, %dma_wait3A_58] : memref<10240x128xf32, #tpu.memory_space<vmem_shared>> -> memref<64x128xf32, #tpu.memory_space<vmem_shared>>
        %dma_wait3A_60 = arith.constant 0 : i32
        %dma_wait3A_61 = tpu.memref_slice %arg7[%add3A_45, %dma_wait3A_60] : memref<10240x128xf32, #tpu.memory_space<vmem_shared>> -> memref<64x128xf32, #tpu.memory_space<vmem_shared>>
        %dma_wait3A_62 = arith.constant 0 : i32
        %dma_wait3A_63 = arith.constant 0 : i32
        %dma_wait3A_64 = tpu.memref_slice %arg10[%dma_wait3A_62, %dma_wait3A_63] : memref<80x128xf32, #tpu.memory_space<vmem>> -> memref<64x128xf32, #tpu.memory_space<vmem>>
        tpu.wait_dma2 semaphore(%run_scoped3A : memref<!tpu.dma_semaphore, #tpu.memory_space<semaphore_mem>>) src(%dma_wait3A_64 : memref<64x128xf32, #tpu.memory_space<vmem>>) dst(%dma_wait3A_61 : memref<64x128xf32, #tpu.memory_space<vmem_shared>>)
        tpu.yield
      }) : () -> ()
    }
    %scan3A_5 = arith.constant 10 : i32
    %barrier3A = arith.constant 0 : index
    tpu.barrier barrier_id(%barrier3A)
    %mul3A_6 = arith.constant 5280 : i32
    %mul3A_7 = arith.muli %arg1, %mul3A_6 : i32
    %mul3A_8 = arith.constant 16 : i32
    %mul3A_9 = arith.muli %arg0, %mul3A_8 : i32
    %add3A = arith.addi %mul3A_9, %arg1 : i32
    %mul3A_10 = arith.constant 66 : i32
    %mul3A_11 = arith.muli %add3A, %mul3A_10 : i32
    %add3A_12 = arith.constant 0 : i32
    %add3A_13 = arith.addi %mul3A_11, %add3A_12 : i32
    "tpu.region"() ({
      %run_scoped3A = tpu.sem_alloc : memref<!tpu.dma_semaphore, #tpu.memory_space<semaphore_mem>>
      %dma_start3A_42 = arith.constant 0 : i32
      %dma_start3A_43 = arith.constant 0 : i32
      %dma_start3A_44 = tpu.memref_slice %arg2[%add3A_13, %dma_start3A_42, %dma_start3A_43] : memref<2112x2x80xi32, #tpu.memory_space<hbm>> -> memref<1x2x80xi32, #tpu.memory_space<hbm>>
      %dma_start3A_45 = tpu.memref_squeeze %dma_start3A_44 : memref<1x2x80xi32, #tpu.memory_space<hbm>> -> memref<2x80xi32, #tpu.memory_space<hbm>>
      %dma_start3A_46 = arith.constant 0 : i32
      %dma_start3A_47 = arith.constant 0 : i32
      %dma_start3A_48 = tpu.memref_slice %arg2[%add3A_13, %dma_start3A_46, %dma_start3A_47] : memref<2112x2x80xi32, #tpu.memory_space<hbm>> -> memref<1x2x80xi32, #tpu.memory_space<hbm>>
      %dma_start3A_49 = tpu.memref_squeeze %dma_start3A_48 : memref<1x2x80xi32, #tpu.memory_space<hbm>> -> memref<2x80xi32, #tpu.memory_space<hbm>>
      tpu.enqueue_dma source(%dma_start3A_49 : memref<2x80xi32, #tpu.memory_space<hbm>>) target(%arg8 : memref<2x80xi32, #tpu.memory_space<vmem>>) target_semaphore(%run_scoped3A : memref<!tpu.dma_semaphore, #tpu.memory_space<semaphore_mem>>)
      %dma_wait3A = arith.constant 0 : i32
      %dma_wait3A_50 = arith.constant 0 : i32
      %dma_wait3A_51 = tpu.memref_slice %arg2[%add3A_13, %dma_wait3A, %dma_wait3A_50] : memref<2112x2x80xi32, #tpu.memory_space<hbm>> -> memref<1x2x80xi32, #tpu.memory_space<hbm>>
      %dma_wait3A_52 = tpu.memref_squeeze %dma_wait3A_51 : memref<1x2x80xi32, #tpu.memory_space<hbm>> -> memref<2x80xi32, #tpu.memory_space<hbm>>
      %dma_wait3A_53 = arith.constant 0 : i32
      %dma_wait3A_54 = arith.constant 0 : i32
      %dma_wait3A_55 = tpu.memref_slice %arg2[%add3A_13, %dma_wait3A_53, %dma_wait3A_54] : memref<2112x2x80xi32, #tpu.memory_space<hbm>> -> memref<1x2x80xi32, #tpu.memory_space<hbm>>
      %dma_wait3A_56 = tpu.memref_squeeze %dma_wait3A_55 : memref<1x2x80xi32, #tpu.memory_space<hbm>> -> memref<2x80xi32, #tpu.memory_space<hbm>>
      tpu.wait_dma2 semaphore(%run_scoped3A : memref<!tpu.dma_semaphore, #tpu.memory_space<semaphore_mem>>) src(%dma_wait3A_56 : memref<2x80xi32, #tpu.memory_space<hbm>>) dst(%arg8 : memref<2x80xi32, #tpu.memory_space<vmem>>)
      tpu.yield
    }) : () -> ()
    %add3A_14 = arith.constant 0 : i32
    %add3A_15 = arith.addi %mul3A_7, %add3A_14 : i32
    %dma_start3A = arith.constant 0 : i32
    %dma_start3A_16 = arith.constant 0 : i32
    %dma_start3A_17 = tpu.memref_slice %arg8[%dma_start3A, %dma_start3A_16] : memref<2x80xi32, #tpu.memory_space<vmem>> -> memref<1x80xi32, #tpu.memory_space<vmem>>
    %dma_start3A_18 = tpu.memref_squeeze %dma_start3A_17 : memref<1x80xi32, #tpu.memory_space<vmem>> -> memref<80xi32, #tpu.memory_space<vmem>>
    %dma_start3A_19 = arith.constant 0 : i32
    %dma_start3A_20 = arith.constant 0 : i32
    %dma_start3A_21 = tpu.memref_slice %arg3[%dma_start3A_19, %dma_start3A_20] : memref<20000x128xf32, #tpu.memory_space<hbm>> -> memref<20000x128xf32, #tpu.memory_space<hbm>>
    tpu.enqueue_indirect_dma source(%dma_start3A_21 : memref<20000x128xf32, #tpu.memory_space<hbm>>) target(%arg10 : memref<80x128xf32, #tpu.memory_space<vmem>>) offsets(%dma_start3A_18 : memref<80xi32, #tpu.memory_space<vmem>>) semaphore(%arg14 : memref<!tpu.dma_semaphore, #tpu.memory_space<semaphore_mem>>)
    %mul3A_22 = arith.constant 84480 : i32
    %mul3A_23 = arith.muli %arg0, %mul3A_22 : i32
    %add3A_24 = arith.addi %mul3A_23, %add3A_15 : i32
    %dma_start3A_25 = arith.constant 0 : i32
    %dma_start3A_26 = tpu.memref_slice %arg4[%add3A_24, %dma_start3A_25] : memref<168960x128xf32, #tpu.memory_space<hbm>> -> memref<80x128xf32, #tpu.memory_space<hbm>>
    %dma_start3A_27 = arith.constant 0 : i32
    %dma_start3A_28 = tpu.memref_slice %arg4[%add3A_24, %dma_start3A_27] : memref<168960x128xf32, #tpu.memory_space<hbm>> -> memref<80x128xf32, #tpu.memory_space<hbm>>
    tpu.enqueue_dma source(%dma_start3A_28 : memref<80x128xf32, #tpu.memory_space<hbm>>) target(%arg11 : memref<80x128xf32, #tpu.memory_space<vmem>>) target_semaphore(%arg15 : memref<!tpu.dma_semaphore, #tpu.memory_space<semaphore_mem>>)
    %scan3A_29 = arith.constant 0 : i32
    %scan3A_30 = arith.constant 0 : i32
    %scan3A_31 = arith.constant 33 : i32
    %scan3A_32 = arith.addi %scan3A_30, %scan3A_31 : i32
    %scan3A_33 = arith.constant 1 : i32
    scf.for %scan3A_42 = %scan3A_30 to %scan3A_32 step %scan3A_33  : i32 {
      %mul3A_43 = arith.constant 2 : i32
      %mul3A_44 = arith.muli %mul3A_43, %scan3A_42 : i32
      %mul3A_45 = arith.constant 2 : i32
      %mul3A_46 = arith.muli %mul3A_45, %scan3A_42 : i32
      %add3A_47 = arith.constant 1 : i32
      %add3A_48 = arith.addi %mul3A_46, %add3A_47 : i32
      %add3A_49 = arith.addi %mul3A_11, %add3A_48 : i32
      "tpu.region"() ({
        %run_scoped3A = tpu.sem_alloc : memref<!tpu.dma_semaphore, #tpu.memory_space<semaphore_mem>>
        %dma_start3A_158 = arith.constant 0 : i32
        %dma_start3A_159 = arith.constant 0 : i32
        %dma_start3A_160 = tpu.memref_slice %arg2[%add3A_49, %dma_start3A_158, %dma_start3A_159] : memref<2112x2x80xi32, #tpu.memory_space<hbm>> -> memref<1x2x80xi32, #tpu.memory_space<hbm>>
        %dma_start3A_161 = tpu.memref_squeeze %dma_start3A_160 : memref<1x2x80xi32, #tpu.memory_space<hbm>> -> memref<2x80xi32, #tpu.memory_space<hbm>>
        %dma_start3A_162 = arith.constant 0 : i32
        %dma_start3A_163 = arith.constant 0 : i32
        %dma_start3A_164 = tpu.memref_slice %arg2[%add3A_49, %dma_start3A_162, %dma_start3A_163] : memref<2112x2x80xi32, #tpu.memory_space<hbm>> -> memref<1x2x80xi32, #tpu.memory_space<hbm>>
        %dma_start3A_165 = tpu.memref_squeeze %dma_start3A_164 : memref<1x2x80xi32, #tpu.memory_space<hbm>> -> memref<2x80xi32, #tpu.memory_space<hbm>>
        tpu.enqueue_dma source(%dma_start3A_165 : memref<2x80xi32, #tpu.memory_space<hbm>>) target(%arg9 : memref<2x80xi32, #tpu.memory_space<vmem>>) target_semaphore(%run_scoped3A : memref<!tpu.dma_semaphore, #tpu.memory_space<semaphore_mem>>)
        %dma_wait3A_166 = arith.constant 0 : i32
        %dma_wait3A_167 = arith.constant 0 : i32
        %dma_wait3A_168 = tpu.memref_slice %arg2[%add3A_49, %dma_wait3A_166, %dma_wait3A_167] : memref<2112x2x80xi32, #tpu.memory_space<hbm>> -> memref<1x2x80xi32, #tpu.memory_space<hbm>>
        %dma_wait3A_169 = tpu.memref_squeeze %dma_wait3A_168 : memref<1x2x80xi32, #tpu.memory_space<hbm>> -> memref<2x80xi32, #tpu.memory_space<hbm>>
        %dma_wait3A_170 = arith.constant 0 : i32
        %dma_wait3A_171 = arith.constant 0 : i32
        %dma_wait3A_172 = tpu.memref_slice %arg2[%add3A_49, %dma_wait3A_170, %dma_wait3A_171] : memref<2112x2x80xi32, #tpu.memory_space<hbm>> -> memref<1x2x80xi32, #tpu.memory_space<hbm>>
        %dma_wait3A_173 = tpu.memref_squeeze %dma_wait3A_172 : memref<1x2x80xi32, #tpu.memory_space<hbm>> -> memref<2x80xi32, #tpu.memory_space<hbm>>
        tpu.wait_dma2 semaphore(%run_scoped3A : memref<!tpu.dma_semaphore, #tpu.memory_space<semaphore_mem>>) src(%dma_wait3A_173 : memref<2x80xi32, #tpu.memory_space<hbm>>) dst(%arg9 : memref<2x80xi32, #tpu.memory_space<vmem>>)
        tpu.yield
      }) : () -> ()
      %mul3A_50 = arith.constant 80 : i32
      %mul3A_51 = arith.muli %add3A_48, %mul3A_50 : i32
      %add3A_52 = arith.addi %mul3A_7, %mul3A_51 : i32
      %dma_start3A_53 = arith.constant 0 : i32
      %dma_start3A_54 = arith.constant 0 : i32
      %dma_start3A_55 = tpu.memref_slice %arg9[%dma_start3A_53, %dma_start3A_54] : memref<2x80xi32, #tpu.memory_space<vmem>> -> memref<1x80xi32, #tpu.memory_space<vmem>>
      %dma_start3A_56 = tpu.memref_squeeze %dma_start3A_55 : memref<1x80xi32, #tpu.memory_space<vmem>> -> memref<80xi32, #tpu.memory_space<vmem>>
      %dma_start3A_57 = arith.constant 0 : i32
      %dma_start3A_58 = arith.constant 0 : i32
      %dma_start3A_59 = tpu.memref_slice %arg3[%dma_start3A_57, %dma_start3A_58] : memref<20000x128xf32, #tpu.memory_space<hbm>> -> memref<20000x128xf32, #tpu.memory_space<hbm>>
      tpu.enqueue_indirect_dma source(%dma_start3A_59 : memref<20000x128xf32, #tpu.memory_space<hbm>>) target(%arg12 : memref<80x128xf32, #tpu.memory_space<vmem>>) offsets(%dma_start3A_56 : memref<80xi32, #tpu.memory_space<vmem>>) semaphore(%arg16 : memref<!tpu.dma_semaphore, #tpu.memory_space<semaphore_mem>>)
      %mul3A_60 = arith.constant 84480 : i32
      %mul3A_61 = arith.muli %arg0, %mul3A_60 : i32
      %add3A_62 = arith.addi %mul3A_61, %add3A_52 : i32
      %dma_start3A_63 = arith.constant 0 : i32
      %dma_start3A_64 = tpu.memref_slice %arg4[%add3A_62, %dma_start3A_63] : memref<168960x128xf32, #tpu.memory_space<hbm>> -> memref<80x128xf32, #tpu.memory_space<hbm>>
      %dma_start3A_65 = arith.constant 0 : i32
      %dma_start3A_66 = tpu.memref_slice %arg4[%add3A_62, %dma_start3A_65] : memref<168960x128xf32, #tpu.memory_space<hbm>> -> memref<80x128xf32, #tpu.memory_space<hbm>>
      tpu.enqueue_dma source(%dma_start3A_66 : memref<80x128xf32, #tpu.memory_space<hbm>>) target(%arg13 : memref<80x128xf32, #tpu.memory_space<vmem>>) target_semaphore(%arg17 : memref<!tpu.dma_semaphore, #tpu.memory_space<semaphore_mem>>)
      %mul3A_67 = arith.constant 80 : i32
      %mul3A_68 = arith.muli %mul3A_44, %mul3A_67 : i32
      %add3A_69 = arith.addi %mul3A_7, %mul3A_68 : i32
      %dma_wait3A = arith.constant 0 : i32
      %dma_wait3A_70 = arith.constant 0 : i32
      %dma_wait3A_71 = tpu.memref_slice %arg8[%dma_wait3A, %dma_wait3A_70] : memref<2x80xi32, #tpu.memory_space<vmem>> -> memref<1x80xi32, #tpu.memory_space<vmem>>
      %dma_wait3A_72 = tpu.memref_squeeze %dma_wait3A_71 : memref<1x80xi32, #tpu.memory_space<vmem>> -> memref<80xi32, #tpu.memory_space<vmem>>
      %dma_wait3A_73 = arith.constant 0 : i32
      %dma_wait3A_74 = arith.constant 0 : i32
      %dma_wait3A_75 = tpu.memref_slice %arg3[%dma_wait3A_73, %dma_wait3A_74] : memref<20000x128xf32, #tpu.memory_space<hbm>> -> memref<20000x128xf32, #tpu.memory_space<hbm>>
      tpu.wait_indirect_dma semaphore(%arg14 : memref<!tpu.dma_semaphore, #tpu.memory_space<semaphore_mem>>) src(%dma_wait3A_75 : memref<20000x128xf32, #tpu.memory_space<hbm>>) dst(%arg10 : memref<80x128xf32, #tpu.memory_space<vmem>>)
      %mul3A_76 = arith.constant 84480 : i32
      %mul3A_77 = arith.muli %arg0, %mul3A_76 : i32
      %add3A_78 = arith.addi %mul3A_77, %add3A_69 : i32
      %dma_wait3A_79 = arith.constant 0 : i32
      %dma_wait3A_80 = tpu.memref_slice %arg4[%add3A_78, %dma_wait3A_79] : memref<168960x128xf32, #tpu.memory_space<hbm>> -> memref<80x128xf32, #tpu.memory_space<hbm>>
      %dma_wait3A_81 = arith.constant 0 : i32
      %dma_wait3A_82 = tpu.memref_slice %arg4[%add3A_78, %dma_wait3A_81] : memref<168960x128xf32, #tpu.memory_space<hbm>> -> memref<80x128xf32, #tpu.memory_space<hbm>>
      tpu.wait_dma2 semaphore(%arg15 : memref<!tpu.dma_semaphore, #tpu.memory_space<semaphore_mem>>) src(%dma_wait3A_82 : memref<80x128xf32, #tpu.memory_space<hbm>>) dst(%arg11 : memref<80x128xf32, #tpu.memory_space<vmem>>)
      %dma_start3A_83 = arith.constant 1 : i32
      %dma_start3A_84 = arith.constant 0 : i32
      %dma_start3A_85 = tpu.memref_slice %arg8[%dma_start3A_83, %dma_start3A_84] : memref<2x80xi32, #tpu.memory_space<vmem>> -> memref<1x80xi32, #tpu.memory_space<vmem>>
      %dma_start3A_86 = tpu.memref_squeeze %dma_start3A_85 : memref<1x80xi32, #tpu.memory_space<vmem>> -> memref<80xi32, #tpu.memory_space<vmem>>
      %dma_start3A_87 = arith.constant 0 : i32
      %dma_start3A_88 = arith.constant 0 : i32
      %dma_start3A_89 = tpu.memref_slice %arg7[%dma_start3A_87, %dma_start3A_88] : memref<10240x128xf32, #tpu.memory_space<vmem_shared>> -> memref<10240x128xf32, #tpu.memory_space<vmem_shared>>
      tpu.enqueue_indirect_dma source(%arg10 : memref<80x128xf32, #tpu.memory_space<vmem>>) target(%dma_start3A_89 : memref<10240x128xf32, #tpu.memory_space<vmem_shared>>) offsets(%dma_start3A_86 : memref<80xi32, #tpu.memory_space<vmem>>) semaphore(%arg18 : memref<!tpu.dma_semaphore, #tpu.memory_space<semaphore_mem>>) {add = true}
      %dma_start3A_90 = arith.constant 1 : i32
      %dma_start3A_91 = arith.constant 0 : i32
      %dma_start3A_92 = tpu.memref_slice %arg8[%dma_start3A_90, %dma_start3A_91] : memref<2x80xi32, #tpu.memory_space<vmem>> -> memref<1x80xi32, #tpu.memory_space<vmem>>
      %dma_start3A_93 = tpu.memref_squeeze %dma_start3A_92 : memref<1x80xi32, #tpu.memory_space<vmem>> -> memref<80xi32, #tpu.memory_space<vmem>>
      %dma_start3A_94 = arith.constant 0 : i32
      %dma_start3A_95 = arith.constant 0 : i32
      %dma_start3A_96 = tpu.memref_slice %arg7[%dma_start3A_94, %dma_start3A_95] : memref<10240x128xf32, #tpu.memory_space<vmem_shared>> -> memref<10240x128xf32, #tpu.memory_space<vmem_shared>>
      tpu.enqueue_indirect_dma source(%arg11 : memref<80x128xf32, #tpu.memory_space<vmem>>) target(%dma_start3A_96 : memref<10240x128xf32, #tpu.memory_space<vmem_shared>>) offsets(%dma_start3A_93 : memref<80xi32, #tpu.memory_space<vmem>>) semaphore(%arg19 : memref<!tpu.dma_semaphore, #tpu.memory_space<semaphore_mem>>) {add = true}
      %dma_wait3A_97 = arith.constant 1 : i32
      %dma_wait3A_98 = arith.constant 0 : i32
      %dma_wait3A_99 = tpu.memref_slice %arg8[%dma_wait3A_97, %dma_wait3A_98] : memref<2x80xi32, #tpu.memory_space<vmem>> -> memref<1x80xi32, #tpu.memory_space<vmem>>
      %dma_wait3A_100 = tpu.memref_squeeze %dma_wait3A_99 : memref<1x80xi32, #tpu.memory_space<vmem>> -> memref<80xi32, #tpu.memory_space<vmem>>
      %dma_wait3A_101 = arith.constant 0 : i32
      %dma_wait3A_102 = arith.constant 0 : i32
      %dma_wait3A_103 = tpu.memref_slice %arg7[%dma_wait3A_101, %dma_wait3A_102] : memref<10240x128xf32, #tpu.memory_space<vmem_shared>> -> memref<10240x128xf32, #tpu.memory_space<vmem_shared>>
      tpu.wait_indirect_dma semaphore(%arg18 : memref<!tpu.dma_semaphore, #tpu.memory_space<semaphore_mem>>) src(%arg10 : memref<80x128xf32, #tpu.memory_space<vmem>>) dst(%dma_wait3A_103 : memref<10240x128xf32, #tpu.memory_space<vmem_shared>>)
      %dma_wait3A_104 = arith.constant 1 : i32
      %dma_wait3A_105 = arith.constant 0 : i32
      %dma_wait3A_106 = tpu.memref_slice %arg8[%dma_wait3A_104, %dma_wait3A_105] : memref<2x80xi32, #tpu.memory_space<vmem>> -> memref<1x80xi32, #tpu.memory_space<vmem>>
      %dma_wait3A_107 = tpu.memref_squeeze %dma_wait3A_106 : memref<1x80xi32, #tpu.memory_space<vmem>> -> memref<80xi32, #tpu.memory_space<vmem>>
      %dma_wait3A_108 = arith.constant 0 : i32
      %dma_wait3A_109 = arith.constant 0 : i32
      %dma_wait3A_110 = tpu.memref_slice %arg7[%dma_wait3A_108, %dma_wait3A_109] : memref<10240x128xf32, #tpu.memory_space<vmem_shared>> -> memref<10240x128xf32, #tpu.memory_space<vmem_shared>>
      tpu.wait_indirect_dma semaphore(%arg19 : memref<!tpu.dma_semaphore, #tpu.memory_space<semaphore_mem>>) src(%arg11 : memref<80x128xf32, #tpu.memory_space<vmem>>) dst(%dma_wait3A_110 : memref<10240x128xf32, #tpu.memory_space<vmem_shared>>)
      %lt3A = arith.constant 32 : i32
      %lt3A_111 = arith.cmpi slt, %scan3A_42, %lt3A : i32
      %convert_element_type3A = arith.extui %lt3A_111 : i1 to i32
      %cond3A = arith.constant 0 : i32
      %cond3A_112 = arith.cmpi ne, %convert_element_type3A, %cond3A : i32
      scf.if %cond3A_112 {
        %add3A_158 = arith.constant 2 : i32
        %add3A_159 = arith.addi %mul3A_44, %add3A_158 : i32
        %add3A_160 = arith.addi %mul3A_11, %add3A_159 : i32
        "tpu.region"() ({
          %run_scoped3A = tpu.sem_alloc : memref<!tpu.dma_semaphore, #tpu.memory_space<semaphore_mem>>
          %dma_start3A_180 = arith.constant 0 : i32
          %dma_start3A_181 = arith.constant 0 : i32
          %dma_start3A_182 = tpu.memref_slice %arg2[%add3A_160, %dma_start3A_180, %dma_start3A_181] : memref<2112x2x80xi32, #tpu.memory_space<hbm>> -> memref<1x2x80xi32, #tpu.memory_space<hbm>>
          %dma_start3A_183 = tpu.memref_squeeze %dma_start3A_182 : memref<1x2x80xi32, #tpu.memory_space<hbm>> -> memref<2x80xi32, #tpu.memory_space<hbm>>
          %dma_start3A_184 = arith.constant 0 : i32
          %dma_start3A_185 = arith.constant 0 : i32
          %dma_start3A_186 = tpu.memref_slice %arg2[%add3A_160, %dma_start3A_184, %dma_start3A_185] : memref<2112x2x80xi32, #tpu.memory_space<hbm>> -> memref<1x2x80xi32, #tpu.memory_space<hbm>>
          %dma_start3A_187 = tpu.memref_squeeze %dma_start3A_186 : memref<1x2x80xi32, #tpu.memory_space<hbm>> -> memref<2x80xi32, #tpu.memory_space<hbm>>
          tpu.enqueue_dma source(%dma_start3A_187 : memref<2x80xi32, #tpu.memory_space<hbm>>) target(%arg8 : memref<2x80xi32, #tpu.memory_space<vmem>>) target_semaphore(%run_scoped3A : memref<!tpu.dma_semaphore, #tpu.memory_space<semaphore_mem>>)
          %dma_wait3A_188 = arith.constant 0 : i32
          %dma_wait3A_189 = arith.constant 0 : i32
          %dma_wait3A_190 = tpu.memref_slice %arg2[%add3A_160, %dma_wait3A_188, %dma_wait3A_189] : memref<2112x2x80xi32, #tpu.memory_space<hbm>> -> memref<1x2x80xi32, #tpu.memory_space<hbm>>
          %dma_wait3A_191 = tpu.memref_squeeze %dma_wait3A_190 : memref<1x2x80xi32, #tpu.memory_space<hbm>> -> memref<2x80xi32, #tpu.memory_space<hbm>>
          %dma_wait3A_192 = arith.constant 0 : i32
          %dma_wait3A_193 = arith.constant 0 : i32
          %dma_wait3A_194 = tpu.memref_slice %arg2[%add3A_160, %dma_wait3A_192, %dma_wait3A_193] : memref<2112x2x80xi32, #tpu.memory_space<hbm>> -> memref<1x2x80xi32, #tpu.memory_space<hbm>>
          %dma_wait3A_195 = tpu.memref_squeeze %dma_wait3A_194 : memref<1x2x80xi32, #tpu.memory_space<hbm>> -> memref<2x80xi32, #tpu.memory_space<hbm>>
          tpu.wait_dma2 semaphore(%run_scoped3A : memref<!tpu.dma_semaphore, #tpu.memory_space<semaphore_mem>>) src(%dma_wait3A_195 : memref<2x80xi32, #tpu.memory_space<hbm>>) dst(%arg8 : memref<2x80xi32, #tpu.memory_space<vmem>>)
          tpu.yield
        }) : () -> ()
        %add3A_161 = arith.constant 2 : i32
        %add3A_162 = arith.addi %mul3A_44, %add3A_161 : i32
        %mul3A_163 = arith.constant 80 : i32
        %mul3A_164 = arith.muli %add3A_162, %mul3A_163 : i32
        %add3A_165 = arith.addi %mul3A_7, %mul3A_164 : i32
        %dma_start3A_166 = arith.constant 0 : i32
        %dma_start3A_167 = arith.constant 0 : i32
        %dma_start3A_168 = tpu.memref_slice %arg8[%dma_start3A_166, %dma_start3A_167] : memref<2x80xi32, #tpu.memory_space<vmem>> -> memref<1x80xi32, #tpu.memory_space<vmem>>
        %dma_start3A_169 = tpu.memref_squeeze %dma_start3A_168 : memref<1x80xi32, #tpu.memory_space<vmem>> -> memref<80xi32, #tpu.memory_space<vmem>>
        %dma_start3A_170 = arith.constant 0 : i32
        %dma_start3A_171 = arith.constant 0 : i32
        %dma_start3A_172 = tpu.memref_slice %arg3[%dma_start3A_170, %dma_start3A_171] : memref<20000x128xf32, #tpu.memory_space<hbm>> -> memref<20000x128xf32, #tpu.memory_space<hbm>>
        tpu.enqueue_indirect_dma source(%dma_start3A_172 : memref<20000x128xf32, #tpu.memory_space<hbm>>) target(%arg10 : memref<80x128xf32, #tpu.memory_space<vmem>>) offsets(%dma_start3A_169 : memref<80xi32, #tpu.memory_space<vmem>>) semaphore(%arg14 : memref<!tpu.dma_semaphore, #tpu.memory_space<semaphore_mem>>)
        %mul3A_173 = arith.constant 84480 : i32
        %mul3A_174 = arith.muli %arg0, %mul3A_173 : i32
        %add3A_175 = arith.addi %mul3A_174, %add3A_165 : i32
        %dma_start3A_176 = arith.constant 0 : i32
        %dma_start3A_177 = tpu.memref_slice %arg4[%add3A_175, %dma_start3A_176] : memref<168960x128xf32, #tpu.memory_space<hbm>> -> memref<80x128xf32, #tpu.memory_space<hbm>>
        %dma_start3A_178 = arith.constant 0 : i32
        %dma_start3A_179 = tpu.memref_slice %arg4[%add3A_175, %dma_start3A_178] : memref<168960x128xf32, #tpu.memory_space<hbm>> -> memref<80x128xf32, #tpu.memory_space<hbm>>
        tpu.enqueue_dma source(%dma_start3A_179 : memref<80x128xf32, #tpu.memory_space<hbm>>) target(%arg11 : memref<80x128xf32, #tpu.memory_space<vmem>>) target_semaphore(%arg15 : memref<!tpu.dma_semaphore, #tpu.memory_space<semaphore_mem>>)
      } else {
      }
      %mul3A_113 = arith.constant 80 : i32
      %mul3A_114 = arith.muli %add3A_48, %mul3A_113 : i32
      %add3A_115 = arith.addi %mul3A_7, %mul3A_114 : i32
      %dma_wait3A_116 = arith.constant 0 : i32
      %dma_wait3A_117 = arith.constant 0 : i32
      %dma_wait3A_118 = tpu.memref_slice %arg9[%dma_wait3A_116, %dma_wait3A_117] : memref<2x80xi32, #tpu.memory_space<vmem>> -> memref<1x80xi32, #tpu.memory_space<vmem>>
      %dma_wait3A_119 = tpu.memref_squeeze %dma_wait3A_118 : memref<1x80xi32, #tpu.memory_space<vmem>> -> memref<80xi32, #tpu.memory_space<vmem>>
      %dma_wait3A_120 = arith.constant 0 : i32
      %dma_wait3A_121 = arith.constant 0 : i32
      %dma_wait3A_122 = tpu.memref_slice %arg3[%dma_wait3A_120, %dma_wait3A_121] : memref<20000x128xf32, #tpu.memory_space<hbm>> -> memref<20000x128xf32, #tpu.memory_space<hbm>>
      tpu.wait_indirect_dma semaphore(%arg16 : memref<!tpu.dma_semaphore, #tpu.memory_space<semaphore_mem>>) src(%dma_wait3A_122 : memref<20000x128xf32, #tpu.memory_space<hbm>>) dst(%arg12 : memref<80x128xf32, #tpu.memory_space<vmem>>)
      %mul3A_123 = arith.constant 84480 : i32
      %mul3A_124 = arith.muli %arg0, %mul3A_123 : i32
      %add3A_125 = arith.addi %mul3A_124, %add3A_115 : i32
      %dma_wait3A_126 = arith.constant 0 : i32
      %dma_wait3A_127 = tpu.memref_slice %arg4[%add3A_125, %dma_wait3A_126] : memref<168960x128xf32, #tpu.memory_space<hbm>> -> memref<80x128xf32, #tpu.memory_space<hbm>>
      %dma_wait3A_128 = arith.constant 0 : i32
      %dma_wait3A_129 = tpu.memref_slice %arg4[%add3A_125, %dma_wait3A_128] : memref<168960x128xf32, #tpu.memory_space<hbm>> -> memref<80x128xf32, #tpu.memory_space<hbm>>
      tpu.wait_dma2 semaphore(%arg17 : memref<!tpu.dma_semaphore, #tpu.memory_space<semaphore_mem>>) src(%dma_wait3A_129 : memref<80x128xf32, #tpu.memory_space<hbm>>) dst(%arg13 : memref<80x128xf32, #tpu.memory_space<vmem>>)
      %dma_start3A_130 = arith.constant 1 : i32
      %dma_start3A_131 = arith.constant 0 : i32
      %dma_start3A_132 = tpu.memref_slice %arg9[%dma_start3A_130, %dma_start3A_131] : memref<2x80xi32, #tpu.memory_space<vmem>> -> memref<1x80xi32, #tpu.memory_space<vmem>>
      %dma_start3A_133 = tpu.memref_squeeze %dma_start3A_132 : memref<1x80xi32, #tpu.memory_space<vmem>> -> memref<80xi32, #tpu.memory_space<vmem>>
      %dma_start3A_134 = arith.constant 0 : i32
      %dma_start3A_135 = arith.constant 0 : i32
      %dma_start3A_136 = tpu.memref_slice %arg7[%dma_start3A_134, %dma_start3A_135] : memref<10240x128xf32, #tpu.memory_space<vmem_shared>> -> memref<10240x128xf32, #tpu.memory_space<vmem_shared>>
      tpu.enqueue_indirect_dma source(%arg12 : memref<80x128xf32, #tpu.memory_space<vmem>>) target(%dma_start3A_136 : memref<10240x128xf32, #tpu.memory_space<vmem_shared>>) offsets(%dma_start3A_133 : memref<80xi32, #tpu.memory_space<vmem>>) semaphore(%arg18 : memref<!tpu.dma_semaphore, #tpu.memory_space<semaphore_mem>>) {add = true}
      %dma_start3A_137 = arith.constant 1 : i32
      %dma_start3A_138 = arith.constant 0 : i32
      %dma_start3A_139 = tpu.memref_slice %arg9[%dma_start3A_137, %dma_start3A_138] : memref<2x80xi32, #tpu.memory_space<vmem>> -> memref<1x80xi32, #tpu.memory_space<vmem>>
      %dma_start3A_140 = tpu.memref_squeeze %dma_start3A_139 : memref<1x80xi32, #tpu.memory_space<vmem>> -> memref<80xi32, #tpu.memory_space<vmem>>
      %dma_start3A_141 = arith.constant 0 : i32
      %dma_start3A_142 = arith.constant 0 : i32
      %dma_start3A_143 = tpu.memref_slice %arg7[%dma_start3A_141, %dma_start3A_142] : memref<10240x128xf32, #tpu.memory_space<vmem_shared>> -> memref<10240x128xf32, #tpu.memory_space<vmem_shared>>
      tpu.enqueue_indirect_dma source(%arg13 : memref<80x128xf32, #tpu.memory_space<vmem>>) target(%dma_start3A_143 : memref<10240x128xf32, #tpu.memory_space<vmem_shared>>) offsets(%dma_start3A_140 : memref<80xi32, #tpu.memory_space<vmem>>) semaphore(%arg19 : memref<!tpu.dma_semaphore, #tpu.memory_space<semaphore_mem>>) {add = true}
      %dma_wait3A_144 = arith.constant 1 : i32
      %dma_wait3A_145 = arith.constant 0 : i32
      %dma_wait3A_146 = tpu.memref_slice %arg9[%dma_wait3A_144, %dma_wait3A_145] : memref<2x80xi32, #tpu.memory_space<vmem>> -> memref<1x80xi32, #tpu.memory_space<vmem>>
      %dma_wait3A_147 = tpu.memref_squeeze %dma_wait3A_146 : memref<1x80xi32, #tpu.memory_space<vmem>> -> memref<80xi32, #tpu.memory_space<vmem>>
      %dma_wait3A_148 = arith.constant 0 : i32
      %dma_wait3A_149 = arith.constant 0 : i32
      %dma_wait3A_150 = tpu.memref_slice %arg7[%dma_wait3A_148, %dma_wait3A_149] : memref<10240x128xf32, #tpu.memory_space<vmem_shared>> -> memref<10240x128xf32, #tpu.memory_space<vmem_shared>>
      tpu.wait_indirect_dma semaphore(%arg18 : memref<!tpu.dma_semaphore, #tpu.memory_space<semaphore_mem>>) src(%arg12 : memref<80x128xf32, #tpu.memory_space<vmem>>) dst(%dma_wait3A_150 : memref<10240x128xf32, #tpu.memory_space<vmem_shared>>)
      %dma_wait3A_151 = arith.constant 1 : i32
      %dma_wait3A_152 = arith.constant 0 : i32
      %dma_wait3A_153 = tpu.memref_slice %arg9[%dma_wait3A_151, %dma_wait3A_152] : memref<2x80xi32, #tpu.memory_space<vmem>> -> memref<1x80xi32, #tpu.memory_space<vmem>>
      %dma_wait3A_154 = tpu.memref_squeeze %dma_wait3A_153 : memref<1x80xi32, #tpu.memory_space<vmem>> -> memref<80xi32, #tpu.memory_space<vmem>>
      %dma_wait3A_155 = arith.constant 0 : i32
      %dma_wait3A_156 = arith.constant 0 : i32
      %dma_wait3A_157 = tpu.memref_slice %arg7[%dma_wait3A_155, %dma_wait3A_156] : memref<10240x128xf32, #tpu.memory_space<vmem_shared>> -> memref<10240x128xf32, #tpu.memory_space<vmem_shared>>
      tpu.wait_indirect_dma semaphore(%arg19 : memref<!tpu.dma_semaphore, #tpu.memory_space<semaphore_mem>>) src(%arg13 : memref<80x128xf32, #tpu.memory_space<vmem>>) dst(%dma_wait3A_157 : memref<10240x128xf32, #tpu.memory_space<vmem_shared>>)
    }
    %scan3A_34 = arith.constant 33 : i32
    %barrier3A_35 = arith.constant 0 : index
    tpu.barrier barrier_id(%barrier3A_35)
    %scan3A_36 = arith.constant 0 : i32
    %scan3A_37 = arith.constant 0 : i32
    %scan3A_38 = arith.constant 10 : i32
    %scan3A_39 = arith.addi %scan3A_37, %scan3A_38 : i32
    %scan3A_40 = arith.constant 1 : i32
    scf.for %scan3A_42 = %scan3A_37 to %scan3A_39 step %scan3A_40  : i32 {
      %mul3A_43 = arith.constant 64 : i32
      %mul3A_44 = arith.muli %scan3A_42, %mul3A_43 : i32
      %add3A_45 = arith.addi %mul3A_0, %mul3A_44 : i32
      "tpu.region"() ({
        %run_scoped3A = tpu.sem_alloc : memref<!tpu.dma_semaphore, #tpu.memory_space<semaphore_mem>>
        %dma_start3A_49 = arith.constant 0 : i32
        %dma_start3A_50 = arith.constant 0 : i32
        %dma_start3A_51 = tpu.memref_slice %arg10[%dma_start3A_49, %dma_start3A_50] : memref<80x128xf32, #tpu.memory_space<vmem>> -> memref<64x128xf32, #tpu.memory_space<vmem>>
        %dma_start3A_52 = arith.constant 0 : i32
        %dma_start3A_53 = tpu.memref_slice %arg7[%add3A_45, %dma_start3A_52] : memref<10240x128xf32, #tpu.memory_space<vmem_shared>> -> memref<64x128xf32, #tpu.memory_space<vmem_shared>>
        %dma_start3A_54 = arith.constant 0 : i32
        %dma_start3A_55 = arith.constant 0 : i32
        %dma_start3A_56 = tpu.memref_slice %arg10[%dma_start3A_54, %dma_start3A_55] : memref<80x128xf32, #tpu.memory_space<vmem>> -> memref<64x128xf32, #tpu.memory_space<vmem>>
        %dma_start3A_57 = arith.constant 0 : i32
        %dma_start3A_58 = tpu.memref_slice %arg7[%add3A_45, %dma_start3A_57] : memref<10240x128xf32, #tpu.memory_space<vmem_shared>> -> memref<64x128xf32, #tpu.memory_space<vmem_shared>>
        tpu.enqueue_dma source(%dma_start3A_58 : memref<64x128xf32, #tpu.memory_space<vmem_shared>>) target(%dma_start3A_56 : memref<64x128xf32, #tpu.memory_space<vmem>>) target_semaphore(%run_scoped3A : memref<!tpu.dma_semaphore, #tpu.memory_space<semaphore_mem>>)
        %dma_wait3A = arith.constant 0 : i32
        %dma_wait3A_59 = arith.constant 0 : i32
        %dma_wait3A_60 = tpu.memref_slice %arg10[%dma_wait3A, %dma_wait3A_59] : memref<80x128xf32, #tpu.memory_space<vmem>> -> memref<64x128xf32, #tpu.memory_space<vmem>>
        %dma_wait3A_61 = arith.constant 0 : i32
        %dma_wait3A_62 = tpu.memref_slice %arg7[%add3A_45, %dma_wait3A_61] : memref<10240x128xf32, #tpu.memory_space<vmem_shared>> -> memref<64x128xf32, #tpu.memory_space<vmem_shared>>
        %dma_wait3A_63 = arith.constant 0 : i32
        %dma_wait3A_64 = arith.constant 0 : i32
        %dma_wait3A_65 = tpu.memref_slice %arg10[%dma_wait3A_63, %dma_wait3A_64] : memref<80x128xf32, #tpu.memory_space<vmem>> -> memref<64x128xf32, #tpu.memory_space<vmem>>
        %dma_wait3A_66 = arith.constant 0 : i32
        %dma_wait3A_67 = tpu.memref_slice %arg7[%add3A_45, %dma_wait3A_66] : memref<10240x128xf32, #tpu.memory_space<vmem_shared>> -> memref<64x128xf32, #tpu.memory_space<vmem_shared>>
        tpu.wait_dma2 semaphore(%run_scoped3A : memref<!tpu.dma_semaphore, #tpu.memory_space<semaphore_mem>>) src(%dma_wait3A_67 : memref<64x128xf32, #tpu.memory_space<vmem_shared>>) dst(%dma_wait3A_65 : memref<64x128xf32, #tpu.memory_space<vmem>>)
        tpu.yield
      }) : () -> ()
      %mul3A_46 = arith.constant 10240 : i32
      %mul3A_47 = arith.muli %arg0, %mul3A_46 : i32
      %add3A_48 = arith.addi %mul3A_47, %add3A_45 : i32
      "tpu.region"() ({
        %run_scoped3A = tpu.sem_alloc : memref<!tpu.dma_semaphore, #tpu.memory_space<semaphore_mem>>
        %dma_start3A_49 = arith.constant 0 : i32
        %dma_start3A_50 = arith.constant 0 : i32
        %dma_start3A_51 = tpu.memref_slice %arg10[%dma_start3A_49, %dma_start3A_50] : memref<80x128xf32, #tpu.memory_space<vmem>> -> memref<64x128xf32, #tpu.memory_space<vmem>>
        %dma_start3A_52 = arith.constant 0 : i32
        %dma_start3A_53 = tpu.memref_slice %arg6[%add3A_48, %dma_start3A_52] : memref<20480x128xf32, #tpu.memory_space<hbm>> -> memref<64x128xf32, #tpu.memory_space<hbm>>
        %dma_start3A_54 = arith.constant 0 : i32
        %dma_start3A_55 = tpu.memref_slice %arg6[%add3A_48, %dma_start3A_54] : memref<20480x128xf32, #tpu.memory_space<hbm>> -> memref<64x128xf32, #tpu.memory_space<hbm>>
        %dma_start3A_56 = arith.constant 0 : i32
        %dma_start3A_57 = arith.constant 0 : i32
        %dma_start3A_58 = tpu.memref_slice %arg10[%dma_start3A_56, %dma_start3A_57] : memref<80x128xf32, #tpu.memory_space<vmem>> -> memref<64x128xf32, #tpu.memory_space<vmem>>
        tpu.enqueue_dma source(%dma_start3A_58 : memref<64x128xf32, #tpu.memory_space<vmem>>) target(%dma_start3A_55 : memref<64x128xf32, #tpu.memory_space<hbm>>) target_semaphore(%run_scoped3A : memref<!tpu.dma_semaphore, #tpu.memory_space<semaphore_mem>>)
        %dma_wait3A = arith.constant 0 : i32
        %dma_wait3A_59 = arith.constant 0 : i32
        %dma_wait3A_60 = tpu.memref_slice %arg10[%dma_wait3A, %dma_wait3A_59] : memref<80x128xf32, #tpu.memory_space<vmem>> -> memref<64x128xf32, #tpu.memory_space<vmem>>
        %dma_wait3A_61 = arith.constant 0 : i32
        %dma_wait3A_62 = tpu.memref_slice %arg6[%add3A_48, %dma_wait3A_61] : memref<20480x128xf32, #tpu.memory_space<hbm>> -> memref<64x128xf32, #tpu.memory_space<hbm>>
        %dma_wait3A_63 = arith.constant 0 : i32
        %dma_wait3A_64 = tpu.memref_slice %arg6[%add3A_48, %dma_wait3A_63] : memref<20480x128xf32, #tpu.memory_space<hbm>> -> memref<64x128xf32, #tpu.memory_space<hbm>>
        %dma_wait3A_65 = arith.constant 0 : i32
        %dma_wait3A_66 = arith.constant 0 : i32
        %dma_wait3A_67 = tpu.memref_slice %arg10[%dma_wait3A_65, %dma_wait3A_66] : memref<80x128xf32, #tpu.memory_space<vmem>> -> memref<64x128xf32, #tpu.memory_space<vmem>>
        tpu.wait_dma2 semaphore(%run_scoped3A : memref<!tpu.dma_semaphore, #tpu.memory_space<semaphore_mem>>) src(%dma_wait3A_67 : memref<64x128xf32, #tpu.memory_space<vmem>>) dst(%dma_wait3A_64 : memref<64x128xf32, #tpu.memory_space<hbm>>)
        tpu.yield
      }) : () -> ()
    }
    %scan3A_41 = arith.constant 10 : i32
    return
  }
}

module attributes {stable_mosaic.version = 14 : i64} {
  func.func @_node_stage_body(%arg0: i32, %arg1: memref<400x128xf32, #tpu.memory_space<vmem>>, %arg2: memref<2x1x400x128xf32, #tpu.memory_space<vmem>>) attributes {dimension_semantics = [#tpu.dimension_semantics<arbitrary>], iteration_bounds = array<i64: 25>, scalar_prefetch = 0 : i64, scratch_operands = 0 : i64, tpu.core_type = #tpu.core_type<tc>, window_params = [{transform_indices = @transform_0, window_bounds = array<i64: 400, 128>}, {transform_indices = @transform_1, window_bounds = array<i64: 2, 1, 400, 128>}]} {
    %get3A = arith.constant 0 : index
    %get3A_0 = arith.constant 0 : index
    %get3A_1 = vector.load %arg1[%get3A, %get3A_0] : memref<400x128xf32, #tpu.memory_space<vmem>>, vector<400x128xf32>
    %abs3A = math.absf %get3A_1 : vector<400x128xf32>
    %log3A = math.log %abs3A : vector<400x128xf32>
    %lt3A = arith.constant 0.000000e+00 : f32
    %lt3A_2 = vector.broadcast %lt3A : f32 to vector<400x128xf32>
    %lt3A_3 = arith.cmpf olt, %get3A_1, %lt3A_2 : vector<400x128xf32>
    %jit3A = arith.constant 1.000000e+00 : f32
    %jit3A_4 = arith.constant 0.000000e+00 : f32
    %broadcast_in_dim3A = vector.broadcast %jit3A : f32 to vector<400x128xf32>
    %broadcast_in_dim3A_5 = vector.broadcast %jit3A_4 : f32 to vector<400x128xf32>
    %select_n3A = arith.select %lt3A_3, %broadcast_in_dim3A, %broadcast_in_dim3A_5 : vector<400x128xi1>, vector<400x128xf32>
    %slice3A = vector.extract_strided_slice %log3A {offsets = [0, 0], sizes = [400, 64], strides = [1, 1]} : vector<400x128xf32> to vector<400x64xf32>
    %slice3A_6 = vector.extract_strided_slice %select_n3A {offsets = [0, 0], sizes = [400, 64], strides = [1, 1]} : vector<400x128xf32> to vector<400x64xf32>
    %concatenate3A = tpu.concatenate %slice3A, %slice3A_6 in 1 : vector<400x64xf32>, vector<400x64xf32> -> vector<400x128xf32>
    %swap3A = arith.constant 0 : index
    %swap3A_7 = arith.constant 0 : index
    %swap3A_8 = arith.constant 0 : index
    %swap3A_9 = arith.constant 0 : index
    %swap3A_10 = vector.load %arg2[%swap3A, %swap3A_7, %swap3A_8, %swap3A_9] : memref<2x1x400x128xf32, #tpu.memory_space<vmem>>, vector<1x1x400x128xf32>
    %swap3A_11 = vector.shape_cast %swap3A_10 : vector<1x1x400x128xf32> to vector<400x128xf32>
    %swap3A_12 = vector.shape_cast %concatenate3A : vector<400x128xf32> to vector<1x1x400x128xf32>
    tpu.vector_store %arg2[%swap3A, %swap3A_7, %swap3A_8, %swap3A_9], %swap3A_12 {strides = array<i32>} : memref<2x1x400x128xf32, #tpu.memory_space<vmem>>, vector<1x1x400x128xf32>,
    %slice3A_13 = vector.extract_strided_slice %log3A {offsets = [0, 64], sizes = [400, 64], strides = [1, 1]} : vector<400x128xf32> to vector<400x64xf32>
    %slice3A_14 = vector.extract_strided_slice %select_n3A {offsets = [0, 64], sizes = [400, 64], strides = [1, 1]} : vector<400x128xf32> to vector<400x64xf32>
    %concatenate3A_15 = tpu.concatenate %slice3A_13, %slice3A_14 in 1 : vector<400x64xf32>, vector<400x64xf32> -> vector<400x128xf32>
    %swap3A_16 = arith.constant 1 : index
    %swap3A_17 = arith.constant 0 : index
    %swap3A_18 = arith.constant 0 : index
    %swap3A_19 = arith.constant 0 : index
    %swap3A_20 = vector.load %arg2[%swap3A_16, %swap3A_17, %swap3A_18, %swap3A_19] : memref<2x1x400x128xf32, #tpu.memory_space<vmem>>, vector<1x1x400x128xf32>
    %swap3A_21 = vector.shape_cast %swap3A_20 : vector<1x1x400x128xf32> to vector<400x128xf32>
    %swap3A_22 = vector.shape_cast %concatenate3A_15 : vector<400x128xf32> to vector<1x1x400x128xf32>
    tpu.vector_store %arg2[%swap3A_16, %swap3A_17, %swap3A_18, %swap3A_19], %swap3A_22 {strides = array<i32>} : memref<2x1x400x128xf32, #tpu.memory_space<vmem>>, vector<1x1x400x128xf32>,
    return
  }
  func.func @transform_0(%arg0: i32) -> (i32, i32) {
    %c0_i32 = arith.constant 0 : i32
    %c0_i32_0 = arith.constant 0 : i32
    return %arg0, %c0_i32 : i32, i32
  }
  func.func @transform_1(%arg0: i32) -> (i32, i32, i32, i32) {
    %c0_i32 = arith.constant 0 : i32
    %c0_i32_0 = arith.constant 0 : i32
    %c0_i32_1 = arith.constant 0 : i32
    %c0_i32_2 = arith.constant 0 : i32
    return %c0_i32, %arg0, %c0_i32_0, %c0_i32_1 : i32, i32, i32, i32
  }
}

module attributes {stable_mosaic.version = 14 : i64} {
  func.func @_edge_stage_body(%arg0: i32, %arg1: memref<1x1x2560xf32, #tpu.memory_space<vmem>>, %arg2: memref<2560x128xf32, #tpu.memory_space<vmem>>, %arg3: memref<128x128xf32, #tpu.memory_space<vmem>>, %arg4: memref<1x128xf32, #tpu.memory_space<vmem>>, %arg5: memref<128x128xf32, #tpu.memory_space<vmem>>, %arg6: memref<1x128xf32, #tpu.memory_space<vmem>>, %arg7: memref<2x1x2560x128xf32, #tpu.memory_space<vmem>>) attributes {dimension_semantics = [#tpu.dimension_semantics<arbitrary>], iteration_bounds = array<i64: 10>, scalar_prefetch = 0 : i64, scratch_operands = 0 : i64, tpu.core_type = #tpu.core_type<tc>, window_params = [{transform_indices = @transform_0, window_bounds = array<i64: 1, 1, 2560>}, {transform_indices = @transform_1, window_bounds = array<i64: 2560, 128>}, {pipeline_mode = #tpu.pipeline_mode<synchronous>, transform_indices = @transform_2, window_bounds = array<i64: 128, 128>}, {pipeline_mode = #tpu.pipeline_mode<synchronous>, transform_indices = @transform_3, window_bounds = array<i64: 1, 128>}, {pipeline_mode = #tpu.pipeline_mode<synchronous>, transform_indices = @transform_4, window_bounds = array<i64: 128, 128>}, {pipeline_mode = #tpu.pipeline_mode<synchronous>, transform_indices = @transform_5, window_bounds = array<i64: 1, 128>}, {transform_indices = @transform_6, window_bounds = array<i64: 2, 1, 2560, 128>}]} {
    %get3A = arith.constant 0 : index
    %get3A_0 = arith.constant 0 : index
    %get3A_1 = arith.constant 0 : index
    %get3A_2 = vector.load %arg1[%get3A, %get3A_0, %get3A_1] : memref<1x1x2560xf32, #tpu.memory_space<vmem>>, vector<1x1x2560xf32>
    %get3A_3 = vector.shape_cast %get3A_2 : vector<1x1x2560xf32> to vector<2560xf32>
    %iota3A = tpu.iota {dimensions = array<i32: 1>} : vector<1x128xi32>
    %convert_element_type3A = arith.sitofp %iota3A : vector<1x128xi32> to vector<1x128xf32>
    %mul3A = arith.constant 0.00787401571 : f32
    %mul3A_4 = vector.broadcast %mul3A : f32 to vector<1x128xf32>
    %mul3A_5 = arith.mulf %convert_element_type3A, %mul3A_4 : vector<1x128xf32>
    %broadcast_in_dim3A = vector.shape_cast %get3A_3 : vector<2560xf32> to vector<2560x1xf32>
    %sub3A = vector.broadcast %broadcast_in_dim3A : vector<2560x1xf32> to vector<2560x128xf32>
    %sub3A_6 = vector.broadcast %mul3A_5 : vector<1x128xf32> to vector<2560x128xf32>
    %sub3A_7 = arith.subf %sub3A, %sub3A_6 : vector<2560x128xf32>
    %integer_pow3A = arith.mulf %sub3A_7, %sub3A_7 : vector<2560x128xf32>
    %mul3A_8 = arith.constant -1.280000e+02 : f32
    %mul3A_9 = vector.broadcast %mul3A_8 : f32 to vector<2560x128xf32>
    %mul3A_10 = arith.mulf %mul3A_9, %integer_pow3A : vector<2560x128xf32>
    %exp3A = math.exp %mul3A_10 : vector<2560x128xf32>
    %get3A_11 = arith.constant 0 : index
    %get3A_12 = arith.constant 0 : index
    %get3A_13 = vector.load %arg3[%get3A_11, %get3A_12] : memref<128x128xf32, #tpu.memory_space<vmem>>, vector<128x128xf32>
    %dot_general3A = arith.constant dense<0.000000e+00> : vector<2560x128xf32>
    %dot_general3A_14 = tpu.matmul %exp3A, %get3A_13, %dot_general3A {dimension_numbers = #tpu.dot_dimension_numbers<[1], [0], [0], [1], [0, 0, 1, 1], [], []>, transpose_lhs_hint = false} : vector<2560x128xf32>, vector<128x128xf32>, vector<2560x128xf32> -> vector<2560x128xf32>
    %get3A_15 = arith.constant 0 : index
    %get3A_16 = arith.constant 0 : index
    %get3A_17 = vector.load %arg4[%get3A_15, %get3A_16] : memref<1x128xf32, #tpu.memory_space<vmem>>, vector<1x128xf32>
    %get3A_18 = vector.shape_cast %get3A_17 : vector<1x128xf32> to vector<128xf32>
    %broadcast_in_dim3A_19 = vector.shape_cast %get3A_18 : vector<128xf32> to vector<1x128xf32>
    %add3A = vector.broadcast %broadcast_in_dim3A_19 : vector<1x128xf32> to vector<2560x128xf32>
    %add3A_20 = arith.addf %dot_general3A_14, %add3A : vector<2560x128xf32>
    %max3A = arith.constant 0.000000e+00 : f32
    %max3A_21 = vector.broadcast %max3A : f32 to vector<2560x128xf32>
    %max3A_22 = arith.maximumf %add3A_20, %max3A_21 : vector<2560x128xf32>
    %abs3A = math.absf %add3A_20 : vector<2560x128xf32>
    %neg3A = arith.constant 0.000000e+00 : f32
    %neg3A_23 = vector.broadcast %neg3A : f32 to vector<2560x128xf32>
    %neg3A_24 = arith.subf %neg3A_23, %abs3A : vector<2560x128xf32>
    %exp3A_25 = math.exp %neg3A_24 : vector<2560x128xf32>
    %log1p3A = math.log1p %exp3A_25 : vector<2560x128xf32>
    %add3A_26 = arith.addf %max3A_22, %log1p3A : vector<2560x128xf32>
    %sub3A_27 = arith.constant 0.693147182 : f32
    %sub3A_28 = vector.broadcast %sub3A_27 : f32 to vector<2560x128xf32>
    %sub3A_29 = arith.subf %add3A_26, %sub3A_28 : vector<2560x128xf32>
    %get3A_30 = arith.constant 0 : index
    %get3A_31 = arith.constant 0 : index
    %get3A_32 = vector.load %arg5[%get3A_30, %get3A_31] : memref<128x128xf32, #tpu.memory_space<vmem>>, vector<128x128xf32>
    %dot_general3A_33 = arith.constant dense<0.000000e+00> : vector<2560x128xf32>
    %dot_general3A_34 = tpu.matmul %sub3A_29, %get3A_32, %dot_general3A_33 {dimension_numbers = #tpu.dot_dimension_numbers<[1], [0], [0], [1], [0, 0, 1, 1], [], []>, transpose_lhs_hint = false} : vector<2560x128xf32>, vector<128x128xf32>, vector<2560x128xf32> -> vector<2560x128xf32>
    %get3A_35 = arith.constant 0 : index
    %get3A_36 = arith.constant 0 : index
    %get3A_37 = vector.load %arg6[%get3A_35, %get3A_36] : memref<1x128xf32, #tpu.memory_space<vmem>>, vector<1x128xf32>
    %get3A_38 = vector.shape_cast %get3A_37 : vector<1x128xf32> to vector<128xf32>
    %broadcast_in_dim3A_39 = vector.shape_cast %get3A_38 : vector<128xf32> to vector<1x128xf32>
    %add3A_40 = vector.broadcast %broadcast_in_dim3A_39 : vector<1x128xf32> to vector<2560x128xf32>
    %add3A_41 = arith.addf %dot_general3A_34, %add3A_40 : vector<2560x128xf32>
    %max3A_42 = arith.constant 0.000000e+00 : f32
    %max3A_43 = vector.broadcast %max3A_42 : f32 to vector<2560x128xf32>
    %max3A_44 = arith.maximumf %add3A_41, %max3A_43 : vector<2560x128xf32>
    %abs3A_45 = math.absf %add3A_41 : vector<2560x128xf32>
    %neg3A_46 = arith.constant 0.000000e+00 : f32
    %neg3A_47 = vector.broadcast %neg3A_46 : f32 to vector<2560x128xf32>
    %neg3A_48 = arith.subf %neg3A_47, %abs3A_45 : vector<2560x128xf32>
    %exp3A_49 = math.exp %neg3A_48 : vector<2560x128xf32>
    %log1p3A_50 = math.log1p %exp3A_49 : vector<2560x128xf32>
    %add3A_51 = arith.addf %max3A_44, %log1p3A_50 : vector<2560x128xf32>
    %sub3A_52 = arith.constant 0.693147182 : f32
    %sub3A_53 = vector.broadcast %sub3A_52 : f32 to vector<2560x128xf32>
    %sub3A_54 = arith.subf %add3A_51, %sub3A_53 : vector<2560x128xf32>
    %sub3A_55 = arith.constant 8.000000e-01 : f32
    %sub3A_56 = vector.broadcast %sub3A_55 : f32 to vector<2560xf32>
    %sub3A_57 = arith.subf %get3A_3, %sub3A_56 : vector<2560xf32>
    %div3A = arith.constant 2.000000e-01 : f32
    %div3A_58 = vector.broadcast %div3A : f32 to vector<2560xf32>
    %div3A_59 = arith.divf %sub3A_57, %div3A_58 : vector<2560xf32>
    %jit3A = arith.constant 0.000000e+00 : f32
    %jit3A_60 = arith.constant 1.000000e+00 : f32
    %max3A_61 = vector.broadcast %jit3A : f32 to vector<2560xf32>
    %max3A_62 = arith.maximumf %max3A_61, %div3A_59 : vector<2560xf32>
    %min3A = vector.broadcast %jit3A_60 : f32 to vector<2560xf32>
    %min3A_63 = arith.minimumf %min3A, %max3A_62 : vector<2560xf32>
    %mul3A_64 = arith.constant 3.14159274 : f32
    %mul3A_65 = vector.broadcast %mul3A_64 : f32 to vector<2560xf32>
    %mul3A_66 = arith.mulf %mul3A_65, %min3A_63 : vector<2560xf32>
    %cos3A = math.cos %mul3A_66 : vector<2560xf32>
    %add3A_67 = arith.constant 1.000000e+00 : f32
    %add3A_68 = vector.broadcast %add3A_67 : f32 to vector<2560xf32>
    %add3A_69 = arith.addf %cos3A, %add3A_68 : vector<2560xf32>
    %mul3A_70 = arith.constant 5.000000e-01 : f32
    %mul3A_71 = vector.broadcast %mul3A_70 : f32 to vector<2560xf32>
    %mul3A_72 = arith.mulf %mul3A_71, %add3A_69 : vector<2560xf32>
    %lt3A = arith.constant 8.000000e-01 : f32
    %lt3A_73 = vector.broadcast %lt3A : f32 to vector<2560xf32>
    %lt3A_74 = arith.cmpf olt, %get3A_3, %lt3A_73 : vector<2560xf32>
    %gt3A = arith.constant 1.000000e+00 : f32
    %gt3A_75 = vector.broadcast %gt3A : f32 to vector<2560xf32>
    %gt3A_76 = arith.cmpf ogt, %get3A_3, %gt3A_75 : vector<2560xf32>
    %jit3A_77 = arith.constant 0.000000e+00 : f32
    %broadcast_in_dim3A_78 = vector.broadcast %jit3A_77 : f32 to vector<2560xf32>
    %select_n3A = arith.select %gt3A_76, %broadcast_in_dim3A_78, %mul3A_72 : vector<2560xi1>, vector<2560xf32>
    %jit3A_79 = arith.constant 1.000000e+00 : f32
    %broadcast_in_dim3A_80 = vector.broadcast %jit3A_79 : f32 to vector<2560xf32>
    %select_n3A_81 = arith.select %lt3A_74, %broadcast_in_dim3A_80, %select_n3A : vector<2560xi1>, vector<2560xf32>
    %get3A_82 = arith.constant 0 : index
    %get3A_83 = arith.constant 0 : index
    %get3A_84 = vector.load %arg2[%get3A_82, %get3A_83] : memref<2560x128xf32, #tpu.memory_space<vmem>>, vector<2560x128xf32>
    %mul3A_85 = arith.mulf %get3A_84, %sub3A_54 : vector<2560x128xf32>
    %broadcast_in_dim3A_86 = vector.shape_cast %select_n3A_81 : vector<2560xf32> to vector<2560x1xf32>
    %mul3A_87 = vector.broadcast %broadcast_in_dim3A_86 : vector<2560x1xf32> to vector<2560x128xf32>
    %mul3A_88 = arith.mulf %mul3A_85, %mul3A_87 : vector<2560x128xf32>
    %abs3A_89 = math.absf %mul3A_88 : vector<2560x128xf32>
    %log3A = math.log %abs3A_89 : vector<2560x128xf32>
    %lt3A_90 = arith.constant 0.000000e+00 : f32
    %lt3A_91 = vector.broadcast %lt3A_90 : f32 to vector<2560x128xf32>
    %lt3A_92 = arith.cmpf olt, %mul3A_88, %lt3A_91 : vector<2560x128xf32>
    %jit3A_93 = arith.constant 1.000000e+00 : f32
    %jit3A_94 = arith.constant 0.000000e+00 : f32
    %broadcast_in_dim3A_95 = vector.broadcast %jit3A_93 : f32 to vector<2560x128xf32>
    %broadcast_in_dim3A_96 = vector.broadcast %jit3A_94 : f32 to vector<2560x128xf32>
    %select_n3A_97 = arith.select %lt3A_92, %broadcast_in_dim3A_95, %broadcast_in_dim3A_96 : vector<2560x128xi1>, vector<2560x128xf32>
    %slice3A = vector.extract_strided_slice %log3A {offsets = [0, 0], sizes = [2560, 64], strides = [1, 1]} : vector<2560x128xf32> to vector<2560x64xf32>
    %slice3A_98 = vector.extract_strided_slice %select_n3A_97 {offsets = [0, 0], sizes = [2560, 64], strides = [1, 1]} : vector<2560x128xf32> to vector<2560x64xf32>
    %concatenate3A = tpu.concatenate %slice3A, %slice3A_98 in 1 : vector<2560x64xf32>, vector<2560x64xf32> -> vector<2560x128xf32>
    %swap3A = arith.constant 0 : index
    %swap3A_99 = arith.constant 0 : index
    %swap3A_100 = arith.constant 0 : index
    %swap3A_101 = arith.constant 0 : index
    %swap3A_102 = vector.load %arg7[%swap3A, %swap3A_99, %swap3A_100, %swap3A_101] : memref<2x1x2560x128xf32, #tpu.memory_space<vmem>>, vector<1x1x2560x128xf32>
    %swap3A_103 = vector.shape_cast %swap3A_102 : vector<1x1x2560x128xf32> to vector<2560x128xf32>
    %swap3A_104 = vector.shape_cast %concatenate3A : vector<2560x128xf32> to vector<1x1x2560x128xf32>
    tpu.vector_store %arg7[%swap3A, %swap3A_99, %swap3A_100, %swap3A_101], %swap3A_104 {strides = array<i32>} : memref<2x1x2560x128xf32, #tpu.memory_space<vmem>>, vector<1x1x2560x128xf32>,
    %slice3A_105 = vector.extract_strided_slice %log3A {offsets = [0, 64], sizes = [2560, 64], strides = [1, 1]} : vector<2560x128xf32> to vector<2560x64xf32>
    %slice3A_106 = vector.extract_strided_slice %select_n3A_97 {offsets = [0, 64], sizes = [2560, 64], strides = [1, 1]} : vector<2560x128xf32> to vector<2560x64xf32>
    %concatenate3A_107 = tpu.concatenate %slice3A_105, %slice3A_106 in 1 : vector<2560x64xf32>, vector<2560x64xf32> -> vector<2560x128xf32>
    %swap3A_108 = arith.constant 1 : index
    %swap3A_109 = arith.constant 0 : index
    %swap3A_110 = arith.constant 0 : index
    %swap3A_111 = arith.constant 0 : index
    %swap3A_112 = vector.load %arg7[%swap3A_108, %swap3A_109, %swap3A_110, %swap3A_111] : memref<2x1x2560x128xf32, #tpu.memory_space<vmem>>, vector<1x1x2560x128xf32>
    %swap3A_113 = vector.shape_cast %swap3A_112 : vector<1x1x2560x128xf32> to vector<2560x128xf32>
    %swap3A_114 = vector.shape_cast %concatenate3A_107 : vector<2560x128xf32> to vector<1x1x2560x128xf32>
    tpu.vector_store %arg7[%swap3A_108, %swap3A_109, %swap3A_110, %swap3A_111], %swap3A_114 {strides = array<i32>} : memref<2x1x2560x128xf32, #tpu.memory_space<vmem>>, vector<1x1x2560x128xf32>,
    return
  }
  func.func @transform_0(%arg0: i32) -> (i32, i32, i32) {
    %add3A = arith.constant 0 : i32
    %add3A_0 = arith.addi %add3A, %arg0 : i32
    %c0_i32 = arith.constant 0 : i32
    %c0_i32_1 = arith.constant 0 : i32
    %c0_i32_2 = arith.constant 0 : i32
    return %add3A_0, %c0_i32, %c0_i32_1 : i32, i32, i32
  }
  func.func @transform_1(%arg0: i32) -> (i32, i32) {
    %add3A = arith.constant 0 : i32
    %add3A_0 = arith.addi %add3A, %arg0 : i32
    %c0_i32 = arith.constant 0 : i32
    %c0_i32_1 = arith.constant 0 : i32
    return %add3A_0, %c0_i32 : i32, i32
  }
  func.func @transform_2(%arg0: i32) -> (i32, i32) {
    %c0_i32 = arith.constant 0 : i32
    %c0_i32_0 = arith.constant 0 : i32
    %c0_i32_1 = arith.constant 0 : i32
    return %c0_i32, %c0_i32_0 : i32, i32
  }
  func.func @transform_3(%arg0: i32) -> (i32, i32) {
    %c0_i32 = arith.constant 0 : i32
    %c0_i32_0 = arith.constant 0 : i32
    %c0_i32_1 = arith.constant 0 : i32
    return %c0_i32, %c0_i32_0 : i32, i32
  }
  func.func @transform_4(%arg0: i32) -> (i32, i32) {
    %c0_i32 = arith.constant 0 : i32
    %c0_i32_0 = arith.constant 0 : i32
    %c0_i32_1 = arith.constant 0 : i32
    return %c0_i32, %c0_i32_0 : i32, i32
  }
  func.func @transform_5(%arg0: i32) -> (i32, i32) {
    %c0_i32 = arith.constant 0 : i32
    %c0_i32_0 = arith.constant 0 : i32
    %c0_i32_1 = arith.constant 0 : i32
    return %c0_i32, %c0_i32_0 : i32, i32
  }
  func.func @transform_6(%arg0: i32) -> (i32, i32, i32, i32) {
    %c0_i32 = arith.constant 0 : i32
    %c0_i32_0 = arith.constant 0 : i32
    %c0_i32_1 = arith.constant 0 : i32
    %c0_i32_2 = arith.constant 0 : i32
    return %c0_i32, %arg0, %c0_i32_0, %c0_i32_1 : i32, i32, i32, i32
  }
}

module attributes {stable_mosaic.version = 14 : i64} {
  func.func @_edge_stage_body(%arg0: i32, %arg1: memref<1x1x2560xf32, #tpu.memory_space<vmem>>, %arg2: memref<2560x128xf32, #tpu.memory_space<vmem>>, %arg3: memref<128x128xf32, #tpu.memory_space<vmem>>, %arg4: memref<1x128xf32, #tpu.memory_space<vmem>>, %arg5: memref<128x128xf32, #tpu.memory_space<vmem>>, %arg6: memref<1x128xf32, #tpu.memory_space<vmem>>, %arg7: memref<2x1x2560x128xf32, #tpu.memory_space<vmem>>) attributes {dimension_semantics = [#tpu.dimension_semantics<arbitrary>], iteration_bounds = array<i64: 20>, scalar_prefetch = 0 : i64, scratch_operands = 0 : i64, tpu.core_type = #tpu.core_type<tc>, window_params = [{transform_indices = @transform_0, window_bounds = array<i64: 1, 1, 2560>}, {transform_indices = @transform_1, window_bounds = array<i64: 2560, 128>}, {pipeline_mode = #tpu.pipeline_mode<synchronous>, transform_indices = @transform_2, window_bounds = array<i64: 128, 128>}, {pipeline_mode = #tpu.pipeline_mode<synchronous>, transform_indices = @transform_3, window_bounds = array<i64: 1, 128>}, {pipeline_mode = #tpu.pipeline_mode<synchronous>, transform_indices = @transform_4, window_bounds = array<i64: 128, 128>}, {pipeline_mode = #tpu.pipeline_mode<synchronous>, transform_indices = @transform_5, window_bounds = array<i64: 1, 128>}, {transform_indices = @transform_6, window_bounds = array<i64: 2, 1, 2560, 128>}]} {
    %get3A = arith.constant 0 : index
    %get3A_0 = arith.constant 0 : index
    %get3A_1 = arith.constant 0 : index
    %get3A_2 = vector.load %arg1[%get3A, %get3A_0, %get3A_1] : memref<1x1x2560xf32, #tpu.memory_space<vmem>>, vector<1x1x2560xf32>
    %get3A_3 = vector.shape_cast %get3A_2 : vector<1x1x2560xf32> to vector<2560xf32>
    %iota3A = tpu.iota {dimensions = array<i32: 1>} : vector<1x128xi32>
    %convert_element_type3A = arith.sitofp %iota3A : vector<1x128xi32> to vector<1x128xf32>
    %mul3A = arith.constant 0.00787401571 : f32
    %mul3A_4 = vector.broadcast %mul3A : f32 to vector<1x128xf32>
    %mul3A_5 = arith.mulf %convert_element_type3A, %mul3A_4 : vector<1x128xf32>
    %broadcast_in_dim3A = vector.shape_cast %get3A_3 : vector<2560xf32> to vector<2560x1xf32>
    %sub3A = vector.broadcast %broadcast_in_dim3A : vector<2560x1xf32> to vector<2560x128xf32>
    %sub3A_6 = vector.broadcast %mul3A_5 : vector<1x128xf32> to vector<2560x128xf32>
    %sub3A_7 = arith.subf %sub3A, %sub3A_6 : vector<2560x128xf32>
    %integer_pow3A = arith.mulf %sub3A_7, %sub3A_7 : vector<2560x128xf32>
    %mul3A_8 = arith.constant -1.280000e+02 : f32
    %mul3A_9 = vector.broadcast %mul3A_8 : f32 to vector<2560x128xf32>
    %mul3A_10 = arith.mulf %mul3A_9, %integer_pow3A : vector<2560x128xf32>
    %exp3A = math.exp %mul3A_10 : vector<2560x128xf32>
    %get3A_11 = arith.constant 0 : index
    %get3A_12 = arith.constant 0 : index
    %get3A_13 = vector.load %arg3[%get3A_11, %get3A_12] : memref<128x128xf32, #tpu.memory_space<vmem>>, vector<128x128xf32>
    %dot_general3A = arith.constant dense<0.000000e+00> : vector<2560x128xf32>
    %dot_general3A_14 = tpu.matmul %exp3A, %get3A_13, %dot_general3A {dimension_numbers = #tpu.dot_dimension_numbers<[1], [0], [0], [1], [0, 0, 1, 1], [], []>, transpose_lhs_hint = false} : vector<2560x128xf32>, vector<128x128xf32>, vector<2560x128xf32> -> vector<2560x128xf32>
    %get3A_15 = arith.constant 0 : index
    %get3A_16 = arith.constant 0 : index
    %get3A_17 = vector.load %arg4[%get3A_15, %get3A_16] : memref<1x128xf32, #tpu.memory_space<vmem>>, vector<1x128xf32>
    %get3A_18 = vector.shape_cast %get3A_17 : vector<1x128xf32> to vector<128xf32>
    %broadcast_in_dim3A_19 = vector.shape_cast %get3A_18 : vector<128xf32> to vector<1x128xf32>
    %add3A = vector.broadcast %broadcast_in_dim3A_19 : vector<1x128xf32> to vector<2560x128xf32>
    %add3A_20 = arith.addf %dot_general3A_14, %add3A : vector<2560x128xf32>
    %max3A = arith.constant 0.000000e+00 : f32
    %max3A_21 = vector.broadcast %max3A : f32 to vector<2560x128xf32>
    %max3A_22 = arith.maximumf %add3A_20, %max3A_21 : vector<2560x128xf32>
    %abs3A = math.absf %add3A_20 : vector<2560x128xf32>
    %neg3A = arith.constant 0.000000e+00 : f32
    %neg3A_23 = vector.broadcast %neg3A : f32 to vector<2560x128xf32>
    %neg3A_24 = arith.subf %neg3A_23, %abs3A : vector<2560x128xf32>
    %exp3A_25 = math.exp %neg3A_24 : vector<2560x128xf32>
    %log1p3A = math.log1p %exp3A_25 : vector<2560x128xf32>
    %add3A_26 = arith.addf %max3A_22, %log1p3A : vector<2560x128xf32>
    %sub3A_27 = arith.constant 0.693147182 : f32
    %sub3A_28 = vector.broadcast %sub3A_27 : f32 to vector<2560x128xf32>
    %sub3A_29 = arith.subf %add3A_26, %sub3A_28 : vector<2560x128xf32>
    %get3A_30 = arith.constant 0 : index
    %get3A_31 = arith.constant 0 : index
    %get3A_32 = vector.load %arg5[%get3A_30, %get3A_31] : memref<128x128xf32, #tpu.memory_space<vmem>>, vector<128x128xf32>
    %dot_general3A_33 = arith.constant dense<0.000000e+00> : vector<2560x128xf32>
    %dot_general3A_34 = tpu.matmul %sub3A_29, %get3A_32, %dot_general3A_33 {dimension_numbers = #tpu.dot_dimension_numbers<[1], [0], [0], [1], [0, 0, 1, 1], [], []>, transpose_lhs_hint = false} : vector<2560x128xf32>, vector<128x128xf32>, vector<2560x128xf32> -> vector<2560x128xf32>
    %get3A_35 = arith.constant 0 : index
    %get3A_36 = arith.constant 0 : index
    %get3A_37 = vector.load %arg6[%get3A_35, %get3A_36] : memref<1x128xf32, #tpu.memory_space<vmem>>, vector<1x128xf32>
    %get3A_38 = vector.shape_cast %get3A_37 : vector<1x128xf32> to vector<128xf32>
    %broadcast_in_dim3A_39 = vector.shape_cast %get3A_38 : vector<128xf32> to vector<1x128xf32>
    %add3A_40 = vector.broadcast %broadcast_in_dim3A_39 : vector<1x128xf32> to vector<2560x128xf32>
    %add3A_41 = arith.addf %dot_general3A_34, %add3A_40 : vector<2560x128xf32>
    %max3A_42 = arith.constant 0.000000e+00 : f32
    %max3A_43 = vector.broadcast %max3A_42 : f32 to vector<2560x128xf32>
    %max3A_44 = arith.maximumf %add3A_41, %max3A_43 : vector<2560x128xf32>
    %abs3A_45 = math.absf %add3A_41 : vector<2560x128xf32>
    %neg3A_46 = arith.constant 0.000000e+00 : f32
    %neg3A_47 = vector.broadcast %neg3A_46 : f32 to vector<2560x128xf32>
    %neg3A_48 = arith.subf %neg3A_47, %abs3A_45 : vector<2560x128xf32>
    %exp3A_49 = math.exp %neg3A_48 : vector<2560x128xf32>
    %log1p3A_50 = math.log1p %exp3A_49 : vector<2560x128xf32>
    %add3A_51 = arith.addf %max3A_44, %log1p3A_50 : vector<2560x128xf32>
    %sub3A_52 = arith.constant 0.693147182 : f32
    %sub3A_53 = vector.broadcast %sub3A_52 : f32 to vector<2560x128xf32>
    %sub3A_54 = arith.subf %add3A_51, %sub3A_53 : vector<2560x128xf32>
    %sub3A_55 = arith.constant 8.000000e-01 : f32
    %sub3A_56 = vector.broadcast %sub3A_55 : f32 to vector<2560xf32>
    %sub3A_57 = arith.subf %get3A_3, %sub3A_56 : vector<2560xf32>
    %div3A = arith.constant 2.000000e-01 : f32
    %div3A_58 = vector.broadcast %div3A : f32 to vector<2560xf32>
    %div3A_59 = arith.divf %sub3A_57, %div3A_58 : vector<2560xf32>
    %jit3A = arith.constant 0.000000e+00 : f32
    %jit3A_60 = arith.constant 1.000000e+00 : f32
    %max3A_61 = vector.broadcast %jit3A : f32 to vector<2560xf32>
    %max3A_62 = arith.maximumf %max3A_61, %div3A_59 : vector<2560xf32>
    %min3A = vector.broadcast %jit3A_60 : f32 to vector<2560xf32>
    %min3A_63 = arith.minimumf %min3A, %max3A_62 : vector<2560xf32>
    %mul3A_64 = arith.constant 3.14159274 : f32
    %mul3A_65 = vector.broadcast %mul3A_64 : f32 to vector<2560xf32>
    %mul3A_66 = arith.mulf %mul3A_65, %min3A_63 : vector<2560xf32>
    %cos3A = math.cos %mul3A_66 : vector<2560xf32>
    %add3A_67 = arith.constant 1.000000e+00 : f32
    %add3A_68 = vector.broadcast %add3A_67 : f32 to vector<2560xf32>
    %add3A_69 = arith.addf %cos3A, %add3A_68 : vector<2560xf32>
    %mul3A_70 = arith.constant 5.000000e-01 : f32
    %mul3A_71 = vector.broadcast %mul3A_70 : f32 to vector<2560xf32>
    %mul3A_72 = arith.mulf %mul3A_71, %add3A_69 : vector<2560xf32>
    %lt3A = arith.constant 8.000000e-01 : f32
    %lt3A_73 = vector.broadcast %lt3A : f32 to vector<2560xf32>
    %lt3A_74 = arith.cmpf olt, %get3A_3, %lt3A_73 : vector<2560xf32>
    %gt3A = arith.constant 1.000000e+00 : f32
    %gt3A_75 = vector.broadcast %gt3A : f32 to vector<2560xf32>
    %gt3A_76 = arith.cmpf ogt, %get3A_3, %gt3A_75 : vector<2560xf32>
    %jit3A_77 = arith.constant 0.000000e+00 : f32
    %broadcast_in_dim3A_78 = vector.broadcast %jit3A_77 : f32 to vector<2560xf32>
    %select_n3A = arith.select %gt3A_76, %broadcast_in_dim3A_78, %mul3A_72 : vector<2560xi1>, vector<2560xf32>
    %jit3A_79 = arith.constant 1.000000e+00 : f32
    %broadcast_in_dim3A_80 = vector.broadcast %jit3A_79 : f32 to vector<2560xf32>
    %select_n3A_81 = arith.select %lt3A_74, %broadcast_in_dim3A_80, %select_n3A : vector<2560xi1>, vector<2560xf32>
    %get3A_82 = arith.constant 0 : index
    %get3A_83 = arith.constant 0 : index
    %get3A_84 = vector.load %arg2[%get3A_82, %get3A_83] : memref<2560x128xf32, #tpu.memory_space<vmem>>, vector<2560x128xf32>
    %mul3A_85 = arith.mulf %get3A_84, %sub3A_54 : vector<2560x128xf32>
    %broadcast_in_dim3A_86 = vector.shape_cast %select_n3A_81 : vector<2560xf32> to vector<2560x1xf32>
    %mul3A_87 = vector.broadcast %broadcast_in_dim3A_86 : vector<2560x1xf32> to vector<2560x128xf32>
    %mul3A_88 = arith.mulf %mul3A_85, %mul3A_87 : vector<2560x128xf32>
    %abs3A_89 = math.absf %mul3A_88 : vector<2560x128xf32>
    %log3A = math.log %abs3A_89 : vector<2560x128xf32>
    %lt3A_90 = arith.constant 0.000000e+00 : f32
    %lt3A_91 = vector.broadcast %lt3A_90 : f32 to vector<2560x128xf32>
    %lt3A_92 = arith.cmpf olt, %mul3A_88, %lt3A_91 : vector<2560x128xf32>
    %jit3A_93 = arith.constant 1.000000e+00 : f32
    %jit3A_94 = arith.constant 0.000000e+00 : f32
    %broadcast_in_dim3A_95 = vector.broadcast %jit3A_93 : f32 to vector<2560x128xf32>
    %broadcast_in_dim3A_96 = vector.broadcast %jit3A_94 : f32 to vector<2560x128xf32>
    %select_n3A_97 = arith.select %lt3A_92, %broadcast_in_dim3A_95, %broadcast_in_dim3A_96 : vector<2560x128xi1>, vector<2560x128xf32>
    %slice3A = vector.extract_strided_slice %log3A {offsets = [0, 0], sizes = [2560, 64], strides = [1, 1]} : vector<2560x128xf32> to vector<2560x64xf32>
    %slice3A_98 = vector.extract_strided_slice %select_n3A_97 {offsets = [0, 0], sizes = [2560, 64], strides = [1, 1]} : vector<2560x128xf32> to vector<2560x64xf32>
    %concatenate3A = tpu.concatenate %slice3A, %slice3A_98 in 1 : vector<2560x64xf32>, vector<2560x64xf32> -> vector<2560x128xf32>
    %swap3A = arith.constant 0 : index
    %swap3A_99 = arith.constant 0 : index
    %swap3A_100 = arith.constant 0 : index
    %swap3A_101 = arith.constant 0 : index
    %swap3A_102 = vector.load %arg7[%swap3A, %swap3A_99, %swap3A_100, %swap3A_101] : memref<2x1x2560x128xf32, #tpu.memory_space<vmem>>, vector<1x1x2560x128xf32>
    %swap3A_103 = vector.shape_cast %swap3A_102 : vector<1x1x2560x128xf32> to vector<2560x128xf32>
    %swap3A_104 = vector.shape_cast %concatenate3A : vector<2560x128xf32> to vector<1x1x2560x128xf32>
    tpu.vector_store %arg7[%swap3A, %swap3A_99, %swap3A_100, %swap3A_101], %swap3A_104 {strides = array<i32>} : memref<2x1x2560x128xf32, #tpu.memory_space<vmem>>, vector<1x1x2560x128xf32>,
    %slice3A_105 = vector.extract_strided_slice %log3A {offsets = [0, 64], sizes = [2560, 64], strides = [1, 1]} : vector<2560x128xf32> to vector<2560x64xf32>
    %slice3A_106 = vector.extract_strided_slice %select_n3A_97 {offsets = [0, 64], sizes = [2560, 64], strides = [1, 1]} : vector<2560x128xf32> to vector<2560x64xf32>
    %concatenate3A_107 = tpu.concatenate %slice3A_105, %slice3A_106 in 1 : vector<2560x64xf32>, vector<2560x64xf32> -> vector<2560x128xf32>
    %swap3A_108 = arith.constant 1 : index
    %swap3A_109 = arith.constant 0 : index
    %swap3A_110 = arith.constant 0 : index
    %swap3A_111 = arith.constant 0 : index
    %swap3A_112 = vector.load %arg7[%swap3A_108, %swap3A_109, %swap3A_110, %swap3A_111] : memref<2x1x2560x128xf32, #tpu.memory_space<vmem>>, vector<1x1x2560x128xf32>
    %swap3A_113 = vector.shape_cast %swap3A_112 : vector<1x1x2560x128xf32> to vector<2560x128xf32>
    %swap3A_114 = vector.shape_cast %concatenate3A_107 : vector<2560x128xf32> to vector<1x1x2560x128xf32>
    tpu.vector_store %arg7[%swap3A_108, %swap3A_109, %swap3A_110, %swap3A_111], %swap3A_114 {strides = array<i32>} : memref<2x1x2560x128xf32, #tpu.memory_space<vmem>>, vector<1x1x2560x128xf32>,
    return
  }
  func.func @transform_0(%arg0: i32) -> (i32, i32, i32) {
    %add3A = arith.constant 10 : i32
    %add3A_0 = arith.addi %add3A, %arg0 : i32
    %c0_i32 = arith.constant 0 : i32
    %c0_i32_1 = arith.constant 0 : i32
    %c0_i32_2 = arith.constant 0 : i32
    return %add3A_0, %c0_i32, %c0_i32_1 : i32, i32, i32
  }
  func.func @transform_1(%arg0: i32) -> (i32, i32) {
    %add3A = arith.constant 10 : i32
    %add3A_0 = arith.addi %add3A, %arg0 : i32
    %c0_i32 = arith.constant 0 : i32
    %c0_i32_1 = arith.constant 0 : i32
    return %add3A_0, %c0_i32 : i32, i32
  }
  func.func @transform_2(%arg0: i32) -> (i32, i32) {
    %c0_i32 = arith.constant 0 : i32
    %c0_i32_0 = arith.constant 0 : i32
    %c0_i32_1 = arith.constant 0 : i32
    return %c0_i32, %c0_i32_0 : i32, i32
  }
  func.func @transform_3(%arg0: i32) -> (i32, i32) {
    %c0_i32 = arith.constant 0 : i32
    %c0_i32_0 = arith.constant 0 : i32
    %c0_i32_1 = arith.constant 0 : i32
    return %c0_i32, %c0_i32_0 : i32, i32
  }
  func.func @transform_4(%arg0: i32) -> (i32, i32) {
    %c0_i32 = arith.constant 0 : i32
    %c0_i32_0 = arith.constant 0 : i32
    %c0_i32_1 = arith.constant 0 : i32
    return %c0_i32, %c0_i32_0 : i32, i32
  }
  func.func @transform_5(%arg0: i32) -> (i32, i32) {
    %c0_i32 = arith.constant 0 : i32
    %c0_i32_0 = arith.constant 0 : i32
    %c0_i32_1 = arith.constant 0 : i32
    return %c0_i32, %c0_i32_0 : i32, i32
  }
  func.func @transform_6(%arg0: i32) -> (i32, i32, i32, i32) {
    %c0_i32 = arith.constant 0 : i32
    %c0_i32_0 = arith.constant 0 : i32
    %c0_i32_1 = arith.constant 0 : i32
    %c0_i32_2 = arith.constant 0 : i32
    return %c0_i32, %arg0, %c0_i32_0, %c0_i32_1 : i32, i32, i32, i32
  }
}

module attributes {stable_mosaic.version = 14 : i64} {
  func.func @_edge_stage_body(%arg0: i32, %arg1: memref<1x1x2560xf32, #tpu.memory_space<vmem>>, %arg2: memref<2560x128xf32, #tpu.memory_space<vmem>>, %arg3: memref<128x128xf32, #tpu.memory_space<vmem>>, %arg4: memref<1x128xf32, #tpu.memory_space<vmem>>, %arg5: memref<128x128xf32, #tpu.memory_space<vmem>>, %arg6: memref<1x128xf32, #tpu.memory_space<vmem>>, %arg7: memref<2x1x2560x128xf32, #tpu.memory_space<vmem>>) attributes {dimension_semantics = [#tpu.dimension_semantics<arbitrary>], iteration_bounds = array<i64: 30>, scalar_prefetch = 0 : i64, scratch_operands = 0 : i64, tpu.core_type = #tpu.core_type<tc>, window_params = [{transform_indices = @transform_0, window_bounds = array<i64: 1, 1, 2560>}, {transform_indices = @transform_1, window_bounds = array<i64: 2560, 128>}, {pipeline_mode = #tpu.pipeline_mode<synchronous>, transform_indices = @transform_2, window_bounds = array<i64: 128, 128>}, {pipeline_mode = #tpu.pipeline_mode<synchronous>, transform_indices = @transform_3, window_bounds = array<i64: 1, 128>}, {pipeline_mode = #tpu.pipeline_mode<synchronous>, transform_indices = @transform_4, window_bounds = array<i64: 128, 128>}, {pipeline_mode = #tpu.pipeline_mode<synchronous>, transform_indices = @transform_5, window_bounds = array<i64: 1, 128>}, {transform_indices = @transform_6, window_bounds = array<i64: 2, 1, 2560, 128>}]} {
    %get3A = arith.constant 0 : index
    %get3A_0 = arith.constant 0 : index
    %get3A_1 = arith.constant 0 : index
    %get3A_2 = vector.load %arg1[%get3A, %get3A_0, %get3A_1] : memref<1x1x2560xf32, #tpu.memory_space<vmem>>, vector<1x1x2560xf32>
    %get3A_3 = vector.shape_cast %get3A_2 : vector<1x1x2560xf32> to vector<2560xf32>
    %iota3A = tpu.iota {dimensions = array<i32: 1>} : vector<1x128xi32>
    %convert_element_type3A = arith.sitofp %iota3A : vector<1x128xi32> to vector<1x128xf32>
    %mul3A = arith.constant 0.00787401571 : f32
    %mul3A_4 = vector.broadcast %mul3A : f32 to vector<1x128xf32>
    %mul3A_5 = arith.mulf %convert_element_type3A, %mul3A_4 : vector<1x128xf32>
    %broadcast_in_dim3A = vector.shape_cast %get3A_3 : vector<2560xf32> to vector<2560x1xf32>
    %sub3A = vector.broadcast %broadcast_in_dim3A : vector<2560x1xf32> to vector<2560x128xf32>
    %sub3A_6 = vector.broadcast %mul3A_5 : vector<1x128xf32> to vector<2560x128xf32>
    %sub3A_7 = arith.subf %sub3A, %sub3A_6 : vector<2560x128xf32>
    %integer_pow3A = arith.mulf %sub3A_7, %sub3A_7 : vector<2560x128xf32>
    %mul3A_8 = arith.constant -1.280000e+02 : f32
    %mul3A_9 = vector.broadcast %mul3A_8 : f32 to vector<2560x128xf32>
    %mul3A_10 = arith.mulf %mul3A_9, %integer_pow3A : vector<2560x128xf32>
    %exp3A = math.exp %mul3A_10 : vector<2560x128xf32>
    %get3A_11 = arith.constant 0 : index
    %get3A_12 = arith.constant 0 : index
    %get3A_13 = vector.load %arg3[%get3A_11, %get3A_12] : memref<128x128xf32, #tpu.memory_space<vmem>>, vector<128x128xf32>
    %dot_general3A = arith.constant dense<0.000000e+00> : vector<2560x128xf32>
    %dot_general3A_14 = tpu.matmul %exp3A, %get3A_13, %dot_general3A {dimension_numbers = #tpu.dot_dimension_numbers<[1], [0], [0], [1], [0, 0, 1, 1], [], []>, transpose_lhs_hint = false} : vector<2560x128xf32>, vector<128x128xf32>, vector<2560x128xf32> -> vector<2560x128xf32>
    %get3A_15 = arith.constant 0 : index
    %get3A_16 = arith.constant 0 : index
    %get3A_17 = vector.load %arg4[%get3A_15, %get3A_16] : memref<1x128xf32, #tpu.memory_space<vmem>>, vector<1x128xf32>
    %get3A_18 = vector.shape_cast %get3A_17 : vector<1x128xf32> to vector<128xf32>
    %broadcast_in_dim3A_19 = vector.shape_cast %get3A_18 : vector<128xf32> to vector<1x128xf32>
    %add3A = vector.broadcast %broadcast_in_dim3A_19 : vector<1x128xf32> to vector<2560x128xf32>
    %add3A_20 = arith.addf %dot_general3A_14, %add3A : vector<2560x128xf32>
    %max3A = arith.constant 0.000000e+00 : f32
    %max3A_21 = vector.broadcast %max3A : f32 to vector<2560x128xf32>
    %max3A_22 = arith.maximumf %add3A_20, %max3A_21 : vector<2560x128xf32>
    %abs3A = math.absf %add3A_20 : vector<2560x128xf32>
    %neg3A = arith.constant 0.000000e+00 : f32
    %neg3A_23 = vector.broadcast %neg3A : f32 to vector<2560x128xf32>
    %neg3A_24 = arith.subf %neg3A_23, %abs3A : vector<2560x128xf32>
    %exp3A_25 = math.exp %neg3A_24 : vector<2560x128xf32>
    %log1p3A = math.log1p %exp3A_25 : vector<2560x128xf32>
    %add3A_26 = arith.addf %max3A_22, %log1p3A : vector<2560x128xf32>
    %sub3A_27 = arith.constant 0.693147182 : f32
    %sub3A_28 = vector.broadcast %sub3A_27 : f32 to vector<2560x128xf32>
    %sub3A_29 = arith.subf %add3A_26, %sub3A_28 : vector<2560x128xf32>
    %get3A_30 = arith.constant 0 : index
    %get3A_31 = arith.constant 0 : index
    %get3A_32 = vector.load %arg5[%get3A_30, %get3A_31] : memref<128x128xf32, #tpu.memory_space<vmem>>, vector<128x128xf32>
    %dot_general3A_33 = arith.constant dense<0.000000e+00> : vector<2560x128xf32>
    %dot_general3A_34 = tpu.matmul %sub3A_29, %get3A_32, %dot_general3A_33 {dimension_numbers = #tpu.dot_dimension_numbers<[1], [0], [0], [1], [0, 0, 1, 1], [], []>, transpose_lhs_hint = false} : vector<2560x128xf32>, vector<128x128xf32>, vector<2560x128xf32> -> vector<2560x128xf32>
    %get3A_35 = arith.constant 0 : index
    %get3A_36 = arith.constant 0 : index
    %get3A_37 = vector.load %arg6[%get3A_35, %get3A_36] : memref<1x128xf32, #tpu.memory_space<vmem>>, vector<1x128xf32>
    %get3A_38 = vector.shape_cast %get3A_37 : vector<1x128xf32> to vector<128xf32>
    %broadcast_in_dim3A_39 = vector.shape_cast %get3A_38 : vector<128xf32> to vector<1x128xf32>
    %add3A_40 = vector.broadcast %broadcast_in_dim3A_39 : vector<1x128xf32> to vector<2560x128xf32>
    %add3A_41 = arith.addf %dot_general3A_34, %add3A_40 : vector<2560x128xf32>
    %max3A_42 = arith.constant 0.000000e+00 : f32
    %max3A_43 = vector.broadcast %max3A_42 : f32 to vector<2560x128xf32>
    %max3A_44 = arith.maximumf %add3A_41, %max3A_43 : vector<2560x128xf32>
    %abs3A_45 = math.absf %add3A_41 : vector<2560x128xf32>
    %neg3A_46 = arith.constant 0.000000e+00 : f32
    %neg3A_47 = vector.broadcast %neg3A_46 : f32 to vector<2560x128xf32>
    %neg3A_48 = arith.subf %neg3A_47, %abs3A_45 : vector<2560x128xf32>
    %exp3A_49 = math.exp %neg3A_48 : vector<2560x128xf32>
    %log1p3A_50 = math.log1p %exp3A_49 : vector<2560x128xf32>
    %add3A_51 = arith.addf %max3A_44, %log1p3A_50 : vector<2560x128xf32>
    %sub3A_52 = arith.constant 0.693147182 : f32
    %sub3A_53 = vector.broadcast %sub3A_52 : f32 to vector<2560x128xf32>
    %sub3A_54 = arith.subf %add3A_51, %sub3A_53 : vector<2560x128xf32>
    %sub3A_55 = arith.constant 8.000000e-01 : f32
    %sub3A_56 = vector.broadcast %sub3A_55 : f32 to vector<2560xf32>
    %sub3A_57 = arith.subf %get3A_3, %sub3A_56 : vector<2560xf32>
    %div3A = arith.constant 2.000000e-01 : f32
    %div3A_58 = vector.broadcast %div3A : f32 to vector<2560xf32>
    %div3A_59 = arith.divf %sub3A_57, %div3A_58 : vector<2560xf32>
    %jit3A = arith.constant 0.000000e+00 : f32
    %jit3A_60 = arith.constant 1.000000e+00 : f32
    %max3A_61 = vector.broadcast %jit3A : f32 to vector<2560xf32>
    %max3A_62 = arith.maximumf %max3A_61, %div3A_59 : vector<2560xf32>
    %min3A = vector.broadcast %jit3A_60 : f32 to vector<2560xf32>
    %min3A_63 = arith.minimumf %min3A, %max3A_62 : vector<2560xf32>
    %mul3A_64 = arith.constant 3.14159274 : f32
    %mul3A_65 = vector.broadcast %mul3A_64 : f32 to vector<2560xf32>
    %mul3A_66 = arith.mulf %mul3A_65, %min3A_63 : vector<2560xf32>
    %cos3A = math.cos %mul3A_66 : vector<2560xf32>
    %add3A_67 = arith.constant 1.000000e+00 : f32
    %add3A_68 = vector.broadcast %add3A_67 : f32 to vector<2560xf32>
    %add3A_69 = arith.addf %cos3A, %add3A_68 : vector<2560xf32>
    %mul3A_70 = arith.constant 5.000000e-01 : f32
    %mul3A_71 = vector.broadcast %mul3A_70 : f32 to vector<2560xf32>
    %mul3A_72 = arith.mulf %mul3A_71, %add3A_69 : vector<2560xf32>
    %lt3A = arith.constant 8.000000e-01 : f32
    %lt3A_73 = vector.broadcast %lt3A : f32 to vector<2560xf32>
    %lt3A_74 = arith.cmpf olt, %get3A_3, %lt3A_73 : vector<2560xf32>
    %gt3A = arith.constant 1.000000e+00 : f32
    %gt3A_75 = vector.broadcast %gt3A : f32 to vector<2560xf32>
    %gt3A_76 = arith.cmpf ogt, %get3A_3, %gt3A_75 : vector<2560xf32>
    %jit3A_77 = arith.constant 0.000000e+00 : f32
    %broadcast_in_dim3A_78 = vector.broadcast %jit3A_77 : f32 to vector<2560xf32>
    %select_n3A = arith.select %gt3A_76, %broadcast_in_dim3A_78, %mul3A_72 : vector<2560xi1>, vector<2560xf32>
    %jit3A_79 = arith.constant 1.000000e+00 : f32
    %broadcast_in_dim3A_80 = vector.broadcast %jit3A_79 : f32 to vector<2560xf32>
    %select_n3A_81 = arith.select %lt3A_74, %broadcast_in_dim3A_80, %select_n3A : vector<2560xi1>, vector<2560xf32>
    %get3A_82 = arith.constant 0 : index
    %get3A_83 = arith.constant 0 : index
    %get3A_84 = vector.load %arg2[%get3A_82, %get3A_83] : memref<2560x128xf32, #tpu.memory_space<vmem>>, vector<2560x128xf32>
    %mul3A_85 = arith.mulf %get3A_84, %sub3A_54 : vector<2560x128xf32>
    %broadcast_in_dim3A_86 = vector.shape_cast %select_n3A_81 : vector<2560xf32> to vector<2560x1xf32>
    %mul3A_87 = vector.broadcast %broadcast_in_dim3A_86 : vector<2560x1xf32> to vector<2560x128xf32>
    %mul3A_88 = arith.mulf %mul3A_85, %mul3A_87 : vector<2560x128xf32>
    %abs3A_89 = math.absf %mul3A_88 : vector<2560x128xf32>
    %log3A = math.log %abs3A_89 : vector<2560x128xf32>
    %lt3A_90 = arith.constant 0.000000e+00 : f32
    %lt3A_91 = vector.broadcast %lt3A_90 : f32 to vector<2560x128xf32>
    %lt3A_92 = arith.cmpf olt, %mul3A_88, %lt3A_91 : vector<2560x128xf32>
    %jit3A_93 = arith.constant 1.000000e+00 : f32
    %jit3A_94 = arith.constant 0.000000e+00 : f32
    %broadcast_in_dim3A_95 = vector.broadcast %jit3A_93 : f32 to vector<2560x128xf32>
    %broadcast_in_dim3A_96 = vector.broadcast %jit3A_94 : f32 to vector<2560x128xf32>
    %select_n3A_97 = arith.select %lt3A_92, %broadcast_in_dim3A_95, %broadcast_in_dim3A_96 : vector<2560x128xi1>, vector<2560x128xf32>
    %slice3A = vector.extract_strided_slice %log3A {offsets = [0, 0], sizes = [2560, 64], strides = [1, 1]} : vector<2560x128xf32> to vector<2560x64xf32>
    %slice3A_98 = vector.extract_strided_slice %select_n3A_97 {offsets = [0, 0], sizes = [2560, 64], strides = [1, 1]} : vector<2560x128xf32> to vector<2560x64xf32>
    %concatenate3A = tpu.concatenate %slice3A, %slice3A_98 in 1 : vector<2560x64xf32>, vector<2560x64xf32> -> vector<2560x128xf32>
    %swap3A = arith.constant 0 : index
    %swap3A_99 = arith.constant 0 : index
    %swap3A_100 = arith.constant 0 : index
    %swap3A_101 = arith.constant 0 : index
    %swap3A_102 = vector.load %arg7[%swap3A, %swap3A_99, %swap3A_100, %swap3A_101] : memref<2x1x2560x128xf32, #tpu.memory_space<vmem>>, vector<1x1x2560x128xf32>
    %swap3A_103 = vector.shape_cast %swap3A_102 : vector<1x1x2560x128xf32> to vector<2560x128xf32>
    %swap3A_104 = vector.shape_cast %concatenate3A : vector<2560x128xf32> to vector<1x1x2560x128xf32>
    tpu.vector_store %arg7[%swap3A, %swap3A_99, %swap3A_100, %swap3A_101], %swap3A_104 {strides = array<i32>} : memref<2x1x2560x128xf32, #tpu.memory_space<vmem>>, vector<1x1x2560x128xf32>,
    %slice3A_105 = vector.extract_strided_slice %log3A {offsets = [0, 64], sizes = [2560, 64], strides = [1, 1]} : vector<2560x128xf32> to vector<2560x64xf32>
    %slice3A_106 = vector.extract_strided_slice %select_n3A_97 {offsets = [0, 64], sizes = [2560, 64], strides = [1, 1]} : vector<2560x128xf32> to vector<2560x64xf32>
    %concatenate3A_107 = tpu.concatenate %slice3A_105, %slice3A_106 in 1 : vector<2560x64xf32>, vector<2560x64xf32> -> vector<2560x128xf32>
    %swap3A_108 = arith.constant 1 : index
    %swap3A_109 = arith.constant 0 : index
    %swap3A_110 = arith.constant 0 : index
    %swap3A_111 = arith.constant 0 : index
    %swap3A_112 = vector.load %arg7[%swap3A_108, %swap3A_109, %swap3A_110, %swap3A_111] : memref<2x1x2560x128xf32, #tpu.memory_space<vmem>>, vector<1x1x2560x128xf32>
    %swap3A_113 = vector.shape_cast %swap3A_112 : vector<1x1x2560x128xf32> to vector<2560x128xf32>
    %swap3A_114 = vector.shape_cast %concatenate3A_107 : vector<2560x128xf32> to vector<1x1x2560x128xf32>
    tpu.vector_store %arg7[%swap3A_108, %swap3A_109, %swap3A_110, %swap3A_111], %swap3A_114 {strides = array<i32>} : memref<2x1x2560x128xf32, #tpu.memory_space<vmem>>, vector<1x1x2560x128xf32>,
    return
  }
  func.func @transform_0(%arg0: i32) -> (i32, i32, i32) {
    %add3A = arith.constant 30 : i32
    %add3A_0 = arith.addi %add3A, %arg0 : i32
    %c0_i32 = arith.constant 0 : i32
    %c0_i32_1 = arith.constant 0 : i32
    %c0_i32_2 = arith.constant 0 : i32
    return %add3A_0, %c0_i32, %c0_i32_1 : i32, i32, i32
  }
  func.func @transform_1(%arg0: i32) -> (i32, i32) {
    %add3A = arith.constant 30 : i32
    %add3A_0 = arith.addi %add3A, %arg0 : i32
    %c0_i32 = arith.constant 0 : i32
    %c0_i32_1 = arith.constant 0 : i32
    return %add3A_0, %c0_i32 : i32, i32
  }
  func.func @transform_2(%arg0: i32) -> (i32, i32) {
    %c0_i32 = arith.constant 0 : i32
    %c0_i32_0 = arith.constant 0 : i32
    %c0_i32_1 = arith.constant 0 : i32
    return %c0_i32, %c0_i32_0 : i32, i32
  }
  func.func @transform_3(%arg0: i32) -> (i32, i32) {
    %c0_i32 = arith.constant 0 : i32
    %c0_i32_0 = arith.constant 0 : i32
    %c0_i32_1 = arith.constant 0 : i32
    return %c0_i32, %c0_i32_0 : i32, i32
  }
  func.func @transform_4(%arg0: i32) -> (i32, i32) {
    %c0_i32 = arith.constant 0 : i32
    %c0_i32_0 = arith.constant 0 : i32
    %c0_i32_1 = arith.constant 0 : i32
    return %c0_i32, %c0_i32_0 : i32, i32
  }
  func.func @transform_5(%arg0: i32) -> (i32, i32) {
    %c0_i32 = arith.constant 0 : i32
    %c0_i32_0 = arith.constant 0 : i32
    %c0_i32_1 = arith.constant 0 : i32
    return %c0_i32, %c0_i32_0 : i32, i32
  }
  func.func @transform_6(%arg0: i32) -> (i32, i32, i32, i32) {
    %c0_i32 = arith.constant 0 : i32
    %c0_i32_0 = arith.constant 0 : i32
    %c0_i32_1 = arith.constant 0 : i32
    %c0_i32_2 = arith.constant 0 : i32
    return %c0_i32, %arg0, %c0_i32_0, %c0_i32_1 : i32, i32, i32, i32
  }
}

module attributes {stable_mosaic.version = 14 : i64} {
  func.func @_edge_stage_body(%arg0: i32, %arg1: memref<1x1x2560xf32, #tpu.memory_space<vmem>>, %arg2: memref<2560x128xf32, #tpu.memory_space<vmem>>, %arg3: memref<128x128xf32, #tpu.memory_space<vmem>>, %arg4: memref<1x128xf32, #tpu.memory_space<vmem>>, %arg5: memref<128x128xf32, #tpu.memory_space<vmem>>, %arg6: memref<1x128xf32, #tpu.memory_space<vmem>>, %arg7: memref<2x1x2560x128xf32, #tpu.memory_space<vmem>>) attributes {dimension_semantics = [#tpu.dimension_semantics<arbitrary>], iteration_bounds = array<i64: 32>, scalar_prefetch = 0 : i64, scratch_operands = 0 : i64, tpu.core_type = #tpu.core_type<tc>, window_params = [{transform_indices = @transform_0, window_bounds = array<i64: 1, 1, 2560>}, {transform_indices = @transform_1, window_bounds = array<i64: 2560, 128>}, {pipeline_mode = #tpu.pipeline_mode<synchronous>, transform_indices = @transform_2, window_bounds = array<i64: 128, 128>}, {pipeline_mode = #tpu.pipeline_mode<synchronous>, transform_indices = @transform_3, window_bounds = array<i64: 1, 128>}, {pipeline_mode = #tpu.pipeline_mode<synchronous>, transform_indices = @transform_4, window_bounds = array<i64: 128, 128>}, {pipeline_mode = #tpu.pipeline_mode<synchronous>, transform_indices = @transform_5, window_bounds = array<i64: 1, 128>}, {transform_indices = @transform_6, window_bounds = array<i64: 2, 1, 2560, 128>}]} {
    %get3A = arith.constant 0 : index
    %get3A_0 = arith.constant 0 : index
    %get3A_1 = arith.constant 0 : index
    %get3A_2 = vector.load %arg1[%get3A, %get3A_0, %get3A_1] : memref<1x1x2560xf32, #tpu.memory_space<vmem>>, vector<1x1x2560xf32>
    %get3A_3 = vector.shape_cast %get3A_2 : vector<1x1x2560xf32> to vector<2560xf32>
    %iota3A = tpu.iota {dimensions = array<i32: 1>} : vector<1x128xi32>
    %convert_element_type3A = arith.sitofp %iota3A : vector<1x128xi32> to vector<1x128xf32>
    %mul3A = arith.constant 0.00787401571 : f32
    %mul3A_4 = vector.broadcast %mul3A : f32 to vector<1x128xf32>
    %mul3A_5 = arith.mulf %convert_element_type3A, %mul3A_4 : vector<1x128xf32>
    %broadcast_in_dim3A = vector.shape_cast %get3A_3 : vector<2560xf32> to vector<2560x1xf32>
    %sub3A = vector.broadcast %broadcast_in_dim3A : vector<2560x1xf32> to vector<2560x128xf32>
    %sub3A_6 = vector.broadcast %mul3A_5 : vector<1x128xf32> to vector<2560x128xf32>
    %sub3A_7 = arith.subf %sub3A, %sub3A_6 : vector<2560x128xf32>
    %integer_pow3A = arith.mulf %sub3A_7, %sub3A_7 : vector<2560x128xf32>
    %mul3A_8 = arith.constant -1.280000e+02 : f32
    %mul3A_9 = vector.broadcast %mul3A_8 : f32 to vector<2560x128xf32>
    %mul3A_10 = arith.mulf %mul3A_9, %integer_pow3A : vector<2560x128xf32>
    %exp3A = math.exp %mul3A_10 : vector<2560x128xf32>
    %get3A_11 = arith.constant 0 : index
    %get3A_12 = arith.constant 0 : index
    %get3A_13 = vector.load %arg3[%get3A_11, %get3A_12] : memref<128x128xf32, #tpu.memory_space<vmem>>, vector<128x128xf32>
    %dot_general3A = arith.constant dense<0.000000e+00> : vector<2560x128xf32>
    %dot_general3A_14 = tpu.matmul %exp3A, %get3A_13, %dot_general3A {dimension_numbers = #tpu.dot_dimension_numbers<[1], [0], [0], [1], [0, 0, 1, 1], [], []>, transpose_lhs_hint = false} : vector<2560x128xf32>, vector<128x128xf32>, vector<2560x128xf32> -> vector<2560x128xf32>
    %get3A_15 = arith.constant 0 : index
    %get3A_16 = arith.constant 0 : index
    %get3A_17 = vector.load %arg4[%get3A_15, %get3A_16] : memref<1x128xf32, #tpu.memory_space<vmem>>, vector<1x128xf32>
    %get3A_18 = vector.shape_cast %get3A_17 : vector<1x128xf32> to vector<128xf32>
    %broadcast_in_dim3A_19 = vector.shape_cast %get3A_18 : vector<128xf32> to vector<1x128xf32>
    %add3A = vector.broadcast %broadcast_in_dim3A_19 : vector<1x128xf32> to vector<2560x128xf32>
    %add3A_20 = arith.addf %dot_general3A_14, %add3A : vector<2560x128xf32>
    %max3A = arith.constant 0.000000e+00 : f32
    %max3A_21 = vector.broadcast %max3A : f32 to vector<2560x128xf32>
    %max3A_22 = arith.maximumf %add3A_20, %max3A_21 : vector<2560x128xf32>
    %abs3A = math.absf %add3A_20 : vector<2560x128xf32>
    %neg3A = arith.constant 0.000000e+00 : f32
    %neg3A_23 = vector.broadcast %neg3A : f32 to vector<2560x128xf32>
    %neg3A_24 = arith.subf %neg3A_23, %abs3A : vector<2560x128xf32>
    %exp3A_25 = math.exp %neg3A_24 : vector<2560x128xf32>
    %log1p3A = math.log1p %exp3A_25 : vector<2560x128xf32>
    %add3A_26 = arith.addf %max3A_22, %log1p3A : vector<2560x128xf32>
    %sub3A_27 = arith.constant 0.693147182 : f32
    %sub3A_28 = vector.broadcast %sub3A_27 : f32 to vector<2560x128xf32>
    %sub3A_29 = arith.subf %add3A_26, %sub3A_28 : vector<2560x128xf32>
    %get3A_30 = arith.constant 0 : index
    %get3A_31 = arith.constant 0 : index
    %get3A_32 = vector.load %arg5[%get3A_30, %get3A_31] : memref<128x128xf32, #tpu.memory_space<vmem>>, vector<128x128xf32>
    %dot_general3A_33 = arith.constant dense<0.000000e+00> : vector<2560x128xf32>
    %dot_general3A_34 = tpu.matmul %sub3A_29, %get3A_32, %dot_general3A_33 {dimension_numbers = #tpu.dot_dimension_numbers<[1], [0], [0], [1], [0, 0, 1, 1], [], []>, transpose_lhs_hint = false} : vector<2560x128xf32>, vector<128x128xf32>, vector<2560x128xf32> -> vector<2560x128xf32>
    %get3A_35 = arith.constant 0 : index
    %get3A_36 = arith.constant 0 : index
    %get3A_37 = vector.load %arg6[%get3A_35, %get3A_36] : memref<1x128xf32, #tpu.memory_space<vmem>>, vector<1x128xf32>
    %get3A_38 = vector.shape_cast %get3A_37 : vector<1x128xf32> to vector<128xf32>
    %broadcast_in_dim3A_39 = vector.shape_cast %get3A_38 : vector<128xf32> to vector<1x128xf32>
    %add3A_40 = vector.broadcast %broadcast_in_dim3A_39 : vector<1x128xf32> to vector<2560x128xf32>
    %add3A_41 = arith.addf %dot_general3A_34, %add3A_40 : vector<2560x128xf32>
    %max3A_42 = arith.constant 0.000000e+00 : f32
    %max3A_43 = vector.broadcast %max3A_42 : f32 to vector<2560x128xf32>
    %max3A_44 = arith.maximumf %add3A_41, %max3A_43 : vector<2560x128xf32>
    %abs3A_45 = math.absf %add3A_41 : vector<2560x128xf32>
    %neg3A_46 = arith.constant 0.000000e+00 : f32
    %neg3A_47 = vector.broadcast %neg3A_46 : f32 to vector<2560x128xf32>
    %neg3A_48 = arith.subf %neg3A_47, %abs3A_45 : vector<2560x128xf32>
    %exp3A_49 = math.exp %neg3A_48 : vector<2560x128xf32>
    %log1p3A_50 = math.log1p %exp3A_49 : vector<2560x128xf32>
    %add3A_51 = arith.addf %max3A_44, %log1p3A_50 : vector<2560x128xf32>
    %sub3A_52 = arith.constant 0.693147182 : f32
    %sub3A_53 = vector.broadcast %sub3A_52 : f32 to vector<2560x128xf32>
    %sub3A_54 = arith.subf %add3A_51, %sub3A_53 : vector<2560x128xf32>
    %sub3A_55 = arith.constant 8.000000e-01 : f32
    %sub3A_56 = vector.broadcast %sub3A_55 : f32 to vector<2560xf32>
    %sub3A_57 = arith.subf %get3A_3, %sub3A_56 : vector<2560xf32>
    %div3A = arith.constant 2.000000e-01 : f32
    %div3A_58 = vector.broadcast %div3A : f32 to vector<2560xf32>
    %div3A_59 = arith.divf %sub3A_57, %div3A_58 : vector<2560xf32>
    %jit3A = arith.constant 0.000000e+00 : f32
    %jit3A_60 = arith.constant 1.000000e+00 : f32
    %max3A_61 = vector.broadcast %jit3A : f32 to vector<2560xf32>
    %max3A_62 = arith.maximumf %max3A_61, %div3A_59 : vector<2560xf32>
    %min3A = vector.broadcast %jit3A_60 : f32 to vector<2560xf32>
    %min3A_63 = arith.minimumf %min3A, %max3A_62 : vector<2560xf32>
    %mul3A_64 = arith.constant 3.14159274 : f32
    %mul3A_65 = vector.broadcast %mul3A_64 : f32 to vector<2560xf32>
    %mul3A_66 = arith.mulf %mul3A_65, %min3A_63 : vector<2560xf32>
    %cos3A = math.cos %mul3A_66 : vector<2560xf32>
    %add3A_67 = arith.constant 1.000000e+00 : f32
    %add3A_68 = vector.broadcast %add3A_67 : f32 to vector<2560xf32>
    %add3A_69 = arith.addf %cos3A, %add3A_68 : vector<2560xf32>
    %mul3A_70 = arith.constant 5.000000e-01 : f32
    %mul3A_71 = vector.broadcast %mul3A_70 : f32 to vector<2560xf32>
    %mul3A_72 = arith.mulf %mul3A_71, %add3A_69 : vector<2560xf32>
    %lt3A = arith.constant 8.000000e-01 : f32
    %lt3A_73 = vector.broadcast %lt3A : f32 to vector<2560xf32>
    %lt3A_74 = arith.cmpf olt, %get3A_3, %lt3A_73 : vector<2560xf32>
    %gt3A = arith.constant 1.000000e+00 : f32
    %gt3A_75 = vector.broadcast %gt3A : f32 to vector<2560xf32>
    %gt3A_76 = arith.cmpf ogt, %get3A_3, %gt3A_75 : vector<2560xf32>
    %jit3A_77 = arith.constant 0.000000e+00 : f32
    %broadcast_in_dim3A_78 = vector.broadcast %jit3A_77 : f32 to vector<2560xf32>
    %select_n3A = arith.select %gt3A_76, %broadcast_in_dim3A_78, %mul3A_72 : vector<2560xi1>, vector<2560xf32>
    %jit3A_79 = arith.constant 1.000000e+00 : f32
    %broadcast_in_dim3A_80 = vector.broadcast %jit3A_79 : f32 to vector<2560xf32>
    %select_n3A_81 = arith.select %lt3A_74, %broadcast_in_dim3A_80, %select_n3A : vector<2560xi1>, vector<2560xf32>
    %get3A_82 = arith.constant 0 : index
    %get3A_83 = arith.constant 0 : index
    %get3A_84 = vector.load %arg2[%get3A_82, %get3A_83] : memref<2560x128xf32, #tpu.memory_space<vmem>>, vector<2560x128xf32>
    %mul3A_85 = arith.mulf %get3A_84, %sub3A_54 : vector<2560x128xf32>
    %broadcast_in_dim3A_86 = vector.shape_cast %select_n3A_81 : vector<2560xf32> to vector<2560x1xf32>
    %mul3A_87 = vector.broadcast %broadcast_in_dim3A_86 : vector<2560x1xf32> to vector<2560x128xf32>
    %mul3A_88 = arith.mulf %mul3A_85, %mul3A_87 : vector<2560x128xf32>
    %abs3A_89 = math.absf %mul3A_88 : vector<2560x128xf32>
    %log3A = math.log %abs3A_89 : vector<2560x128xf32>
    %lt3A_90 = arith.constant 0.000000e+00 : f32
    %lt3A_91 = vector.broadcast %lt3A_90 : f32 to vector<2560x128xf32>
    %lt3A_92 = arith.cmpf olt, %mul3A_88, %lt3A_91 : vector<2560x128xf32>
    %jit3A_93 = arith.constant 1.000000e+00 : f32
    %jit3A_94 = arith.constant 0.000000e+00 : f32
    %broadcast_in_dim3A_95 = vector.broadcast %jit3A_93 : f32 to vector<2560x128xf32>
    %broadcast_in_dim3A_96 = vector.broadcast %jit3A_94 : f32 to vector<2560x128xf32>
    %select_n3A_97 = arith.select %lt3A_92, %broadcast_in_dim3A_95, %broadcast_in_dim3A_96 : vector<2560x128xi1>, vector<2560x128xf32>
    %slice3A = vector.extract_strided_slice %log3A {offsets = [0, 0], sizes = [2560, 64], strides = [1, 1]} : vector<2560x128xf32> to vector<2560x64xf32>
    %slice3A_98 = vector.extract_strided_slice %select_n3A_97 {offsets = [0, 0], sizes = [2560, 64], strides = [1, 1]} : vector<2560x128xf32> to vector<2560x64xf32>
    %concatenate3A = tpu.concatenate %slice3A, %slice3A_98 in 1 : vector<2560x64xf32>, vector<2560x64xf32> -> vector<2560x128xf32>
    %swap3A = arith.constant 0 : index
    %swap3A_99 = arith.constant 0 : index
    %swap3A_100 = arith.constant 0 : index
    %swap3A_101 = arith.constant 0 : index
    %swap3A_102 = vector.load %arg7[%swap3A, %swap3A_99, %swap3A_100, %swap3A_101] : memref<2x1x2560x128xf32, #tpu.memory_space<vmem>>, vector<1x1x2560x128xf32>
    %swap3A_103 = vector.shape_cast %swap3A_102 : vector<1x1x2560x128xf32> to vector<2560x128xf32>
    %swap3A_104 = vector.shape_cast %concatenate3A : vector<2560x128xf32> to vector<1x1x2560x128xf32>
    tpu.vector_store %arg7[%swap3A, %swap3A_99, %swap3A_100, %swap3A_101], %swap3A_104 {strides = array<i32>} : memref<2x1x2560x128xf32, #tpu.memory_space<vmem>>, vector<1x1x2560x128xf32>,
    %slice3A_105 = vector.extract_strided_slice %log3A {offsets = [0, 64], sizes = [2560, 64], strides = [1, 1]} : vector<2560x128xf32> to vector<2560x64xf32>
    %slice3A_106 = vector.extract_strided_slice %select_n3A_97 {offsets = [0, 64], sizes = [2560, 64], strides = [1, 1]} : vector<2560x128xf32> to vector<2560x64xf32>
    %concatenate3A_107 = tpu.concatenate %slice3A_105, %slice3A_106 in 1 : vector<2560x64xf32>, vector<2560x64xf32> -> vector<2560x128xf32>
    %swap3A_108 = arith.constant 1 : index
    %swap3A_109 = arith.constant 0 : index
    %swap3A_110 = arith.constant 0 : index
    %swap3A_111 = arith.constant 0 : index
    %swap3A_112 = vector.load %arg7[%swap3A_108, %swap3A_109, %swap3A_110, %swap3A_111] : memref<2x1x2560x128xf32, #tpu.memory_space<vmem>>, vector<1x1x2560x128xf32>
    %swap3A_113 = vector.shape_cast %swap3A_112 : vector<1x1x2560x128xf32> to vector<2560x128xf32>
    %swap3A_114 = vector.shape_cast %concatenate3A_107 : vector<2560x128xf32> to vector<1x1x2560x128xf32>
    tpu.vector_store %arg7[%swap3A_108, %swap3A_109, %swap3A_110, %swap3A_111], %swap3A_114 {strides = array<i32>} : memref<2x1x2560x128xf32, #tpu.memory_space<vmem>>, vector<1x1x2560x128xf32>,
    return
  }
  func.func @transform_0(%arg0: i32) -> (i32, i32, i32) {
    %add3A = arith.constant 60 : i32
    %add3A_0 = arith.addi %add3A, %arg0 : i32
    %c0_i32 = arith.constant 0 : i32
    %c0_i32_1 = arith.constant 0 : i32
    %c0_i32_2 = arith.constant 0 : i32
    return %add3A_0, %c0_i32, %c0_i32_1 : i32, i32, i32
  }
  func.func @transform_1(%arg0: i32) -> (i32, i32) {
    %add3A = arith.constant 60 : i32
    %add3A_0 = arith.addi %add3A, %arg0 : i32
    %c0_i32 = arith.constant 0 : i32
    %c0_i32_1 = arith.constant 0 : i32
    return %add3A_0, %c0_i32 : i32, i32
  }
  func.func @transform_2(%arg0: i32) -> (i32, i32) {
    %c0_i32 = arith.constant 0 : i32
    %c0_i32_0 = arith.constant 0 : i32
    %c0_i32_1 = arith.constant 0 : i32
    return %c0_i32, %c0_i32_0 : i32, i32
  }
  func.func @transform_3(%arg0: i32) -> (i32, i32) {
    %c0_i32 = arith.constant 0 : i32
    %c0_i32_0 = arith.constant 0 : i32
    %c0_i32_1 = arith.constant 0 : i32
    return %c0_i32, %c0_i32_0 : i32, i32
  }
  func.func @transform_4(%arg0: i32) -> (i32, i32) {
    %c0_i32 = arith.constant 0 : i32
    %c0_i32_0 = arith.constant 0 : i32
    %c0_i32_1 = arith.constant 0 : i32
    return %c0_i32, %c0_i32_0 : i32, i32
  }
  func.func @transform_5(%arg0: i32) -> (i32, i32) {
    %c0_i32 = arith.constant 0 : i32
    %c0_i32_0 = arith.constant 0 : i32
    %c0_i32_1 = arith.constant 0 : i32
    return %c0_i32, %c0_i32_0 : i32, i32
  }
  func.func @transform_6(%arg0: i32) -> (i32, i32, i32, i32) {
    %c0_i32 = arith.constant 0 : i32
    %c0_i32_0 = arith.constant 0 : i32
    %c0_i32_1 = arith.constant 0 : i32
    %c0_i32_2 = arith.constant 0 : i32
    return %c0_i32, %arg0, %c0_i32_0, %c0_i32_1 : i32, i32, i32, i32
  }
}

module attributes {stable_mosaic.version = 14 : i64} {
  func.func @_edge_stage_body(%arg0: i32, %arg1: memref<1x1x2560xf32, #tpu.memory_space<vmem>>, %arg2: memref<2560x128xf32, #tpu.memory_space<vmem>>, %arg3: memref<128x128xf32, #tpu.memory_space<vmem>>, %arg4: memref<1x128xf32, #tpu.memory_space<vmem>>, %arg5: memref<128x128xf32, #tpu.memory_space<vmem>>, %arg6: memref<1x128xf32, #tpu.memory_space<vmem>>, %arg7: memref<2x1x2560x128xf32, #tpu.memory_space<vmem>>) attributes {dimension_semantics = [#tpu.dimension_semantics<arbitrary>], iteration_bounds = array<i64: 33>, scalar_prefetch = 0 : i64, scratch_operands = 0 : i64, tpu.core_type = #tpu.core_type<tc>, window_params = [{transform_indices = @transform_0, window_bounds = array<i64: 1, 1, 2560>}, {transform_indices = @transform_1, window_bounds = array<i64: 2560, 128>}, {pipeline_mode = #tpu.pipeline_mode<synchronous>, transform_indices = @transform_2, window_bounds = array<i64: 128, 128>}, {pipeline_mode = #tpu.pipeline_mode<synchronous>, transform_indices = @transform_3, window_bounds = array<i64: 1, 128>}, {pipeline_mode = #tpu.pipeline_mode<synchronous>, transform_indices = @transform_4, window_bounds = array<i64: 128, 128>}, {pipeline_mode = #tpu.pipeline_mode<synchronous>, transform_indices = @transform_5, window_bounds = array<i64: 1, 128>}, {transform_indices = @transform_6, window_bounds = array<i64: 2, 1, 2560, 128>}]} {
    %get3A = arith.constant 0 : index
    %get3A_0 = arith.constant 0 : index
    %get3A_1 = arith.constant 0 : index
    %get3A_2 = vector.load %arg1[%get3A, %get3A_0, %get3A_1] : memref<1x1x2560xf32, #tpu.memory_space<vmem>>, vector<1x1x2560xf32>
    %get3A_3 = vector.shape_cast %get3A_2 : vector<1x1x2560xf32> to vector<2560xf32>
    %iota3A = tpu.iota {dimensions = array<i32: 1>} : vector<1x128xi32>
    %convert_element_type3A = arith.sitofp %iota3A : vector<1x128xi32> to vector<1x128xf32>
    %mul3A = arith.constant 0.00787401571 : f32
    %mul3A_4 = vector.broadcast %mul3A : f32 to vector<1x128xf32>
    %mul3A_5 = arith.mulf %convert_element_type3A, %mul3A_4 : vector<1x128xf32>
    %broadcast_in_dim3A = vector.shape_cast %get3A_3 : vector<2560xf32> to vector<2560x1xf32>
    %sub3A = vector.broadcast %broadcast_in_dim3A : vector<2560x1xf32> to vector<2560x128xf32>
    %sub3A_6 = vector.broadcast %mul3A_5 : vector<1x128xf32> to vector<2560x128xf32>
    %sub3A_7 = arith.subf %sub3A, %sub3A_6 : vector<2560x128xf32>
    %integer_pow3A = arith.mulf %sub3A_7, %sub3A_7 : vector<2560x128xf32>
    %mul3A_8 = arith.constant -1.280000e+02 : f32
    %mul3A_9 = vector.broadcast %mul3A_8 : f32 to vector<2560x128xf32>
    %mul3A_10 = arith.mulf %mul3A_9, %integer_pow3A : vector<2560x128xf32>
    %exp3A = math.exp %mul3A_10 : vector<2560x128xf32>
    %get3A_11 = arith.constant 0 : index
    %get3A_12 = arith.constant 0 : index
    %get3A_13 = vector.load %arg3[%get3A_11, %get3A_12] : memref<128x128xf32, #tpu.memory_space<vmem>>, vector<128x128xf32>
    %dot_general3A = arith.constant dense<0.000000e+00> : vector<2560x128xf32>
    %dot_general3A_14 = tpu.matmul %exp3A, %get3A_13, %dot_general3A {dimension_numbers = #tpu.dot_dimension_numbers<[1], [0], [0], [1], [0, 0, 1, 1], [], []>, transpose_lhs_hint = false} : vector<2560x128xf32>, vector<128x128xf32>, vector<2560x128xf32> -> vector<2560x128xf32>
    %get3A_15 = arith.constant 0 : index
    %get3A_16 = arith.constant 0 : index
    %get3A_17 = vector.load %arg4[%get3A_15, %get3A_16] : memref<1x128xf32, #tpu.memory_space<vmem>>, vector<1x128xf32>
    %get3A_18 = vector.shape_cast %get3A_17 : vector<1x128xf32> to vector<128xf32>
    %broadcast_in_dim3A_19 = vector.shape_cast %get3A_18 : vector<128xf32> to vector<1x128xf32>
    %add3A = vector.broadcast %broadcast_in_dim3A_19 : vector<1x128xf32> to vector<2560x128xf32>
    %add3A_20 = arith.addf %dot_general3A_14, %add3A : vector<2560x128xf32>
    %max3A = arith.constant 0.000000e+00 : f32
    %max3A_21 = vector.broadcast %max3A : f32 to vector<2560x128xf32>
    %max3A_22 = arith.maximumf %add3A_20, %max3A_21 : vector<2560x128xf32>
    %abs3A = math.absf %add3A_20 : vector<2560x128xf32>
    %neg3A = arith.constant 0.000000e+00 : f32
    %neg3A_23 = vector.broadcast %neg3A : f32 to vector<2560x128xf32>
    %neg3A_24 = arith.subf %neg3A_23, %abs3A : vector<2560x128xf32>
    %exp3A_25 = math.exp %neg3A_24 : vector<2560x128xf32>
    %log1p3A = math.log1p %exp3A_25 : vector<2560x128xf32>
    %add3A_26 = arith.addf %max3A_22, %log1p3A : vector<2560x128xf32>
    %sub3A_27 = arith.constant 0.693147182 : f32
    %sub3A_28 = vector.broadcast %sub3A_27 : f32 to vector<2560x128xf32>
    %sub3A_29 = arith.subf %add3A_26, %sub3A_28 : vector<2560x128xf32>
    %get3A_30 = arith.constant 0 : index
    %get3A_31 = arith.constant 0 : index
    %get3A_32 = vector.load %arg5[%get3A_30, %get3A_31] : memref<128x128xf32, #tpu.memory_space<vmem>>, vector<128x128xf32>
    %dot_general3A_33 = arith.constant dense<0.000000e+00> : vector<2560x128xf32>
    %dot_general3A_34 = tpu.matmul %sub3A_29, %get3A_32, %dot_general3A_33 {dimension_numbers = #tpu.dot_dimension_numbers<[1], [0], [0], [1], [0, 0, 1, 1], [], []>, transpose_lhs_hint = false} : vector<2560x128xf32>, vector<128x128xf32>, vector<2560x128xf32> -> vector<2560x128xf32>
    %get3A_35 = arith.constant 0 : index
    %get3A_36 = arith.constant 0 : index
    %get3A_37 = vector.load %arg6[%get3A_35, %get3A_36] : memref<1x128xf32, #tpu.memory_space<vmem>>, vector<1x128xf32>
    %get3A_38 = vector.shape_cast %get3A_37 : vector<1x128xf32> to vector<128xf32>
    %broadcast_in_dim3A_39 = vector.shape_cast %get3A_38 : vector<128xf32> to vector<1x128xf32>
    %add3A_40 = vector.broadcast %broadcast_in_dim3A_39 : vector<1x128xf32> to vector<2560x128xf32>
    %add3A_41 = arith.addf %dot_general3A_34, %add3A_40 : vector<2560x128xf32>
    %max3A_42 = arith.constant 0.000000e+00 : f32
    %max3A_43 = vector.broadcast %max3A_42 : f32 to vector<2560x128xf32>
    %max3A_44 = arith.maximumf %add3A_41, %max3A_43 : vector<2560x128xf32>
    %abs3A_45 = math.absf %add3A_41 : vector<2560x128xf32>
    %neg3A_46 = arith.constant 0.000000e+00 : f32
    %neg3A_47 = vector.broadcast %neg3A_46 : f32 to vector<2560x128xf32>
    %neg3A_48 = arith.subf %neg3A_47, %abs3A_45 : vector<2560x128xf32>
    %exp3A_49 = math.exp %neg3A_48 : vector<2560x128xf32>
    %log1p3A_50 = math.log1p %exp3A_49 : vector<2560x128xf32>
    %add3A_51 = arith.addf %max3A_44, %log1p3A_50 : vector<2560x128xf32>
    %sub3A_52 = arith.constant 0.693147182 : f32
    %sub3A_53 = vector.broadcast %sub3A_52 : f32 to vector<2560x128xf32>
    %sub3A_54 = arith.subf %add3A_51, %sub3A_53 : vector<2560x128xf32>
    %sub3A_55 = arith.constant 8.000000e-01 : f32
    %sub3A_56 = vector.broadcast %sub3A_55 : f32 to vector<2560xf32>
    %sub3A_57 = arith.subf %get3A_3, %sub3A_56 : vector<2560xf32>
    %div3A = arith.constant 2.000000e-01 : f32
    %div3A_58 = vector.broadcast %div3A : f32 to vector<2560xf32>
    %div3A_59 = arith.divf %sub3A_57, %div3A_58 : vector<2560xf32>
    %jit3A = arith.constant 0.000000e+00 : f32
    %jit3A_60 = arith.constant 1.000000e+00 : f32
    %max3A_61 = vector.broadcast %jit3A : f32 to vector<2560xf32>
    %max3A_62 = arith.maximumf %max3A_61, %div3A_59 : vector<2560xf32>
    %min3A = vector.broadcast %jit3A_60 : f32 to vector<2560xf32>
    %min3A_63 = arith.minimumf %min3A, %max3A_62 : vector<2560xf32>
    %mul3A_64 = arith.constant 3.14159274 : f32
    %mul3A_65 = vector.broadcast %mul3A_64 : f32 to vector<2560xf32>
    %mul3A_66 = arith.mulf %mul3A_65, %min3A_63 : vector<2560xf32>
    %cos3A = math.cos %mul3A_66 : vector<2560xf32>
    %add3A_67 = arith.constant 1.000000e+00 : f32
    %add3A_68 = vector.broadcast %add3A_67 : f32 to vector<2560xf32>
    %add3A_69 = arith.addf %cos3A, %add3A_68 : vector<2560xf32>
    %mul3A_70 = arith.constant 5.000000e-01 : f32
    %mul3A_71 = vector.broadcast %mul3A_70 : f32 to vector<2560xf32>
    %mul3A_72 = arith.mulf %mul3A_71, %add3A_69 : vector<2560xf32>
    %lt3A = arith.constant 8.000000e-01 : f32
    %lt3A_73 = vector.broadcast %lt3A : f32 to vector<2560xf32>
    %lt3A_74 = arith.cmpf olt, %get3A_3, %lt3A_73 : vector<2560xf32>
    %gt3A = arith.constant 1.000000e+00 : f32
    %gt3A_75 = vector.broadcast %gt3A : f32 to vector<2560xf32>
    %gt3A_76 = arith.cmpf ogt, %get3A_3, %gt3A_75 : vector<2560xf32>
    %jit3A_77 = arith.constant 0.000000e+00 : f32
    %broadcast_in_dim3A_78 = vector.broadcast %jit3A_77 : f32 to vector<2560xf32>
    %select_n3A = arith.select %gt3A_76, %broadcast_in_dim3A_78, %mul3A_72 : vector<2560xi1>, vector<2560xf32>
    %jit3A_79 = arith.constant 1.000000e+00 : f32
    %broadcast_in_dim3A_80 = vector.broadcast %jit3A_79 : f32 to vector<2560xf32>
    %select_n3A_81 = arith.select %lt3A_74, %broadcast_in_dim3A_80, %select_n3A : vector<2560xi1>, vector<2560xf32>
    %get3A_82 = arith.constant 0 : index
    %get3A_83 = arith.constant 0 : index
    %get3A_84 = vector.load %arg2[%get3A_82, %get3A_83] : memref<2560x128xf32, #tpu.memory_space<vmem>>, vector<2560x128xf32>
    %mul3A_85 = arith.mulf %get3A_84, %sub3A_54 : vector<2560x128xf32>
    %broadcast_in_dim3A_86 = vector.shape_cast %select_n3A_81 : vector<2560xf32> to vector<2560x1xf32>
    %mul3A_87 = vector.broadcast %broadcast_in_dim3A_86 : vector<2560x1xf32> to vector<2560x128xf32>
    %mul3A_88 = arith.mulf %mul3A_85, %mul3A_87 : vector<2560x128xf32>
    %abs3A_89 = math.absf %mul3A_88 : vector<2560x128xf32>
    %log3A = math.log %abs3A_89 : vector<2560x128xf32>
    %lt3A_90 = arith.constant 0.000000e+00 : f32
    %lt3A_91 = vector.broadcast %lt3A_90 : f32 to vector<2560x128xf32>
    %lt3A_92 = arith.cmpf olt, %mul3A_88, %lt3A_91 : vector<2560x128xf32>
    %jit3A_93 = arith.constant 1.000000e+00 : f32
    %jit3A_94 = arith.constant 0.000000e+00 : f32
    %broadcast_in_dim3A_95 = vector.broadcast %jit3A_93 : f32 to vector<2560x128xf32>
    %broadcast_in_dim3A_96 = vector.broadcast %jit3A_94 : f32 to vector<2560x128xf32>
    %select_n3A_97 = arith.select %lt3A_92, %broadcast_in_dim3A_95, %broadcast_in_dim3A_96 : vector<2560x128xi1>, vector<2560x128xf32>
    %slice3A = vector.extract_strided_slice %log3A {offsets = [0, 0], sizes = [2560, 64], strides = [1, 1]} : vector<2560x128xf32> to vector<2560x64xf32>
    %slice3A_98 = vector.extract_strided_slice %select_n3A_97 {offsets = [0, 0], sizes = [2560, 64], strides = [1, 1]} : vector<2560x128xf32> to vector<2560x64xf32>
    %concatenate3A = tpu.concatenate %slice3A, %slice3A_98 in 1 : vector<2560x64xf32>, vector<2560x64xf32> -> vector<2560x128xf32>
    %swap3A = arith.constant 0 : index
    %swap3A_99 = arith.constant 0 : index
    %swap3A_100 = arith.constant 0 : index
    %swap3A_101 = arith.constant 0 : index
    %swap3A_102 = vector.load %arg7[%swap3A, %swap3A_99, %swap3A_100, %swap3A_101] : memref<2x1x2560x128xf32, #tpu.memory_space<vmem>>, vector<1x1x2560x128xf32>
    %swap3A_103 = vector.shape_cast %swap3A_102 : vector<1x1x2560x128xf32> to vector<2560x128xf32>
    %swap3A_104 = vector.shape_cast %concatenate3A : vector<2560x128xf32> to vector<1x1x2560x128xf32>
    tpu.vector_store %arg7[%swap3A, %swap3A_99, %swap3A_100, %swap3A_101], %swap3A_104 {strides = array<i32>} : memref<2x1x2560x128xf32, #tpu.memory_space<vmem>>, vector<1x1x2560x128xf32>,
    %slice3A_105 = vector.extract_strided_slice %log3A {offsets = [0, 64], sizes = [2560, 64], strides = [1, 1]} : vector<2560x128xf32> to vector<2560x64xf32>
    %slice3A_106 = vector.extract_strided_slice %select_n3A_97 {offsets = [0, 64], sizes = [2560, 64], strides = [1, 1]} : vector<2560x128xf32> to vector<2560x64xf32>
    %concatenate3A_107 = tpu.concatenate %slice3A_105, %slice3A_106 in 1 : vector<2560x64xf32>, vector<2560x64xf32> -> vector<2560x128xf32>
    %swap3A_108 = arith.constant 1 : index
    %swap3A_109 = arith.constant 0 : index
    %swap3A_110 = arith.constant 0 : index
    %swap3A_111 = arith.constant 0 : index
    %swap3A_112 = vector.load %arg7[%swap3A_108, %swap3A_109, %swap3A_110, %swap3A_111] : memref<2x1x2560x128xf32, #tpu.memory_space<vmem>>, vector<1x1x2560x128xf32>
    %swap3A_113 = vector.shape_cast %swap3A_112 : vector<1x1x2560x128xf32> to vector<2560x128xf32>
    %swap3A_114 = vector.shape_cast %concatenate3A_107 : vector<2560x128xf32> to vector<1x1x2560x128xf32>
    tpu.vector_store %arg7[%swap3A_108, %swap3A_109, %swap3A_110, %swap3A_111], %swap3A_114 {strides = array<i32>} : memref<2x1x2560x128xf32, #tpu.memory_space<vmem>>, vector<1x1x2560x128xf32>,
    return
  }
  func.func @transform_0(%arg0: i32) -> (i32, i32, i32) {
    %add3A = arith.constant 92 : i32
    %add3A_0 = arith.addi %add3A, %arg0 : i32
    %c0_i32 = arith.constant 0 : i32
    %c0_i32_1 = arith.constant 0 : i32
    %c0_i32_2 = arith.constant 0 : i32
    return %add3A_0, %c0_i32, %c0_i32_1 : i32, i32, i32
  }
  func.func @transform_1(%arg0: i32) -> (i32, i32) {
    %add3A = arith.constant 92 : i32
    %add3A_0 = arith.addi %add3A, %arg0 : i32
    %c0_i32 = arith.constant 0 : i32
    %c0_i32_1 = arith.constant 0 : i32
    return %add3A_0, %c0_i32 : i32, i32
  }
  func.func @transform_2(%arg0: i32) -> (i32, i32) {
    %c0_i32 = arith.constant 0 : i32
    %c0_i32_0 = arith.constant 0 : i32
    %c0_i32_1 = arith.constant 0 : i32
    return %c0_i32, %c0_i32_0 : i32, i32
  }
  func.func @transform_3(%arg0: i32) -> (i32, i32) {
    %c0_i32 = arith.constant 0 : i32
    %c0_i32_0 = arith.constant 0 : i32
    %c0_i32_1 = arith.constant 0 : i32
    return %c0_i32, %c0_i32_0 : i32, i32
  }
  func.func @transform_4(%arg0: i32) -> (i32, i32) {
    %c0_i32 = arith.constant 0 : i32
    %c0_i32_0 = arith.constant 0 : i32
    %c0_i32_1 = arith.constant 0 : i32
    return %c0_i32, %c0_i32_0 : i32, i32
  }
  func.func @transform_5(%arg0: i32) -> (i32, i32) {
    %c0_i32 = arith.constant 0 : i32
    %c0_i32_0 = arith.constant 0 : i32
    %c0_i32_1 = arith.constant 0 : i32
    return %c0_i32, %c0_i32_0 : i32, i32
  }
  func.func @transform_6(%arg0: i32) -> (i32, i32, i32, i32) {
    %c0_i32 = arith.constant 0 : i32
    %c0_i32_0 = arith.constant 0 : i32
    %c0_i32_1 = arith.constant 0 : i32
    %c0_i32_2 = arith.constant 0 : i32
    return %c0_i32, %arg0, %c0_i32_0, %c0_i32_1 : i32, i32, i32, i32
  }
}

module attributes {stable_mosaic.version = 14 : i64} {
  func.func @_final_stage_body(%arg0: i32, %arg1: memref<2x1280x128xf32, #tpu.memory_space<vmem>>, %arg2: memref<2x1280x128xf32, #tpu.memory_space<vmem>>, %arg3: memref<2x1280x128xf32, #tpu.memory_space<vmem>>, %arg4: memref<2x1280x128xf32, #tpu.memory_space<vmem>>, %arg5: memref<2x1280x128xf32, #tpu.memory_space<vmem>>, %arg6: memref<128x128xf32, #tpu.memory_space<vmem>>, %arg7: memref<1x128xf32, #tpu.memory_space<vmem>>, %arg8: memref<1280x128xf32, #tpu.memory_space<vmem>>) attributes {dimension_semantics = [#tpu.dimension_semantics<arbitrary>], iteration_bounds = array<i64: 8>, scalar_prefetch = 0 : i64, scratch_operands = 0 : i64, tpu.core_type = #tpu.core_type<tc>, window_params = [{transform_indices = @transform_0, window_bounds = array<i64: 2, 1280, 128>}, {transform_indices = @transform_1, window_bounds = array<i64: 2, 1280, 128>}, {transform_indices = @transform_2, window_bounds = array<i64: 2, 1280, 128>}, {transform_indices = @transform_3, window_bounds = array<i64: 2, 1280, 128>}, {transform_indices = @transform_4, window_bounds = array<i64: 2, 1280, 128>}, {pipeline_mode = #tpu.pipeline_mode<synchronous>, transform_indices = @transform_5, window_bounds = array<i64: 128, 128>}, {pipeline_mode = #tpu.pipeline_mode<synchronous>, transform_indices = @transform_6, window_bounds = array<i64: 1, 128>}, {transform_indices = @transform_7, window_bounds = array<i64: 1280, 128>}]} {
    %get3A = arith.constant 0 : index
    %get3A_0 = arith.constant 0 : index
    %get3A_1 = arith.constant 0 : index
    %get3A_2 = vector.load %arg1[%get3A, %get3A_0, %get3A_1] : memref<2x1280x128xf32, #tpu.memory_space<vmem>>, vector<2x1280x128xf32>
    %get3A_3 = arith.constant 0 : index
    %get3A_4 = arith.constant 0 : index
    %get3A_5 = arith.constant 0 : index
    %get3A_6 = vector.load %arg2[%get3A_3, %get3A_4, %get3A_5] : memref<2x1280x128xf32, #tpu.memory_space<vmem>>, vector<2x1280x128xf32>
    %add3A = arith.addf %get3A_2, %get3A_6 : vector<2x1280x128xf32>
    %get3A_7 = arith.constant 0 : index
    %get3A_8 = arith.constant 0 : index
    %get3A_9 = arith.constant 0 : index
    %get3A_10 = vector.load %arg3[%get3A_7, %get3A_8, %get3A_9] : memref<2x1280x128xf32, #tpu.memory_space<vmem>>, vector<2x1280x128xf32>
    %add3A_11 = arith.addf %add3A, %get3A_10 : vector<2x1280x128xf32>
    %get3A_12 = arith.constant 0 : index
    %get3A_13 = arith.constant 0 : index
    %get3A_14 = arith.constant 0 : index
    %get3A_15 = vector.load %arg4[%get3A_12, %get3A_13, %get3A_14] : memref<2x1280x128xf32, #tpu.memory_space<vmem>>, vector<2x1280x128xf32>
    %add3A_16 = arith.addf %add3A_11, %get3A_15 : vector<2x1280x128xf32>
    %get3A_17 = arith.constant 0 : index
    %get3A_18 = arith.constant 0 : index
    %get3A_19 = arith.constant 0 : index
    %get3A_20 = vector.load %arg5[%get3A_17, %get3A_18, %get3A_19] : memref<2x1280x128xf32, #tpu.memory_space<vmem>>, vector<2x1280x128xf32>
    %add3A_21 = arith.addf %add3A_16, %get3A_20 : vector<2x1280x128xf32>
    %slice3A = vector.extract_strided_slice %add3A_21 {offsets = [0, 0, 0], sizes = [1, 1280, 64], strides = [1, 1, 1]} : vector<2x1280x128xf32> to vector<1x1280x64xf32>
    %squeeze3A = vector.shape_cast %slice3A : vector<1x1280x64xf32> to vector<1280x64xf32>
    %slice3A_22 = vector.extract_strided_slice %add3A_21 {offsets = [1, 0, 0], sizes = [1, 1280, 64], strides = [1, 1, 1]} : vector<2x1280x128xf32> to vector<1x1280x64xf32>
    %squeeze3A_23 = vector.shape_cast %slice3A_22 : vector<1x1280x64xf32> to vector<1280x64xf32>
    %concatenate3A = tpu.concatenate %squeeze3A, %squeeze3A_23 in 1 : vector<1280x64xf32>, vector<1280x64xf32> -> vector<1280x128xf32>
    %slice3A_24 = vector.extract_strided_slice %add3A_21 {offsets = [0, 0, 64], sizes = [1, 1280, 64], strides = [1, 1, 1]} : vector<2x1280x128xf32> to vector<1x1280x64xf32>
    %squeeze3A_25 = vector.shape_cast %slice3A_24 : vector<1x1280x64xf32> to vector<1280x64xf32>
    %slice3A_26 = vector.extract_strided_slice %add3A_21 {offsets = [1, 0, 64], sizes = [1, 1280, 64], strides = [1, 1, 1]} : vector<2x1280x128xf32> to vector<1x1280x64xf32>
    %squeeze3A_27 = vector.shape_cast %slice3A_26 : vector<1x1280x64xf32> to vector<1280x64xf32>
    %concatenate3A_28 = tpu.concatenate %squeeze3A_25, %squeeze3A_27 in 1 : vector<1280x64xf32>, vector<1280x64xf32> -> vector<1280x128xf32>
    %mul3A = arith.constant 5.000000e-01 : f32
    %mul3A_29 = vector.broadcast %mul3A : f32 to vector<1280x128xf32>
    %mul3A_30 = arith.mulf %concatenate3A_28, %mul3A_29 : vector<1280x128xf32>
    %floor3A = math.floor %mul3A_30 : vector<1280x128xf32>
    %mul3A_31 = arith.constant 2.000000e+00 : f32
    %mul3A_32 = vector.broadcast %mul3A_31 : f32 to vector<1280x128xf32>
    %mul3A_33 = arith.mulf %mul3A_32, %floor3A : vector<1280x128xf32>
    %sub3A = arith.subf %concatenate3A_28, %mul3A_33 : vector<1280x128xf32>
    %mul3A_34 = arith.constant 2.000000e+00 : f32
    %mul3A_35 = vector.broadcast %mul3A_34 : f32 to vector<1280x128xf32>
    %mul3A_36 = arith.mulf %mul3A_35, %sub3A : vector<1280x128xf32>
    %sub3A_37 = arith.constant 1.000000e+00 : f32
    %sub3A_38 = vector.broadcast %sub3A_37 : f32 to vector<1280x128xf32>
    %sub3A_39 = arith.subf %sub3A_38, %mul3A_36 : vector<1280x128xf32>
    %exp3A = math.exp %concatenate3A : vector<1280x128xf32>
    %mul3A_40 = arith.mulf %sub3A_39, %exp3A : vector<1280x128xf32>
    %get3A_41 = arith.constant 0 : index
    %get3A_42 = arith.constant 0 : index
    %get3A_43 = vector.load %arg6[%get3A_41, %get3A_42] : memref<128x128xf32, #tpu.memory_space<vmem>>, vector<128x128xf32>
    %dot_general3A = arith.constant dense<0.000000e+00> : vector<1280x128xf32>
    %dot_general3A_44 = tpu.matmul %mul3A_40, %get3A_43, %dot_general3A {dimension_numbers = #tpu.dot_dimension_numbers<[1], [0], [0], [1], [0, 0, 1, 1], [], []>, transpose_lhs_hint = false} : vector<1280x128xf32>, vector<128x128xf32>, vector<1280x128xf32> -> vector<1280x128xf32>
    %get3A_45 = arith.constant 0 : index
    %get3A_46 = arith.constant 0 : index
    %get3A_47 = vector.load %arg7[%get3A_45, %get3A_46] : memref<1x128xf32, #tpu.memory_space<vmem>>, vector<1x128xf32>
    %get3A_48 = vector.shape_cast %get3A_47 : vector<1x128xf32> to vector<128xf32>
    %broadcast_in_dim3A = vector.shape_cast %get3A_48 : vector<128xf32> to vector<1x128xf32>
    %add3A_49 = vector.broadcast %broadcast_in_dim3A : vector<1x128xf32> to vector<1280x128xf32>
    %add3A_50 = arith.addf %dot_general3A_44, %add3A_49 : vector<1280x128xf32>
    %max3A = arith.constant 0.000000e+00 : f32
    %max3A_51 = vector.broadcast %max3A : f32 to vector<1280x128xf32>
    %max3A_52 = arith.maximumf %add3A_50, %max3A_51 : vector<1280x128xf32>
    %abs3A = math.absf %add3A_50 : vector<1280x128xf32>
    %neg3A = arith.constant 0.000000e+00 : f32
    %neg3A_53 = vector.broadcast %neg3A : f32 to vector<1280x128xf32>
    %neg3A_54 = arith.subf %neg3A_53, %abs3A : vector<1280x128xf32>
    %exp3A_55 = math.exp %neg3A_54 : vector<1280x128xf32>
    %log1p3A = math.log1p %exp3A_55 : vector<1280x128xf32>
    %add3A_56 = arith.addf %max3A_52, %log1p3A : vector<1280x128xf32>
    %sub3A_57 = arith.constant 0.693147182 : f32
    %sub3A_58 = vector.broadcast %sub3A_57 : f32 to vector<1280x128xf32>
    %sub3A_59 = arith.subf %add3A_56, %sub3A_58 : vector<1280x128xf32>
    %swap3A = arith.constant 0 : index
    %swap3A_60 = arith.constant 0 : index
    %swap3A_61 = vector.load %arg8[%swap3A, %swap3A_60] : memref<1280x128xf32, #tpu.memory_space<vmem>>, vector<1280x128xf32>
    tpu.vector_store %arg8[%swap3A, %swap3A_60], %sub3A_59 {strides = array<i32>} : memref<1280x128xf32, #tpu.memory_space<vmem>>, vector<1280x128xf32>,
    return
  }
  func.func @transform_0(%arg0: i32) -> (i32, i32, i32) {
    %c0_i32 = arith.constant 0 : i32
    %c0_i32_0 = arith.constant 0 : i32
    %c0_i32_1 = arith.constant 0 : i32
    return %c0_i32, %arg0, %c0_i32_0 : i32, i32, i32
  }
  func.func @transform_1(%arg0: i32) -> (i32, i32, i32) {
    %c0_i32 = arith.constant 0 : i32
    %c0_i32_0 = arith.constant 0 : i32
    %c0_i32_1 = arith.constant 0 : i32
    return %c0_i32, %arg0, %c0_i32_0 : i32, i32, i32
  }
  func.func @transform_2(%arg0: i32) -> (i32, i32, i32) {
    %c0_i32 = arith.constant 0 : i32
    %c0_i32_0 = arith.constant 0 : i32
    %c0_i32_1 = arith.constant 0 : i32
    return %c0_i32, %arg0, %c0_i32_0 : i32, i32, i32
  }
  func.func @transform_3(%arg0: i32) -> (i32, i32, i32) {
    %c0_i32 = arith.constant 0 : i32
    %c0_i32_0 = arith.constant 0 : i32
    %c0_i32_1 = arith.constant 0 : i32
    return %c0_i32, %arg0, %c0_i32_0 : i32, i32, i32
  }
  func.func @transform_4(%arg0: i32) -> (i32, i32, i32) {
    %c0_i32 = arith.constant 0 : i32
    %c0_i32_0 = arith.constant 0 : i32
    %c0_i32_1 = arith.constant 0 : i32
    return %c0_i32, %arg0, %c0_i32_0 : i32, i32, i32
  }
  func.func @transform_5(%arg0: i32) -> (i32, i32) {
    %c0_i32 = arith.constant 0 : i32
    %c0_i32_0 = arith.constant 0 : i32
    %c0_i32_1 = arith.constant 0 : i32
    return %c0_i32, %c0_i32_0 : i32, i32
  }
  func.func @transform_6(%arg0: i32) -> (i32, i32) {
    %c0_i32 = arith.constant 0 : i32
    %c0_i32_0 = arith.constant 0 : i32
    %c0_i32_1 = arith.constant 0 : i32
    return %c0_i32, %c0_i32_0 : i32, i32
  }
  func.func @transform_7(%arg0: i32) -> (i32, i32) {
    %c0_i32 = arith.constant 0 : i32
    %c0_i32_0 = arith.constant 0 : i32
    return %arg0, %c0_i32 : i32, i32
  }
}

</mosaic_0001>

<sc_bundles>
// kernel: kernel.14.cloned.1.call-start
scs
__scs_entry_jumppad:
0x0: {  	(pc) =	sbr.rel $0x88, $3  }
0x1: {  	(tag) =	ssettag $0x0;
	lr =	simm.s32 $0x1  }
0x2: {  	[smem:$0x3F97] =	sst lr;
	_ =	strace $0xD0000000  }
0x3: {  	_ = 	snop  }
0x4: {  	_ = 	snop  }
0x5: {  	_ = 	snop  }
0x6: {  	_ = 	snop  }
0x7: {  	_ = 	snop  }
__scs_overlays_trampoline_lowered:
0x8: {  	[smem:$0x3FA6] =	sst s0  }
0x9: {  	[smem:$0x3FA7] =	sst s1  }
0xa: {  	[smem:$0x3FA8] =	sst s2  }
0xb: {  	[smem:$0x3FA9] =	sst s3  }
0xc: {  	[smem:$0x3FAA] =	sst s4  }
0xd: {  	[smem:$0x3FAB] =	sst s5  }
0xe: {  	[smem:$0x3FAC] =	sst s6  }
0xf: {  	[smem:$0x3FAD] =	sst s7  }
0x10: {  	[smem:$0x3FAE] =	sst s8  }
0x11: {  	[smem:$0x3FAF] =	sst s9;
	s0 =	simm.s32 @!p0 $0x0  }
0x12: {  	s1 =	sld [smem:$0x3F95];
	s0 =	simm.s32 @p0 $0x1  }
0x13: {  	[smem:$0x3FB0] =	sst s0;
	s0 =	simm.s32 @!p1 $0x0  }
0x14: {  	s2 =	sld [smem:$0x3F94];
	s0 =	simm.s32 @p1 $0x1  }
0x15: {  	[smem:$0x3FB1] =	sst s0;
	s0 =	simm.s32 @!p2 $0x0  }
0x16: {  	s3 =	sld [smem:$0x3FDB];
	s0 =	simm.s32 @p2 $0x1  }
0x17: {  	s4 =	simm.s32 $0x1BF5;
	[smem:$0x3FB3] =	sst s0  }
0x18: {  	s0 =	sld [smem:$0x3F96];
	_ =	swait.ge [sflag:s4], $0x0  }
0x19: {  	s7 =	sld [smem:$0x3F97]  }
0x1a: {  	s8 =	sadd.s32 $0xFFFFE003, lr  }
0x1b: {  	s9 =	sadd.s32 $0xFFFFFEF7, lr;
	s5 =	simm.s32 $0xFFFFFFFF;
	p2 =	slt.u32 s8, $0xFFFFF086  }
0x1c: {  	p1 =	slt.u32 s9, $0xF7A;
	s5 =	simm.s32 @!p2 $0x0  }
0x1d: {  	s5 =	simm.s32 @p1 $0x1;
	p0 =	seq.s32 s7, s2  }
0x1e: {  	s7 =	smul.u32 @!p0 $0xF7A, s2;
	p2 =	seq.s32 @!p0 s5, $0x0  }
0x1f: {  	s9 =	smul.u32 $0xF7A, s1;
	s8 =	simm.s32 @!p0 $0x1BF5;
	p2 =	por !p2, p0  }
0x20: {  	[sflag:s8] =	ssyncset.s32 @!p0 $0xFFFFF086;
	s6 =	sadd.s32 @!p0 s3, s7;
	s7 =	simm.s32 @!p0 $0x108  }
0x21: {  	s3 =	sadd.s32 s3, s9;
	s6 =	sadd.s32 @!p0 $0x88, s6;
	s7 =	simm.s32 @p2 $0x1082  }
0x22: {  	[simem:s7], [sflag:s8] =	dma.local @!p0 [hbm:s6], $0xF7A  }
0x23: {  	s9 =	sor.u32 $0xD0000000, s2;
	s6 =	simm.s32 $0x108;
	_ =	swait.ge @!p0 [sflag:s8], $0x0  }
0x24: {  	s3 =	sadd.s32 $0x88, s3;
	s6 =	simm.s32 @!p1 $0x1082;
	[sflag:s4] =	ssyncset.s32 $0xFFFFF086  }
0x25: {  	[simem:s6], [sflag:s4] =	dma.local [hbm:s3], $0xF7A  }
0x26: {  	[smem:$0x3F97] =	sst s1;
	(tag) =	ssettag s2;
	_ =	strace s9  }
0x27: {  	s1 =	sld [smem:$0x3FA7]  }
0x28: {  	s2 =	sld [smem:$0x3FA8]  }
0x29: {  	s4 =	sld [smem:$0x3FAA]  }
0x2a: {  	p0 =	seq.s32 s5, $0x0;
	s5 =	sld [smem:$0x3FAB]  }
0x2b: {  	s6 =	sld [smem:$0x3FAC]  }
0x2c: {  	s7 =	sld [smem:$0x3FAD]  }
0x2d: {  	s3 =	simm.s32 $0x108;
	s8 =	sld [smem:$0x3FAE]  }
0x2e: {  	s3 =	simm.s32 @!p0 $0x1082;
	s9 =	sld [smem:$0x3FAF]  }
0x2f: {  	lr =	sadd.s32 s0, s3;
	s0 =	sld [smem:$0x3FA6]  }
0x30: {  	s3 =	sld [smem:$0x3FA9]  }
0x31: {  	[smem:$0x3FB2] =	sst s10  }
0x32: {  	s10 =	sld [smem:$0x3FB0];
	_ =	sdelay $0x3  }
0x33: {  	p0 =	seq.s32 s10, $0x1;
	s10 =	sld [smem:$0x3FB2];
	_ =	sdelay $0x3  }
0x34: {  	[smem:$0x3FB2] =	sst s10  }
0x35: {  	s10 =	sld [smem:$0x3FB1];
	_ =	sdelay $0x3  }
0x36: {  	p1 =	seq.s32 s10, $0x1;
	s10 =	sld [smem:$0x3FB2];
	_ =	sdelay $0x3  }
0x37: {  	[smem:$0x3FB2] =	sst s10  }
0x38: {  	s10 =	sld [smem:$0x3FB3]  }
0x39: {  	_ = 	snop;
	(pc) =	sbr.ind lr, $3  }
0x3a: {  	_ = 	snop  }
0x3b: {  	_ = 	snop  }
0x3c: {  	p2 =	seq.s32 s10, $0x1;
	s10 =	sld [smem:$0x3FB2]  }
0x3d: {  	_ =	shalt  }
0x3e: {  	_ =	shalt  }
0x3f: {  	_ =	shalt  }
0x40: {  	_ =	shalt  }
0x41: {  	_ =	shalt  }
0x42: {  	_ =	shalt  }
0x43: {  	_ =	shalt  }
0x44: {  	_ =	shalt  }
0x45: {  	_ =	shalt  }
0x46: {  	_ =	shalt  }
0x47: {  	_ =	shalt  }
0x48: {  	_ =	shalt  }
0x49: {  	_ =	shalt  }
0x4a: {  	_ =	shalt  }
0x4b: {  	_ =	shalt  }
0x4c: {  	_ =	shalt  }
0x4d: {  	_ =	shalt  }
0x4e: {  	_ =	shalt  }
0x4f: {  	_ =	shalt  }
0x50: {  	_ =	shalt  }
0x51: {  	_ =	shalt  }
0x52: {  	_ =	shalt  }
0x53: {  	_ =	shalt  }
0x54: {  	_ =	shalt  }
0x55: {  	_ =	shalt  }
0x56: {  	_ =	shalt  }
0x57: {  	_ =	shalt  }
0x58: {  	_ =	shalt  }
0x59: {  	_ =	shalt  }
0x5a: {  	_ =	shalt  }
0x5b: {  	_ =	shalt  }
0x5c: {  	_ =	shalt  }
0x5d: {  	_ =	shalt  }
0x5e: {  	_ =	shalt  }
0x5f: {  	_ =	shalt  }
0x60: {  	_ =	shalt  }
0x61: {  	_ =	shalt  }
0x62: {  	_ =	shalt  }
0x63: {  	_ =	shalt  }
0x64: {  	_ =	shalt  }
0x65: {  	_ =	shalt  }
0x66: {  	_ =	shalt  }
0x67: {  	_ =	shalt  }
0x68: {  	_ =	shalt  }
0x69: {  	_ =	shalt  }
0x6a: {  	_ =	shalt  }
0x6b: {  	_ =	shalt  }
0x6c: {  	_ =	shalt  }
0x6d: {  	_ =	shalt  }
0x6e: {  	_ =	shalt  }
0x6f: {  	_ =	shalt  }
0x70: {  	_ =	shalt  }
0x71: {  	_ =	shalt  }
0x72: {  	_ =	shalt  }
0x73: {  	_ =	shalt  }
0x74: {  	_ =	shalt  }
0x75: {  	_ =	shalt  }
0x76: {  	_ =	shalt  }
0x77: {  	_ =	shalt  }
0x78: {  	_ =	shalt  }
0x79: {  	_ =	shalt  }
0x7a: {  	_ =	shalt  }
0x7b: {  	_ =	shalt  }
0x7c: {  	_ =	shalt  }
0x7d: {  	_ =	shalt  }
0x7e: {  	_ =	shalt  }
0x7f: {  	_ =	shalt  }
0x80: {  	_ =	shalt  }
0x81: {  	_ =	shalt  }
0x82: {  	_ =	shalt  }
0x83: {  	_ =	shalt  }
0x84: {  	_ =	shalt  }
0x85: {  	_ =	shalt  }
0x86: {  	_ =	shalt  }
0x87: {  	_ =	shalt  }
.Lfunc_end0:
.L_simem_size_0:
called_computation_lowered:
.L_overlay_start_0:
0x88: {  	s2 =	sld [smem:$0x3FD9]  }
0x89: {  	s3 =	sld [smem:$0x3FFE];
	_ =	sdelay $0x1  }
0x8a: {  	s1 =	srdreg.scid  }
0x8b: {  	s0 =	sand.u32 $0x1, s1  }
0x8c: {  	s16 =	sshll.u32 s0, $0xA;
	s2 =	sadd.s32 s3, s2  }
0x8d: {  	s2 =	sadd.s32 s2, s16  }
0x8e: {  	[smem:$0x3FBE] =	sst s2  }
0x8f: {  	_ = 	snop  }
0x90: {  	(tm) =	ssettm $0x1  }
0x91: {  	s17 =	sld [smem:$0x3FFB];
	_ =	sdelay $0x3  }
0x92: {  	_ =	strace s17  }
0x93: {  	s2 =	sld [smem:$0x3FFC];
	_ =	sdelay $0x3  }
0x94: {  	_ =	strace s2  }
0x95: {  	s2 =	sld [smem:$0x3FFD];
	_ =	sdelay $0x3  }
0x96: {  	_ =	strace s2  }
0x97: {  	_ =	strace $0x8FFFFFFF  }
0x98: {  	s18 =	sld [smem:$0x3FDB];
	_ =	sdelay $0x1  }
0x99: {  	s19 =	simm.s32 $_scs_section_size  }
0x9a: {  	s4 =	simm.s32 $_size__tile_overlayer_lowered;
	s5 =	simm.s32 $_tile_overlayer_lowered  }
0x9b: {  	s22 =	simm.s32 $0x1BFF;
	s21 =	sshll.u32 s5, $0x1;
	s2 =	sadd.s32 s19, s18  }
0x9c: {  	s6 =	simm.s32 $0x0;
	s20 =	sshll.u32 s4, $0x1;
	s4 =	sadd.s32 s21, s2  }
0x9d: {  	[timem:s6], [sflag:s22] =	dma.local [hbm:s4], s20  }
0x9e: {  	_ =	swait.ge [sflag:s22], s20  }
0x9f: {  	s3 =	ssub.s32 $0x0, s20;
	[sflag:s22] =	ssyncset.done $0x0  }
0xa0: {  	[sflag:s22] =	ssyncadd.s32 s3;
	_ =	sdelay $0x1  }
0xa1: {  	s23 =	simm.s32 $0x1B8B  }
0xa2: {  	_ =	swait.ge [sflag:s23], $0x1  }
0xa3: {  	[sflag:s23] =	ssyncset.done $0x0  }
0xa4: {  	s25 =	simm.s32 $0x1B8E;
	s24 =	sld [smem:$0x3FFE];
	[sflag:s23] =	ssyncadd.s32 $0xFFFFFFFF  }
0xa5: {  	s26 =	simm.s32 $execute0_lowered;
	[smem:$0x3FD2] =	sst s25  }
0xa6: {  	s4 =	sshll.u32 s26, $0x1;
	_ =	strace $0x80000046;
	[dreg:$0x1] =	wrdreg $0xFFFFFFFF  }
0xa7: {  	s28 =	simm.s32 $_size_execute0_lowered;
	s2 =	sadd.s32 s2, s4;
	[dreg:$0x0] =	wrdreg $0x0  }
0xa8: {  	s4 =	sshll.u32 s28, $0x1;
	[dreg:$0x2] =	wrdreg s2  }
0xa9: {  	[dreg:$0x3] =	wrdreg s4  }
0xaa: {  	[dreg:$0x4] =	wrdreg $0xC0  }
0xab: {  	_ =	task [dreg:s6], $0x5FFFF  }
0xac: {  	[dreg:$0x1] =	wrdreg $0xFFFFFFFF  }
0xad: {  	[dreg:$0x0] =	wrdreg $0x60  }
0xae: {  	[dreg:$0x2] =	wrdreg s24  }
0xaf: {  	[dreg:$0x3] =	wrdreg $0x0  }
0xb0: {  	[dreg:$0x4] =	wrdreg $0x9  }
0xb1: {  	_ =	task.clear_ibuf [dreg:s6], $0x5FFFF;
	_ =	strace $0x90000046  }
0xb2: {  	s29 =	simm.s32 $0x9;
	_ =	strace $0x80000048  }
0xb3: {  	_ =	swait.ge [sflag:s29], $0x1  }
0xb4: {  	[sflag:s29] =	ssyncadd.s32 $0xFFFFFFFF  }
0xb5: {  	_ =	strace $0x90000048  }
0xb6: {  	_ =	sfence  }
0xb7: {  	s30 =	sld [smem:$0x0];
	_ =	sdelay $0x2  }
0xb8: {  	s31 =	sshll.u32 s1, $0xD;
	s1 =	sshrl.u32 s1, $0x2  }
0xb9: {  	s3 =	sand.u32 $0x4000, s31;
	s1 =	sadd.s32 s1, s30  }
0xba: {  	s0 =	sor.u32 s3, s0;
	s1 =	sshll.u32 s1, $0x11  }
0xbb: {  	s0 =	sor.u32 s1, s0  }
0xbc: {  	s0 =	sadd.s32 $0x8F2B, s0  }
0xbd: {  	[sflag:s0] =	ssyncadd.remote.s32 $0x1  }
0xbe: {  	_ =	sfence.sel $0xFFFF  }
0xbf: {  	[dreg:$0x0] =	wrdreg $0xFFFFFFFF;
	(pc) =	sbr.abs _section_cstart, $3  }
0xc0: {  	[dreg:$0x1] =	wrdreg $0xFFFFFFFF  }
0xc1: {  	_ =	task.clear_ibuf [dreg:s6], $0x2FFFF;
	_ =	strace $0x9FFFFFFF  }
0xc2: {  	(tm) =	ssettm $0x7FFFFFFF  }
0xc3: {  	_ =	shalt  }
tec
execute0_lowered:
.L_overlay_start_1:
0x0: {  	(tag) =	ssettag $0x1  }
0x1: {  	s16 =	stileid.u32  }
0x2: {  	s0 =	srdreg.scid;
	s2 =	smul.u32 $0x640, s16  }
0x3: {  	s1 =	sand.u32 $0x1, s0;
	s4 =	smul.u32 $0x280, s16  }
0x4: {  	s28 =	simm.s32 $0x6;
	s0 =	rddreg [dreg:$0x0];
	s3 =	smul.u32 $0x6400, s1  }
0x5: {  	s5 =	smul.u32 $0x2800, s1;
	s18 =	sadd.s32 $0x11B400, s0;
	s6 =	ssub.s32 $0x2, s1  }
0x6: {  	s7 =	sshll.u32 s1, $0x4;
	s1 =	smul.u32 $0x1900, s1;
	s9 =	sshrl.u32 s6, $0x1  }
0x7: {  	s7 =	sor.u32 s16, s7;
	s10 =	sadd.s32 $0xC0, s4;
	s17 =	sadd.s32 $0x180, s4  }
0x8: {  	s19 =	sadd.s32 $0x1C0, s4;
	s2 =	sadd.s32 s2, s3;
	s8 =	sadd.s32 s5, s4  }
0x9: {  	s6 =	ssub.s32 s6, s9;
	s7 =	smul.u32 $0x190, s7;
	s9 =	sadd.s32 $0x80, s4  }
0xa: {  	s13 =	sadd.s32 s5, s10;
	s15 =	sadd.s32 s5, s17;
	s25 =	sadd.s32 s5, s19  }
0xb: {  	s8 =	sshll.u32 s8, $0x4;
	s12 =	sadd.s32 s5, s9;
	s13 =	sshll.u32 s13, $0x4  }
0xc: {  	s15 =	sshll.u32 s15, $0x4;
	s8 =	sadd.s32 s18, s8;
	s12 =	sshll.u32 s12, $0x4  }
0xd: {  	s21 =	sadd.s32 s18, s13;
	s13 =	sadd.s32 $0x140, s4;
	s24 =	sadd.s32 s18, s15  }
0xe: {  	[dreg:$0x3] =	wrdreg s8;
	s8 =	sor.u32 $0x40, s4;
	s20 =	sadd.s32 s18, s12  }
0xf: {  	[dreg:$0x6] =	wrdreg s21;
	s12 =	sadd.s32 $0x100, s4;
	s14 =	sadd.s32 s5, s13  }
0x10: {  	[dreg:$0x9] =	wrdreg s24;
	s21 =	smul.u32 $0x50000, s16;
	s11 =	sadd.s32 s5, s8  }
0x11: {  	[dreg:$0x5] =	wrdreg s20;
	s22 =	sadd.s32 s5, s12;
	s14 =	sshll.u32 s14, $0x4  }
0x12: {  	s20 =	sadd.s32 $0x200, s4;
	s4 =	sadd.s32 $0x240, s4;
	s11 =	sshll.u32 s11, $0x4  }
0x13: {  	s23 =	sadd.s32 s18, s14;
	s26 =	sadd.s32 s5, s20;
	s5 =	sadd.s32 s5, s4  }
0x14: {  	s11 =	sadd.s32 s18, s11;
	[dreg:$0x8] =	wrdreg s23;
	s14 =	sshll.u32 s26, $0x4  }
0x15: {  	s5 =	sshll.u32 s5, $0x4;
	[dreg:$0x4] =	wrdreg s11;
	s31 =	sadd.s32 s18, s14  }
0x16: {  	s11 =	sshll.u32 s22, $0x4;
	s3 =	sadd.s32 s18, s5;
	[dreg:$0xb] =	wrdreg s31  }
0x17: {  	s14 =	sadd.s32 $0x1C00, s0;
	s11 =	sadd.s32 s18, s11;
	[dreg:$0xc] =	wrdreg s3  }
0x18: {  	s15 =	sadd.s32 s14, s7;
	s1 =	sadd.s32 s1, s14;
	s14 =	rddreg [dreg:$0x1]  }
0x19: {  	s24 =	smax.u32 s6, $0x1;
	[dreg:$0x7] =	wrdreg s11;
	s11 =	sshll.u32 s25, $0x4  }
0x1a: {  	s26 =	sshll.u32 s9, $0x7;
	[dreg:$0xd] =	wrdreg s15;
	s11 =	sadd.s32 s18, s11  }
0x1b: {  	s18 =	smul.u32 $0x190, s16;
	[dreg:$0xa] =	wrdreg s11;
	s11 =	simm.s32 $0x0  }
0x1c: {  	s22 =	sshll.u32 s2, $0x4;
	s16 =	sadd.s32 $0x4E00, s0;
	[smem:$0x7FF] =	sst s11  }
0x1d: {  	s15 =	sadd.s32 s18, s1;
	s1 =	sadd.s32 s22, s0;
	s0 =	sadd.s32 $0x11B000, s0  }
0x1e: {  	s9 =	sshll.u32 s20, $0x7;
	_ =	strace $0x80000047;
	[dreg:$0xe] =	wrdreg s0  }
0x1f: {  	s5 =	sshll.u32 s13, $0x7;
	s31 =	sadd.s32 s26, s14;
	[dreg:$0xf] =	wrdreg s24  }
0x20: {  	s2 =	sshll.u32 s10, $0x7;
	s6 =	sadd.s32 s5, s14;
	[dreg:$0x11] =	wrdreg s31  }
0x21: {  	s25 =	sshll.u32 s8, $0x7;
	s10 =	sadd.s32 s9, s14;
	[dreg:$0x14] =	wrdreg s6  }
0x22: {  	s23 =	sshrl.u32 s21, $0x2;
	s0 =	sadd.s32 s25, s14;
	[dreg:$0x17] =	wrdreg s10  }
0x23: {  	s7 =	sshll.u32 s17, $0x7;
	s13 =	sadd.s32 $0x53000, s1;
	[dreg:$0x10] =	wrdreg s0  }
0x24: {  	s18 =	sadd.s32 s23, s14;
	s17 =	sadd.s32 $0x53500, s1;
	[dreg:$0x19] =	wrdreg s13  }
0x25: {  	s8 =	sshll.u32 s19, $0x7;
	s19 =	sadd.s32 $0x2000, s18;
	[dreg:$0x1a] =	wrdreg s17  }
0x26: {  	s29 =	simm.s32 $0x3;
	s20 =	sadd.s32 $0x4000, s18;
	[dreg:$0x1b] =	wrdreg s19  }
0x27: {  	s30 =	simm.s32 $0x4;
	s21 =	sadd.s32 $0x6000, s18;
	[dreg:$0x1c] =	wrdreg s20  }
0x28: {  	s3 =	sshll.u32 s12, $0x7;
	s22 =	sadd.s32 $0x8000, s18;
	[dreg:$0x1d] =	wrdreg s21  }
0x29: {  	s12 =	sshll.u32 s4, $0x7;
	s23 =	sadd.s32 $0xA000, s18;
	[dreg:$0x1e] =	wrdreg s22  }
0x2a: {  	s9 =	simm.s32 $0x14140;
	s24 =	sadd.s32 $0xC000, s18;
	[dreg:$0x1f] =	wrdreg s23  }
0x2b: {  	s25 =	sadd.s32 $0xE000, s18;
	s26 =	sadd.s32 $0x10000, s18;
	[smem:$0x7FA] =	sst s24  }
0x2c: {  	s31 =	sadd.s32 $0x12000, s18;
	s10 =	simm.s32 $0x7;
	[smem:$0x7FB] =	sst s25  }
0x2d: {  	s0 =	sadd.s32 s2, s14;
	s13 =	sadd.s32 $0x53A00, s1;
	[smem:$0x7FC] =	sst s26  }
0x2e: {  	[smem:$0x7FD] =	sst s31;
	s17 =	simm.s32 $0x50;
	s19 =	simm.s32 $0x16940  }
0x2f: {  	s20 =	simm.s32 $0x140A0;
	s21 =	simm.s32 $0x19140;
	s22 =	simm.s32 $0x1B940  }
0x30: {  	s23 =	simm.s32 $0x1;
	[dreg:$0x12] =	wrdreg s0;
	s0 =	sadd.s32 s3, s14  }
0x31: {  	s24 =	simm.s32 $0x2;
	[dreg:$0x13] =	wrdreg s0;
	s0 =	sadd.s32 s7, s14  }
0x32: {  	s25 =	simm.s32 $0x14050;
	[dreg:$0x15] =	wrdreg s0;
	s0 =	sadd.s32 s8, s14  }
0x33: {  	s26 =	simm.s32 $0x5;
	[dreg:$0x16] =	wrdreg s0;
	s0 =	sadd.s32 s12, s14  }
0x34: {  	s1 =	simm.s32 $0x0;
	[dreg:$0x18] =	wrdreg s0;
	s0 =	simm.s32 $0x140F0  }
.LBB2_1:
0x35: {  	s2 =	rddreg [dreg:$0xe]  }
0x36: {  	[tilespmem:s9], [sflag:$0x7] =	stream.linear.gather [hbm4b:s2+s11], $0x2000, $0x38;
	[tilespmem:$0x1E140] =	vst v63  }
0x37: {  	_ =	swait.ge [sflag:s10], $0x2000  }
0x38: {  	[sflag:s10] =	ssyncset.done $0x0  }
0x39: {  	[sflag:s10] =	ssyncadd.s32 $0xFFFFE000  }
0x3a: {  	[spmem:s18] =	stream.linear.scatter [tilespmem:s9], [sflag:$0x7], $0x2000, $0x38;
	[tilespmem:$0x1E140] =	vst v63  }
0x3b: {  	_ =	swait.ge [sflag:s10], $0x2000  }
0x3c: {  	[sflag:s10] =	ssyncset.done $0x0  }
0x3d: {  	s7 =	rddreg [dreg:$0x1b];
	[sflag:s10] =	ssyncadd.s32 $0xFFFFE000  }
0x3e: {  	[spmem:s7] =	stream.linear.scatter [tilespmem:s9], [sflag:$0x7], $0x2000, $0x38;
	[tilespmem:$0x1E140] =	vst v63  }
0x3f: {  	_ =	swait.ge [sflag:s10], $0x2000  }
0x40: {  	[sflag:s10] =	ssyncset.done $0x0  }
0x41: {  	s8 =	rddreg [dreg:$0x1c];
	[sflag:s10] =	ssyncadd.s32 $0xFFFFE000  }
0x42: {  	[spmem:s8] =	stream.linear.scatter [tilespmem:s9], [sflag:$0x7], $0x2000, $0x38;
	[tilespmem:$0x1E140] =	vst v63  }
0x43: {  	_ =	swait.ge [sflag:s10], $0x2000  }
0x44: {  	[sflag:s10] =	ssyncset.done $0x0  }
0x45: {  	s12 =	rddreg [dreg:$0x1d];
	[sflag:s10] =	ssyncadd.s32 $0xFFFFE000  }
0x46: {  	[spmem:s12] =	stream.linear.scatter [tilespmem:s9], [sflag:$0x7], $0x2000, $0x38;
	[tilespmem:$0x1E140] =	vst v63  }
0x47: {  	_ =	swait.ge [sflag:s10], $0x2000  }
0x48: {  	[sflag:s10] =	ssyncset.done $0x0  }
0x49: {  	s31 =	rddreg [dreg:$0x1e];
	[sflag:s10] =	ssyncadd.s32 $0xFFFFE000  }
0x4a: {  	[spmem:s31] =	stream.linear.scatter [tilespmem:s9], [sflag:$0x7], $0x2000, $0x38;
	[tilespmem:$0x1E140] =	vst v63  }
0x4b: {  	_ =	swait.ge [sflag:s10], $0x2000  }
0x4c: {  	[sflag:s10] =	ssyncset.done $0x0  }
0x4d: {  	s3 =	rddreg [dreg:$0x1f];
	[sflag:s10] =	ssyncadd.s32 $0xFFFFE000  }
0x4e: {  	[spmem:s3] =	stream.linear.scatter [tilespmem:s9], [sflag:$0x7], $0x2000, $0x38;
	[tilespmem:$0x1E140] =	vst v63  }
0x4f: {  	_ =	swait.ge [sflag:s10], $0x2000  }
0x50: {  	s4 =	sld [smem:$0x7FA]  }
0x51: {  	[sflag:s10] =	ssyncset.done $0x0  }
0x52: {  	[sflag:s10] =	ssyncadd.s32 $0xFFFFE000  }
0x53: {  	[spmem:s4] =	stream.linear.scatter [tilespmem:s9], [sflag:$0x7], $0x2000, $0x38;
	[tilespmem:$0x1E140] =	vst v63  }
0x54: {  	_ =	swait.ge [sflag:s10], $0x2000  }
0x55: {  	s5 =	sld [smem:$0x7FB]  }
0x56: {  	[sflag:s10] =	ssyncset.done $0x0  }
0x57: {  	[sflag:s10] =	ssyncadd.s32 $0xFFFFE000  }
0x58: {  	[spmem:s5] =	stream.linear.scatter [tilespmem:s9], [sflag:$0x7], $0x2000, $0x38;
	[tilespmem:$0x1E140] =	vst v63  }
0x59: {  	_ =	swait.ge [sflag:s10], $0x2000  }
0x5a: {  	s6 =	sld [smem:$0x7FC]  }
0x5b: {  	[sflag:s10] =	ssyncset.done $0x0  }
0x5c: {  	[sflag:s10] =	ssyncadd.s32 $0xFFFFE000  }
0x5d: {  	[spmem:s6] =	stream.linear.scatter [tilespmem:s9], [sflag:$0x7], $0x2000, $0x38;
	[tilespmem:$0x1E140] =	vst v63  }
0x5e: {  	_ =	swait.ge [sflag:s10], $0x2000  }
0x5f: {  	s7 =	sld [smem:$0x7FD]  }
0x60: {  	[sflag:s10] =	ssyncset.done $0x0  }
0x61: {  	[sflag:s10] =	ssyncadd.s32 $0xFFFFE000  }
0x62: {  	[spmem:s7] =	stream.linear.scatter [tilespmem:s9], [sflag:$0x7], $0x2000, $0x38;
	[tilespmem:$0x1E140] =	vst v63  }
0x63: {  	_ =	swait.ge [sflag:s10], $0x2000  }
0x64: {  	[sflag:s10] =	ssyncset.done $0x0  }
0x65: {  	[sflag:s10] =	ssyncadd.s32 $0xFFFFE000  }
0x66: {  	[bflag:$0x0] =	sbarrier.arrive $0xFFFF  }
0x67: {  	s3 =	simm.s32 $0x14000;
	s8 =	rddreg [dreg:$0xd]  }
0x68: {  	[tilespmem:s3], [sflag:$0x7] =	stream.linear.gather [hbm4b:s8+s11], $0xA0, $0x38;
	[tilespmem:$0x1E140] =	vst v63  }
0x69: {  	_ =	swait.ge [sflag:s10], $0xA0  }
0x6a: {  	[sflag:s10] =	ssyncset.done $0x0  }
0x6b: {  	[sflag:s10] =	ssyncadd.s32 $0xFFFFFF60  }
0x6c: {  	[tilespmem:s9], [sflag:$0x1] =	stream.indirect.gather [hbm4b:s16+s17], $0x80, s3, s17, $0xb8;
	[tilespmem:$0x1E140] =	vst v63  }
0x6d: {  	s31 =	sadd.s32 $0x0, s15;
	s12 =	rddreg [dreg:$0x19]  }
0x6e: {  	[tilespmem:s19], [sflag:$0x2] =	stream.linear.gather [hbm4b:s12+s11], $0x2800, $0x38;
	[tilespmem:$0x1E140] =	vst v63  }
0x6f: {  	s2 =	sadd.s32 $0x14, s31  }
0x70: {  	[tilespmem:s20], [sflag:$0x7] =	stream.linear.gather [hbm4b:s2+s11], $0xA0, $0x38;
	[tilespmem:$0x1E140] =	vst v63  }
0x71: {  	_ =	swait.ge [sflag:s10], $0xA0  }
0x72: {  	[sflag:s10] =	ssyncset.done $0x0  }
0x73: {  	[sflag:s10] =	ssyncadd.s32 $0xFFFFFF60  }
0x74: {  	[tilespmem:s21], [sflag:$0x3] =	stream.indirect.gather [hbm4b:s16+s17], $0x80, s20, s17, $0xb8;
	[tilespmem:$0x1E140] =	vst v63  }
0x75: {  	s6 =	rddreg [dreg:$0x1a]  }
0x76: {  	[tilespmem:s22], [sflag:$0x4] =	stream.linear.gather [hbm4b:s6+s11], $0x2800, $0x38;
	[tilespmem:$0x1E140] =	vst v63  }
0x77: {  	_ =	swait.ge [sflag:s23], $0x2800  }
0x78: {  	[sflag:s23] =	ssyncset.done $0x0  }
0x79: {  	[sflag:s23] =	ssyncadd.s32 $0xFFFFD800  }
0x7a: {  	_ =	swait.ge [sflag:s24], $0x2800  }
0x7b: {  	[sflag:s24] =	ssyncset.done $0x0  }
0x7c: {  	[sflag:s24] =	ssyncadd.s32 $0xFFFFD800  }
0x7d: {  	[spmem:s14] =	stream.indirect.scatter.add.f32 [tilespmem:s9], [sflag:$0x5], $0x80, s25, s17, $0xb8;
	[tilespmem:$0x1E140] =	vst v63  }
0x7e: {  	_ = 	snop  }
0x7f: {  	[spmem:s14] =	stream.indirect.scatter.add.f32 [tilespmem:s19], [sflag:$0x6], $0x80, s25, s17, $0xb8;
	[tilespmem:$0x1E140] =	vst v63  }
0x80: {  	_ =	swait.ge [sflag:s26], $0x2800  }
0x81: {  	[sflag:s26] =	ssyncset.done $0x0  }
0x82: {  	[sflag:s26] =	ssyncadd.s32 $0xFFFFD800  }
0x83: {  	p0 =	por $0x0, $0x0;
	_ =	swait.ge [sflag:s28], $0x2800  }
0x84: {  	s4 =	simm.s32 @!p0 $0x14000;
	s2 =	sadd.s32 @!p0 $0x0, s15;
	[sflag:s28] =	ssyncset.done $0x0  }
0x85: {  	s3 =	simm.s32 @!p0 $0x0;
	s2 =	sadd.s32 @!p0 $0x28, s2;
	[sflag:s28] =	ssyncadd.s32 $0xFFFFD800  }
0x86: {  	[tilespmem:s4], [sflag:$0x7] =	stream.linear.gather @!p0 [hbm4b:s2+s3], $0xA0, $0x38;
	[tilespmem:$0x1E140] =	vst v63  }
0x87: {  	s2 =	simm.s32 @!p0 $0x7  }
0x88: {  	_ =	swait.ge @!p0 [sflag:s2], $0xA0  }
0x89: {  	[sflag:s2] =	ssyncset.done @!p0 $0x0  }
0x8a: {  	s5 =	simm.s32 @!p0 $0x50;
	[sflag:s2] =	ssyncadd.s32 @!p0 $0xFFFFFF60;
	s2 =	simm.s32 @!p0 $0x14140  }
0x8b: {  	[tilespmem:s2], [sflag:$0x1] =	stream.indirect.gather @!p0 [hbm4b:s16+s5], $0x80, s4, s5, $0xb8;
	[tilespmem:$0x1E140] =	vst v63  }
0x8c: {  	s2 =	simm.s32 @!p0 $0x16940  }
0x8d: {  	[tilespmem:s2], [sflag:$0x2] =	stream.linear.gather @!p0 [hbm4b:s13+s3], $0x2800, $0x38;
	[tilespmem:$0x1E140] =	vst v63  }
0x8e: {  	_ =	swait.ge [sflag:s29], $0x2800  }
0x8f: {  	[sflag:s29] =	ssyncset.done $0x0  }
0x90: {  	[sflag:s29] =	ssyncadd.s32 $0xFFFFD800  }
0x91: {  	_ =	swait.ge [sflag:s30], $0x2800  }
0x92: {  	[sflag:s30] =	ssyncset.done $0x0  }
0x93: {  	[sflag:s30] =	ssyncadd.s32 $0xFFFFD800  }
0x94: {  	[spmem:s14] =	stream.indirect.scatter.add.f32 [tilespmem:s21], [sflag:$0x5], $0x80, s0, s17, $0xb8;
	[tilespmem:$0x1E140] =	vst v63  }
0x95: {  	_ = 	snop  }
0x96: {  	[spmem:s14] =	stream.indirect.scatter.add.f32 [tilespmem:s22], [sflag:$0x6], $0x80, s0, s17, $0xb8;
	[tilespmem:$0x1E140] =	vst v63  }
0x97: {  	_ =	swait.ge [sflag:s26], $0x2800  }
0x98: {  	[sflag:s26] =	ssyncset.done $0x0  }
0x99: {  	s5 =	simm.s32 $0x50;
	s4 =	sadd.s32 $0xA00, s6;
	[sflag:s26] =	ssyncadd.s32 $0xFFFFD800  }
0x9a: {  	s3 =	simm.s32 $0x28;
	s2 =	sadd.s32 $0xA00, s13;
	_ =	swait.ge [sflag:s28], $0x2800  }
.LBB2_2:
0x9b: {  	s12 =	sadd.s32 s3, s15  }
0x9c: {  	[sflag:s28] =	ssyncset.done $0x0;
	s6 =	smov.u32 s5;
	s5 =	sadd.s32 $0x28, s5  }
0x9d: {  	p0 =	sne.s32 s5, $0x190;
	s12 =	sadd.s32 $0x14, s12;
	[sflag:s28] =	ssyncadd.s32 $0xFFFFD800  }
0x9e: {  	[tilespmem:s20], [sflag:$0x7] =	stream.linear.gather [hbm4b:s12+s11], $0xA0, $0x38;
	[tilespmem:$0x1E140] =	vst v63  }
0x9f: {  	_ =	swait.ge [sflag:s10], $0xA0  }
0xa0: {  	[sflag:s10] =	ssyncset.done $0x0  }
0xa1: {  	[sflag:s10] =	ssyncadd.s32 $0xFFFFFF60  }
0xa2: {  	[tilespmem:s21], [sflag:$0x3] =	stream.indirect.gather [hbm4b:s16+s17], $0x80, s20, s17, $0xb8;
	[tilespmem:$0x1E140] =	vst v63  }
0xa3: {  	_ = 	snop  }
0xa4: {  	[tilespmem:s22], [sflag:$0x4] =	stream.linear.gather [hbm4b:s4+s11], $0x2800, $0x38;
	[tilespmem:$0x1E140] =	vst v63  }
0xa5: {  	_ =	swait.ge [sflag:s23], $0x2800  }
0xa6: {  	[sflag:s23] =	ssyncset.done $0x0  }
0xa7: {  	[sflag:s23] =	ssyncadd.s32 $0xFFFFD800  }
0xa8: {  	_ =	swait.ge [sflag:s24], $0x2800  }
0xa9: {  	[sflag:s24] =	ssyncset.done $0x0  }
0xaa: {  	[sflag:s24] =	ssyncadd.s32 $0xFFFFD800  }
0xab: {  	[spmem:s14] =	stream.indirect.scatter.add.f32 [tilespmem:s9], [sflag:$0x5], $0x80, s25, s17, $0xb8;
	[tilespmem:$0x1E140] =	vst v63  }
0xac: {  	_ = 	snop  }
0xad: {  	[spmem:s14] =	stream.indirect.scatter.add.f32 [tilespmem:s19], [sflag:$0x6], $0x80, s25, s17, $0xb8;
	[tilespmem:$0x1E140] =	vst v63  }
0xae: {  	_ =	swait.ge [sflag:s26], $0x2800  }
0xaf: {  	[sflag:s26] =	ssyncset.done $0x0  }
0xb0: {  	[sflag:s26] =	ssyncadd.s32 $0xFFFFD800  }
0xb1: {  	p1 =	seq.s32 s3, $0x168;
	_ =	swait.ge [sflag:s28], $0x2800  }
0xb2: {  	s3 =	sadd.s32 @!p1 s3, s15;
	s12 =	simm.s32 @!p1 $0x0;
	[sflag:s28] =	ssyncset.done $0x0  }
0xb3: {  	s7 =	simm.s32 @!p1 $0x14000;
	s3 =	sadd.s32 @!p1 $0x28, s3;
	[sflag:s28] =	ssyncadd.s32 $0xFFFFD800  }
0xb4: {  	[tilespmem:s7], [sflag:$0x7] =	stream.linear.gather @!p1 [hbm4b:s3+s12], $0xA0, $0x38;
	[tilespmem:$0x1E140] =	vst v63  }
0xb5: {  	s8 =	simm.s32 @!p1 $0x7;
	s3 =	smov.u32 s6  }
0xb6: {  	_ =	swait.ge @!p1 [sflag:s8], $0xA0  }
0xb7: {  	s31 =	simm.s32 @!p1 $0x14140;
	s6 =	simm.s32 @!p1 $0x50;
	[sflag:s8] =	ssyncset.done @!p1 $0x0  }
0xb8: {  	[sflag:s8] =	ssyncadd.s32 @!p1 $0xFFFFFF60;
	s8 =	simm.s32 @!p1 $0x16940  }
0xb9: {  	[tilespmem:s31], [sflag:$0x1] =	stream.indirect.gather @!p1 [hbm4b:s16+s6], $0x80, s7, s6, $0xb8;
	[tilespmem:$0x1E140] =	vst v63  }
0xba: {  	_ = 	snop  }
0xbb: {  	[tilespmem:s8], [sflag:$0x2] =	stream.linear.gather @!p1 [hbm4b:s2+s12], $0x2800, $0x38;
	[tilespmem:$0x1E140] =	vst v63  }
0xbc: {  	_ =	swait.ge [sflag:s29], $0x2800  }
0xbd: {  	[sflag:s29] =	ssyncset.done $0x0  }
0xbe: {  	[sflag:s29] =	ssyncadd.s32 $0xFFFFD800  }
0xbf: {  	_ =	swait.ge [sflag:s30], $0x2800  }
0xc0: {  	[sflag:s30] =	ssyncset.done $0x0  }
0xc1: {  	[sflag:s30] =	ssyncadd.s32 $0xFFFFD800  }
0xc2: {  	[spmem:s14] =	stream.indirect.scatter.add.f32 [tilespmem:s21], [sflag:$0x5], $0x80, s0, s17, $0xb8;
	[tilespmem:$0x1E140] =	vst v63  }
0xc3: {  	_ = 	snop  }
0xc4: {  	[spmem:s14] =	stream.indirect.scatter.add.f32 [tilespmem:s22], [sflag:$0x6], $0x80, s0, s17, $0xb8;
	[tilespmem:$0x1E140] =	vst v63  }
.Ltmp0:
0xc5: {  	_ = 	snop;
	(pc) =	sbr.rel @p0 .LBB2_2-.Ltmp0, $4  }
0xc6: {  	_ =	swait.ge [sflag:s26], $0x2800  }
0xc7: {  	[sflag:s26] =	ssyncset.done $0x0  }
0xc8: {  	[sflag:s26] =	ssyncadd.s32 $0xFFFFD800  }
0xc9: {  	s4 =	sadd.s32 $0xA00, s4;
	s2 =	sadd.s32 $0xA00, s2;
	_ =	swait.ge [sflag:s28], $0x2800  }
0xca: {  	s5 =	sadd.s32 s3, s15;
	[sflag:s28] =	ssyncset.done $0x0  }
0xcb: {  	s5 =	sadd.s32 $0x14, s5;
	[sflag:s28] =	ssyncadd.s32 $0xFFFFD800  }
0xcc: {  	[tilespmem:s20], [sflag:$0x7] =	stream.linear.gather [hbm4b:s5+s11], $0xA0, $0x38;
	[tilespmem:$0x1E140] =	vst v63  }
0xcd: {  	_ =	swait.ge [sflag:s10], $0xA0  }
0xce: {  	[sflag:s10] =	ssyncset.done $0x0  }
0xcf: {  	[sflag:s10] =	ssyncadd.s32 $0xFFFFFF60  }
0xd0: {  	[tilespmem:s21], [sflag:$0x3] =	stream.indirect.gather [hbm4b:s16+s17], $0x80, s20, s17, $0xb8;
	[tilespmem:$0x1E140] =	vst v63  }
0xd1: {  	_ = 	snop  }
0xd2: {  	[tilespmem:s22], [sflag:$0x4] =	stream.linear.gather [hbm4b:s4+s11], $0x2800, $0x38;
	[tilespmem:$0x1E140] =	vst v63  }
0xd3: {  	_ =	swait.ge [sflag:s23], $0x2800  }
0xd4: {  	[sflag:s23] =	ssyncset.done $0x0  }
0xd5: {  	[sflag:s23] =	ssyncadd.s32 $0xFFFFD800  }
0xd6: {  	_ =	swait.ge [sflag:s24], $0x2800  }
0xd7: {  	[sflag:s24] =	ssyncset.done $0x0  }
0xd8: {  	[sflag:s24] =	ssyncadd.s32 $0xFFFFD800  }
0xd9: {  	[spmem:s14] =	stream.indirect.scatter.add.f32 [tilespmem:s9], [sflag:$0x5], $0x80, s25, s17, $0xb8;
	[tilespmem:$0x1E140] =	vst v63  }
0xda: {  	_ = 	snop  }
0xdb: {  	[spmem:s14] =	stream.indirect.scatter.add.f32 [tilespmem:s19], [sflag:$0x6], $0x80, s25, s17, $0xb8;
	[tilespmem:$0x1E140] =	vst v63  }
0xdc: {  	_ =	swait.ge [sflag:s26], $0x2800  }
0xdd: {  	[sflag:s26] =	ssyncset.done $0x0  }
0xde: {  	p0 =	seq.s32 s3, $0x168;
	[sflag:s26] =	ssyncadd.s32 $0xFFFFD800  }
0xdf: {  	s3 =	sadd.s32 @!p0 s3, s15;
	_ =	swait.ge [sflag:s28], $0x2800  }
0xe0: {  	s3 =	sadd.s32 @!p0 $0x28, s3;
	[sflag:s28] =	ssyncset.done $0x0  }
0xe1: {  	s5 =	simm.s32 @!p0 $0x14000;
	s4 =	simm.s32 @!p0 $0x0;
	[sflag:s28] =	ssyncadd.s32 $0xFFFFD800  }
0xe2: {  	[tilespmem:s5], [sflag:$0x7] =	stream.linear.gather @!p0 [hbm4b:s3+s4], $0xA0, $0x38;
	[tilespmem:$0x1E140] =	vst v63  }
0xe3: {  	s3 =	simm.s32 @!p0 $0x7  }
0xe4: {  	_ =	swait.ge @!p0 [sflag:s3], $0xA0  }
0xe5: {  	[sflag:s3] =	ssyncset.done @!p0 $0x0  }
0xe6: {  	s6 =	simm.s32 @!p0 $0x50;
	[sflag:s3] =	ssyncadd.s32 @!p0 $0xFFFFFF60;
	s3 =	simm.s32 @!p0 $0x14140  }
0xe7: {  	[tilespmem:s3], [sflag:$0x1] =	stream.indirect.gather @!p0 [hbm4b:s16+s6], $0x80, s5, s6, $0xb8;
	[tilespmem:$0x1E140] =	vst v63  }
0xe8: {  	s3 =	simm.s32 @!p0 $0x16940  }
0xe9: {  	[tilespmem:s3], [sflag:$0x2] =	stream.linear.gather @!p0 [hbm4b:s2+s4], $0x2800, $0x38;
	[tilespmem:$0x1E140] =	vst v63  }
0xea: {  	_ =	swait.ge [sflag:s29], $0x2800  }
0xeb: {  	[sflag:s29] =	ssyncset.done $0x0  }
0xec: {  	[sflag:s29] =	ssyncadd.s32 $0xFFFFD800  }
0xed: {  	_ =	swait.ge [sflag:s30], $0x2800  }
0xee: {  	[sflag:s30] =	ssyncset.done $0x0  }
0xef: {  	[sflag:s30] =	ssyncadd.s32 $0xFFFFD800  }
0xf0: {  	[spmem:s14] =	stream.indirect.scatter.add.f32 [tilespmem:s21], [sflag:$0x5], $0x80, s0, s17, $0xb8;
	[tilespmem:$0x1E140] =	vst v63  }
0xf1: {  	_ = 	snop  }
0xf2: {  	[spmem:s14] =	stream.indirect.scatter.add.f32 [tilespmem:s22], [sflag:$0x6], $0x80, s0, s17, $0xb8;
	[tilespmem:$0x1E140] =	vst v63  }
0xf3: {  	_ =	swait.ge [sflag:s26], $0x2800  }
0xf4: {  	[sflag:s26] =	ssyncset.done $0x0  }
0xf5: {  	[sflag:s26] =	ssyncadd.s32 $0xFFFFD800  }
0xf6: {  	_ =	swait.ge [sflag:s28], $0x2800  }
0xf7: {  	[sflag:s28] =	ssyncset.done $0x0  }
0xf8: {  	[sflag:s28] =	ssyncadd.s32 $0xFFFFD800  }
0xf9: {  	[bflag:$0x0] =	sbarrier.arrive $0xFFFF  }
0xfa: {  	[tilespmem:s9], [sflag:$0x7] =	stream.linear.gather [spmem:s18], $0x2000, $0x38;
	[tilespmem:$0x1E140] =	vst v63  }
0xfb: {  	_ =	swait.ge [sflag:s10], $0x2000  }
0xfc: {  	[sflag:s10] =	ssyncset.done $0x0  }
0xfd: {  	s7 =	rddreg [dreg:$0x3];
	[sflag:s10] =	ssyncadd.s32 $0xFFFFE000  }
0xfe: {  	[hbm4b:s7+s11] =	stream.linear.scatter [tilespmem:s9], [sflag:$0x7], $0x2000, $0x38;
	[tilespmem:$0x1E140] =	vst v63  }
0xff: {  	_ =	swait.ge [sflag:s10], $0x2000  }
0x100: {  	[sflag:s10] =	ssyncset.done $0x0  }
0x101: {  	s8 =	rddreg [dreg:$0x10];
	[sflag:s10] =	ssyncadd.s32 $0xFFFFE000  }
0x102: {  	[tilespmem:s9], [sflag:$0x7] =	stream.linear.gather [spmem:s8], $0x2000, $0x38;
	[tilespmem:$0x1E140] =	vst v63  }
0x103: {  	_ =	swait.ge [sflag:s10], $0x2000  }
0x104: {  	[sflag:s10] =	ssyncset.done $0x0  }
0x105: {  	s12 =	rddreg [dreg:$0x4];
	[sflag:s10] =	ssyncadd.s32 $0xFFFFE000  }
0x106: {  	[hbm4b:s12+s11] =	stream.linear.scatter [tilespmem:s9], [sflag:$0x7], $0x2000, $0x38;
	[tilespmem:$0x1E140] =	vst v63  }
0x107: {  	_ =	swait.ge [sflag:s10], $0x2000  }
0x108: {  	[sflag:s10] =	ssyncset.done $0x0  }
0x109: {  	s31 =	rddreg [dreg:$0x11];
	[sflag:s10] =	ssyncadd.s32 $0xFFFFE000  }
0x10a: {  	[tilespmem:s9], [sflag:$0x7] =	stream.linear.gather [spmem:s31], $0x2000, $0x38;
	[tilespmem:$0x1E140] =	vst v63  }
0x10b: {  	_ =	swait.ge [sflag:s10], $0x2000  }
0x10c: {  	[sflag:s10] =	ssyncset.done $0x0  }
0x10d: {  	s3 =	rddreg [dreg:$0x5];
	[sflag:s10] =	ssyncadd.s32 $0xFFFFE000  }
0x10e: {  	[hbm4b:s3+s11] =	stream.linear.scatter [tilespmem:s9], [sflag:$0x7], $0x2000, $0x38;
	[tilespmem:$0x1E140] =	vst v63  }
0x10f: {  	_ =	swait.ge [sflag:s10], $0x2000  }
0x110: {  	[sflag:s10] =	ssyncset.done $0x0  }
0x111: {  	s4 =	rddreg [dreg:$0x12];
	[sflag:s10] =	ssyncadd.s32 $0xFFFFE000  }
0x112: {  	[tilespmem:s9], [sflag:$0x7] =	stream.linear.gather [spmem:s4], $0x2000, $0x38;
	[tilespmem:$0x1E140] =	vst v63  }
0x113: {  	_ =	swait.ge [sflag:s10], $0x2000  }
0x114: {  	[sflag:s10] =	ssyncset.done $0x0  }
0x115: {  	s5 =	rddreg [dreg:$0x6];
	[sflag:s10] =	ssyncadd.s32 $0xFFFFE000  }
0x116: {  	[hbm4b:s5+s11] =	stream.linear.scatter [tilespmem:s9], [sflag:$0x7], $0x2000, $0x38;
	[tilespmem:$0x1E140] =	vst v63  }
0x117: {  	_ =	swait.ge [sflag:s10], $0x2000  }
0x118: {  	[sflag:s10] =	ssyncset.done $0x0  }
0x119: {  	s6 =	rddreg [dreg:$0x13];
	[sflag:s10] =	ssyncadd.s32 $0xFFFFE000  }
0x11a: {  	[tilespmem:s9], [sflag:$0x7] =	stream.linear.gather [spmem:s6], $0x2000, $0x38;
	[tilespmem:$0x1E140] =	vst v63  }
0x11b: {  	_ =	swait.ge [sflag:s10], $0x2000  }
0x11c: {  	[sflag:s10] =	ssyncset.done $0x0  }
0x11d: {  	s7 =	rddreg [dreg:$0x7];
	[sflag:s10] =	ssyncadd.s32 $0xFFFFE000  }
0x11e: {  	[hbm4b:s7+s11] =	stream.linear.scatter [tilespmem:s9], [sflag:$0x7], $0x2000, $0x38;
	[tilespmem:$0x1E140] =	vst v63  }
0x11f: {  	_ =	swait.ge [sflag:s10], $0x2000  }
0x120: {  	[sflag:s10] =	ssyncset.done $0x0  }
0x121: {  	s8 =	rddreg [dreg:$0x14];
	[sflag:s10] =	ssyncadd.s32 $0xFFFFE000  }
0x122: {  	[tilespmem:s9], [sflag:$0x7] =	stream.linear.gather [spmem:s8], $0x2000, $0x38;
	[tilespmem:$0x1E140] =	vst v63  }
0x123: {  	_ =	swait.ge [sflag:s10], $0x2000  }
0x124: {  	[sflag:s10] =	ssyncset.done $0x0  }
0x125: {  	s12 =	rddreg [dreg:$0x8];
	[sflag:s10] =	ssyncadd.s32 $0xFFFFE000  }
0x126: {  	[hbm4b:s12+s11] =	stream.linear.scatter [tilespmem:s9], [sflag:$0x7], $0x2000, $0x38;
	[tilespmem:$0x1E140] =	vst v63  }
0x127: {  	_ =	swait.ge [sflag:s10], $0x2000  }
0x128: {  	[sflag:s10] =	ssyncset.done $0x0  }
0x129: {  	s31 =	rddreg [dreg:$0x15];
	[sflag:s10] =	ssyncadd.s32 $0xFFFFE000  }
0x12a: {  	[tilespmem:s9], [sflag:$0x7] =	stream.linear.gather [spmem:s31], $0x2000, $0x38;
	[tilespmem:$0x1E140] =	vst v63  }
0x12b: {  	_ =	swait.ge [sflag:s10], $0x2000  }
0x12c: {  	[sflag:s10] =	ssyncset.done $0x0  }
0x12d: {  	s3 =	rddreg [dreg:$0x9];
	[sflag:s10] =	ssyncadd.s32 $0xFFFFE000  }
0x12e: {  	[hbm4b:s3+s11] =	stream.linear.scatter [tilespmem:s9], [sflag:$0x7], $0x2000, $0x38;
	[tilespmem:$0x1E140] =	vst v63  }
0x12f: {  	_ =	swait.ge [sflag:s10], $0x2000  }
0x130: {  	[sflag:s10] =	ssyncset.done $0x0  }
0x131: {  	s4 =	rddreg [dreg:$0x16];
	[sflag:s10] =	ssyncadd.s32 $0xFFFFE000  }
0x132: {  	[tilespmem:s9], [sflag:$0x7] =	stream.linear.gather [spmem:s4], $0x2000, $0x38;
	[tilespmem:$0x1E140] =	vst v63  }
0x133: {  	_ =	swait.ge [sflag:s10], $0x2000  }
0x134: {  	[sflag:s10] =	ssyncset.done $0x0  }
0x135: {  	s5 =	rddreg [dreg:$0xa];
	[sflag:s10] =	ssyncadd.s32 $0xFFFFE000  }
0x136: {  	[hbm4b:s5+s11] =	stream.linear.scatter [tilespmem:s9], [sflag:$0x7], $0x2000, $0x38;
	[tilespmem:$0x1E140] =	vst v63  }
0x137: {  	_ =	swait.ge [sflag:s10], $0x2000  }
0x138: {  	[sflag:s10] =	ssyncset.done $0x0  }
0x139: {  	s6 =	rddreg [dreg:$0x17];
	[sflag:s10] =	ssyncadd.s32 $0xFFFFE000  }
0x13a: {  	[tilespmem:s9], [sflag:$0x7] =	stream.linear.gather [spmem:s6], $0x2000, $0x38;
	[tilespmem:$0x1E140] =	vst v63  }
0x13b: {  	_ =	swait.ge [sflag:s10], $0x2000  }
0x13c: {  	[sflag:s10] =	ssyncset.done $0x0  }
0x13d: {  	s7 =	rddreg [dreg:$0xb];
	[sflag:s10] =	ssyncadd.s32 $0xFFFFE000  }
0x13e: {  	[hbm4b:s7+s11] =	stream.linear.scatter [tilespmem:s9], [sflag:$0x7], $0x2000, $0x38;
	[tilespmem:$0x1E140] =	vst v63  }
0x13f: {  	_ =	swait.ge [sflag:s10], $0x2000  }
0x140: {  	[sflag:s10] =	ssyncset.done $0x0  }
0x141: {  	s8 =	rddreg [dreg:$0x18];
	[sflag:s10] =	ssyncadd.s32 $0xFFFFE000  }
0x142: {  	[tilespmem:s9], [sflag:$0x7] =	stream.linear.gather [spmem:s8], $0x2000, $0x38;
	[tilespmem:$0x1E140] =	vst v63  }
0x143: {  	_ =	swait.ge [sflag:s10], $0x2000  }
0x144: {  	[sflag:s10] =	ssyncset.done $0x0  }
0x145: {  	s12 =	rddreg [dreg:$0xc];
	[sflag:s10] =	ssyncadd.s32 $0xFFFFE000  }
0x146: {  	[hbm4b:s12+s11] =	stream.linear.scatter [tilespmem:s9], [sflag:$0x7], $0x2000, $0x38;
	[tilespmem:$0x1E140] =	vst v63  }
0x147: {  	_ =	swait.ge [sflag:s10], $0x2000  }
0x148: {  	s1 =	sadd.s32 $0x1, s1;
	s31 =	rddreg [dreg:$0xf]  }
0x149: {  	p0 =	sne.s32 s1, s31  }
.Ltmp1:
0x14a: {  	_ = 	snop;
	(pc) =	sbr.rel @p0 .LBB2_1-.Ltmp1, $3  }
0x14b: {  	_ =	sdelay $0x1  }
0x14c: {  	[sflag:s10] =	ssyncset.done $0x0  }
0x14d: {  	[sflag:s10] =	ssyncadd.s32 $0xFFFFE000  }
0x14e: {  	_ =	sfence.sel $0x180000  }
0x14f: {  	[bflag:$0x0] =	sbarrier.arrive $0xFFFF  }
0x150: {  	_ =	strace $0x90000047  }
0x151: {  	s0 =	stileid.u32;
	[bflag:$0x2] =	sbarrier.arrive $0xFFFF  }
0x152: {  	p0 =	sne.s32 s0, $0x0;
	s0 =	rddreg [dreg:$0x2]  }
0x153: {  	s0 =	sadd.s32 @!p0 $0x100000, s0  }
0x154: {  	[sflag:s0] =	ssyncadd.tile.s32 @!p0 $0x1;
	_ =	shalt  }
.Lfunc_end2:
_tile_overlayer_lowered:
.L_overlay_start_2:
0x155: {  	(tag) =	ssettag $0x2  }
0x156: {  	s0 =	rddreg [dreg:$0x0];
	s2 =	stileid.u32  }
0x157: {  	s1 =	rddreg [dreg:$0x1];
	p0 =	sne.s32 s2, $0x0  }
0x158: {  	s3 =	rddreg [dreg:$0x2];
	[bflag:$0x3] =	sbarrier.arrive $0xFFFF;
	s2 =	simm.s32 @!p0 $0x1C07  }
0x159: {  	[timem:s3], [sflag:s2] =	dma.local @!p0 [hbm:s0], s1  }
0x15a: {  	s0 =	simm.s32 @!p0 $0x7  }
0x15b: {  	_ =	swait.ge @!p0 [sflag:s0], s1  }
0x15c: {  	s1 =	ssub.s32 @!p0 $0x0, s1;
	[sflag:s0] =	ssyncset.done @!p0 $0x0  }
0x15d: {  	[sflag:s0] =	ssyncadd.s32 @!p0 s1  }
0x15e: {  	[bflag:$0x3] =	sbarrier.arrive $0xFFFF  }
0x15f: {  	_ =	shalt  }

// kernel: kernel.17.cloned.1.call-start
scs
__scs_entry_jumppad:
0x0: {  	(pc) =	sbr.rel $0x88, $3  }
0x1: {  	(tag) =	ssettag $0x0;
	lr =	simm.s32 $0x1  }
0x2: {  	[smem:$0x3F97] =	sst lr;
	_ =	strace $0xD0000000  }
0x3: {  	_ = 	snop  }
0x4: {  	_ = 	snop  }
0x5: {  	_ = 	snop  }
0x6: {  	_ = 	snop  }
0x7: {  	_ = 	snop  }
__scs_overlays_trampoline_lowered:
0x8: {  	[smem:$0x3FA6] =	sst s0  }
0x9: {  	[smem:$0x3FA7] =	sst s1  }
0xa: {  	[smem:$0x3FA8] =	sst s2  }
0xb: {  	[smem:$0x3FA9] =	sst s3  }
0xc: {  	[smem:$0x3FAA] =	sst s4  }
0xd: {  	[smem:$0x3FAB] =	sst s5  }
0xe: {  	[smem:$0x3FAC] =	sst s6  }
0xf: {  	[smem:$0x3FAD] =	sst s7  }
0x10: {  	[smem:$0x3FAE] =	sst s8  }
0x11: {  	[smem:$0x3FAF] =	sst s9;
	s0 =	simm.s32 @!p0 $0x0  }
0x12: {  	s1 =	sld [smem:$0x3F95];
	s0 =	simm.s32 @p0 $0x1  }
0x13: {  	[smem:$0x3FB0] =	sst s0;
	s0 =	simm.s32 @!p1 $0x0  }
0x14: {  	s2 =	sld [smem:$0x3F94];
	s0 =	simm.s32 @p1 $0x1  }
0x15: {  	[smem:$0x3FB1] =	sst s0;
	s0 =	simm.s32 @!p2 $0x0  }
0x16: {  	s3 =	sld [smem:$0x3FDB];
	s0 =	simm.s32 @p2 $0x1  }
0x17: {  	s4 =	simm.s32 $0x1BF5;
	[smem:$0x3FB3] =	sst s0  }
0x18: {  	s0 =	sld [smem:$0x3F96];
	_ =	swait.ge [sflag:s4], $0x0  }
0x19: {  	s7 =	sld [smem:$0x3F97]  }
0x1a: {  	s8 =	sadd.s32 $0xFFFFE003, lr  }
0x1b: {  	s9 =	sadd.s32 $0xFFFFFEF7, lr;
	s5 =	simm.s32 $0xFFFFFFFF;
	p2 =	slt.u32 s8, $0xFFFFF086  }
0x1c: {  	p1 =	slt.u32 s9, $0xF7A;
	s5 =	simm.s32 @!p2 $0x0  }
0x1d: {  	s5 =	simm.s32 @p1 $0x1;
	p0 =	seq.s32 s7, s2  }
0x1e: {  	s7 =	smul.u32 @!p0 $0xF7A, s2;
	p2 =	seq.s32 @!p0 s5, $0x0  }
0x1f: {  	s9 =	smul.u32 $0xF7A, s1;
	s8 =	simm.s32 @!p0 $0x1BF5;
	p2 =	por !p2, p0  }
0x20: {  	[sflag:s8] =	ssyncset.s32 @!p0 $0xFFFFF086;
	s6 =	sadd.s32 @!p0 s3, s7;
	s7 =	simm.s32 @!p0 $0x108  }
0x21: {  	s3 =	sadd.s32 s3, s9;
	s6 =	sadd.s32 @!p0 $0x88, s6;
	s7 =	simm.s32 @p2 $0x1082  }
0x22: {  	[simem:s7], [sflag:s8] =	dma.local @!p0 [hbm:s6], $0xF7A  }
0x23: {  	s9 =	sor.u32 $0xD0000000, s2;
	s6 =	simm.s32 $0x108;
	_ =	swait.ge @!p0 [sflag:s8], $0x0  }
0x24: {  	s3 =	sadd.s32 $0x88, s3;
	s6 =	simm.s32 @!p1 $0x1082;
	[sflag:s4] =	ssyncset.s32 $0xFFFFF086  }
0x25: {  	[simem:s6], [sflag:s4] =	dma.local [hbm:s3], $0xF7A  }
0x26: {  	[smem:$0x3F97] =	sst s1;
	(tag) =	ssettag s2;
	_ =	strace s9  }
0x27: {  	s1 =	sld [smem:$0x3FA7]  }
0x28: {  	s2 =	sld [smem:$0x3FA8]  }
0x29: {  	s4 =	sld [smem:$0x3FAA]  }
0x2a: {  	p0 =	seq.s32 s5, $0x0;
	s5 =	sld [smem:$0x3FAB]  }
0x2b: {  	s6 =	sld [smem:$0x3FAC]  }
0x2c: {  	s7 =	sld [smem:$0x3FAD]  }
0x2d: {  	s3 =	simm.s32 $0x108;
	s8 =	sld [smem:$0x3FAE]  }
0x2e: {  	s3 =	simm.s32 @!p0 $0x1082;
	s9 =	sld [smem:$0x3FAF]  }
0x2f: {  	lr =	sadd.s32 s0, s3;
	s0 =	sld [smem:$0x3FA6]  }
0x30: {  	s3 =	sld [smem:$0x3FA9]  }
0x31: {  	[smem:$0x3FB2] =	sst s10  }
0x32: {  	s10 =	sld [smem:$0x3FB0];
	_ =	sdelay $0x3  }
0x33: {  	p0 =	seq.s32 s10, $0x1;
	s10 =	sld [smem:$0x3FB2];
	_ =	sdelay $0x3  }
0x34: {  	[smem:$0x3FB2] =	sst s10  }
0x35: {  	s10 =	sld [smem:$0x3FB1];
	_ =	sdelay $0x3  }
0x36: {  	p1 =	seq.s32 s10, $0x1;
	s10 =	sld [smem:$0x3FB2];
	_ =	sdelay $0x3  }
0x37: {  	[smem:$0x3FB2] =	sst s10  }
0x38: {  	s10 =	sld [smem:$0x3FB3]  }
0x39: {  	_ = 	snop;
	(pc) =	sbr.ind lr, $3  }
0x3a: {  	_ = 	snop  }
0x3b: {  	_ = 	snop  }
0x3c: {  	p2 =	seq.s32 s10, $0x1;
	s10 =	sld [smem:$0x3FB2]  }
0x3d: {  	_ =	shalt  }
0x3e: {  	_ =	shalt  }
0x3f: {  	_ =	shalt  }
0x40: {  	_ =	shalt  }
0x41: {  	_ =	shalt  }
0x42: {  	_ =	shalt  }
0x43: {  	_ =	shalt  }
0x44: {  	_ =	shalt  }
0x45: {  	_ =	shalt  }
0x46: {  	_ =	shalt  }
0x47: {  	_ =	shalt  }
0x48: {  	_ =	shalt  }
0x49: {  	_ =	shalt  }
0x4a: {  	_ =	shalt  }
0x4b: {  	_ =	shalt  }
0x4c: {  	_ =	shalt  }
0x4d: {  	_ =	shalt  }
0x4e: {  	_ =	shalt  }
0x4f: {  	_ =	shalt  }
0x50: {  	_ =	shalt  }
0x51: {  	_ =	shalt  }
0x52: {  	_ =	shalt  }
0x53: {  	_ =	shalt  }
0x54: {  	_ =	shalt  }
0x55: {  	_ =	shalt  }
0x56: {  	_ =	shalt  }
0x57: {  	_ =	shalt  }
0x58: {  	_ =	shalt  }
0x59: {  	_ =	shalt  }
0x5a: {  	_ =	shalt  }
0x5b: {  	_ =	shalt  }
0x5c: {  	_ =	shalt  }
0x5d: {  	_ =	shalt  }
0x5e: {  	_ =	shalt  }
0x5f: {  	_ =	shalt  }
0x60: {  	_ =	shalt  }
0x61: {  	_ =	shalt  }
0x62: {  	_ =	shalt  }
0x63: {  	_ =	shalt  }
0x64: {  	_ =	shalt  }
0x65: {  	_ =	shalt  }
0x66: {  	_ =	shalt  }
0x67: {  	_ =	shalt  }
0x68: {  	_ =	shalt  }
0x69: {  	_ =	shalt  }
0x6a: {  	_ =	shalt  }
0x6b: {  	_ =	shalt  }
0x6c: {  	_ =	shalt  }
0x6d: {  	_ =	shalt  }
0x6e: {  	_ =	shalt  }
0x6f: {  	_ =	shalt  }
0x70: {  	_ =	shalt  }
0x71: {  	_ =	shalt  }
0x72: {  	_ =	shalt  }
0x73: {  	_ =	shalt  }
0x74: {  	_ =	shalt  }
0x75: {  	_ =	shalt  }
0x76: {  	_ =	shalt  }
0x77: {  	_ =	shalt  }
0x78: {  	_ =	shalt  }
0x79: {  	_ =	shalt  }
0x7a: {  	_ =	shalt  }
0x7b: {  	_ =	shalt  }
0x7c: {  	_ =	shalt  }
0x7d: {  	_ =	shalt  }
0x7e: {  	_ =	shalt  }
0x7f: {  	_ =	shalt  }
0x80: {  	_ =	shalt  }
0x81: {  	_ =	shalt  }
0x82: {  	_ =	shalt  }
0x83: {  	_ =	shalt  }
0x84: {  	_ =	shalt  }
0x85: {  	_ =	shalt  }
0x86: {  	_ =	shalt  }
0x87: {  	_ =	shalt  }
.Lfunc_end0:
.L_simem_size_0:
called_computation.1_lowered:
.L_overlay_start_0:
0x88: {  	s2 =	sld [smem:$0x3FD9]  }
0x89: {  	s3 =	sld [smem:$0x3FFE];
	_ =	sdelay $0x1  }
0x8a: {  	s1 =	srdreg.scid  }
0x8b: {  	s0 =	sand.u32 $0x1, s1  }
0x8c: {  	s16 =	sshll.u32 s0, $0xA;
	s2 =	sadd.s32 s3, s2  }
0x8d: {  	s2 =	sadd.s32 s2, s16  }
0x8e: {  	[smem:$0x3FBE] =	sst s2  }
0x8f: {  	_ = 	snop  }
0x90: {  	(tm) =	ssettm $0x1  }
0x91: {  	s17 =	sld [smem:$0x3FFB];
	_ =	sdelay $0x3  }
0x92: {  	_ =	strace s17  }
0x93: {  	s2 =	sld [smem:$0x3FFC];
	_ =	sdelay $0x3  }
0x94: {  	_ =	strace s2  }
0x95: {  	s2 =	sld [smem:$0x3FFD];
	_ =	sdelay $0x3  }
0x96: {  	_ =	strace s2  }
0x97: {  	_ =	strace $0x8FFFFFFF  }
0x98: {  	s18 =	sld [smem:$0x3FDB];
	_ =	sdelay $0x1  }
0x99: {  	s19 =	simm.s32 $_scs_section_size  }
0x9a: {  	s4 =	simm.s32 $_size__tile_overlayer_lowered;
	s5 =	simm.s32 $_tile_overlayer_lowered  }
0x9b: {  	s22 =	simm.s32 $0x1BFF;
	s21 =	sshll.u32 s5, $0x1;
	s2 =	sadd.s32 s19, s18  }
0x9c: {  	s6 =	simm.s32 $0x0;
	s20 =	sshll.u32 s4, $0x1;
	s4 =	sadd.s32 s21, s2  }
0x9d: {  	[timem:s6], [sflag:s22] =	dma.local [hbm:s4], s20  }
0x9e: {  	_ =	swait.ge [sflag:s22], s20  }
0x9f: {  	s3 =	ssub.s32 $0x0, s20;
	[sflag:s22] =	ssyncset.done $0x0  }
0xa0: {  	[sflag:s22] =	ssyncadd.s32 s3;
	_ =	sdelay $0x1  }
0xa1: {  	s23 =	simm.s32 $0x1B8B  }
0xa2: {  	_ =	swait.ge [sflag:s23], $0x1  }
0xa3: {  	[sflag:s23] =	ssyncset.done $0x0  }
0xa4: {  	s25 =	simm.s32 $0x1B8E;
	s24 =	sld [smem:$0x3FFE];
	[sflag:s23] =	ssyncadd.s32 $0xFFFFFFFF  }
0xa5: {  	s26 =	simm.s32 $execute0_lowered;
	[smem:$0x3FD2] =	sst s25  }
0xa6: {  	s4 =	sshll.u32 s26, $0x1;
	_ =	strace $0x80000049;
	[dreg:$0x1] =	wrdreg $0xFFFFFFFF  }
0xa7: {  	s28 =	simm.s32 $_size_execute0_lowered;
	s2 =	sadd.s32 s2, s4;
	[dreg:$0x0] =	wrdreg $0x0  }
0xa8: {  	s4 =	sshll.u32 s28, $0x1;
	[dreg:$0x2] =	wrdreg s2  }
0xa9: {  	[dreg:$0x3] =	wrdreg s4  }
0xaa: {  	[dreg:$0x4] =	wrdreg $0xC0  }
0xab: {  	_ =	task [dreg:s6], $0x5FFFF  }
0xac: {  	[dreg:$0x1] =	wrdreg $0xFFFFFFFF  }
0xad: {  	[dreg:$0x0] =	wrdreg $0x60  }
0xae: {  	[dreg:$0x2] =	wrdreg s24  }
0xaf: {  	[dreg:$0x3] =	wrdreg $0x0  }
0xb0: {  	[dreg:$0x4] =	wrdreg $0x9  }
0xb1: {  	_ =	task.clear_ibuf [dreg:s6], $0x5FFFF;
	_ =	strace $0x90000049  }
0xb2: {  	s29 =	simm.s32 $0x9;
	_ =	strace $0x8000004B  }
0xb3: {  	_ =	swait.ge [sflag:s29], $0x1  }
0xb4: {  	[sflag:s29] =	ssyncadd.s32 $0xFFFFFFFF  }
0xb5: {  	_ =	strace $0x9000004B  }
0xb6: {  	_ =	sfence  }
0xb7: {  	s30 =	sld [smem:$0x0];
	_ =	sdelay $0x2  }
0xb8: {  	s31 =	sshll.u32 s1, $0xD;
	s1 =	sshrl.u32 s1, $0x2  }
0xb9: {  	s3 =	sand.u32 $0x4000, s31;
	s1 =	sadd.s32 s1, s30  }
0xba: {  	s0 =	sor.u32 s3, s0;
	s1 =	sshll.u32 s1, $0x11  }
0xbb: {  	s0 =	sor.u32 s1, s0  }
0xbc: {  	s0 =	sadd.s32 $0x8F2B, s0  }
0xbd: {  	[sflag:s0] =	ssyncadd.remote.s32 $0x1  }
0xbe: {  	_ =	sfence.sel $0xFFFF  }
0xbf: {  	[dreg:$0x0] =	wrdreg $0xFFFFFFFF;
	(pc) =	sbr.abs _section_cstart, $3  }
0xc0: {  	[dreg:$0x1] =	wrdreg $0xFFFFFFFF  }
0xc1: {  	_ =	task.clear_ibuf [dreg:s6], $0x2FFFF;
	_ =	strace $0x9FFFFFFF  }
0xc2: {  	(tm) =	ssettm $0x7FFFFFFF  }
0xc3: {  	_ =	shalt  }
tec
execute0_lowered:
.L_overlay_start_1:
0x0: {  	(tag) =	ssettag $0x1  }
0x1: {  	s16 =	stileid.u32  }
0x2: {  	s0 =	srdreg.scid;
	s2 =	smul.u32 $0xC80, s16  }
0x3: {  	s1 =	sand.u32 $0x1, s0;
	s4 =	smul.u32 $0x280, s16  }
0x4: {  	s28 =	simm.s32 $0x6;
	s0 =	rddreg [dreg:$0x0];
	s3 =	smul.u32 $0xC800, s1  }
0x5: {  	s5 =	smul.u32 $0x2800, s1;
	s18 =	sadd.s32 $0x59400, s0;
	s6 =	ssub.s32 $0x2, s1  }
0x6: {  	s7 =	sshll.u32 s1, $0x4;
	s1 =	smul.u32 $0x3200, s1;
	s9 =	sshrl.u32 s6, $0x1  }
0x7: {  	s7 =	sor.u32 s16, s7;
	s10 =	sadd.s32 $0xC0, s4;
	s17 =	sadd.s32 $0x180, s4  }
0x8: {  	s19 =	sadd.s32 $0x1C0, s4;
	s2 =	sadd.s32 s2, s3;
	s8 =	sadd.s32 s5, s4  }
0x9: {  	s6 =	ssub.s32 s6, s9;
	s7 =	smul.u32 $0x320, s7;
	s9 =	sadd.s32 $0x80, s4  }
0xa: {  	s13 =	sadd.s32 s5, s10;
	s15 =	sadd.s32 s5, s17;
	s25 =	sadd.s32 s5, s19  }
0xb: {  	s8 =	sshll.u32 s8, $0x4;
	s12 =	sadd.s32 s5, s9;
	s13 =	sshll.u32 s13, $0x4  }
0xc: {  	s15 =	sshll.u32 s15, $0x4;
	s8 =	sadd.s32 s18, s8;
	s12 =	sshll.u32 s12, $0x4  }
0xd: {  	s21 =	sadd.s32 s18, s13;
	s13 =	sadd.s32 $0x140, s4;
	s24 =	sadd.s32 s18, s15  }
0xe: {  	[dreg:$0x3] =	wrdreg s8;
	s8 =	sor.u32 $0x40, s4;
	s20 =	sadd.s32 s18, s12  }
0xf: {  	[dreg:$0x6] =	wrdreg s21;
	s12 =	sadd.s32 $0x100, s4;
	s14 =	sadd.s32 s5, s13  }
0x10: {  	[dreg:$0x9] =	wrdreg s24;
	s21 =	smul.u32 $0x50000, s16;
	s11 =	sadd.s32 s5, s8  }
0x11: {  	[dreg:$0x5] =	wrdreg s20;
	s22 =	sadd.s32 s5, s12;
	s14 =	sshll.u32 s14, $0x4  }
0x12: {  	s20 =	sadd.s32 $0x200, s4;
	s4 =	sadd.s32 $0x240, s4;
	s11 =	sshll.u32 s11, $0x4  }
0x13: {  	s23 =	sadd.s32 s18, s14;
	s26 =	sadd.s32 s5, s20;
	s5 =	sadd.s32 s5, s4  }
0x14: {  	s11 =	sadd.s32 s18, s11;
	[dreg:$0x8] =	wrdreg s23;
	s14 =	sshll.u32 s26, $0x4  }
0x15: {  	s5 =	sshll.u32 s5, $0x4;
	[dreg:$0x4] =	wrdreg s11;
	s31 =	sadd.s32 s18, s14  }
0x16: {  	s11 =	sshll.u32 s22, $0x4;
	s3 =	sadd.s32 s18, s5;
	[dreg:$0xb] =	wrdreg s31  }
0x17: {  	s14 =	sadd.s32 $0x53000, s0;
	s11 =	sadd.s32 s18, s11;
	[dreg:$0xc] =	wrdreg s3  }
0x18: {  	s15 =	sadd.s32 s14, s7;
	s1 =	sadd.s32 s1, s14;
	s14 =	rddreg [dreg:$0x1]  }
0x19: {  	s24 =	smax.u32 s6, $0x1;
	[dreg:$0x7] =	wrdreg s11;
	s11 =	sshll.u32 s25, $0x4  }
0x1a: {  	s26 =	sshll.u32 s9, $0x7;
	[dreg:$0xd] =	wrdreg s15;
	s11 =	sadd.s32 s18, s11  }
0x1b: {  	s18 =	smul.u32 $0x320, s16;
	[dreg:$0xa] =	wrdreg s11;
	s11 =	simm.s32 $0x0  }
0x1c: {  	s22 =	sshll.u32 s2, $0x4;
	s16 =	sadd.s32 $0x4E00, s0;
	[smem:$0x7FF] =	sst s11  }
0x1d: {  	s15 =	sadd.s32 s18, s1;
	s1 =	sadd.s32 s22, s0;
	s0 =	sadd.s32 $0x11B000, s0  }
0x1e: {  	s9 =	sshll.u32 s20, $0x7;
	_ =	strace $0x8000004A;
	[dreg:$0xe] =	wrdreg s0  }
0x1f: {  	s5 =	sshll.u32 s13, $0x7;
	s31 =	sadd.s32 s26, s14;
	[dreg:$0xf] =	wrdreg s24  }
0x20: {  	s2 =	sshll.u32 s10, $0x7;
	s6 =	sadd.s32 s5, s14;
	[dreg:$0x11] =	wrdreg s31  }
0x21: {  	s25 =	sshll.u32 s8, $0x7;
	s10 =	sadd.s32 s9, s14;
	[dreg:$0x14] =	wrdreg s6  }
0x22: {  	s23 =	sshrl.u32 s21, $0x2;
	s0 =	sadd.s32 s25, s14;
	[dreg:$0x17] =	wrdreg s10  }
0x23: {  	s7 =	sshll.u32 s17, $0x7;
	s13 =	sadd.s32 $0x18A800, s1;
	[dreg:$0x10] =	wrdreg s0  }
0x24: {  	s18 =	sadd.s32 s23, s14;
	s17 =	sadd.s32 $0x18AD00, s1;
	[dreg:$0x19] =	wrdreg s13  }
0x25: {  	s8 =	sshll.u32 s19, $0x7;
	s19 =	sadd.s32 $0x2000, s18;
	[dreg:$0x1a] =	wrdreg s17  }
0x26: {  	s29 =	simm.s32 $0x3;
	s20 =	sadd.s32 $0x4000, s18;
	[dreg:$0x1b] =	wrdreg s19  }
0x27: {  	s30 =	simm.s32 $0x4;
	s21 =	sadd.s32 $0x6000, s18;
	[dreg:$0x1c] =	wrdreg s20  }
0x28: {  	s3 =	sshll.u32 s12, $0x7;
	s22 =	sadd.s32 $0x8000, s18;
	[dreg:$0x1d] =	wrdreg s21  }
0x29: {  	s12 =	sshll.u32 s4, $0x7;
	s23 =	sadd.s32 $0xA000, s18;
	[dreg:$0x1e] =	wrdreg s22  }
0x2a: {  	s9 =	simm.s32 $0x14140;
	s24 =	sadd.s32 $0xC000, s18;
	[dreg:$0x1f] =	wrdreg s23  }
0x2b: {  	s25 =	sadd.s32 $0xE000, s18;
	s26 =	sadd.s32 $0x10000, s18;
	[smem:$0x7FA] =	sst s24  }
0x2c: {  	s31 =	sadd.s32 $0x12000, s18;
	s10 =	simm.s32 $0x7;
	[smem:$0x7FB] =	sst s25  }
0x2d: {  	s0 =	sadd.s32 s2, s14;
	s13 =	sadd.s32 $0x18B200, s1;
	[smem:$0x7FC] =	sst s26  }
0x2e: {  	[smem:$0x7FD] =	sst s31;
	s17 =	simm.s32 $0x50;
	s19 =	simm.s32 $0x16940  }
0x2f: {  	s20 =	simm.s32 $0x140A0;
	s21 =	simm.s32 $0x19140;
	s22 =	simm.s32 $0x1B940  }
0x30: {  	s23 =	simm.s32 $0x1;
	[dreg:$0x12] =	wrdreg s0;
	s0 =	sadd.s32 s3, s14  }
0x31: {  	s24 =	simm.s32 $0x2;
	[dreg:$0x13] =	wrdreg s0;
	s0 =	sadd.s32 s7, s14  }
0x32: {  	s25 =	simm.s32 $0x14050;
	[dreg:$0x15] =	wrdreg s0;
	s0 =	sadd.s32 s8, s14  }
0x33: {  	s26 =	simm.s32 $0x5;
	[dreg:$0x16] =	wrdreg s0;
	s0 =	sadd.s32 s12, s14  }
0x34: {  	s1 =	simm.s32 $0x0;
	[dreg:$0x18] =	wrdreg s0;
	s0 =	simm.s32 $0x140F0  }
.LBB2_1:
0x35: {  	s2 =	rddreg [dreg:$0xe]  }
0x36: {  	[tilespmem:s9], [sflag:$0x7] =	stream.linear.gather [hbm4b:s2+s11], $0x2000, $0x38;
	[tilespmem:$0x1E140] =	vst v63  }
0x37: {  	_ =	swait.ge [sflag:s10], $0x2000  }
0x38: {  	[sflag:s10] =	ssyncset.done $0x0  }
0x39: {  	[sflag:s10] =	ssyncadd.s32 $0xFFFFE000  }
0x3a: {  	[spmem:s18] =	stream.linear.scatter [tilespmem:s9], [sflag:$0x7], $0x2000, $0x38;
	[tilespmem:$0x1E140] =	vst v63  }
0x3b: {  	_ =	swait.ge [sflag:s10], $0x2000  }
0x3c: {  	[sflag:s10] =	ssyncset.done $0x0  }
0x3d: {  	s7 =	rddreg [dreg:$0x1b];
	[sflag:s10] =	ssyncadd.s32 $0xFFFFE000  }
0x3e: {  	[spmem:s7] =	stream.linear.scatter [tilespmem:s9], [sflag:$0x7], $0x2000, $0x38;
	[tilespmem:$0x1E140] =	vst v63  }
0x3f: {  	_ =	swait.ge [sflag:s10], $0x2000  }
0x40: {  	[sflag:s10] =	ssyncset.done $0x0  }
0x41: {  	s8 =	rddreg [dreg:$0x1c];
	[sflag:s10] =	ssyncadd.s32 $0xFFFFE000  }
0x42: {  	[spmem:s8] =	stream.linear.scatter [tilespmem:s9], [sflag:$0x7], $0x2000, $0x38;
	[tilespmem:$0x1E140] =	vst v63  }
0x43: {  	_ =	swait.ge [sflag:s10], $0x2000  }
0x44: {  	[sflag:s10] =	ssyncset.done $0x0  }
0x45: {  	s12 =	rddreg [dreg:$0x1d];
	[sflag:s10] =	ssyncadd.s32 $0xFFFFE000  }
0x46: {  	[spmem:s12] =	stream.linear.scatter [tilespmem:s9], [sflag:$0x7], $0x2000, $0x38;
	[tilespmem:$0x1E140] =	vst v63  }
0x47: {  	_ =	swait.ge [sflag:s10], $0x2000  }
0x48: {  	[sflag:s10] =	ssyncset.done $0x0  }
0x49: {  	s31 =	rddreg [dreg:$0x1e];
	[sflag:s10] =	ssyncadd.s32 $0xFFFFE000  }
0x4a: {  	[spmem:s31] =	stream.linear.scatter [tilespmem:s9], [sflag:$0x7], $0x2000, $0x38;
	[tilespmem:$0x1E140] =	vst v63  }
0x4b: {  	_ =	swait.ge [sflag:s10], $0x2000  }
0x4c: {  	[sflag:s10] =	ssyncset.done $0x0  }
0x4d: {  	s3 =	rddreg [dreg:$0x1f];
	[sflag:s10] =	ssyncadd.s32 $0xFFFFE000  }
0x4e: {  	[spmem:s3] =	stream.linear.scatter [tilespmem:s9], [sflag:$0x7], $0x2000, $0x38;
	[tilespmem:$0x1E140] =	vst v63  }
0x4f: {  	_ =	swait.ge [sflag:s10], $0x2000  }
0x50: {  	s4 =	sld [smem:$0x7FA]  }
0x51: {  	[sflag:s10] =	ssyncset.done $0x0  }
0x52: {  	[sflag:s10] =	ssyncadd.s32 $0xFFFFE000  }
0x53: {  	[spmem:s4] =	stream.linear.scatter [tilespmem:s9], [sflag:$0x7], $0x2000, $0x38;
	[tilespmem:$0x1E140] =	vst v63  }
0x54: {  	_ =	swait.ge [sflag:s10], $0x2000  }
0x55: {  	s5 =	sld [smem:$0x7FB]  }
0x56: {  	[sflag:s10] =	ssyncset.done $0x0  }
0x57: {  	[sflag:s10] =	ssyncadd.s32 $0xFFFFE000  }
0x58: {  	[spmem:s5] =	stream.linear.scatter [tilespmem:s9], [sflag:$0x7], $0x2000, $0x38;
	[tilespmem:$0x1E140] =	vst v63  }
0x59: {  	_ =	swait.ge [sflag:s10], $0x2000  }
0x5a: {  	s6 =	sld [smem:$0x7FC]  }
0x5b: {  	[sflag:s10] =	ssyncset.done $0x0  }
0x5c: {  	[sflag:s10] =	ssyncadd.s32 $0xFFFFE000  }
0x5d: {  	[spmem:s6] =	stream.linear.scatter [tilespmem:s9], [sflag:$0x7], $0x2000, $0x38;
	[tilespmem:$0x1E140] =	vst v63  }
0x5e: {  	_ =	swait.ge [sflag:s10], $0x2000  }
0x5f: {  	s7 =	sld [smem:$0x7FD]  }
0x60: {  	[sflag:s10] =	ssyncset.done $0x0  }
0x61: {  	[sflag:s10] =	ssyncadd.s32 $0xFFFFE000  }
0x62: {  	[spmem:s7] =	stream.linear.scatter [tilespmem:s9], [sflag:$0x7], $0x2000, $0x38;
	[tilespmem:$0x1E140] =	vst v63  }
0x63: {  	_ =	swait.ge [sflag:s10], $0x2000  }
0x64: {  	[sflag:s10] =	ssyncset.done $0x0  }
0x65: {  	[sflag:s10] =	ssyncadd.s32 $0xFFFFE000  }
0x66: {  	[bflag:$0x0] =	sbarrier.arrive $0xFFFF  }
0x67: {  	s3 =	simm.s32 $0x14000;
	s8 =	rddreg [dreg:$0xd]  }
0x68: {  	[tilespmem:s3], [sflag:$0x7] =	stream.linear.gather [hbm4b:s8+s11], $0xA0, $0x38;
	[tilespmem:$0x1E140] =	vst v63  }
0x69: {  	_ =	swait.ge [sflag:s10], $0xA0  }
0x6a: {  	[sflag:s10] =	ssyncset.done $0x0  }
0x6b: {  	[sflag:s10] =	ssyncadd.s32 $0xFFFFFF60  }
0x6c: {  	[tilespmem:s9], [sflag:$0x1] =	stream.indirect.gather [hbm4b:s16+s17], $0x80, s3, s17, $0xb8;
	[tilespmem:$0x1E140] =	vst v63  }
0x6d: {  	s31 =	sadd.s32 $0x0, s15;
	s12 =	rddreg [dreg:$0x19]  }
0x6e: {  	[tilespmem:s19], [sflag:$0x2] =	stream.linear.gather [hbm4b:s12+s11], $0x2800, $0x38;
	[tilespmem:$0x1E140] =	vst v63  }
0x6f: {  	s2 =	sadd.s32 $0x14, s31  }
0x70: {  	[tilespmem:s20], [sflag:$0x7] =	stream.linear.gather [hbm4b:s2+s11], $0xA0, $0x38;
	[tilespmem:$0x1E140] =	vst v63  }
0x71: {  	_ =	swait.ge [sflag:s10], $0xA0  }
0x72: {  	[sflag:s10] =	ssyncset.done $0x0  }
0x73: {  	[sflag:s10] =	ssyncadd.s32 $0xFFFFFF60  }
0x74: {  	[tilespmem:s21], [sflag:$0x3] =	stream.indirect.gather [hbm4b:s16+s17], $0x80, s20, s17, $0xb8;
	[tilespmem:$0x1E140] =	vst v63  }
0x75: {  	s6 =	rddreg [dreg:$0x1a]  }
0x76: {  	[tilespmem:s22], [sflag:$0x4] =	stream.linear.gather [hbm4b:s6+s11], $0x2800, $0x38;
	[tilespmem:$0x1E140] =	vst v63  }
0x77: {  	_ =	swait.ge [sflag:s23], $0x2800  }
0x78: {  	[sflag:s23] =	ssyncset.done $0x0  }
0x79: {  	[sflag:s23] =	ssyncadd.s32 $0xFFFFD800  }
0x7a: {  	_ =	swait.ge [sflag:s24], $0x2800  }
0x7b: {  	[sflag:s24] =	ssyncset.done $0x0  }
0x7c: {  	[sflag:s24] =	ssyncadd.s32 $0xFFFFD800  }
0x7d: {  	[spmem:s14] =	stream.indirect.scatter.add.f32 [tilespmem:s9], [sflag:$0x5], $0x80, s25, s17, $0xb8;
	[tilespmem:$0x1E140] =	vst v63  }
0x7e: {  	_ = 	snop  }
0x7f: {  	[spmem:s14] =	stream.indirect.scatter.add.f32 [tilespmem:s19], [sflag:$0x6], $0x80, s25, s17, $0xb8;
	[tilespmem:$0x1E140] =	vst v63  }
0x80: {  	_ =	swait.ge [sflag:s26], $0x2800  }
0x81: {  	[sflag:s26] =	ssyncset.done $0x0  }
0x82: {  	[sflag:s26] =	ssyncadd.s32 $0xFFFFD800  }
0x83: {  	p0 =	por $0x0, $0x0;
	_ =	swait.ge [sflag:s28], $0x2800  }
0x84: {  	s4 =	simm.s32 @!p0 $0x14000;
	s2 =	sadd.s32 @!p0 $0x0, s15;
	[sflag:s28] =	ssyncset.done $0x0  }
0x85: {  	s3 =	simm.s32 @!p0 $0x0;
	s2 =	sadd.s32 @!p0 $0x28, s2;
	[sflag:s28] =	ssyncadd.s32 $0xFFFFD800  }
0x86: {  	[tilespmem:s4], [sflag:$0x7] =	stream.linear.gather @!p0 [hbm4b:s2+s3], $0xA0, $0x38;
	[tilespmem:$0x1E140] =	vst v63  }
0x87: {  	s2 =	simm.s32 @!p0 $0x7  }
0x88: {  	_ =	swait.ge @!p0 [sflag:s2], $0xA0  }
0x89: {  	[sflag:s2] =	ssyncset.done @!p0 $0x0  }
0x8a: {  	s5 =	simm.s32 @!p0 $0x50;
	[sflag:s2] =	ssyncadd.s32 @!p0 $0xFFFFFF60;
	s2 =	simm.s32 @!p0 $0x14140  }
0x8b: {  	[tilespmem:s2], [sflag:$0x1] =	stream.indirect.gather @!p0 [hbm4b:s16+s5], $0x80, s4, s5, $0xb8;
	[tilespmem:$0x1E140] =	vst v63  }
0x8c: {  	s2 =	simm.s32 @!p0 $0x16940  }
0x8d: {  	[tilespmem:s2], [sflag:$0x2] =	stream.linear.gather @!p0 [hbm4b:s13+s3], $0x2800, $0x38;
	[tilespmem:$0x1E140] =	vst v63  }
0x8e: {  	_ =	swait.ge [sflag:s29], $0x2800  }
0x8f: {  	[sflag:s29] =	ssyncset.done $0x0  }
0x90: {  	[sflag:s29] =	ssyncadd.s32 $0xFFFFD800  }
0x91: {  	_ =	swait.ge [sflag:s30], $0x2800  }
0x92: {  	[sflag:s30] =	ssyncset.done $0x0  }
0x93: {  	[sflag:s30] =	ssyncadd.s32 $0xFFFFD800  }
0x94: {  	[spmem:s14] =	stream.indirect.scatter.add.f32 [tilespmem:s21], [sflag:$0x5], $0x80, s0, s17, $0xb8;
	[tilespmem:$0x1E140] =	vst v63  }
0x95: {  	_ = 	snop  }
0x96: {  	[spmem:s14] =	stream.indirect.scatter.add.f32 [tilespmem:s22], [sflag:$0x6], $0x80, s0, s17, $0xb8;
	[tilespmem:$0x1E140] =	vst v63  }
0x97: {  	_ =	swait.ge [sflag:s26], $0x2800  }
0x98: {  	[sflag:s26] =	ssyncset.done $0x0  }
0x99: {  	s5 =	simm.s32 $0x50;
	s4 =	sadd.s32 $0xA00, s6;
	[sflag:s26] =	ssyncadd.s32 $0xFFFFD800  }
0x9a: {  	s3 =	simm.s32 $0x28;
	s2 =	sadd.s32 $0xA00, s13;
	_ =	swait.ge [sflag:s28], $0x2800  }
.LBB2_2:
0x9b: {  	s12 =	sadd.s32 s3, s15  }
0x9c: {  	[sflag:s28] =	ssyncset.done $0x0;
	s6 =	smov.u32 s5;
	s5 =	sadd.s32 $0x28, s5  }
0x9d: {  	p0 =	sne.s32 s5, $0x320;
	s12 =	sadd.s32 $0x14, s12;
	[sflag:s28] =	ssyncadd.s32 $0xFFFFD800  }
0x9e: {  	[tilespmem:s20], [sflag:$0x7] =	stream.linear.gather [hbm4b:s12+s11], $0xA0, $0x38;
	[tilespmem:$0x1E140] =	vst v63  }
0x9f: {  	_ =	swait.ge [sflag:s10], $0xA0  }
0xa0: {  	[sflag:s10] =	ssyncset.done $0x0  }
0xa1: {  	[sflag:s10] =	ssyncadd.s32 $0xFFFFFF60  }
0xa2: {  	[tilespmem:s21], [sflag:$0x3] =	stream.indirect.gather [hbm4b:s16+s17], $0x80, s20, s17, $0xb8;
	[tilespmem:$0x1E140] =	vst v63  }
0xa3: {  	_ = 	snop  }
0xa4: {  	[tilespmem:s22], [sflag:$0x4] =	stream.linear.gather [hbm4b:s4+s11], $0x2800, $0x38;
	[tilespmem:$0x1E140] =	vst v63  }
0xa5: {  	_ =	swait.ge [sflag:s23], $0x2800  }
0xa6: {  	[sflag:s23] =	ssyncset.done $0x0  }
0xa7: {  	[sflag:s23] =	ssyncadd.s32 $0xFFFFD800  }
0xa8: {  	_ =	swait.ge [sflag:s24], $0x2800  }
0xa9: {  	[sflag:s24] =	ssyncset.done $0x0  }
0xaa: {  	[sflag:s24] =	ssyncadd.s32 $0xFFFFD800  }
0xab: {  	[spmem:s14] =	stream.indirect.scatter.add.f32 [tilespmem:s9], [sflag:$0x5], $0x80, s25, s17, $0xb8;
	[tilespmem:$0x1E140] =	vst v63  }
0xac: {  	_ = 	snop  }
0xad: {  	[spmem:s14] =	stream.indirect.scatter.add.f32 [tilespmem:s19], [sflag:$0x6], $0x80, s25, s17, $0xb8;
	[tilespmem:$0x1E140] =	vst v63  }
0xae: {  	_ =	swait.ge [sflag:s26], $0x2800  }
0xaf: {  	[sflag:s26] =	ssyncset.done $0x0  }
0xb0: {  	[sflag:s26] =	ssyncadd.s32 $0xFFFFD800  }
0xb1: {  	p1 =	seq.s32 s3, $0x2F8;
	_ =	swait.ge [sflag:s28], $0x2800  }
0xb2: {  	s3 =	sadd.s32 @!p1 s3, s15;
	s12 =	simm.s32 @!p1 $0x0;
	[sflag:s28] =	ssyncset.done $0x0  }
0xb3: {  	s7 =	simm.s32 @!p1 $0x14000;
	s3 =	sadd.s32 @!p1 $0x28, s3;
	[sflag:s28] =	ssyncadd.s32 $0xFFFFD800  }
0xb4: {  	[tilespmem:s7], [sflag:$0x7] =	stream.linear.gather @!p1 [hbm4b:s3+s12], $0xA0, $0x38;
	[tilespmem:$0x1E140] =	vst v63  }
0xb5: {  	s8 =	simm.s32 @!p1 $0x7;
	s3 =	smov.u32 s6  }
0xb6: {  	_ =	swait.ge @!p1 [sflag:s8], $0xA0  }
0xb7: {  	s31 =	simm.s32 @!p1 $0x14140;
	s6 =	simm.s32 @!p1 $0x50;
	[sflag:s8] =	ssyncset.done @!p1 $0x0  }
0xb8: {  	[sflag:s8] =	ssyncadd.s32 @!p1 $0xFFFFFF60;
	s8 =	simm.s32 @!p1 $0x16940  }
0xb9: {  	[tilespmem:s31], [sflag:$0x1] =	stream.indirect.gather @!p1 [hbm4b:s16+s6], $0x80, s7, s6, $0xb8;
	[tilespmem:$0x1E140] =	vst v63  }
0xba: {  	_ = 	snop  }
0xbb: {  	[tilespmem:s8], [sflag:$0x2] =	stream.linear.gather @!p1 [hbm4b:s2+s12], $0x2800, $0x38;
	[tilespmem:$0x1E140] =	vst v63  }
0xbc: {  	_ =	swait.ge [sflag:s29], $0x2800  }
0xbd: {  	[sflag:s29] =	ssyncset.done $0x0  }
0xbe: {  	[sflag:s29] =	ssyncadd.s32 $0xFFFFD800  }
0xbf: {  	_ =	swait.ge [sflag:s30], $0x2800  }
0xc0: {  	[sflag:s30] =	ssyncset.done $0x0  }
0xc1: {  	[sflag:s30] =	ssyncadd.s32 $0xFFFFD800  }
0xc2: {  	[spmem:s14] =	stream.indirect.scatter.add.f32 [tilespmem:s21], [sflag:$0x5], $0x80, s0, s17, $0xb8;
	[tilespmem:$0x1E140] =	vst v63  }
0xc3: {  	_ = 	snop  }
0xc4: {  	[spmem:s14] =	stream.indirect.scatter.add.f32 [tilespmem:s22], [sflag:$0x6], $0x80, s0, s17, $0xb8;
	[tilespmem:$0x1E140] =	vst v63  }
.Ltmp0:
0xc5: {  	_ = 	snop;
	(pc) =	sbr.rel @p0 .LBB2_2-.Ltmp0, $4  }
0xc6: {  	_ =	swait.ge [sflag:s26], $0x2800  }
0xc7: {  	[sflag:s26] =	ssyncset.done $0x0  }
0xc8: {  	[sflag:s26] =	ssyncadd.s32 $0xFFFFD800  }
0xc9: {  	s4 =	sadd.s32 $0xA00, s4;
	s2 =	sadd.s32 $0xA00, s2;
	_ =	swait.ge [sflag:s28], $0x2800  }
0xca: {  	s5 =	sadd.s32 s3, s15;
	[sflag:s28] =	ssyncset.done $0x0  }
0xcb: {  	s5 =	sadd.s32 $0x14, s5;
	[sflag:s28] =	ssyncadd.s32 $0xFFFFD800  }
0xcc: {  	[tilespmem:s20], [sflag:$0x7] =	stream.linear.gather [hbm4b:s5+s11], $0xA0, $0x38;
	[tilespmem:$0x1E140] =	vst v63  }
0xcd: {  	_ =	swait.ge [sflag:s10], $0xA0  }
0xce: {  	[sflag:s10] =	ssyncset.done $0x0  }
0xcf: {  	[sflag:s10] =	ssyncadd.s32 $0xFFFFFF60  }
0xd0: {  	[tilespmem:s21], [sflag:$0x3] =	stream.indirect.gather [hbm4b:s16+s17], $0x80, s20, s17, $0xb8;
	[tilespmem:$0x1E140] =	vst v63  }
0xd1: {  	_ = 	snop  }
0xd2: {  	[tilespmem:s22], [sflag:$0x4] =	stream.linear.gather [hbm4b:s4+s11], $0x2800, $0x38;
	[tilespmem:$0x1E140] =	vst v63  }
0xd3: {  	_ =	swait.ge [sflag:s23], $0x2800  }
0xd4: {  	[sflag:s23] =	ssyncset.done $0x0  }
0xd5: {  	[sflag:s23] =	ssyncadd.s32 $0xFFFFD800  }
0xd6: {  	_ =	swait.ge [sflag:s24], $0x2800  }
0xd7: {  	[sflag:s24] =	ssyncset.done $0x0  }
0xd8: {  	[sflag:s24] =	ssyncadd.s32 $0xFFFFD800  }
0xd9: {  	[spmem:s14] =	stream.indirect.scatter.add.f32 [tilespmem:s9], [sflag:$0x5], $0x80, s25, s17, $0xb8;
	[tilespmem:$0x1E140] =	vst v63  }
0xda: {  	_ = 	snop  }
0xdb: {  	[spmem:s14] =	stream.indirect.scatter.add.f32 [tilespmem:s19], [sflag:$0x6], $0x80, s25, s17, $0xb8;
	[tilespmem:$0x1E140] =	vst v63  }
0xdc: {  	_ =	swait.ge [sflag:s26], $0x2800  }
0xdd: {  	[sflag:s26] =	ssyncset.done $0x0  }
0xde: {  	p0 =	seq.s32 s3, $0x2F8;
	[sflag:s26] =	ssyncadd.s32 $0xFFFFD800  }
0xdf: {  	s3 =	sadd.s32 @!p0 s3, s15;
	_ =	swait.ge [sflag:s28], $0x2800  }
0xe0: {  	s3 =	sadd.s32 @!p0 $0x28, s3;
	[sflag:s28] =	ssyncset.done $0x0  }
0xe1: {  	s5 =	simm.s32 @!p0 $0x14000;
	s4 =	simm.s32 @!p0 $0x0;
	[sflag:s28] =	ssyncadd.s32 $0xFFFFD800  }
0xe2: {  	[tilespmem:s5], [sflag:$0x7] =	stream.linear.gather @!p0 [hbm4b:s3+s4], $0xA0, $0x38;
	[tilespmem:$0x1E140] =	vst v63  }
0xe3: {  	s3 =	simm.s32 @!p0 $0x7  }
0xe4: {  	_ =	swait.ge @!p0 [sflag:s3], $0xA0  }
0xe5: {  	[sflag:s3] =	ssyncset.done @!p0 $0x0  }
0xe6: {  	s6 =	simm.s32 @!p0 $0x50;
	[sflag:s3] =	ssyncadd.s32 @!p0 $0xFFFFFF60;
	s3 =	simm.s32 @!p0 $0x14140  }
0xe7: {  	[tilespmem:s3], [sflag:$0x1] =	stream.indirect.gather @!p0 [hbm4b:s16+s6], $0x80, s5, s6, $0xb8;
	[tilespmem:$0x1E140] =	vst v63  }
0xe8: {  	s3 =	simm.s32 @!p0 $0x16940  }
0xe9: {  	[tilespmem:s3], [sflag:$0x2] =	stream.linear.gather @!p0 [hbm4b:s2+s4], $0x2800, $0x38;
	[tilespmem:$0x1E140] =	vst v63  }
0xea: {  	_ =	swait.ge [sflag:s29], $0x2800  }
0xeb: {  	[sflag:s29] =	ssyncset.done $0x0  }
0xec: {  	[sflag:s29] =	ssyncadd.s32 $0xFFFFD800  }
0xed: {  	_ =	swait.ge [sflag:s30], $0x2800  }
0xee: {  	[sflag:s30] =	ssyncset.done $0x0  }
0xef: {  	[sflag:s30] =	ssyncadd.s32 $0xFFFFD800  }
0xf0: {  	[spmem:s14] =	stream.indirect.scatter.add.f32 [tilespmem:s21], [sflag:$0x5], $0x80, s0, s17, $0xb8;
	[tilespmem:$0x1E140] =	vst v63  }
0xf1: {  	_ = 	snop  }
0xf2: {  	[spmem:s14] =	stream.indirect.scatter.add.f32 [tilespmem:s22], [sflag:$0x6], $0x80, s0, s17, $0xb8;
	[tilespmem:$0x1E140] =	vst v63  }
0xf3: {  	_ =	swait.ge [sflag:s26], $0x2800  }
0xf4: {  	[sflag:s26] =	ssyncset.done $0x0  }
0xf5: {  	[sflag:s26] =	ssyncadd.s32 $0xFFFFD800  }
0xf6: {  	_ =	swait.ge [sflag:s28], $0x2800  }
0xf7: {  	[sflag:s28] =	ssyncset.done $0x0  }
0xf8: {  	[sflag:s28] =	ssyncadd.s32 $0xFFFFD800  }
0xf9: {  	[bflag:$0x0] =	sbarrier.arrive $0xFFFF  }
0xfa: {  	[tilespmem:s9], [sflag:$0x7] =	stream.linear.gather [spmem:s18], $0x2000, $0x38;
	[tilespmem:$0x1E140] =	vst v63  }
0xfb: {  	_ =	swait.ge [sflag:s10], $0x2000  }
0xfc: {  	[sflag:s10] =	ssyncset.done $0x0  }
0xfd: {  	s7 =	rddreg [dreg:$0x3];
	[sflag:s10] =	ssyncadd.s32 $0xFFFFE000  }
0xfe: {  	[hbm4b:s7+s11] =	stream.linear.scatter [tilespmem:s9], [sflag:$0x7], $0x2000, $0x38;
	[tilespmem:$0x1E140] =	vst v63  }
0xff: {  	_ =	swait.ge [sflag:s10], $0x2000  }
0x100: {  	[sflag:s10] =	ssyncset.done $0x0  }
0x101: {  	s8 =	rddreg [dreg:$0x10];
	[sflag:s10] =	ssyncadd.s32 $0xFFFFE000  }
0x102: {  	[tilespmem:s9], [sflag:$0x7] =	stream.linear.gather [spmem:s8], $0x2000, $0x38;
	[tilespmem:$0x1E140] =	vst v63  }
0x103: {  	_ =	swait.ge [sflag:s10], $0x2000  }
0x104: {  	[sflag:s10] =	ssyncset.done $0x0  }
0x105: {  	s12 =	rddreg [dreg:$0x4];
	[sflag:s10] =	ssyncadd.s32 $0xFFFFE000  }
0x106: {  	[hbm4b:s12+s11] =	stream.linear.scatter [tilespmem:s9], [sflag:$0x7], $0x2000, $0x38;
	[tilespmem:$0x1E140] =	vst v63  }
0x107: {  	_ =	swait.ge [sflag:s10], $0x2000  }
0x108: {  	[sflag:s10] =	ssyncset.done $0x0  }
0x109: {  	s31 =	rddreg [dreg:$0x11];
	[sflag:s10] =	ssyncadd.s32 $0xFFFFE000  }
0x10a: {  	[tilespmem:s9], [sflag:$0x7] =	stream.linear.gather [spmem:s31], $0x2000, $0x38;
	[tilespmem:$0x1E140] =	vst v63  }
0x10b: {  	_ =	swait.ge [sflag:s10], $0x2000  }
0x10c: {  	[sflag:s10] =	ssyncset.done $0x0  }
0x10d: {  	s3 =	rddreg [dreg:$0x5];
	[sflag:s10] =	ssyncadd.s32 $0xFFFFE000  }
0x10e: {  	[hbm4b:s3+s11] =	stream.linear.scatter [tilespmem:s9], [sflag:$0x7], $0x2000, $0x38;
	[tilespmem:$0x1E140] =	vst v63  }
0x10f: {  	_ =	swait.ge [sflag:s10], $0x2000  }
0x110: {  	[sflag:s10] =	ssyncset.done $0x0  }
0x111: {  	s4 =	rddreg [dreg:$0x12];
	[sflag:s10] =	ssyncadd.s32 $0xFFFFE000  }
0x112: {  	[tilespmem:s9], [sflag:$0x7] =	stream.linear.gather [spmem:s4], $0x2000, $0x38;
	[tilespmem:$0x1E140] =	vst v63  }
0x113: {  	_ =	swait.ge [sflag:s10], $0x2000  }
0x114: {  	[sflag:s10] =	ssyncset.done $0x0  }
0x115: {  	s5 =	rddreg [dreg:$0x6];
	[sflag:s10] =	ssyncadd.s32 $0xFFFFE000  }
0x116: {  	[hbm4b:s5+s11] =	stream.linear.scatter [tilespmem:s9], [sflag:$0x7], $0x2000, $0x38;
	[tilespmem:$0x1E140] =	vst v63  }
0x117: {  	_ =	swait.ge [sflag:s10], $0x2000  }
0x118: {  	[sflag:s10] =	ssyncset.done $0x0  }
0x119: {  	s6 =	rddreg [dreg:$0x13];
	[sflag:s10] =	ssyncadd.s32 $0xFFFFE000  }
0x11a: {  	[tilespmem:s9], [sflag:$0x7] =	stream.linear.gather [spmem:s6], $0x2000, $0x38;
	[tilespmem:$0x1E140] =	vst v63  }
0x11b: {  	_ =	swait.ge [sflag:s10], $0x2000  }
0x11c: {  	[sflag:s10] =	ssyncset.done $0x0  }
0x11d: {  	s7 =	rddreg [dreg:$0x7];
	[sflag:s10] =	ssyncadd.s32 $0xFFFFE000  }
0x11e: {  	[hbm4b:s7+s11] =	stream.linear.scatter [tilespmem:s9], [sflag:$0x7], $0x2000, $0x38;
	[tilespmem:$0x1E140] =	vst v63  }
0x11f: {  	_ =	swait.ge [sflag:s10], $0x2000  }
0x120: {  	[sflag:s10] =	ssyncset.done $0x0  }
0x121: {  	s8 =	rddreg [dreg:$0x14];
	[sflag:s10] =	ssyncadd.s32 $0xFFFFE000  }
0x122: {  	[tilespmem:s9], [sflag:$0x7] =	stream.linear.gather [spmem:s8], $0x2000, $0x38;
	[tilespmem:$0x1E140] =	vst v63  }
0x123: {  	_ =	swait.ge [sflag:s10], $0x2000  }
0x124: {  	[sflag:s10] =	ssyncset.done $0x0  }
0x125: {  	s12 =	rddreg [dreg:$0x8];
	[sflag:s10] =	ssyncadd.s32 $0xFFFFE000  }
0x126: {  	[hbm4b:s12+s11] =	stream.linear.scatter [tilespmem:s9], [sflag:$0x7], $0x2000, $0x38;
	[tilespmem:$0x1E140] =	vst v63  }
0x127: {  	_ =	swait.ge [sflag:s10], $0x2000  }
0x128: {  	[sflag:s10] =	ssyncset.done $0x0  }
0x129: {  	s31 =	rddreg [dreg:$0x15];
	[sflag:s10] =	ssyncadd.s32 $0xFFFFE000  }
0x12a: {  	[tilespmem:s9], [sflag:$0x7] =	stream.linear.gather [spmem:s31], $0x2000, $0x38;
	[tilespmem:$0x1E140] =	vst v63  }
0x12b: {  	_ =	swait.ge [sflag:s10], $0x2000  }
0x12c: {  	[sflag:s10] =	ssyncset.done $0x0  }
0x12d: {  	s3 =	rddreg [dreg:$0x9];
	[sflag:s10] =	ssyncadd.s32 $0xFFFFE000  }
0x12e: {  	[hbm4b:s3+s11] =	stream.linear.scatter [tilespmem:s9], [sflag:$0x7], $0x2000, $0x38;
	[tilespmem:$0x1E140] =	vst v63  }
0x12f: {  	_ =	swait.ge [sflag:s10], $0x2000  }
0x130: {  	[sflag:s10] =	ssyncset.done $0x0  }
0x131: {  	s4 =	rddreg [dreg:$0x16];
	[sflag:s10] =	ssyncadd.s32 $0xFFFFE000  }
0x132: {  	[tilespmem:s9], [sflag:$0x7] =	stream.linear.gather [spmem:s4], $0x2000, $0x38;
	[tilespmem:$0x1E140] =	vst v63  }
0x133: {  	_ =	swait.ge [sflag:s10], $0x2000  }
0x134: {  	[sflag:s10] =	ssyncset.done $0x0  }
0x135: {  	s5 =	rddreg [dreg:$0xa];
	[sflag:s10] =	ssyncadd.s32 $0xFFFFE000  }
0x136: {  	[hbm4b:s5+s11] =	stream.linear.scatter [tilespmem:s9], [sflag:$0x7], $0x2000, $0x38;
	[tilespmem:$0x1E140] =	vst v63  }
0x137: {  	_ =	swait.ge [sflag:s10], $0x2000  }
0x138: {  	[sflag:s10] =	ssyncset.done $0x0  }
0x139: {  	s6 =	rddreg [dreg:$0x17];
	[sflag:s10] =	ssyncadd.s32 $0xFFFFE000  }
0x13a: {  	[tilespmem:s9], [sflag:$0x7] =	stream.linear.gather [spmem:s6], $0x2000, $0x38;
	[tilespmem:$0x1E140] =	vst v63  }
0x13b: {  	_ =	swait.ge [sflag:s10], $0x2000  }
0x13c: {  	[sflag:s10] =	ssyncset.done $0x0  }
0x13d: {  	s7 =	rddreg [dreg:$0xb];
	[sflag:s10] =	ssyncadd.s32 $0xFFFFE000  }
0x13e: {  	[hbm4b:s7+s11] =	stream.linear.scatter [tilespmem:s9], [sflag:$0x7], $0x2000, $0x38;
	[tilespmem:$0x1E140] =	vst v63  }
0x13f: {  	_ =	swait.ge [sflag:s10], $0x2000  }
0x140: {  	[sflag:s10] =	ssyncset.done $0x0  }
0x141: {  	s8 =	rddreg [dreg:$0x18];
	[sflag:s10] =	ssyncadd.s32 $0xFFFFE000  }
0x142: {  	[tilespmem:s9], [sflag:$0x7] =	stream.linear.gather [spmem:s8], $0x2000, $0x38;
	[tilespmem:$0x1E140] =	vst v63  }
0x143: {  	_ =	swait.ge [sflag:s10], $0x2000  }
0x144: {  	[sflag:s10] =	ssyncset.done $0x0  }
0x145: {  	s12 =	rddreg [dreg:$0xc];
	[sflag:s10] =	ssyncadd.s32 $0xFFFFE000  }
0x146: {  	[hbm4b:s12+s11] =	stream.linear.scatter [tilespmem:s9], [sflag:$0x7], $0x2000, $0x38;
	[tilespmem:$0x1E140] =	vst v63  }
0x147: {  	_ =	swait.ge [sflag:s10], $0x2000  }
0x148: {  	s1 =	sadd.s32 $0x1, s1;
	s31 =	rddreg [dreg:$0xf]  }
0x149: {  	p0 =	sne.s32 s1, s31  }
.Ltmp1:
0x14a: {  	_ = 	snop;
	(pc) =	sbr.rel @p0 .LBB2_1-.Ltmp1, $3  }
0x14b: {  	_ =	sdelay $0x1  }
0x14c: {  	[sflag:s10] =	ssyncset.done $0x0  }
0x14d: {  	[sflag:s10] =	ssyncadd.s32 $0xFFFFE000  }
0x14e: {  	_ =	sfence.sel $0x180000  }
0x14f: {  	[bflag:$0x0] =	sbarrier.arrive $0xFFFF  }
0x150: {  	_ =	strace $0x9000004A  }
0x151: {  	s0 =	stileid.u32;
	[bflag:$0x2] =	sbarrier.arrive $0xFFFF  }
0x152: {  	p0 =	sne.s32 s0, $0x0;
	s0 =	rddreg [dreg:$0x2]  }
0x153: {  	s0 =	sadd.s32 @!p0 $0x100000, s0  }
0x154: {  	[sflag:s0] =	ssyncadd.tile.s32 @!p0 $0x1;
	_ =	shalt  }
.Lfunc_end2:
_tile_overlayer_lowered:
.L_overlay_start_2:
0x155: {  	(tag) =	ssettag $0x2  }
0x156: {  	s0 =	rddreg [dreg:$0x0];
	s2 =	stileid.u32  }
0x157: {  	s1 =	rddreg [dreg:$0x1];
	p0 =	sne.s32 s2, $0x0  }
0x158: {  	s3 =	rddreg [dreg:$0x2];
	[bflag:$0x3] =	sbarrier.arrive $0xFFFF;
	s2 =	simm.s32 @!p0 $0x1C07  }
0x159: {  	[timem:s3], [sflag:s2] =	dma.local @!p0 [hbm:s0], s1  }
0x15a: {  	s0 =	simm.s32 @!p0 $0x7  }
0x15b: {  	_ =	swait.ge @!p0 [sflag:s0], s1  }
0x15c: {  	s1 =	ssub.s32 @!p0 $0x0, s1;
	[sflag:s0] =	ssyncset.done @!p0 $0x0  }
0x15d: {  	[sflag:s0] =	ssyncadd.s32 @!p0 s1  }
0x15e: {  	[bflag:$0x3] =	sbarrier.arrive $0xFFFF  }
0x15f: {  	_ =	shalt  }

// kernel: kernel.20.cloned.1.call-start
scs
__scs_entry_jumppad:
0x0: {  	(pc) =	sbr.rel $0x88, $3  }
0x1: {  	(tag) =	ssettag $0x0;
	lr =	simm.s32 $0x1  }
0x2: {  	[smem:$0x3F97] =	sst lr;
	_ =	strace $0xD0000000  }
0x3: {  	_ = 	snop  }
0x4: {  	_ = 	snop  }
0x5: {  	_ = 	snop  }
0x6: {  	_ = 	snop  }
0x7: {  	_ = 	snop  }
__scs_overlays_trampoline_lowered:
0x8: {  	[smem:$0x3FA6] =	sst s0  }
0x9: {  	[smem:$0x3FA7] =	sst s1  }
0xa: {  	[smem:$0x3FA8] =	sst s2  }
0xb: {  	[smem:$0x3FA9] =	sst s3  }
0xc: {  	[smem:$0x3FAA] =	sst s4  }
0xd: {  	[smem:$0x3FAB] =	sst s5  }
0xe: {  	[smem:$0x3FAC] =	sst s6  }
0xf: {  	[smem:$0x3FAD] =	sst s7  }
0x10: {  	[smem:$0x3FAE] =	sst s8  }
0x11: {  	[smem:$0x3FAF] =	sst s9;
	s0 =	simm.s32 @!p0 $0x0  }
0x12: {  	s1 =	sld [smem:$0x3F95];
	s0 =	simm.s32 @p0 $0x1  }
0x13: {  	[smem:$0x3FB0] =	sst s0;
	s0 =	simm.s32 @!p1 $0x0  }
0x14: {  	s2 =	sld [smem:$0x3F94];
	s0 =	simm.s32 @p1 $0x1  }
0x15: {  	[smem:$0x3FB1] =	sst s0;
	s0 =	simm.s32 @!p2 $0x0  }
0x16: {  	s3 =	sld [smem:$0x3FDB];
	s0 =	simm.s32 @p2 $0x1  }
0x17: {  	s4 =	simm.s32 $0x1BF5;
	[smem:$0x3FB3] =	sst s0  }
0x18: {  	s0 =	sld [smem:$0x3F96];
	_ =	swait.ge [sflag:s4], $0x0  }
0x19: {  	s7 =	sld [smem:$0x3F97]  }
0x1a: {  	s8 =	sadd.s32 $0xFFFFE003, lr  }
0x1b: {  	s9 =	sadd.s32 $0xFFFFFEF7, lr;
	s5 =	simm.s32 $0xFFFFFFFF;
	p2 =	slt.u32 s8, $0xFFFFF086  }
0x1c: {  	p1 =	slt.u32 s9, $0xF7A;
	s5 =	simm.s32 @!p2 $0x0  }
0x1d: {  	s5 =	simm.s32 @p1 $0x1;
	p0 =	seq.s32 s7, s2  }
0x1e: {  	s7 =	smul.u32 @!p0 $0xF7A, s2;
	p2 =	seq.s32 @!p0 s5, $0x0  }
0x1f: {  	s9 =	smul.u32 $0xF7A, s1;
	s8 =	simm.s32 @!p0 $0x1BF5;
	p2 =	por !p2, p0  }
0x20: {  	[sflag:s8] =	ssyncset.s32 @!p0 $0xFFFFF086;
	s6 =	sadd.s32 @!p0 s3, s7;
	s7 =	simm.s32 @!p0 $0x108  }
0x21: {  	s3 =	sadd.s32 s3, s9;
	s6 =	sadd.s32 @!p0 $0x88, s6;
	s7 =	simm.s32 @p2 $0x1082  }
0x22: {  	[simem:s7], [sflag:s8] =	dma.local @!p0 [hbm:s6], $0xF7A  }
0x23: {  	s9 =	sor.u32 $0xD0000000, s2;
	s6 =	simm.s32 $0x108;
	_ =	swait.ge @!p0 [sflag:s8], $0x0  }
0x24: {  	s3 =	sadd.s32 $0x88, s3;
	s6 =	simm.s32 @!p1 $0x1082;
	[sflag:s4] =	ssyncset.s32 $0xFFFFF086  }
0x25: {  	[simem:s6], [sflag:s4] =	dma.local [hbm:s3], $0xF7A  }
0x26: {  	[smem:$0x3F97] =	sst s1;
	(tag) =	ssettag s2;
	_ =	strace s9  }
0x27: {  	s1 =	sld [smem:$0x3FA7]  }
0x28: {  	s2 =	sld [smem:$0x3FA8]  }
0x29: {  	s4 =	sld [smem:$0x3FAA]  }
0x2a: {  	p0 =	seq.s32 s5, $0x0;
	s5 =	sld [smem:$0x3FAB]  }
0x2b: {  	s6 =	sld [smem:$0x3FAC]  }
0x2c: {  	s7 =	sld [smem:$0x3FAD]  }
0x2d: {  	s3 =	simm.s32 $0x108;
	s8 =	sld [smem:$0x3FAE]  }
0x2e: {  	s3 =	simm.s32 @!p0 $0x1082;
	s9 =	sld [smem:$0x3FAF]  }
0x2f: {  	lr =	sadd.s32 s0, s3;
	s0 =	sld [smem:$0x3FA6]  }
0x30: {  	s3 =	sld [smem:$0x3FA9]  }
0x31: {  	[smem:$0x3FB2] =	sst s10  }
0x32: {  	s10 =	sld [smem:$0x3FB0];
	_ =	sdelay $0x3  }
0x33: {  	p0 =	seq.s32 s10, $0x1;
	s10 =	sld [smem:$0x3FB2];
	_ =	sdelay $0x3  }
0x34: {  	[smem:$0x3FB2] =	sst s10  }
0x35: {  	s10 =	sld [smem:$0x3FB1];
	_ =	sdelay $0x3  }
0x36: {  	p1 =	seq.s32 s10, $0x1;
	s10 =	sld [smem:$0x3FB2];
	_ =	sdelay $0x3  }
0x37: {  	[smem:$0x3FB2] =	sst s10  }
0x38: {  	s10 =	sld [smem:$0x3FB3]  }
0x39: {  	_ = 	snop;
	(pc) =	sbr.ind lr, $3  }
0x3a: {  	_ = 	snop  }
0x3b: {  	_ = 	snop  }
0x3c: {  	p2 =	seq.s32 s10, $0x1;
	s10 =	sld [smem:$0x3FB2]  }
0x3d: {  	_ =	shalt  }
0x3e: {  	_ =	shalt  }
0x3f: {  	_ =	shalt  }
0x40: {  	_ =	shalt  }
0x41: {  	_ =	shalt  }
0x42: {  	_ =	shalt  }
0x43: {  	_ =	shalt  }
0x44: {  	_ =	shalt  }
0x45: {  	_ =	shalt  }
0x46: {  	_ =	shalt  }
0x47: {  	_ =	shalt  }
0x48: {  	_ =	shalt  }
0x49: {  	_ =	shalt  }
0x4a: {  	_ =	shalt  }
0x4b: {  	_ =	shalt  }
0x4c: {  	_ =	shalt  }
0x4d: {  	_ =	shalt  }
0x4e: {  	_ =	shalt  }
0x4f: {  	_ =	shalt  }
0x50: {  	_ =	shalt  }
0x51: {  	_ =	shalt  }
0x52: {  	_ =	shalt  }
0x53: {  	_ =	shalt  }
0x54: {  	_ =	shalt  }
0x55: {  	_ =	shalt  }
0x56: {  	_ =	shalt  }
0x57: {  	_ =	shalt  }
0x58: {  	_ =	shalt  }
0x59: {  	_ =	shalt  }
0x5a: {  	_ =	shalt  }
0x5b: {  	_ =	shalt  }
0x5c: {  	_ =	shalt  }
0x5d: {  	_ =	shalt  }
0x5e: {  	_ =	shalt  }
0x5f: {  	_ =	shalt  }
0x60: {  	_ =	shalt  }
0x61: {  	_ =	shalt  }
0x62: {  	_ =	shalt  }
0x63: {  	_ =	shalt  }
0x64: {  	_ =	shalt  }
0x65: {  	_ =	shalt  }
0x66: {  	_ =	shalt  }
0x67: {  	_ =	shalt  }
0x68: {  	_ =	shalt  }
0x69: {  	_ =	shalt  }
0x6a: {  	_ =	shalt  }
0x6b: {  	_ =	shalt  }
0x6c: {  	_ =	shalt  }
0x6d: {  	_ =	shalt  }
0x6e: {  	_ =	shalt  }
0x6f: {  	_ =	shalt  }
0x70: {  	_ =	shalt  }
0x71: {  	_ =	shalt  }
0x72: {  	_ =	shalt  }
0x73: {  	_ =	shalt  }
0x74: {  	_ =	shalt  }
0x75: {  	_ =	shalt  }
0x76: {  	_ =	shalt  }
0x77: {  	_ =	shalt  }
0x78: {  	_ =	shalt  }
0x79: {  	_ =	shalt  }
0x7a: {  	_ =	shalt  }
0x7b: {  	_ =	shalt  }
0x7c: {  	_ =	shalt  }
0x7d: {  	_ =	shalt  }
0x7e: {  	_ =	shalt  }
0x7f: {  	_ =	shalt  }
0x80: {  	_ =	shalt  }
0x81: {  	_ =	shalt  }
0x82: {  	_ =	shalt  }
0x83: {  	_ =	shalt  }
0x84: {  	_ =	shalt  }
0x85: {  	_ =	shalt  }
0x86: {  	_ =	shalt  }
0x87: {  	_ =	shalt  }
.Lfunc_end0:
.L_simem_size_0:
called_computation.2_lowered:
.L_overlay_start_0:
0x88: {  	s2 =	sld [smem:$0x3FD9]  }
0x89: {  	s3 =	sld [smem:$0x3FFE];
	_ =	sdelay $0x1  }
0x8a: {  	s1 =	srdreg.scid  }
0x8b: {  	s0 =	sand.u32 $0x1, s1  }
0x8c: {  	s16 =	sshll.u32 s0, $0xA;
	s2 =	sadd.s32 s3, s2  }
0x8d: {  	s2 =	sadd.s32 s2, s16  }
0x8e: {  	[smem:$0x3FBE] =	sst s2  }
0x8f: {  	_ = 	snop  }
0x90: {  	(tm) =	ssettm $0x1  }
0x91: {  	s17 =	sld [smem:$0x3FFB];
	_ =	sdelay $0x3  }
0x92: {  	_ =	strace s17  }
0x93: {  	s2 =	sld [smem:$0x3FFC];
	_ =	sdelay $0x3  }
0x94: {  	_ =	strace s2  }
0x95: {  	s2 =	sld [smem:$0x3FFD];
	_ =	sdelay $0x3  }
0x96: {  	_ =	strace s2  }
0x97: {  	_ =	strace $0x8FFFFFFF  }
0x98: {  	s18 =	sld [smem:$0x3FDB];
	_ =	sdelay $0x1  }
0x99: {  	s19 =	simm.s32 $_scs_section_size  }
0x9a: {  	s4 =	simm.s32 $_size__tile_overlayer_lowered;
	s5 =	simm.s32 $_tile_overlayer_lowered  }
0x9b: {  	s22 =	simm.s32 $0x1BFF;
	s21 =	sshll.u32 s5, $0x1;
	s2 =	sadd.s32 s19, s18  }
0x9c: {  	s6 =	simm.s32 $0x0;
	s20 =	sshll.u32 s4, $0x1;
	s4 =	sadd.s32 s21, s2  }
0x9d: {  	[timem:s6], [sflag:s22] =	dma.local [hbm:s4], s20  }
0x9e: {  	_ =	swait.ge [sflag:s22], s20  }
0x9f: {  	s3 =	ssub.s32 $0x0, s20;
	[sflag:s22] =	ssyncset.done $0x0  }
0xa0: {  	[sflag:s22] =	ssyncadd.s32 s3;
	_ =	sdelay $0x1  }
0xa1: {  	s23 =	simm.s32 $0x1B8B  }
0xa2: {  	_ =	swait.ge [sflag:s23], $0x1  }
0xa3: {  	[sflag:s23] =	ssyncset.done $0x0  }
0xa4: {  	s25 =	simm.s32 $0x1B8E;
	s24 =	sld [smem:$0x3FFE];
	[sflag:s23] =	ssyncadd.s32 $0xFFFFFFFF  }
0xa5: {  	s26 =	simm.s32 $execute0_lowered;
	[smem:$0x3FD2] =	sst s25  }
0xa6: {  	s4 =	sshll.u32 s26, $0x1;
	_ =	strace $0x8000004C;
	[dreg:$0x1] =	wrdreg $0xFFFFFFFF  }
0xa7: {  	s28 =	simm.s32 $_size_execute0_lowered;
	s2 =	sadd.s32 s2, s4;
	[dreg:$0x0] =	wrdreg $0x0  }
0xa8: {  	s4 =	sshll.u32 s28, $0x1;
	[dreg:$0x2] =	wrdreg s2  }
0xa9: {  	[dreg:$0x3] =	wrdreg s4  }
0xaa: {  	[dreg:$0x4] =	wrdreg $0xC0  }
0xab: {  	_ =	task [dreg:s6], $0x5FFFF  }
0xac: {  	[dreg:$0x1] =	wrdreg $0xFFFFFFFF  }
0xad: {  	[dreg:$0x0] =	wrdreg $0x60  }
0xae: {  	[dreg:$0x2] =	wrdreg s24  }
0xaf: {  	[dreg:$0x3] =	wrdreg $0x0  }
0xb0: {  	[dreg:$0x4] =	wrdreg $0x9  }
0xb1: {  	_ =	task.clear_ibuf [dreg:s6], $0x5FFFF;
	_ =	strace $0x9000004C  }
0xb2: {  	s29 =	simm.s32 $0x9;
	_ =	strace $0x8000004E  }
0xb3: {  	_ =	swait.ge [sflag:s29], $0x1  }
0xb4: {  	[sflag:s29] =	ssyncadd.s32 $0xFFFFFFFF  }
0xb5: {  	_ =	strace $0x9000004E  }
0xb6: {  	_ =	sfence  }
0xb7: {  	s30 =	sld [smem:$0x0];
	_ =	sdelay $0x2  }
0xb8: {  	s31 =	sshll.u32 s1, $0xD;
	s1 =	sshrl.u32 s1, $0x2  }
0xb9: {  	s3 =	sand.u32 $0x4000, s31;
	s1 =	sadd.s32 s1, s30  }
0xba: {  	s0 =	sor.u32 s3, s0;
	s1 =	sshll.u32 s1, $0x11  }
0xbb: {  	s0 =	sor.u32 s1, s0  }
0xbc: {  	s0 =	sadd.s32 $0x8F2B, s0  }
0xbd: {  	[sflag:s0] =	ssyncadd.remote.s32 $0x1  }
0xbe: {  	_ =	sfence.sel $0xFFFF  }
0xbf: {  	[dreg:$0x0] =	wrdreg $0xFFFFFFFF;
	(pc) =	sbr.abs _section_cstart, $3  }
0xc0: {  	[dreg:$0x1] =	wrdreg $0xFFFFFFFF  }
0xc1: {  	_ =	task.clear_ibuf [dreg:s6], $0x2FFFF;
	_ =	strace $0x9FFFFFFF  }
0xc2: {  	(tm) =	ssettm $0x7FFFFFFF  }
0xc3: {  	_ =	shalt  }
tec
execute0_lowered:
.L_overlay_start_1:
0x0: {  	(tag) =	ssettag $0x1  }
0x1: {  	s16 =	stileid.u32  }
0x2: {  	s0 =	srdreg.scid;
	s2 =	smul.u32 $0x12C0, s16  }
0x3: {  	s1 =	sand.u32 $0x1, s0;
	s4 =	smul.u32 $0x280, s16  }
0x4: {  	s28 =	simm.s32 $0x6;
	s0 =	rddreg [dreg:$0x0];
	s3 =	smul.u32 $0x12C00, s1  }
0x5: {  	s5 =	smul.u32 $0x2800, s1;
	s18 =	sadd.s32 $0xB2A00, s0;
	s6 =	ssub.s32 $0x2, s1  }
0x6: {  	s7 =	sshll.u32 s1, $0x4;
	s1 =	smul.u32 $0x4B00, s1;
	s9 =	sshrl.u32 s6, $0x1  }
0x7: {  	s7 =	sor.u32 s16, s7;
	s10 =	sadd.s32 $0xC0, s4;
	s17 =	sadd.s32 $0x180, s4  }
0x8: {  	s19 =	sadd.s32 $0x1C0, s4;
	s2 =	sadd.s32 s2, s3;
	s8 =	sadd.s32 s5, s4  }
0x9: {  	s6 =	ssub.s32 s6, s9;
	s7 =	smul.u32 $0x4B0, s7;
	s9 =	sadd.s32 $0x80, s4  }
0xa: {  	s13 =	sadd.s32 s5, s10;
	s15 =	sadd.s32 s5, s17;
	s25 =	sadd.s32 s5, s19  }
0xb: {  	s8 =	sshll.u32 s8, $0x4;
	s12 =	sadd.s32 s5, s9;
	s13 =	sshll.u32 s13, $0x4  }
0xc: {  	s15 =	sshll.u32 s15, $0x4;
	s8 =	sadd.s32 s18, s8;
	s12 =	sshll.u32 s12, $0x4  }
0xd: {  	s21 =	sadd.s32 s18, s13;
	s13 =	sadd.s32 $0x140, s4;
	s24 =	sadd.s32 s18, s15  }
0xe: {  	[dreg:$0x3] =	wrdreg s8;
	s8 =	sor.u32 $0x40, s4;
	s20 =	sadd.s32 s18, s12  }
0xf: {  	[dreg:$0x6] =	wrdreg s21;
	s12 =	sadd.s32 $0x100, s4;
	s14 =	sadd.s32 s5, s13  }
0x10: {  	[dreg:$0x9] =	wrdreg s24;
	s21 =	smul.u32 $0x50000, s16;
	s11 =	sadd.s32 s5, s8  }
0x11: {  	[dreg:$0x5] =	wrdreg s20;
	s22 =	sadd.s32 s5, s12;
	s14 =	sshll.u32 s14, $0x4  }
0x12: {  	s20 =	sadd.s32 $0x200, s4;
	s4 =	sadd.s32 $0x240, s4;
	s11 =	sshll.u32 s11, $0x4  }
0x13: {  	s23 =	sadd.s32 s18, s14;
	s26 =	sadd.s32 s5, s20;
	s5 =	sadd.s32 s5, s4  }
0x14: {  	s11 =	sadd.s32 s18, s11;
	[dreg:$0x8] =	wrdreg s23;
	s14 =	sshll.u32 s26, $0x4  }
0x15: {  	s5 =	sshll.u32 s5, $0x4;
	[dreg:$0x4] =	wrdreg s11;
	s31 =	sadd.s32 s18, s14  }
0x16: {  	s11 =	sshll.u32 s22, $0x4;
	s3 =	sadd.s32 s18, s5;
	[dreg:$0xb] =	wrdreg s31  }
0x17: {  	s14 =	sadd.s32 $0xA9400, s0;
	s11 =	sadd.s32 s18, s11;
	[dreg:$0xc] =	wrdreg s3  }
0x18: {  	s15 =	sadd.s32 s14, s7;
	s1 =	sadd.s32 s1, s14;
	s14 =	rddreg [dreg:$0x1]  }
0x19: {  	s24 =	smax.u32 s6, $0x1;
	[dreg:$0x7] =	wrdreg s11;
	s11 =	sshll.u32 s25, $0x4  }
0x1a: {  	s26 =	sshll.u32 s9, $0x7;
	[dreg:$0xd] =	wrdreg s15;
	s11 =	sadd.s32 s18, s11  }
0x1b: {  	s18 =	smul.u32 $0x4B0, s16;
	[dreg:$0xa] =	wrdreg s11;
	s11 =	simm.s32 $0x0  }
0x1c: {  	s22 =	sshll.u32 s2, $0x4;
	s16 =	sadd.s32 $0x4E00, s0;
	[smem:$0x7FF] =	sst s11  }
0x1d: {  	s15 =	sadd.s32 s18, s1;
	s1 =	sadd.s32 s22, s0;
	s0 =	sadd.s32 $0x11B000, s0  }
0x1e: {  	s9 =	sshll.u32 s20, $0x7;
	_ =	strace $0x8000004D;
	[dreg:$0xe] =	wrdreg s0  }
0x1f: {  	s5 =	sshll.u32 s13, $0x7;
	s31 =	sadd.s32 s26, s14;
	[dreg:$0xf] =	wrdreg s24  }
0x20: {  	s2 =	sshll.u32 s10, $0x7;
	s6 =	sadd.s32 s5, s14;
	[dreg:$0x11] =	wrdreg s31  }
0x21: {  	s25 =	sshll.u32 s8, $0x7;
	s10 =	sadd.s32 s9, s14;
	[dreg:$0x14] =	wrdreg s6  }
0x22: {  	s23 =	sshrl.u32 s21, $0x2;
	s0 =	sadd.s32 s25, s14;
	[dreg:$0x17] =	wrdreg s10  }
0x23: {  	s7 =	sshll.u32 s17, $0x7;
	s13 =	sadd.s32 $0x31A800, s1;
	[dreg:$0x10] =	wrdreg s0  }
0x24: {  	s18 =	sadd.s32 s23, s14;
	s17 =	sadd.s32 $0x31AD00, s1;
	[dreg:$0x19] =	wrdreg s13  }
0x25: {  	s8 =	sshll.u32 s19, $0x7;
	s19 =	sadd.s32 $0x2000, s18;
	[dreg:$0x1a] =	wrdreg s17  }
0x26: {  	s29 =	simm.s32 $0x3;
	s20 =	sadd.s32 $0x4000, s18;
	[dreg:$0x1b] =	wrdreg s19  }
0x27: {  	s30 =	simm.s32 $0x4;
	s21 =	sadd.s32 $0x6000, s18;
	[dreg:$0x1c] =	wrdreg s20  }
0x28: {  	s3 =	sshll.u32 s12, $0x7;
	s22 =	sadd.s32 $0x8000, s18;
	[dreg:$0x1d] =	wrdreg s21  }
0x29: {  	s12 =	sshll.u32 s4, $0x7;
	s23 =	sadd.s32 $0xA000, s18;
	[dreg:$0x1e] =	wrdreg s22  }
0x2a: {  	s9 =	simm.s32 $0x14140;
	s24 =	sadd.s32 $0xC000, s18;
	[dreg:$0x1f] =	wrdreg s23  }
0x2b: {  	s25 =	sadd.s32 $0xE000, s18;
	s26 =	sadd.s32 $0x10000, s18;
	[smem:$0x7FA] =	sst s24  }
0x2c: {  	s31 =	sadd.s32 $0x12000, s18;
	s10 =	simm.s32 $0x7;
	[smem:$0x7FB] =	sst s25  }
0x2d: {  	s0 =	sadd.s32 s2, s14;
	s13 =	sadd.s32 $0x31B200, s1;
	[smem:$0x7FC] =	sst s26  }
0x2e: {  	[smem:$0x7FD] =	sst s31;
	s17 =	simm.s32 $0x50;
	s19 =	simm.s32 $0x16940  }
0x2f: {  	s20 =	simm.s32 $0x140A0;
	s21 =	simm.s32 $0x19140;
	s22 =	simm.s32 $0x1B940  }
0x30: {  	s23 =	simm.s32 $0x1;
	[dreg:$0x12] =	wrdreg s0;
	s0 =	sadd.s32 s3, s14  }
0x31: {  	s24 =	simm.s32 $0x2;
	[dreg:$0x13] =	wrdreg s0;
	s0 =	sadd.s32 s7, s14  }
0x32: {  	s25 =	simm.s32 $0x14050;
	[dreg:$0x15] =	wrdreg s0;
	s0 =	sadd.s32 s8, s14  }
0x33: {  	s26 =	simm.s32 $0x5;
	[dreg:$0x16] =	wrdreg s0;
	s0 =	sadd.s32 s12, s14  }
0x34: {  	s1 =	simm.s32 $0x0;
	[dreg:$0x18] =	wrdreg s0;
	s0 =	simm.s32 $0x140F0  }
.LBB2_1:
0x35: {  	s2 =	rddreg [dreg:$0xe]  }
0x36: {  	[tilespmem:s9], [sflag:$0x7] =	stream.linear.gather [hbm4b:s2+s11], $0x2000, $0x38;
	[tilespmem:$0x1E140] =	vst v63  }
0x37: {  	_ =	swait.ge [sflag:s10], $0x2000  }
0x38: {  	[sflag:s10] =	ssyncset.done $0x0  }
0x39: {  	[sflag:s10] =	ssyncadd.s32 $0xFFFFE000  }
0x3a: {  	[spmem:s18] =	stream.linear.scatter [tilespmem:s9], [sflag:$0x7], $0x2000, $0x38;
	[tilespmem:$0x1E140] =	vst v63  }
0x3b: {  	_ =	swait.ge [sflag:s10], $0x2000  }
0x3c: {  	[sflag:s10] =	ssyncset.done $0x0  }
0x3d: {  	s7 =	rddreg [dreg:$0x1b];
	[sflag:s10] =	ssyncadd.s32 $0xFFFFE000  }
0x3e: {  	[spmem:s7] =	stream.linear.scatter [tilespmem:s9], [sflag:$0x7], $0x2000, $0x38;
	[tilespmem:$0x1E140] =	vst v63  }
0x3f: {  	_ =	swait.ge [sflag:s10], $0x2000  }
0x40: {  	[sflag:s10] =	ssyncset.done $0x0  }
0x41: {  	s8 =	rddreg [dreg:$0x1c];
	[sflag:s10] =	ssyncadd.s32 $0xFFFFE000  }
0x42: {  	[spmem:s8] =	stream.linear.scatter [tilespmem:s9], [sflag:$0x7], $0x2000, $0x38;
	[tilespmem:$0x1E140] =	vst v63  }
0x43: {  	_ =	swait.ge [sflag:s10], $0x2000  }
0x44: {  	[sflag:s10] =	ssyncset.done $0x0  }
0x45: {  	s12 =	rddreg [dreg:$0x1d];
	[sflag:s10] =	ssyncadd.s32 $0xFFFFE000  }
0x46: {  	[spmem:s12] =	stream.linear.scatter [tilespmem:s9], [sflag:$0x7], $0x2000, $0x38;
	[tilespmem:$0x1E140] =	vst v63  }
0x47: {  	_ =	swait.ge [sflag:s10], $0x2000  }
0x48: {  	[sflag:s10] =	ssyncset.done $0x0  }
0x49: {  	s31 =	rddreg [dreg:$0x1e];
	[sflag:s10] =	ssyncadd.s32 $0xFFFFE000  }
0x4a: {  	[spmem:s31] =	stream.linear.scatter [tilespmem:s9], [sflag:$0x7], $0x2000, $0x38;
	[tilespmem:$0x1E140] =	vst v63  }
0x4b: {  	_ =	swait.ge [sflag:s10], $0x2000  }
0x4c: {  	[sflag:s10] =	ssyncset.done $0x0  }
0x4d: {  	s3 =	rddreg [dreg:$0x1f];
	[sflag:s10] =	ssyncadd.s32 $0xFFFFE000  }
0x4e: {  	[spmem:s3] =	stream.linear.scatter [tilespmem:s9], [sflag:$0x7], $0x2000, $0x38;
	[tilespmem:$0x1E140] =	vst v63  }
0x4f: {  	_ =	swait.ge [sflag:s10], $0x2000  }
0x50: {  	s4 =	sld [smem:$0x7FA]  }
0x51: {  	[sflag:s10] =	ssyncset.done $0x0  }
0x52: {  	[sflag:s10] =	ssyncadd.s32 $0xFFFFE000  }
0x53: {  	[spmem:s4] =	stream.linear.scatter [tilespmem:s9], [sflag:$0x7], $0x2000, $0x38;
	[tilespmem:$0x1E140] =	vst v63  }
0x54: {  	_ =	swait.ge [sflag:s10], $0x2000  }
0x55: {  	s5 =	sld [smem:$0x7FB]  }
0x56: {  	[sflag:s10] =	ssyncset.done $0x0  }
0x57: {  	[sflag:s10] =	ssyncadd.s32 $0xFFFFE000  }
0x58: {  	[spmem:s5] =	stream.linear.scatter [tilespmem:s9], [sflag:$0x7], $0x2000, $0x38;
	[tilespmem:$0x1E140] =	vst v63  }
0x59: {  	_ =	swait.ge [sflag:s10], $0x2000  }
0x5a: {  	s6 =	sld [smem:$0x7FC]  }
0x5b: {  	[sflag:s10] =	ssyncset.done $0x0  }
0x5c: {  	[sflag:s10] =	ssyncadd.s32 $0xFFFFE000  }
0x5d: {  	[spmem:s6] =	stream.linear.scatter [tilespmem:s9], [sflag:$0x7], $0x2000, $0x38;
	[tilespmem:$0x1E140] =	vst v63  }
0x5e: {  	_ =	swait.ge [sflag:s10], $0x2000  }
0x5f: {  	s7 =	sld [smem:$0x7FD]  }
0x60: {  	[sflag:s10] =	ssyncset.done $0x0  }
0x61: {  	[sflag:s10] =	ssyncadd.s32 $0xFFFFE000  }
0x62: {  	[spmem:s7] =	stream.linear.scatter [tilespmem:s9], [sflag:$0x7], $0x2000, $0x38;
	[tilespmem:$0x1E140] =	vst v63  }
0x63: {  	_ =	swait.ge [sflag:s10], $0x2000  }
0x64: {  	[sflag:s10] =	ssyncset.done $0x0  }
0x65: {  	[sflag:s10] =	ssyncadd.s32 $0xFFFFE000  }
0x66: {  	[bflag:$0x0] =	sbarrier.arrive $0xFFFF  }
0x67: {  	s3 =	simm.s32 $0x14000;
	s8 =	rddreg [dreg:$0xd]  }
0x68: {  	[tilespmem:s3], [sflag:$0x7] =	stream.linear.gather [hbm4b:s8+s11], $0xA0, $0x38;
	[tilespmem:$0x1E140] =	vst v63  }
0x69: {  	_ =	swait.ge [sflag:s10], $0xA0  }
0x6a: {  	[sflag:s10] =	ssyncset.done $0x0  }
0x6b: {  	[sflag:s10] =	ssyncadd.s32 $0xFFFFFF60  }
0x6c: {  	[tilespmem:s9], [sflag:$0x1] =	stream.indirect.gather [hbm4b:s16+s17], $0x80, s3, s17, $0xb8;
	[tilespmem:$0x1E140] =	vst v63  }
0x6d: {  	s31 =	sadd.s32 $0x0, s15;
	s12 =	rddreg [dreg:$0x19]  }
0x6e: {  	[tilespmem:s19], [sflag:$0x2] =	stream.linear.gather [hbm4b:s12+s11], $0x2800, $0x38;
	[tilespmem:$0x1E140] =	vst v63  }
0x6f: {  	s2 =	sadd.s32 $0x14, s31  }
0x70: {  	[tilespmem:s20], [sflag:$0x7] =	stream.linear.gather [hbm4b:s2+s11], $0xA0, $0x38;
	[tilespmem:$0x1E140] =	vst v63  }
0x71: {  	_ =	swait.ge [sflag:s10], $0xA0  }
0x72: {  	[sflag:s10] =	ssyncset.done $0x0  }
0x73: {  	[sflag:s10] =	ssyncadd.s32 $0xFFFFFF60  }
0x74: {  	[tilespmem:s21], [sflag:$0x3] =	stream.indirect.gather [hbm4b:s16+s17], $0x80, s20, s17, $0xb8;
	[tilespmem:$0x1E140] =	vst v63  }
0x75: {  	s6 =	rddreg [dreg:$0x1a]  }
0x76: {  	[tilespmem:s22], [sflag:$0x4] =	stream.linear.gather [hbm4b:s6+s11], $0x2800, $0x38;
	[tilespmem:$0x1E140] =	vst v63  }
0x77: {  	_ =	swait.ge [sflag:s23], $0x2800  }
0x78: {  	[sflag:s23] =	ssyncset.done $0x0  }
0x79: {  	[sflag:s23] =	ssyncadd.s32 $0xFFFFD800  }
0x7a: {  	_ =	swait.ge [sflag:s24], $0x2800  }
0x7b: {  	[sflag:s24] =	ssyncset.done $0x0  }
0x7c: {  	[sflag:s24] =	ssyncadd.s32 $0xFFFFD800  }
0x7d: {  	[spmem:s14] =	stream.indirect.scatter.add.f32 [tilespmem:s9], [sflag:$0x5], $0x80, s25, s17, $0xb8;
	[tilespmem:$0x1E140] =	vst v63  }
0x7e: {  	_ = 	snop  }
0x7f: {  	[spmem:s14] =	stream.indirect.scatter.add.f32 [tilespmem:s19], [sflag:$0x6], $0x80, s25, s17, $0xb8;
	[tilespmem:$0x1E140] =	vst v63  }
0x80: {  	_ =	swait.ge [sflag:s26], $0x2800  }
0x81: {  	[sflag:s26] =	ssyncset.done $0x0  }
0x82: {  	[sflag:s26] =	ssyncadd.s32 $0xFFFFD800  }
0x83: {  	p0 =	por $0x0, $0x0;
	_ =	swait.ge [sflag:s28], $0x2800  }
0x84: {  	s4 =	simm.s32 @!p0 $0x14000;
	s2 =	sadd.s32 @!p0 $0x0, s15;
	[sflag:s28] =	ssyncset.done $0x0  }
0x85: {  	s3 =	simm.s32 @!p0 $0x0;
	s2 =	sadd.s32 @!p0 $0x28, s2;
	[sflag:s28] =	ssyncadd.s32 $0xFFFFD800  }
0x86: {  	[tilespmem:s4], [sflag:$0x7] =	stream.linear.gather @!p0 [hbm4b:s2+s3], $0xA0, $0x38;
	[tilespmem:$0x1E140] =	vst v63  }
0x87: {  	s2 =	simm.s32 @!p0 $0x7  }
0x88: {  	_ =	swait.ge @!p0 [sflag:s2], $0xA0  }
0x89: {  	[sflag:s2] =	ssyncset.done @!p0 $0x0  }
0x8a: {  	s5 =	simm.s32 @!p0 $0x50;
	[sflag:s2] =	ssyncadd.s32 @!p0 $0xFFFFFF60;
	s2 =	simm.s32 @!p0 $0x14140  }
0x8b: {  	[tilespmem:s2], [sflag:$0x1] =	stream.indirect.gather @!p0 [hbm4b:s16+s5], $0x80, s4, s5, $0xb8;
	[tilespmem:$0x1E140] =	vst v63  }
0x8c: {  	s2 =	simm.s32 @!p0 $0x16940  }
0x8d: {  	[tilespmem:s2], [sflag:$0x2] =	stream.linear.gather @!p0 [hbm4b:s13+s3], $0x2800, $0x38;
	[tilespmem:$0x1E140] =	vst v63  }
0x8e: {  	_ =	swait.ge [sflag:s29], $0x2800  }
0x8f: {  	[sflag:s29] =	ssyncset.done $0x0  }
0x90: {  	[sflag:s29] =	ssyncadd.s32 $0xFFFFD800  }
0x91: {  	_ =	swait.ge [sflag:s30], $0x2800  }
0x92: {  	[sflag:s30] =	ssyncset.done $0x0  }
0x93: {  	[sflag:s30] =	ssyncadd.s32 $0xFFFFD800  }
0x94: {  	[spmem:s14] =	stream.indirect.scatter.add.f32 [tilespmem:s21], [sflag:$0x5], $0x80, s0, s17, $0xb8;
	[tilespmem:$0x1E140] =	vst v63  }
0x95: {  	_ = 	snop  }
0x96: {  	[spmem:s14] =	stream.indirect.scatter.add.f32 [tilespmem:s22], [sflag:$0x6], $0x80, s0, s17, $0xb8;
	[tilespmem:$0x1E140] =	vst v63  }
0x97: {  	_ =	swait.ge [sflag:s26], $0x2800  }
0x98: {  	[sflag:s26] =	ssyncset.done $0x0  }
0x99: {  	s5 =	simm.s32 $0x50;
	s4 =	sadd.s32 $0xA00, s6;
	[sflag:s26] =	ssyncadd.s32 $0xFFFFD800  }
0x9a: {  	s3 =	simm.s32 $0x28;
	s2 =	sadd.s32 $0xA00, s13;
	_ =	swait.ge [sflag:s28], $0x2800  }
.LBB2_2:
0x9b: {  	s12 =	sadd.s32 s3, s15  }
0x9c: {  	[sflag:s28] =	ssyncset.done $0x0;
	s6 =	smov.u32 s5;
	s5 =	sadd.s32 $0x28, s5  }
0x9d: {  	p0 =	sne.s32 s5, $0x4B0;
	s12 =	sadd.s32 $0x14, s12;
	[sflag:s28] =	ssyncadd.s32 $0xFFFFD800  }
0x9e: {  	[tilespmem:s20], [sflag:$0x7] =	stream.linear.gather [hbm4b:s12+s11], $0xA0, $0x38;
	[tilespmem:$0x1E140] =	vst v63  }
0x9f: {  	_ =	swait.ge [sflag:s10], $0xA0  }
0xa0: {  	[sflag:s10] =	ssyncset.done $0x0  }
0xa1: {  	[sflag:s10] =	ssyncadd.s32 $0xFFFFFF60  }
0xa2: {  	[tilespmem:s21], [sflag:$0x3] =	stream.indirect.gather [hbm4b:s16+s17], $0x80, s20, s17, $0xb8;
	[tilespmem:$0x1E140] =	vst v63  }
0xa3: {  	_ = 	snop  }
0xa4: {  	[tilespmem:s22], [sflag:$0x4] =	stream.linear.gather [hbm4b:s4+s11], $0x2800, $0x38;
	[tilespmem:$0x1E140] =	vst v63  }
0xa5: {  	_ =	swait.ge [sflag:s23], $0x2800  }
0xa6: {  	[sflag:s23] =	ssyncset.done $0x0  }
0xa7: {  	[sflag:s23] =	ssyncadd.s32 $0xFFFFD800  }
0xa8: {  	_ =	swait.ge [sflag:s24], $0x2800  }
0xa9: {  	[sflag:s24] =	ssyncset.done $0x0  }
0xaa: {  	[sflag:s24] =	ssyncadd.s32 $0xFFFFD800  }
0xab: {  	[spmem:s14] =	stream.indirect.scatter.add.f32 [tilespmem:s9], [sflag:$0x5], $0x80, s25, s17, $0xb8;
	[tilespmem:$0x1E140] =	vst v63  }
0xac: {  	_ = 	snop  }
0xad: {  	[spmem:s14] =	stream.indirect.scatter.add.f32 [tilespmem:s19], [sflag:$0x6], $0x80, s25, s17, $0xb8;
	[tilespmem:$0x1E140] =	vst v63  }
0xae: {  	_ =	swait.ge [sflag:s26], $0x2800  }
0xaf: {  	[sflag:s26] =	ssyncset.done $0x0  }
0xb0: {  	[sflag:s26] =	ssyncadd.s32 $0xFFFFD800  }
0xb1: {  	p1 =	seq.s32 s3, $0x488;
	_ =	swait.ge [sflag:s28], $0x2800  }
0xb2: {  	s3 =	sadd.s32 @!p1 s3, s15;
	s12 =	simm.s32 @!p1 $0x0;
	[sflag:s28] =	ssyncset.done $0x0  }
0xb3: {  	s7 =	simm.s32 @!p1 $0x14000;
	s3 =	sadd.s32 @!p1 $0x28, s3;
	[sflag:s28] =	ssyncadd.s32 $0xFFFFD800  }
0xb4: {  	[tilespmem:s7], [sflag:$0x7] =	stream.linear.gather @!p1 [hbm4b:s3+s12], $0xA0, $0x38;
	[tilespmem:$0x1E140] =	vst v63  }
0xb5: {  	s8 =	simm.s32 @!p1 $0x7;
	s3 =	smov.u32 s6  }
0xb6: {  	_ =	swait.ge @!p1 [sflag:s8], $0xA0  }
0xb7: {  	s31 =	simm.s32 @!p1 $0x14140;
	s6 =	simm.s32 @!p1 $0x50;
	[sflag:s8] =	ssyncset.done @!p1 $0x0  }
0xb8: {  	[sflag:s8] =	ssyncadd.s32 @!p1 $0xFFFFFF60;
	s8 =	simm.s32 @!p1 $0x16940  }
0xb9: {  	[tilespmem:s31], [sflag:$0x1] =	stream.indirect.gather @!p1 [hbm4b:s16+s6], $0x80, s7, s6, $0xb8;
	[tilespmem:$0x1E140] =	vst v63  }
0xba: {  	_ = 	snop  }
0xbb: {  	[tilespmem:s8], [sflag:$0x2] =	stream.linear.gather @!p1 [hbm4b:s2+s12], $0x2800, $0x38;
	[tilespmem:$0x1E140] =	vst v63  }
0xbc: {  	_ =	swait.ge [sflag:s29], $0x2800  }
0xbd: {  	[sflag:s29] =	ssyncset.done $0x0  }
0xbe: {  	[sflag:s29] =	ssyncadd.s32 $0xFFFFD800  }
0xbf: {  	_ =	swait.ge [sflag:s30], $0x2800  }
0xc0: {  	[sflag:s30] =	ssyncset.done $0x0  }
0xc1: {  	[sflag:s30] =	ssyncadd.s32 $0xFFFFD800  }
0xc2: {  	[spmem:s14] =	stream.indirect.scatter.add.f32 [tilespmem:s21], [sflag:$0x5], $0x80, s0, s17, $0xb8;
	[tilespmem:$0x1E140] =	vst v63  }
0xc3: {  	_ = 	snop  }
0xc4: {  	[spmem:s14] =	stream.indirect.scatter.add.f32 [tilespmem:s22], [sflag:$0x6], $0x80, s0, s17, $0xb8;
	[tilespmem:$0x1E140] =	vst v63  }
.Ltmp0:
0xc5: {  	_ = 	snop;
	(pc) =	sbr.rel @p0 .LBB2_2-.Ltmp0, $4  }
0xc6: {  	_ =	swait.ge [sflag:s26], $0x2800  }
0xc7: {  	[sflag:s26] =	ssyncset.done $0x0  }
0xc8: {  	[sflag:s26] =	ssyncadd.s32 $0xFFFFD800  }
0xc9: {  	s4 =	sadd.s32 $0xA00, s4;
	s2 =	sadd.s32 $0xA00, s2;
	_ =	swait.ge [sflag:s28], $0x2800  }
0xca: {  	s5 =	sadd.s32 s3, s15;
	[sflag:s28] =	ssyncset.done $0x0  }
0xcb: {  	s5 =	sadd.s32 $0x14, s5;
	[sflag:s28] =	ssyncadd.s32 $0xFFFFD800  }
0xcc: {  	[tilespmem:s20], [sflag:$0x7] =	stream.linear.gather [hbm4b:s5+s11], $0xA0, $0x38;
	[tilespmem:$0x1E140] =	vst v63  }
0xcd: {  	_ =	swait.ge [sflag:s10], $0xA0  }
0xce: {  	[sflag:s10] =	ssyncset.done $0x0  }
0xcf: {  	[sflag:s10] =	ssyncadd.s32 $0xFFFFFF60  }
0xd0: {  	[tilespmem:s21], [sflag:$0x3] =	stream.indirect.gather [hbm4b:s16+s17], $0x80, s20, s17, $0xb8;
	[tilespmem:$0x1E140] =	vst v63  }
0xd1: {  	_ = 	snop  }
0xd2: {  	[tilespmem:s22], [sflag:$0x4] =	stream.linear.gather [hbm4b:s4+s11], $0x2800, $0x38;
	[tilespmem:$0x1E140] =	vst v63  }
0xd3: {  	_ =	swait.ge [sflag:s23], $0x2800  }
0xd4: {  	[sflag:s23] =	ssyncset.done $0x0  }
0xd5: {  	[sflag:s23] =	ssyncadd.s32 $0xFFFFD800  }
0xd6: {  	_ =	swait.ge [sflag:s24], $0x2800  }
0xd7: {  	[sflag:s24] =	ssyncset.done $0x0  }
0xd8: {  	[sflag:s24] =	ssyncadd.s32 $0xFFFFD800  }
0xd9: {  	[spmem:s14] =	stream.indirect.scatter.add.f32 [tilespmem:s9], [sflag:$0x5], $0x80, s25, s17, $0xb8;
	[tilespmem:$0x1E140] =	vst v63  }
0xda: {  	_ = 	snop  }
0xdb: {  	[spmem:s14] =	stream.indirect.scatter.add.f32 [tilespmem:s19], [sflag:$0x6], $0x80, s25, s17, $0xb8;
	[tilespmem:$0x1E140] =	vst v63  }
0xdc: {  	_ =	swait.ge [sflag:s26], $0x2800  }
0xdd: {  	[sflag:s26] =	ssyncset.done $0x0  }
0xde: {  	p0 =	seq.s32 s3, $0x488;
	[sflag:s26] =	ssyncadd.s32 $0xFFFFD800  }
0xdf: {  	s3 =	sadd.s32 @!p0 s3, s15;
	_ =	swait.ge [sflag:s28], $0x2800  }
0xe0: {  	s3 =	sadd.s32 @!p0 $0x28, s3;
	[sflag:s28] =	ssyncset.done $0x0  }
0xe1: {  	s5 =	simm.s32 @!p0 $0x14000;
	s4 =	simm.s32 @!p0 $0x0;
	[sflag:s28] =	ssyncadd.s32 $0xFFFFD800  }
0xe2: {  	[tilespmem:s5], [sflag:$0x7] =	stream.linear.gather @!p0 [hbm4b:s3+s4], $0xA0, $0x38;
	[tilespmem:$0x1E140] =	vst v63  }
0xe3: {  	s3 =	simm.s32 @!p0 $0x7  }
0xe4: {  	_ =	swait.ge @!p0 [sflag:s3], $0xA0  }
0xe5: {  	[sflag:s3] =	ssyncset.done @!p0 $0x0  }
0xe6: {  	s6 =	simm.s32 @!p0 $0x50;
	[sflag:s3] =	ssyncadd.s32 @!p0 $0xFFFFFF60;
	s3 =	simm.s32 @!p0 $0x14140  }
0xe7: {  	[tilespmem:s3], [sflag:$0x1] =	stream.indirect.gather @!p0 [hbm4b:s16+s6], $0x80, s5, s6, $0xb8;
	[tilespmem:$0x1E140] =	vst v63  }
0xe8: {  	s3 =	simm.s32 @!p0 $0x16940  }
0xe9: {  	[tilespmem:s3], [sflag:$0x2] =	stream.linear.gather @!p0 [hbm4b:s2+s4], $0x2800, $0x38;
	[tilespmem:$0x1E140] =	vst v63  }
0xea: {  	_ =	swait.ge [sflag:s29], $0x2800  }
0xeb: {  	[sflag:s29] =	ssyncset.done $0x0  }
0xec: {  	[sflag:s29] =	ssyncadd.s32 $0xFFFFD800  }
0xed: {  	_ =	swait.ge [sflag:s30], $0x2800  }
0xee: {  	[sflag:s30] =	ssyncset.done $0x0  }
0xef: {  	[sflag:s30] =	ssyncadd.s32 $0xFFFFD800  }
0xf0: {  	[spmem:s14] =	stream.indirect.scatter.add.f32 [tilespmem:s21], [sflag:$0x5], $0x80, s0, s17, $0xb8;
	[tilespmem:$0x1E140] =	vst v63  }
0xf1: {  	_ = 	snop  }
0xf2: {  	[spmem:s14] =	stream.indirect.scatter.add.f32 [tilespmem:s22], [sflag:$0x6], $0x80, s0, s17, $0xb8;
	[tilespmem:$0x1E140] =	vst v63  }
0xf3: {  	_ =	swait.ge [sflag:s26], $0x2800  }
0xf4: {  	[sflag:s26] =	ssyncset.done $0x0  }
0xf5: {  	[sflag:s26] =	ssyncadd.s32 $0xFFFFD800  }
0xf6: {  	_ =	swait.ge [sflag:s28], $0x2800  }
0xf7: {  	[sflag:s28] =	ssyncset.done $0x0  }
0xf8: {  	[sflag:s28] =	ssyncadd.s32 $0xFFFFD800  }
0xf9: {  	[bflag:$0x0] =	sbarrier.arrive $0xFFFF  }
0xfa: {  	[tilespmem:s9], [sflag:$0x7] =	stream.linear.gather [spmem:s18], $0x2000, $0x38;
	[tilespmem:$0x1E140] =	vst v63  }
0xfb: {  	_ =	swait.ge [sflag:s10], $0x2000  }
0xfc: {  	[sflag:s10] =	ssyncset.done $0x0  }
0xfd: {  	s7 =	rddreg [dreg:$0x3];
	[sflag:s10] =	ssyncadd.s32 $0xFFFFE000  }
0xfe: {  	[hbm4b:s7+s11] =	stream.linear.scatter [tilespmem:s9], [sflag:$0x7], $0x2000, $0x38;
	[tilespmem:$0x1E140] =	vst v63  }
0xff: {  	_ =	swait.ge [sflag:s10], $0x2000  }
0x100: {  	[sflag:s10] =	ssyncset.done $0x0  }
0x101: {  	s8 =	rddreg [dreg:$0x10];
	[sflag:s10] =	ssyncadd.s32 $0xFFFFE000  }
0x102: {  	[tilespmem:s9], [sflag:$0x7] =	stream.linear.gather [spmem:s8], $0x2000, $0x38;
	[tilespmem:$0x1E140] =	vst v63  }
0x103: {  	_ =	swait.ge [sflag:s10], $0x2000  }
0x104: {  	[sflag:s10] =	ssyncset.done $0x0  }
0x105: {  	s12 =	rddreg [dreg:$0x4];
	[sflag:s10] =	ssyncadd.s32 $0xFFFFE000  }
0x106: {  	[hbm4b:s12+s11] =	stream.linear.scatter [tilespmem:s9], [sflag:$0x7], $0x2000, $0x38;
	[tilespmem:$0x1E140] =	vst v63  }
0x107: {  	_ =	swait.ge [sflag:s10], $0x2000  }
0x108: {  	[sflag:s10] =	ssyncset.done $0x0  }
0x109: {  	s31 =	rddreg [dreg:$0x11];
	[sflag:s10] =	ssyncadd.s32 $0xFFFFE000  }
0x10a: {  	[tilespmem:s9], [sflag:$0x7] =	stream.linear.gather [spmem:s31], $0x2000, $0x38;
	[tilespmem:$0x1E140] =	vst v63  }
0x10b: {  	_ =	swait.ge [sflag:s10], $0x2000  }
0x10c: {  	[sflag:s10] =	ssyncset.done $0x0  }
0x10d: {  	s3 =	rddreg [dreg:$0x5];
	[sflag:s10] =	ssyncadd.s32 $0xFFFFE000  }
0x10e: {  	[hbm4b:s3+s11] =	stream.linear.scatter [tilespmem:s9], [sflag:$0x7], $0x2000, $0x38;
	[tilespmem:$0x1E140] =	vst v63  }
0x10f: {  	_ =	swait.ge [sflag:s10], $0x2000  }
0x110: {  	[sflag:s10] =	ssyncset.done $0x0  }
0x111: {  	s4 =	rddreg [dreg:$0x12];
	[sflag:s10] =	ssyncadd.s32 $0xFFFFE000  }
0x112: {  	[tilespmem:s9], [sflag:$0x7] =	stream.linear.gather [spmem:s4], $0x2000, $0x38;
	[tilespmem:$0x1E140] =	vst v63  }
0x113: {  	_ =	swait.ge [sflag:s10], $0x2000  }
0x114: {  	[sflag:s10] =	ssyncset.done $0x0  }
0x115: {  	s5 =	rddreg [dreg:$0x6];
	[sflag:s10] =	ssyncadd.s32 $0xFFFFE000  }
0x116: {  	[hbm4b:s5+s11] =	stream.linear.scatter [tilespmem:s9], [sflag:$0x7], $0x2000, $0x38;
	[tilespmem:$0x1E140] =	vst v63  }
0x117: {  	_ =	swait.ge [sflag:s10], $0x2000  }
0x118: {  	[sflag:s10] =	ssyncset.done $0x0  }
0x119: {  	s6 =	rddreg [dreg:$0x13];
	[sflag:s10] =	ssyncadd.s32 $0xFFFFE000  }
0x11a: {  	[tilespmem:s9], [sflag:$0x7] =	stream.linear.gather [spmem:s6], $0x2000, $0x38;
	[tilespmem:$0x1E140] =	vst v63  }
0x11b: {  	_ =	swait.ge [sflag:s10], $0x2000  }
0x11c: {  	[sflag:s10] =	ssyncset.done $0x0  }
0x11d: {  	s7 =	rddreg [dreg:$0x7];
	[sflag:s10] =	ssyncadd.s32 $0xFFFFE000  }
0x11e: {  	[hbm4b:s7+s11] =	stream.linear.scatter [tilespmem:s9], [sflag:$0x7], $0x2000, $0x38;
	[tilespmem:$0x1E140] =	vst v63  }
0x11f: {  	_ =	swait.ge [sflag:s10], $0x2000  }
0x120: {  	[sflag:s10] =	ssyncset.done $0x0  }
0x121: {  	s8 =	rddreg [dreg:$0x14];
	[sflag:s10] =	ssyncadd.s32 $0xFFFFE000  }
0x122: {  	[tilespmem:s9], [sflag:$0x7] =	stream.linear.gather [spmem:s8], $0x2000, $0x38;
	[tilespmem:$0x1E140] =	vst v63  }
0x123: {  	_ =	swait.ge [sflag:s10], $0x2000  }
0x124: {  	[sflag:s10] =	ssyncset.done $0x0  }
0x125: {  	s12 =	rddreg [dreg:$0x8];
	[sflag:s10] =	ssyncadd.s32 $0xFFFFE000  }
0x126: {  	[hbm4b:s12+s11] =	stream.linear.scatter [tilespmem:s9], [sflag:$0x7], $0x2000, $0x38;
	[tilespmem:$0x1E140] =	vst v63  }
0x127: {  	_ =	swait.ge [sflag:s10], $0x2000  }
0x128: {  	[sflag:s10] =	ssyncset.done $0x0  }
0x129: {  	s31 =	rddreg [dreg:$0x15];
	[sflag:s10] =	ssyncadd.s32 $0xFFFFE000  }
0x12a: {  	[tilespmem:s9], [sflag:$0x7] =	stream.linear.gather [spmem:s31], $0x2000, $0x38;
	[tilespmem:$0x1E140] =	vst v63  }
0x12b: {  	_ =	swait.ge [sflag:s10], $0x2000  }
0x12c: {  	[sflag:s10] =	ssyncset.done $0x0  }
0x12d: {  	s3 =	rddreg [dreg:$0x9];
	[sflag:s10] =	ssyncadd.s32 $0xFFFFE000  }
0x12e: {  	[hbm4b:s3+s11] =	stream.linear.scatter [tilespmem:s9], [sflag:$0x7], $0x2000, $0x38;
	[tilespmem:$0x1E140] =	vst v63  }
0x12f: {  	_ =	swait.ge [sflag:s10], $0x2000  }
0x130: {  	[sflag:s10] =	ssyncset.done $0x0  }
0x131: {  	s4 =	rddreg [dreg:$0x16];
	[sflag:s10] =	ssyncadd.s32 $0xFFFFE000  }
0x132: {  	[tilespmem:s9], [sflag:$0x7] =	stream.linear.gather [spmem:s4], $0x2000, $0x38;
	[tilespmem:$0x1E140] =	vst v63  }
0x133: {  	_ =	swait.ge [sflag:s10], $0x2000  }
0x134: {  	[sflag:s10] =	ssyncset.done $0x0  }
0x135: {  	s5 =	rddreg [dreg:$0xa];
	[sflag:s10] =	ssyncadd.s32 $0xFFFFE000  }
0x136: {  	[hbm4b:s5+s11] =	stream.linear.scatter [tilespmem:s9], [sflag:$0x7], $0x2000, $0x38;
	[tilespmem:$0x1E140] =	vst v63  }
0x137: {  	_ =	swait.ge [sflag:s10], $0x2000  }
0x138: {  	[sflag:s10] =	ssyncset.done $0x0  }
0x139: {  	s6 =	rddreg [dreg:$0x17];
	[sflag:s10] =	ssyncadd.s32 $0xFFFFE000  }
0x13a: {  	[tilespmem:s9], [sflag:$0x7] =	stream.linear.gather [spmem:s6], $0x2000, $0x38;
	[tilespmem:$0x1E140] =	vst v63  }
0x13b: {  	_ =	swait.ge [sflag:s10], $0x2000  }
0x13c: {  	[sflag:s10] =	ssyncset.done $0x0  }
0x13d: {  	s7 =	rddreg [dreg:$0xb];
	[sflag:s10] =	ssyncadd.s32 $0xFFFFE000  }
0x13e: {  	[hbm4b:s7+s11] =	stream.linear.scatter [tilespmem:s9], [sflag:$0x7], $0x2000, $0x38;
	[tilespmem:$0x1E140] =	vst v63  }
0x13f: {  	_ =	swait.ge [sflag:s10], $0x2000  }
0x140: {  	[sflag:s10] =	ssyncset.done $0x0  }
0x141: {  	s8 =	rddreg [dreg:$0x18];
	[sflag:s10] =	ssyncadd.s32 $0xFFFFE000  }
0x142: {  	[tilespmem:s9], [sflag:$0x7] =	stream.linear.gather [spmem:s8], $0x2000, $0x38;
	[tilespmem:$0x1E140] =	vst v63  }
0x143: {  	_ =	swait.ge [sflag:s10], $0x2000  }
0x144: {  	[sflag:s10] =	ssyncset.done $0x0  }
0x145: {  	s12 =	rddreg [dreg:$0xc];
	[sflag:s10] =	ssyncadd.s32 $0xFFFFE000  }
0x146: {  	[hbm4b:s12+s11] =	stream.linear.scatter [tilespmem:s9], [sflag:$0x7], $0x2000, $0x38;
	[tilespmem:$0x1E140] =	vst v63  }
0x147: {  	_ =	swait.ge [sflag:s10], $0x2000  }
0x148: {  	s1 =	sadd.s32 $0x1, s1;
	s31 =	rddreg [dreg:$0xf]  }
0x149: {  	p0 =	sne.s32 s1, s31  }
.Ltmp1:
0x14a: {  	_ = 	snop;
	(pc) =	sbr.rel @p0 .LBB2_1-.Ltmp1, $3  }
0x14b: {  	_ =	sdelay $0x1  }
0x14c: {  	[sflag:s10] =	ssyncset.done $0x0  }
0x14d: {  	[sflag:s10] =	ssyncadd.s32 $0xFFFFE000  }
0x14e: {  	_ =	sfence.sel $0x180000  }
0x14f: {  	[bflag:$0x0] =	sbarrier.arrive $0xFFFF  }
0x150: {  	_ =	strace $0x9000004D  }
0x151: {  	s0 =	stileid.u32;
	[bflag:$0x2] =	sbarrier.arrive $0xFFFF  }
0x152: {  	p0 =	sne.s32 s0, $0x0;
	s0 =	rddreg [dreg:$0x2]  }
0x153: {  	s0 =	sadd.s32 @!p0 $0x100000, s0  }
0x154: {  	[sflag:s0] =	ssyncadd.tile.s32 @!p0 $0x1;
	_ =	shalt  }
.Lfunc_end2:
_tile_overlayer_lowered:
.L_overlay_start_2:
0x155: {  	(tag) =	ssettag $0x2  }
0x156: {  	s0 =	rddreg [dreg:$0x0];
	s2 =	stileid.u32  }
0x157: {  	s1 =	rddreg [dreg:$0x1];
	p0 =	sne.s32 s2, $0x0  }
0x158: {  	s3 =	rddreg [dreg:$0x2];
	[bflag:$0x3] =	sbarrier.arrive $0xFFFF;
	s2 =	simm.s32 @!p0 $0x1C07  }
0x159: {  	[timem:s3], [sflag:s2] =	dma.local @!p0 [hbm:s0], s1  }
0x15a: {  	s0 =	simm.s32 @!p0 $0x7  }
0x15b: {  	_ =	swait.ge @!p0 [sflag:s0], s1  }
0x15c: {  	s1 =	ssub.s32 @!p0 $0x0, s1;
	[sflag:s0] =	ssyncset.done @!p0 $0x0  }
0x15d: {  	[sflag:s0] =	ssyncadd.s32 @!p0 s1  }
0x15e: {  	[bflag:$0x3] =	sbarrier.arrive $0xFFFF  }
0x15f: {  	_ =	shalt  }

// kernel: kernel.23.cloned.1.call-start
scs
__scs_entry_jumppad:
0x0: {  	(pc) =	sbr.rel $0x88, $3  }
0x1: {  	(tag) =	ssettag $0x0;
	lr =	simm.s32 $0x1  }
0x2: {  	[smem:$0x3F97] =	sst lr;
	_ =	strace $0xD0000000  }
0x3: {  	_ = 	snop  }
0x4: {  	_ = 	snop  }
0x5: {  	_ = 	snop  }
0x6: {  	_ = 	snop  }
0x7: {  	_ = 	snop  }
__scs_overlays_trampoline_lowered:
0x8: {  	[smem:$0x3FA6] =	sst s0  }
0x9: {  	[smem:$0x3FA7] =	sst s1  }
0xa: {  	[smem:$0x3FA8] =	sst s2  }
0xb: {  	[smem:$0x3FA9] =	sst s3  }
0xc: {  	[smem:$0x3FAA] =	sst s4  }
0xd: {  	[smem:$0x3FAB] =	sst s5  }
0xe: {  	[smem:$0x3FAC] =	sst s6  }
0xf: {  	[smem:$0x3FAD] =	sst s7  }
0x10: {  	[smem:$0x3FAE] =	sst s8  }
0x11: {  	[smem:$0x3FAF] =	sst s9;
	s0 =	simm.s32 @!p0 $0x0  }
0x12: {  	s1 =	sld [smem:$0x3F95];
	s0 =	simm.s32 @p0 $0x1  }
0x13: {  	[smem:$0x3FB0] =	sst s0;
	s0 =	simm.s32 @!p1 $0x0  }
0x14: {  	s2 =	sld [smem:$0x3F94];
	s0 =	simm.s32 @p1 $0x1  }
0x15: {  	[smem:$0x3FB1] =	sst s0;
	s0 =	simm.s32 @!p2 $0x0  }
0x16: {  	s3 =	sld [smem:$0x3FDB];
	s0 =	simm.s32 @p2 $0x1  }
0x17: {  	s4 =	simm.s32 $0x1BF5;
	[smem:$0x3FB3] =	sst s0  }
0x18: {  	s0 =	sld [smem:$0x3F96];
	_ =	swait.ge [sflag:s4], $0x0  }
0x19: {  	s7 =	sld [smem:$0x3F97]  }
0x1a: {  	s8 =	sadd.s32 $0xFFFFE003, lr  }
0x1b: {  	s9 =	sadd.s32 $0xFFFFFEF7, lr;
	s5 =	simm.s32 $0xFFFFFFFF;
	p2 =	slt.u32 s8, $0xFFFFF086  }
0x1c: {  	p1 =	slt.u32 s9, $0xF7A;
	s5 =	simm.s32 @!p2 $0x0  }
0x1d: {  	s5 =	simm.s32 @p1 $0x1;
	p0 =	seq.s32 s7, s2  }
0x1e: {  	s7 =	smul.u32 @!p0 $0xF7A, s2;
	p2 =	seq.s32 @!p0 s5, $0x0  }
0x1f: {  	s9 =	smul.u32 $0xF7A, s1;
	s8 =	simm.s32 @!p0 $0x1BF5;
	p2 =	por !p2, p0  }
0x20: {  	[sflag:s8] =	ssyncset.s32 @!p0 $0xFFFFF086;
	s6 =	sadd.s32 @!p0 s3, s7;
	s7 =	simm.s32 @!p0 $0x108  }
0x21: {  	s3 =	sadd.s32 s3, s9;
	s6 =	sadd.s32 @!p0 $0x88, s6;
	s7 =	simm.s32 @p2 $0x1082  }
0x22: {  	[simem:s7], [sflag:s8] =	dma.local @!p0 [hbm:s6], $0xF7A  }
0x23: {  	s9 =	sor.u32 $0xD0000000, s2;
	s6 =	simm.s32 $0x108;
	_ =	swait.ge @!p0 [sflag:s8], $0x0  }
0x24: {  	s3 =	sadd.s32 $0x88, s3;
	s6 =	simm.s32 @!p1 $0x1082;
	[sflag:s4] =	ssyncset.s32 $0xFFFFF086  }
0x25: {  	[simem:s6], [sflag:s4] =	dma.local [hbm:s3], $0xF7A  }
0x26: {  	[smem:$0x3F97] =	sst s1;
	(tag) =	ssettag s2;
	_ =	strace s9  }
0x27: {  	s1 =	sld [smem:$0x3FA7]  }
0x28: {  	s2 =	sld [smem:$0x3FA8]  }
0x29: {  	s4 =	sld [smem:$0x3FAA]  }
0x2a: {  	p0 =	seq.s32 s5, $0x0;
	s5 =	sld [smem:$0x3FAB]  }
0x2b: {  	s6 =	sld [smem:$0x3FAC]  }
0x2c: {  	s7 =	sld [smem:$0x3FAD]  }
0x2d: {  	s3 =	simm.s32 $0x108;
	s8 =	sld [smem:$0x3FAE]  }
0x2e: {  	s3 =	simm.s32 @!p0 $0x1082;
	s9 =	sld [smem:$0x3FAF]  }
0x2f: {  	lr =	sadd.s32 s0, s3;
	s0 =	sld [smem:$0x3FA6]  }
0x30: {  	s3 =	sld [smem:$0x3FA9]  }
0x31: {  	[smem:$0x3FB2] =	sst s10  }
0x32: {  	s10 =	sld [smem:$0x3FB0];
	_ =	sdelay $0x3  }
0x33: {  	p0 =	seq.s32 s10, $0x1;
	s10 =	sld [smem:$0x3FB2];
	_ =	sdelay $0x3  }
0x34: {  	[smem:$0x3FB2] =	sst s10  }
0x35: {  	s10 =	sld [smem:$0x3FB1];
	_ =	sdelay $0x3  }
0x36: {  	p1 =	seq.s32 s10, $0x1;
	s10 =	sld [smem:$0x3FB2];
	_ =	sdelay $0x3  }
0x37: {  	[smem:$0x3FB2] =	sst s10  }
0x38: {  	s10 =	sld [smem:$0x3FB3]  }
0x39: {  	_ = 	snop;
	(pc) =	sbr.ind lr, $3  }
0x3a: {  	_ = 	snop  }
0x3b: {  	_ = 	snop  }
0x3c: {  	p2 =	seq.s32 s10, $0x1;
	s10 =	sld [smem:$0x3FB2]  }
0x3d: {  	_ =	shalt  }
0x3e: {  	_ =	shalt  }
0x3f: {  	_ =	shalt  }
0x40: {  	_ =	shalt  }
0x41: {  	_ =	shalt  }
0x42: {  	_ =	shalt  }
0x43: {  	_ =	shalt  }
0x44: {  	_ =	shalt  }
0x45: {  	_ =	shalt  }
0x46: {  	_ =	shalt  }
0x47: {  	_ =	shalt  }
0x48: {  	_ =	shalt  }
0x49: {  	_ =	shalt  }
0x4a: {  	_ =	shalt  }
0x4b: {  	_ =	shalt  }
0x4c: {  	_ =	shalt  }
0x4d: {  	_ =	shalt  }
0x4e: {  	_ =	shalt  }
0x4f: {  	_ =	shalt  }
0x50: {  	_ =	shalt  }
0x51: {  	_ =	shalt  }
0x52: {  	_ =	shalt  }
0x53: {  	_ =	shalt  }
0x54: {  	_ =	shalt  }
0x55: {  	_ =	shalt  }
0x56: {  	_ =	shalt  }
0x57: {  	_ =	shalt  }
0x58: {  	_ =	shalt  }
0x59: {  	_ =	shalt  }
0x5a: {  	_ =	shalt  }
0x5b: {  	_ =	shalt  }
0x5c: {  	_ =	shalt  }
0x5d: {  	_ =	shalt  }
0x5e: {  	_ =	shalt  }
0x5f: {  	_ =	shalt  }
0x60: {  	_ =	shalt  }
0x61: {  	_ =	shalt  }
0x62: {  	_ =	shalt  }
0x63: {  	_ =	shalt  }
0x64: {  	_ =	shalt  }
0x65: {  	_ =	shalt  }
0x66: {  	_ =	shalt  }
0x67: {  	_ =	shalt  }
0x68: {  	_ =	shalt  }
0x69: {  	_ =	shalt  }
0x6a: {  	_ =	shalt  }
0x6b: {  	_ =	shalt  }
0x6c: {  	_ =	shalt  }
0x6d: {  	_ =	shalt  }
0x6e: {  	_ =	shalt  }
0x6f: {  	_ =	shalt  }
0x70: {  	_ =	shalt  }
0x71: {  	_ =	shalt  }
0x72: {  	_ =	shalt  }
0x73: {  	_ =	shalt  }
0x74: {  	_ =	shalt  }
0x75: {  	_ =	shalt  }
0x76: {  	_ =	shalt  }
0x77: {  	_ =	shalt  }
0x78: {  	_ =	shalt  }
0x79: {  	_ =	shalt  }
0x7a: {  	_ =	shalt  }
0x7b: {  	_ =	shalt  }
0x7c: {  	_ =	shalt  }
0x7d: {  	_ =	shalt  }
0x7e: {  	_ =	shalt  }
0x7f: {  	_ =	shalt  }
0x80: {  	_ =	shalt  }
0x81: {  	_ =	shalt  }
0x82: {  	_ =	shalt  }
0x83: {  	_ =	shalt  }
0x84: {  	_ =	shalt  }
0x85: {  	_ =	shalt  }
0x86: {  	_ =	shalt  }
0x87: {  	_ =	shalt  }
.Lfunc_end0:
.L_simem_size_0:
called_computation.3_lowered:
.L_overlay_start_0:
0x88: {  	s2 =	sld [smem:$0x3FD9]  }
0x89: {  	s3 =	sld [smem:$0x3FFE];
	_ =	sdelay $0x1  }
0x8a: {  	s1 =	srdreg.scid  }
0x8b: {  	s0 =	sand.u32 $0x1, s1  }
0x8c: {  	s16 =	sshll.u32 s0, $0xA;
	s2 =	sadd.s32 s3, s2  }
0x8d: {  	s2 =	sadd.s32 s2, s16  }
0x8e: {  	[smem:$0x3FBE] =	sst s2  }
0x8f: {  	_ = 	snop  }
0x90: {  	(tm) =	ssettm $0x1  }
0x91: {  	s17 =	sld [smem:$0x3FFB];
	_ =	sdelay $0x3  }
0x92: {  	_ =	strace s17  }
0x93: {  	s2 =	sld [smem:$0x3FFC];
	_ =	sdelay $0x3  }
0x94: {  	_ =	strace s2  }
0x95: {  	s2 =	sld [smem:$0x3FFD];
	_ =	sdelay $0x3  }
0x96: {  	_ =	strace s2  }
0x97: {  	_ =	strace $0x8FFFFFFF  }
0x98: {  	s18 =	sld [smem:$0x3FDB];
	_ =	sdelay $0x1  }
0x99: {  	s19 =	simm.s32 $_scs_section_size  }
0x9a: {  	s4 =	simm.s32 $_size__tile_overlayer_lowered;
	s5 =	simm.s32 $_tile_overlayer_lowered  }
0x9b: {  	s22 =	simm.s32 $0x1BFF;
	s21 =	sshll.u32 s5, $0x1;
	s2 =	sadd.s32 s19, s18  }
0x9c: {  	s6 =	simm.s32 $0x0;
	s20 =	sshll.u32 s4, $0x1;
	s4 =	sadd.s32 s21, s2  }
0x9d: {  	[timem:s6], [sflag:s22] =	dma.local [hbm:s4], s20  }
0x9e: {  	_ =	swait.ge [sflag:s22], s20  }
0x9f: {  	s3 =	ssub.s32 $0x0, s20;
	[sflag:s22] =	ssyncset.done $0x0  }
0xa0: {  	[sflag:s22] =	ssyncadd.s32 s3;
	_ =	sdelay $0x1  }
0xa1: {  	s23 =	simm.s32 $0x1B8B  }
0xa2: {  	_ =	swait.ge [sflag:s23], $0x1  }
0xa3: {  	[sflag:s23] =	ssyncset.done $0x0  }
0xa4: {  	s25 =	simm.s32 $0x1B8E;
	s24 =	sld [smem:$0x3FFE];
	[sflag:s23] =	ssyncadd.s32 $0xFFFFFFFF  }
0xa5: {  	s26 =	simm.s32 $execute0_lowered;
	[smem:$0x3FD2] =	sst s25  }
0xa6: {  	s4 =	sshll.u32 s26, $0x1;
	_ =	strace $0x8000004F;
	[dreg:$0x1] =	wrdreg $0xFFFFFFFF  }
0xa7: {  	s28 =	simm.s32 $_size_execute0_lowered;
	s2 =	sadd.s32 s2, s4;
	[dreg:$0x0] =	wrdreg $0x0  }
0xa8: {  	s4 =	sshll.u32 s28, $0x1;
	[dreg:$0x2] =	wrdreg s2  }
0xa9: {  	[dreg:$0x3] =	wrdreg s4  }
0xaa: {  	[dreg:$0x4] =	wrdreg $0xC0  }
0xab: {  	_ =	task [dreg:s6], $0x5FFFF  }
0xac: {  	[dreg:$0x1] =	wrdreg $0xFFFFFFFF  }
0xad: {  	[dreg:$0x0] =	wrdreg $0x60  }
0xae: {  	[dreg:$0x2] =	wrdreg s24  }
0xaf: {  	[dreg:$0x3] =	wrdreg $0x0  }
0xb0: {  	[dreg:$0x4] =	wrdreg $0x9  }
0xb1: {  	_ =	task.clear_ibuf [dreg:s6], $0x5FFFF;
	_ =	strace $0x9000004F  }
0xb2: {  	s29 =	simm.s32 $0x9;
	_ =	strace $0x80000051  }
0xb3: {  	_ =	swait.ge [sflag:s29], $0x1  }
0xb4: {  	[sflag:s29] =	ssyncadd.s32 $0xFFFFFFFF  }
0xb5: {  	_ =	strace $0x90000051  }
0xb6: {  	_ =	sfence  }
0xb7: {  	s30 =	sld [smem:$0x0];
	_ =	sdelay $0x2  }
0xb8: {  	s31 =	sshll.u32 s1, $0xD;
	s1 =	sshrl.u32 s1, $0x2  }
0xb9: {  	s3 =	sand.u32 $0x4000, s31;
	s1 =	sadd.s32 s1, s30  }
0xba: {  	s0 =	sor.u32 s3, s0;
	s1 =	sshll.u32 s1, $0x11  }
0xbb: {  	s0 =	sor.u32 s1, s0  }
0xbc: {  	s0 =	sadd.s32 $0x8F2B, s0  }
0xbd: {  	[sflag:s0] =	ssyncadd.remote.s32 $0x1  }
0xbe: {  	_ =	sfence.sel $0xFFFF  }
0xbf: {  	[dreg:$0x0] =	wrdreg $0xFFFFFFFF;
	(pc) =	sbr.abs _section_cstart, $3  }
0xc0: {  	[dreg:$0x1] =	wrdreg $0xFFFFFFFF  }
0xc1: {  	_ =	task.clear_ibuf [dreg:s6], $0x2FFFF;
	_ =	strace $0x9FFFFFFF  }
0xc2: {  	(tm) =	ssettm $0x7FFFFFFF  }
0xc3: {  	_ =	shalt  }
tec
execute0_lowered:
.L_overlay_start_1:
0x0: {  	(tag) =	ssettag $0x1  }
0x1: {  	s16 =	stileid.u32  }
0x2: {  	s0 =	srdreg.scid;
	s2 =	smul.u32 $0x1400, s16  }
0x3: {  	s28 =	simm.s32 $0x6;
	s1 =	sand.u32 $0x1, s0;
	s4 =	smul.u32 $0x280, s16  }
0x4: {  	s0 =	rddreg [dreg:$0x0];
	s8 =	sshll.u32 s16, $0x6;
	s3 =	smul.u32 $0x14000, s1  }
0x5: {  	s5 =	smul.u32 $0x2800, s1;
	s18 =	sadd.s32 $0x18A800, s0;
	s6 =	ssub.s32 $0x2, s1  }
0x6: {  	s7 =	sshll.u32 s1, $0xA;
	s1 =	smul.u32 $0x5000, s1;
	s10 =	sshrl.u32 s6, $0x1  }
0x7: {  	s7 =	sor.u32 s8, s7;
	s17 =	sadd.s32 $0x180, s4;
	s2 =	sadd.s32 s2, s3  }
0x8: {  	s9 =	sadd.s32 s5, s4;
	s6 =	ssub.s32 s6, s10;
	s7 =	smul.u32 $0x14, s7  }
0x9: {  	s10 =	sadd.s32 $0xC0, s4;
	s15 =	sadd.s32 s5, s17;
	s19 =	sshll.u32 s9, $0x4  }
0xa: {  	s9 =	sadd.s32 $0x80, s4;
	s13 =	sadd.s32 s5, s10;
	s15 =	sshll.u32 s15, $0x4  }
0xb: {  	s8 =	sadd.s32 s18, s19;
	s12 =	sadd.s32 s5, s9;
	s13 =	sshll.u32 s13, $0x4  }
0xc: {  	s24 =	sadd.s32 s18, s15;
	s19 =	sadd.s32 $0x1C0, s4;
	[dreg:$0x3] =	wrdreg s8  }
0xd: {  	s8 =	sor.u32 $0x40, s4;
	s12 =	sshll.u32 s12, $0x4;
	s21 =	sadd.s32 s18, s13  }
0xe: {  	s13 =	sadd.s32 $0x140, s4;
	[dreg:$0x9] =	wrdreg s24;
	s25 =	sadd.s32 s5, s19  }
0xf: {  	s24 =	smax.u32 s6, $0x1;
	s11 =	sadd.s32 s5, s8;
	s20 =	sadd.s32 s18, s12  }
0x10: {  	[dreg:$0x6] =	wrdreg s21;
	s12 =	sadd.s32 $0x100, s4;
	s14 =	sadd.s32 s5, s13  }
0x11: {  	s11 =	sshll.u32 s11, $0x4;
	[dreg:$0x5] =	wrdreg s20;
	s22 =	sadd.s32 s5, s12  }
0x12: {  	s14 =	sshll.u32 s14, $0x4;
	s20 =	sadd.s32 $0x200, s4;
	s4 =	sadd.s32 $0x240, s4  }
0x13: {  	s11 =	sadd.s32 s18, s11;
	s23 =	sadd.s32 s18, s14;
	s26 =	sadd.s32 s5, s20  }
0x14: {  	s5 =	sadd.s32 s5, s4;
	[dreg:$0x4] =	wrdreg s11;
	s11 =	sshll.u32 s22, $0x4  }
0x15: {  	[dreg:$0x8] =	wrdreg s23;
	s14 =	sshll.u32 s26, $0x4;
	s11 =	sadd.s32 s18, s11  }
0x16: {  	s5 =	sshll.u32 s5, $0x4;
	s31 =	sadd.s32 s18, s14;
	[dreg:$0x7] =	wrdreg s11  }
0x17: {  	s21 =	smul.u32 $0x50000, s16;
	s3 =	sadd.s32 s18, s5;
	[dreg:$0xb] =	wrdreg s31  }
0x18: {  	s14 =	sadd.s32 $0x102A00, s0;
	s11 =	sshll.u32 s25, $0x4;
	[dreg:$0xc] =	wrdreg s3  }
0x19: {  	s15 =	sadd.s32 s14, s7;
	s1 =	sadd.s32 s1, s14;
	s14 =	rddreg [dreg:$0x1]  }
0x1a: {  	s22 =	sshll.u32 s2, $0x4;
	s11 =	sadd.s32 s18, s11;
	[dreg:$0xd] =	wrdreg s15  }
0x1b: {  	s18 =	smul.u32 $0x500, s16;
	[dreg:$0xa] =	wrdreg s11;
	s11 =	simm.s32 $0x0  }
0x1c: {  	s26 =	sshll.u32 s9, $0x7;
	s16 =	sadd.s32 $0x4E00, s0;
	[smem:$0x7FF] =	sst s11  }
0x1d: {  	s15 =	sadd.s32 s18, s1;
	s1 =	sadd.s32 s22, s0;
	s0 =	sadd.s32 $0x11B000, s0  }
0x1e: {  	s2 =	sshll.u32 s10, $0x7;
	_ =	strace $0x80000050;
	[dreg:$0xe] =	wrdreg s0  }
0x1f: {  	s5 =	sshll.u32 s13, $0x7;
	s31 =	sadd.s32 s26, s14;
	[dreg:$0xf] =	wrdreg s24  }
0x20: {  	s9 =	sshll.u32 s20, $0x7;
	s6 =	sadd.s32 s5, s14;
	[dreg:$0x11] =	wrdreg s31  }
0x21: {  	s25 =	sshll.u32 s8, $0x7;
	s10 =	sadd.s32 s9, s14;
	[dreg:$0x14] =	wrdreg s6  }
0x22: {  	s23 =	sshrl.u32 s21, $0x2;
	s0 =	sadd.s32 s25, s14;
	[dreg:$0x17] =	wrdreg s10  }
0x23: {  	s7 =	sshll.u32 s17, $0x7;
	s13 =	sadd.s32 $0x572800, s1;
	[dreg:$0x10] =	wrdreg s0  }
0x24: {  	s18 =	sadd.s32 s23, s14;
	s17 =	sadd.s32 $0x572D00, s1;
	[dreg:$0x19] =	wrdreg s13  }
0x25: {  	s8 =	sshll.u32 s19, $0x7;
	s19 =	sadd.s32 $0x2000, s18;
	[dreg:$0x1a] =	wrdreg s17  }
0x26: {  	s29 =	simm.s32 $0x3;
	s20 =	sadd.s32 $0x4000, s18;
	[dreg:$0x1b] =	wrdreg s19  }
0x27: {  	s30 =	simm.s32 $0x4;
	s21 =	sadd.s32 $0x6000, s18;
	[dreg:$0x1c] =	wrdreg s20  }
0x28: {  	s3 =	sshll.u32 s12, $0x7;
	s22 =	sadd.s32 $0x8000, s18;
	[dreg:$0x1d] =	wrdreg s21  }
0x29: {  	s12 =	sshll.u32 s4, $0x7;
	s23 =	sadd.s32 $0xA000, s18;
	[dreg:$0x1e] =	wrdreg s22  }
0x2a: {  	s9 =	simm.s32 $0x14140;
	s24 =	sadd.s32 $0xC000, s18;
	[dreg:$0x1f] =	wrdreg s23  }
0x2b: {  	s25 =	sadd.s32 $0xE000, s18;
	s26 =	sadd.s32 $0x10000, s18;
	[smem:$0x7FA] =	sst s24  }
0x2c: {  	s31 =	sadd.s32 $0x12000, s18;
	s10 =	simm.s32 $0x7;
	[smem:$0x7FB] =	sst s25  }
0x2d: {  	s0 =	sadd.s32 s2, s14;
	s13 =	sadd.s32 $0x573200, s1;
	[smem:$0x7FC] =	sst s26  }
0x2e: {  	[smem:$0x7FD] =	sst s31;
	s17 =	simm.s32 $0x50;
	s19 =	simm.s32 $0x16940  }
0x2f: {  	s20 =	simm.s32 $0x140A0;
	s21 =	simm.s32 $0x19140;
	s22 =	simm.s32 $0x1B940  }
0x30: {  	s23 =	simm.s32 $0x1;
	[dreg:$0x12] =	wrdreg s0;
	s0 =	sadd.s32 s3, s14  }
0x31: {  	s24 =	simm.s32 $0x2;
	[dreg:$0x13] =	wrdreg s0;
	s0 =	sadd.s32 s7, s14  }
0x32: {  	s25 =	simm.s32 $0x14050;
	[dreg:$0x15] =	wrdreg s0;
	s0 =	sadd.s32 s8, s14  }
0x33: {  	s26 =	simm.s32 $0x5;
	[dreg:$0x16] =	wrdreg s0;
	s0 =	sadd.s32 s12, s14  }
0x34: {  	s1 =	simm.s32 $0x0;
	[dreg:$0x18] =	wrdreg s0;
	s0 =	simm.s32 $0x140F0  }
.LBB2_1:
0x35: {  	s2 =	rddreg [dreg:$0xe]  }
0x36: {  	[tilespmem:s9], [sflag:$0x7] =	stream.linear.gather [hbm4b:s2+s11], $0x2000, $0x38;
	[tilespmem:$0x1E140] =	vst v63  }
0x37: {  	_ =	swait.ge [sflag:s10], $0x2000  }
0x38: {  	[sflag:s10] =	ssyncset.done $0x0  }
0x39: {  	[sflag:s10] =	ssyncadd.s32 $0xFFFFE000  }
0x3a: {  	[spmem:s18] =	stream.linear.scatter [tilespmem:s9], [sflag:$0x7], $0x2000, $0x38;
	[tilespmem:$0x1E140] =	vst v63  }
0x3b: {  	_ =	swait.ge [sflag:s10], $0x2000  }
0x3c: {  	[sflag:s10] =	ssyncset.done $0x0  }
0x3d: {  	s7 =	rddreg [dreg:$0x1b];
	[sflag:s10] =	ssyncadd.s32 $0xFFFFE000  }
0x3e: {  	[spmem:s7] =	stream.linear.scatter [tilespmem:s9], [sflag:$0x7], $0x2000, $0x38;
	[tilespmem:$0x1E140] =	vst v63  }
0x3f: {  	_ =	swait.ge [sflag:s10], $0x2000  }
0x40: {  	[sflag:s10] =	ssyncset.done $0x0  }
0x41: {  	s8 =	rddreg [dreg:$0x1c];
	[sflag:s10] =	ssyncadd.s32 $0xFFFFE000  }
0x42: {  	[spmem:s8] =	stream.linear.scatter [tilespmem:s9], [sflag:$0x7], $0x2000, $0x38;
	[tilespmem:$0x1E140] =	vst v63  }
0x43: {  	_ =	swait.ge [sflag:s10], $0x2000  }
0x44: {  	[sflag:s10] =	ssyncset.done $0x0  }
0x45: {  	s12 =	rddreg [dreg:$0x1d];
	[sflag:s10] =	ssyncadd.s32 $0xFFFFE000  }
0x46: {  	[spmem:s12] =	stream.linear.scatter [tilespmem:s9], [sflag:$0x7], $0x2000, $0x38;
	[tilespmem:$0x1E140] =	vst v63  }
0x47: {  	_ =	swait.ge [sflag:s10], $0x2000  }
0x48: {  	[sflag:s10] =	ssyncset.done $0x0  }
0x49: {  	s31 =	rddreg [dreg:$0x1e];
	[sflag:s10] =	ssyncadd.s32 $0xFFFFE000  }
0x4a: {  	[spmem:s31] =	stream.linear.scatter [tilespmem:s9], [sflag:$0x7], $0x2000, $0x38;
	[tilespmem:$0x1E140] =	vst v63  }
0x4b: {  	_ =	swait.ge [sflag:s10], $0x2000  }
0x4c: {  	[sflag:s10] =	ssyncset.done $0x0  }
0x4d: {  	s3 =	rddreg [dreg:$0x1f];
	[sflag:s10] =	ssyncadd.s32 $0xFFFFE000  }
0x4e: {  	[spmem:s3] =	stream.linear.scatter [tilespmem:s9], [sflag:$0x7], $0x2000, $0x38;
	[tilespmem:$0x1E140] =	vst v63  }
0x4f: {  	_ =	swait.ge [sflag:s10], $0x2000  }
0x50: {  	s4 =	sld [smem:$0x7FA]  }
0x51: {  	[sflag:s10] =	ssyncset.done $0x0  }
0x52: {  	[sflag:s10] =	ssyncadd.s32 $0xFFFFE000  }
0x53: {  	[spmem:s4] =	stream.linear.scatter [tilespmem:s9], [sflag:$0x7], $0x2000, $0x38;
	[tilespmem:$0x1E140] =	vst v63  }
0x54: {  	_ =	swait.ge [sflag:s10], $0x2000  }
0x55: {  	s5 =	sld [smem:$0x7FB]  }
0x56: {  	[sflag:s10] =	ssyncset.done $0x0  }
0x57: {  	[sflag:s10] =	ssyncadd.s32 $0xFFFFE000  }
0x58: {  	[spmem:s5] =	stream.linear.scatter [tilespmem:s9], [sflag:$0x7], $0x2000, $0x38;
	[tilespmem:$0x1E140] =	vst v63  }
0x59: {  	_ =	swait.ge [sflag:s10], $0x2000  }
0x5a: {  	s6 =	sld [smem:$0x7FC]  }
0x5b: {  	[sflag:s10] =	ssyncset.done $0x0  }
0x5c: {  	[sflag:s10] =	ssyncadd.s32 $0xFFFFE000  }
0x5d: {  	[spmem:s6] =	stream.linear.scatter [tilespmem:s9], [sflag:$0x7], $0x2000, $0x38;
	[tilespmem:$0x1E140] =	vst v63  }
0x5e: {  	_ =	swait.ge [sflag:s10], $0x2000  }
0x5f: {  	s7 =	sld [smem:$0x7FD]  }
0x60: {  	[sflag:s10] =	ssyncset.done $0x0  }
0x61: {  	[sflag:s10] =	ssyncadd.s32 $0xFFFFE000  }
0x62: {  	[spmem:s7] =	stream.linear.scatter [tilespmem:s9], [sflag:$0x7], $0x2000, $0x38;
	[tilespmem:$0x1E140] =	vst v63  }
0x63: {  	_ =	swait.ge [sflag:s10], $0x2000  }
0x64: {  	[sflag:s10] =	ssyncset.done $0x0  }
0x65: {  	[sflag:s10] =	ssyncadd.s32 $0xFFFFE000  }
0x66: {  	[bflag:$0x0] =	sbarrier.arrive $0xFFFF  }
0x67: {  	s3 =	simm.s32 $0x14000;
	s8 =	rddreg [dreg:$0xd]  }
0x68: {  	[tilespmem:s3], [sflag:$0x7] =	stream.linear.gather [hbm4b:s8+s11], $0xA0, $0x38;
	[tilespmem:$0x1E140] =	vst v63  }
0x69: {  	_ =	swait.ge [sflag:s10], $0xA0  }
0x6a: {  	[sflag:s10] =	ssyncset.done $0x0  }
0x6b: {  	[sflag:s10] =	ssyncadd.s32 $0xFFFFFF60  }
0x6c: {  	[tilespmem:s9], [sflag:$0x1] =	stream.indirect.gather [hbm4b:s16+s17], $0x80, s3, s17, $0xb8;
	[tilespmem:$0x1E140] =	vst v63  }
0x6d: {  	s31 =	sadd.s32 $0x0, s15;
	s12 =	rddreg [dreg:$0x19]  }
0x6e: {  	[tilespmem:s19], [sflag:$0x2] =	stream.linear.gather [hbm4b:s12+s11], $0x2800, $0x38;
	[tilespmem:$0x1E140] =	vst v63  }
0x6f: {  	s2 =	sadd.s32 $0x14, s31  }
0x70: {  	[tilespmem:s20], [sflag:$0x7] =	stream.linear.gather [hbm4b:s2+s11], $0xA0, $0x38;
	[tilespmem:$0x1E140] =	vst v63  }
0x71: {  	_ =	swait.ge [sflag:s10], $0xA0  }
0x72: {  	[sflag:s10] =	ssyncset.done $0x0  }
0x73: {  	[sflag:s10] =	ssyncadd.s32 $0xFFFFFF60  }
0x74: {  	[tilespmem:s21], [sflag:$0x3] =	stream.indirect.gather [hbm4b:s16+s17], $0x80, s20, s17, $0xb8;
	[tilespmem:$0x1E140] =	vst v63  }
0x75: {  	s6 =	rddreg [dreg:$0x1a]  }
0x76: {  	[tilespmem:s22], [sflag:$0x4] =	stream.linear.gather [hbm4b:s6+s11], $0x2800, $0x38;
	[tilespmem:$0x1E140] =	vst v63  }
0x77: {  	_ =	swait.ge [sflag:s23], $0x2800  }
0x78: {  	[sflag:s23] =	ssyncset.done $0x0  }
0x79: {  	[sflag:s23] =	ssyncadd.s32 $0xFFFFD800  }
0x7a: {  	_ =	swait.ge [sflag:s24], $0x2800  }
0x7b: {  	[sflag:s24] =	ssyncset.done $0x0  }
0x7c: {  	[sflag:s24] =	ssyncadd.s32 $0xFFFFD800  }
0x7d: {  	[spmem:s14] =	stream.indirect.scatter.add.f32 [tilespmem:s9], [sflag:$0x5], $0x80, s25, s17, $0xb8;
	[tilespmem:$0x1E140] =	vst v63  }
0x7e: {  	_ = 	snop  }
0x7f: {  	[spmem:s14] =	stream.indirect.scatter.add.f32 [tilespmem:s19], [sflag:$0x6], $0x80, s25, s17, $0xb8;
	[tilespmem:$0x1E140] =	vst v63  }
0x80: {  	_ =	swait.ge [sflag:s26], $0x2800  }
0x81: {  	[sflag:s26] =	ssyncset.done $0x0  }
0x82: {  	[sflag:s26] =	ssyncadd.s32 $0xFFFFD800  }
0x83: {  	p0 =	por $0x0, $0x0;
	_ =	swait.ge [sflag:s28], $0x2800  }
0x84: {  	s4 =	simm.s32 @!p0 $0x14000;
	s2 =	sadd.s32 @!p0 $0x0, s15;
	[sflag:s28] =	ssyncset.done $0x0  }
0x85: {  	s3 =	simm.s32 @!p0 $0x0;
	s2 =	sadd.s32 @!p0 $0x28, s2;
	[sflag:s28] =	ssyncadd.s32 $0xFFFFD800  }
0x86: {  	[tilespmem:s4], [sflag:$0x7] =	stream.linear.gather @!p0 [hbm4b:s2+s3], $0xA0, $0x38;
	[tilespmem:$0x1E140] =	vst v63  }
0x87: {  	s2 =	simm.s32 @!p0 $0x7  }
0x88: {  	_ =	swait.ge @!p0 [sflag:s2], $0xA0  }
0x89: {  	[sflag:s2] =	ssyncset.done @!p0 $0x0  }
0x8a: {  	s5 =	simm.s32 @!p0 $0x50;
	[sflag:s2] =	ssyncadd.s32 @!p0 $0xFFFFFF60;
	s2 =	simm.s32 @!p0 $0x14140  }
0x8b: {  	[tilespmem:s2], [sflag:$0x1] =	stream.indirect.gather @!p0 [hbm4b:s16+s5], $0x80, s4, s5, $0xb8;
	[tilespmem:$0x1E140] =	vst v63  }
0x8c: {  	s2 =	simm.s32 @!p0 $0x16940  }
0x8d: {  	[tilespmem:s2], [sflag:$0x2] =	stream.linear.gather @!p0 [hbm4b:s13+s3], $0x2800, $0x38;
	[tilespmem:$0x1E140] =	vst v63  }
0x8e: {  	_ =	swait.ge [sflag:s29], $0x2800  }
0x8f: {  	[sflag:s29] =	ssyncset.done $0x0  }
0x90: {  	[sflag:s29] =	ssyncadd.s32 $0xFFFFD800  }
0x91: {  	_ =	swait.ge [sflag:s30], $0x2800  }
0x92: {  	[sflag:s30] =	ssyncset.done $0x0  }
0x93: {  	[sflag:s30] =	ssyncadd.s32 $0xFFFFD800  }
0x94: {  	[spmem:s14] =	stream.indirect.scatter.add.f32 [tilespmem:s21], [sflag:$0x5], $0x80, s0, s17, $0xb8;
	[tilespmem:$0x1E140] =	vst v63  }
0x95: {  	_ = 	snop  }
0x96: {  	[spmem:s14] =	stream.indirect.scatter.add.f32 [tilespmem:s22], [sflag:$0x6], $0x80, s0, s17, $0xb8;
	[tilespmem:$0x1E140] =	vst v63  }
0x97: {  	_ =	swait.ge [sflag:s26], $0x2800  }
0x98: {  	[sflag:s26] =	ssyncset.done $0x0  }
0x99: {  	s5 =	simm.s32 $0x50;
	s4 =	sadd.s32 $0xA00, s6;
	[sflag:s26] =	ssyncadd.s32 $0xFFFFD800  }
0x9a: {  	s3 =	simm.s32 $0x28;
	s2 =	sadd.s32 $0xA00, s13;
	_ =	swait.ge [sflag:s28], $0x2800  }
.LBB2_2:
0x9b: {  	s12 =	sadd.s32 s3, s15  }
0x9c: {  	[sflag:s28] =	ssyncset.done $0x0;
	s6 =	smov.u32 s5;
	s5 =	sadd.s32 $0x28, s5  }
0x9d: {  	p0 =	sne.s32 s5, $0x500;
	s12 =	sadd.s32 $0x14, s12;
	[sflag:s28] =	ssyncadd.s32 $0xFFFFD800  }
0x9e: {  	[tilespmem:s20], [sflag:$0x7] =	stream.linear.gather [hbm4b:s12+s11], $0xA0, $0x38;
	[tilespmem:$0x1E140] =	vst v63  }
0x9f: {  	_ =	swait.ge [sflag:s10], $0xA0  }
0xa0: {  	[sflag:s10] =	ssyncset.done $0x0  }
0xa1: {  	[sflag:s10] =	ssyncadd.s32 $0xFFFFFF60  }
0xa2: {  	[tilespmem:s21], [sflag:$0x3] =	stream.indirect.gather [hbm4b:s16+s17], $0x80, s20, s17, $0xb8;
	[tilespmem:$0x1E140] =	vst v63  }
0xa3: {  	_ = 	snop  }
0xa4: {  	[tilespmem:s22], [sflag:$0x4] =	stream.linear.gather [hbm4b:s4+s11], $0x2800, $0x38;
	[tilespmem:$0x1E140] =	vst v63  }
0xa5: {  	_ =	swait.ge [sflag:s23], $0x2800  }
0xa6: {  	[sflag:s23] =	ssyncset.done $0x0  }
0xa7: {  	[sflag:s23] =	ssyncadd.s32 $0xFFFFD800  }
0xa8: {  	_ =	swait.ge [sflag:s24], $0x2800  }
0xa9: {  	[sflag:s24] =	ssyncset.done $0x0  }
0xaa: {  	[sflag:s24] =	ssyncadd.s32 $0xFFFFD800  }
0xab: {  	[spmem:s14] =	stream.indirect.scatter.add.f32 [tilespmem:s9], [sflag:$0x5], $0x80, s25, s17, $0xb8;
	[tilespmem:$0x1E140] =	vst v63  }
0xac: {  	_ = 	snop  }
0xad: {  	[spmem:s14] =	stream.indirect.scatter.add.f32 [tilespmem:s19], [sflag:$0x6], $0x80, s25, s17, $0xb8;
	[tilespmem:$0x1E140] =	vst v63  }
0xae: {  	_ =	swait.ge [sflag:s26], $0x2800  }
0xaf: {  	[sflag:s26] =	ssyncset.done $0x0  }
0xb0: {  	[sflag:s26] =	ssyncadd.s32 $0xFFFFD800  }
0xb1: {  	p1 =	seq.s32 s3, $0x4D8;
	_ =	swait.ge [sflag:s28], $0x2800  }
0xb2: {  	s3 =	sadd.s32 @!p1 s3, s15;
	s12 =	simm.s32 @!p1 $0x0;
	[sflag:s28] =	ssyncset.done $0x0  }
0xb3: {  	s7 =	simm.s32 @!p1 $0x14000;
	s3 =	sadd.s32 @!p1 $0x28, s3;
	[sflag:s28] =	ssyncadd.s32 $0xFFFFD800  }
0xb4: {  	[tilespmem:s7], [sflag:$0x7] =	stream.linear.gather @!p1 [hbm4b:s3+s12], $0xA0, $0x38;
	[tilespmem:$0x1E140] =	vst v63  }
0xb5: {  	s8 =	simm.s32 @!p1 $0x7;
	s3 =	smov.u32 s6  }
0xb6: {  	_ =	swait.ge @!p1 [sflag:s8], $0xA0  }
0xb7: {  	s31 =	simm.s32 @!p1 $0x14140;
	s6 =	simm.s32 @!p1 $0x50;
	[sflag:s8] =	ssyncset.done @!p1 $0x0  }
0xb8: {  	[sflag:s8] =	ssyncadd.s32 @!p1 $0xFFFFFF60;
	s8 =	simm.s32 @!p1 $0x16940  }
0xb9: {  	[tilespmem:s31], [sflag:$0x1] =	stream.indirect.gather @!p1 [hbm4b:s16+s6], $0x80, s7, s6, $0xb8;
	[tilespmem:$0x1E140] =	vst v63  }
0xba: {  	_ = 	snop  }
0xbb: {  	[tilespmem:s8], [sflag:$0x2] =	stream.linear.gather @!p1 [hbm4b:s2+s12], $0x2800, $0x38;
	[tilespmem:$0x1E140] =	vst v63  }
0xbc: {  	_ =	swait.ge [sflag:s29], $0x2800  }
0xbd: {  	[sflag:s29] =	ssyncset.done $0x0  }
0xbe: {  	[sflag:s29] =	ssyncadd.s32 $0xFFFFD800  }
0xbf: {  	_ =	swait.ge [sflag:s30], $0x2800  }
0xc0: {  	[sflag:s30] =	ssyncset.done $0x0  }
0xc1: {  	[sflag:s30] =	ssyncadd.s32 $0xFFFFD800  }
0xc2: {  	[spmem:s14] =	stream.indirect.scatter.add.f32 [tilespmem:s21], [sflag:$0x5], $0x80, s0, s17, $0xb8;
	[tilespmem:$0x1E140] =	vst v63  }
0xc3: {  	_ = 	snop  }
0xc4: {  	[spmem:s14] =	stream.indirect.scatter.add.f32 [tilespmem:s22], [sflag:$0x6], $0x80, s0, s17, $0xb8;
	[tilespmem:$0x1E140] =	vst v63  }
.Ltmp0:
0xc5: {  	_ = 	snop;
	(pc) =	sbr.rel @p0 .LBB2_2-.Ltmp0, $4  }
0xc6: {  	_ =	swait.ge [sflag:s26], $0x2800  }
0xc7: {  	[sflag:s26] =	ssyncset.done $0x0  }
0xc8: {  	[sflag:s26] =	ssyncadd.s32 $0xFFFFD800  }
0xc9: {  	s4 =	sadd.s32 $0xA00, s4;
	s2 =	sadd.s32 $0xA00, s2;
	_ =	swait.ge [sflag:s28], $0x2800  }
0xca: {  	s5 =	sadd.s32 s3, s15;
	[sflag:s28] =	ssyncset.done $0x0  }
0xcb: {  	s5 =	sadd.s32 $0x14, s5;
	[sflag:s28] =	ssyncadd.s32 $0xFFFFD800  }
0xcc: {  	[tilespmem:s20], [sflag:$0x7] =	stream.linear.gather [hbm4b:s5+s11], $0xA0, $0x38;
	[tilespmem:$0x1E140] =	vst v63  }
0xcd: {  	_ =	swait.ge [sflag:s10], $0xA0  }
0xce: {  	[sflag:s10] =	ssyncset.done $0x0  }
0xcf: {  	[sflag:s10] =	ssyncadd.s32 $0xFFFFFF60  }
0xd0: {  	[tilespmem:s21], [sflag:$0x3] =	stream.indirect.gather [hbm4b:s16+s17], $0x80, s20, s17, $0xb8;
	[tilespmem:$0x1E140] =	vst v63  }
0xd1: {  	_ = 	snop  }
0xd2: {  	[tilespmem:s22], [sflag:$0x4] =	stream.linear.gather [hbm4b:s4+s11], $0x2800, $0x38;
	[tilespmem:$0x1E140] =	vst v63  }
0xd3: {  	_ =	swait.ge [sflag:s23], $0x2800  }
0xd4: {  	[sflag:s23] =	ssyncset.done $0x0  }
0xd5: {  	[sflag:s23] =	ssyncadd.s32 $0xFFFFD800  }
0xd6: {  	_ =	swait.ge [sflag:s24], $0x2800  }
0xd7: {  	[sflag:s24] =	ssyncset.done $0x0  }
0xd8: {  	[sflag:s24] =	ssyncadd.s32 $0xFFFFD800  }
0xd9: {  	[spmem:s14] =	stream.indirect.scatter.add.f32 [tilespmem:s9], [sflag:$0x5], $0x80, s25, s17, $0xb8;
	[tilespmem:$0x1E140] =	vst v63  }
0xda: {  	_ = 	snop  }
0xdb: {  	[spmem:s14] =	stream.indirect.scatter.add.f32 [tilespmem:s19], [sflag:$0x6], $0x80, s25, s17, $0xb8;
	[tilespmem:$0x1E140] =	vst v63  }
0xdc: {  	_ =	swait.ge [sflag:s26], $0x2800  }
0xdd: {  	[sflag:s26] =	ssyncset.done $0x0  }
0xde: {  	p0 =	seq.s32 s3, $0x4D8;
	[sflag:s26] =	ssyncadd.s32 $0xFFFFD800  }
0xdf: {  	s3 =	sadd.s32 @!p0 s3, s15;
	_ =	swait.ge [sflag:s28], $0x2800  }
0xe0: {  	s3 =	sadd.s32 @!p0 $0x28, s3;
	[sflag:s28] =	ssyncset.done $0x0  }
0xe1: {  	s5 =	simm.s32 @!p0 $0x14000;
	s4 =	simm.s32 @!p0 $0x0;
	[sflag:s28] =	ssyncadd.s32 $0xFFFFD800  }
0xe2: {  	[tilespmem:s5], [sflag:$0x7] =	stream.linear.gather @!p0 [hbm4b:s3+s4], $0xA0, $0x38;
	[tilespmem:$0x1E140] =	vst v63  }
0xe3: {  	s3 =	simm.s32 @!p0 $0x7  }
0xe4: {  	_ =	swait.ge @!p0 [sflag:s3], $0xA0  }
0xe5: {  	[sflag:s3] =	ssyncset.done @!p0 $0x0  }
0xe6: {  	s6 =	simm.s32 @!p0 $0x50;
	[sflag:s3] =	ssyncadd.s32 @!p0 $0xFFFFFF60;
	s3 =	simm.s32 @!p0 $0x14140  }
0xe7: {  	[tilespmem:s3], [sflag:$0x1] =	stream.indirect.gather @!p0 [hbm4b:s16+s6], $0x80, s5, s6, $0xb8;
	[tilespmem:$0x1E140] =	vst v63  }
0xe8: {  	s3 =	simm.s32 @!p0 $0x16940  }
0xe9: {  	[tilespmem:s3], [sflag:$0x2] =	stream.linear.gather @!p0 [hbm4b:s2+s4], $0x2800, $0x38;
	[tilespmem:$0x1E140] =	vst v63  }
0xea: {  	_ =	swait.ge [sflag:s29], $0x2800  }
0xeb: {  	[sflag:s29] =	ssyncset.done $0x0  }
0xec: {  	[sflag:s29] =	ssyncadd.s32 $0xFFFFD800  }
0xed: {  	_ =	swait.ge [sflag:s30], $0x2800  }
0xee: {  	[sflag:s30] =	ssyncset.done $0x0  }
0xef: {  	[sflag:s30] =	ssyncadd.s32 $0xFFFFD800  }
0xf0: {  	[spmem:s14] =	stream.indirect.scatter.add.f32 [tilespmem:s21], [sflag:$0x5], $0x80, s0, s17, $0xb8;
	[tilespmem:$0x1E140] =	vst v63  }
0xf1: {  	_ = 	snop  }
0xf2: {  	[spmem:s14] =	stream.indirect.scatter.add.f32 [tilespmem:s22], [sflag:$0x6], $0x80, s0, s17, $0xb8;
	[tilespmem:$0x1E140] =	vst v63  }
0xf3: {  	_ =	swait.ge [sflag:s26], $0x2800  }
0xf4: {  	[sflag:s26] =	ssyncset.done $0x0  }
0xf5: {  	[sflag:s26] =	ssyncadd.s32 $0xFFFFD800  }
0xf6: {  	_ =	swait.ge [sflag:s28], $0x2800  }
0xf7: {  	[sflag:s28] =	ssyncset.done $0x0  }
0xf8: {  	[sflag:s28] =	ssyncadd.s32 $0xFFFFD800  }
0xf9: {  	[bflag:$0x0] =	sbarrier.arrive $0xFFFF  }
0xfa: {  	[tilespmem:s9], [sflag:$0x7] =	stream.linear.gather [spmem:s18], $0x2000, $0x38;
	[tilespmem:$0x1E140] =	vst v63  }
0xfb: {  	_ =	swait.ge [sflag:s10], $0x2000  }
0xfc: {  	[sflag:s10] =	ssyncset.done $0x0  }
0xfd: {  	s7 =	rddreg [dreg:$0x3];
	[sflag:s10] =	ssyncadd.s32 $0xFFFFE000  }
0xfe: {  	[hbm4b:s7+s11] =	stream.linear.scatter [tilespmem:s9], [sflag:$0x7], $0x2000, $0x38;
	[tilespmem:$0x1E140] =	vst v63  }
0xff: {  	_ =	swait.ge [sflag:s10], $0x2000  }
0x100: {  	[sflag:s10] =	ssyncset.done $0x0  }
0x101: {  	s8 =	rddreg [dreg:$0x10];
	[sflag:s10] =	ssyncadd.s32 $0xFFFFE000  }
0x102: {  	[tilespmem:s9], [sflag:$0x7] =	stream.linear.gather [spmem:s8], $0x2000, $0x38;
	[tilespmem:$0x1E140] =	vst v63  }
0x103: {  	_ =	swait.ge [sflag:s10], $0x2000  }
0x104: {  	[sflag:s10] =	ssyncset.done $0x0  }
0x105: {  	s12 =	rddreg [dreg:$0x4];
	[sflag:s10] =	ssyncadd.s32 $0xFFFFE000  }
0x106: {  	[hbm4b:s12+s11] =	stream.linear.scatter [tilespmem:s9], [sflag:$0x7], $0x2000, $0x38;
	[tilespmem:$0x1E140] =	vst v63  }
0x107: {  	_ =	swait.ge [sflag:s10], $0x2000  }
0x108: {  	[sflag:s10] =	ssyncset.done $0x0  }
0x109: {  	s31 =	rddreg [dreg:$0x11];
	[sflag:s10] =	ssyncadd.s32 $0xFFFFE000  }
0x10a: {  	[tilespmem:s9], [sflag:$0x7] =	stream.linear.gather [spmem:s31], $0x2000, $0x38;
	[tilespmem:$0x1E140] =	vst v63  }
0x10b: {  	_ =	swait.ge [sflag:s10], $0x2000  }
0x10c: {  	[sflag:s10] =	ssyncset.done $0x0  }
0x10d: {  	s3 =	rddreg [dreg:$0x5];
	[sflag:s10] =	ssyncadd.s32 $0xFFFFE000  }
0x10e: {  	[hbm4b:s3+s11] =	stream.linear.scatter [tilespmem:s9], [sflag:$0x7], $0x2000, $0x38;
	[tilespmem:$0x1E140] =	vst v63  }
0x10f: {  	_ =	swait.ge [sflag:s10], $0x2000  }
0x110: {  	[sflag:s10] =	ssyncset.done $0x0  }
0x111: {  	s4 =	rddreg [dreg:$0x12];
	[sflag:s10] =	ssyncadd.s32 $0xFFFFE000  }
0x112: {  	[tilespmem:s9], [sflag:$0x7] =	stream.linear.gather [spmem:s4], $0x2000, $0x38;
	[tilespmem:$0x1E140] =	vst v63  }
0x113: {  	_ =	swait.ge [sflag:s10], $0x2000  }
0x114: {  	[sflag:s10] =	ssyncset.done $0x0  }
0x115: {  	s5 =	rddreg [dreg:$0x6];
	[sflag:s10] =	ssyncadd.s32 $0xFFFFE000  }
0x116: {  	[hbm4b:s5+s11] =	stream.linear.scatter [tilespmem:s9], [sflag:$0x7], $0x2000, $0x38;
	[tilespmem:$0x1E140] =	vst v63  }
0x117: {  	_ =	swait.ge [sflag:s10], $0x2000  }
0x118: {  	[sflag:s10] =	ssyncset.done $0x0  }
0x119: {  	s6 =	rddreg [dreg:$0x13];
	[sflag:s10] =	ssyncadd.s32 $0xFFFFE000  }
0x11a: {  	[tilespmem:s9], [sflag:$0x7] =	stream.linear.gather [spmem:s6], $0x2000, $0x38;
	[tilespmem:$0x1E140] =	vst v63  }
0x11b: {  	_ =	swait.ge [sflag:s10], $0x2000  }
0x11c: {  	[sflag:s10] =	ssyncset.done $0x0  }
0x11d: {  	s7 =	rddreg [dreg:$0x7];
	[sflag:s10] =	ssyncadd.s32 $0xFFFFE000  }
0x11e: {  	[hbm4b:s7+s11] =	stream.linear.scatter [tilespmem:s9], [sflag:$0x7], $0x2000, $0x38;
	[tilespmem:$0x1E140] =	vst v63  }
0x11f: {  	_ =	swait.ge [sflag:s10], $0x2000  }
0x120: {  	[sflag:s10] =	ssyncset.done $0x0  }
0x121: {  	s8 =	rddreg [dreg:$0x14];
	[sflag:s10] =	ssyncadd.s32 $0xFFFFE000  }
0x122: {  	[tilespmem:s9], [sflag:$0x7] =	stream.linear.gather [spmem:s8], $0x2000, $0x38;
	[tilespmem:$0x1E140] =	vst v63  }
0x123: {  	_ =	swait.ge [sflag:s10], $0x2000  }
0x124: {  	[sflag:s10] =	ssyncset.done $0x0  }
0x125: {  	s12 =	rddreg [dreg:$0x8];
	[sflag:s10] =	ssyncadd.s32 $0xFFFFE000  }
0x126: {  	[hbm4b:s12+s11] =	stream.linear.scatter [tilespmem:s9], [sflag:$0x7], $0x2000, $0x38;
	[tilespmem:$0x1E140] =	vst v63  }
0x127: {  	_ =	swait.ge [sflag:s10], $0x2000  }
0x128: {  	[sflag:s10] =	ssyncset.done $0x0  }
0x129: {  	s31 =	rddreg [dreg:$0x15];
	[sflag:s10] =	ssyncadd.s32 $0xFFFFE000  }
0x12a: {  	[tilespmem:s9], [sflag:$0x7] =	stream.linear.gather [spmem:s31], $0x2000, $0x38;
	[tilespmem:$0x1E140] =	vst v63  }
0x12b: {  	_ =	swait.ge [sflag:s10], $0x2000  }
0x12c: {  	[sflag:s10] =	ssyncset.done $0x0  }
0x12d: {  	s3 =	rddreg [dreg:$0x9];
	[sflag:s10] =	ssyncadd.s32 $0xFFFFE000  }
0x12e: {  	[hbm4b:s3+s11] =	stream.linear.scatter [tilespmem:s9], [sflag:$0x7], $0x2000, $0x38;
	[tilespmem:$0x1E140] =	vst v63  }
0x12f: {  	_ =	swait.ge [sflag:s10], $0x2000  }
0x130: {  	[sflag:s10] =	ssyncset.done $0x0  }
0x131: {  	s4 =	rddreg [dreg:$0x16];
	[sflag:s10] =	ssyncadd.s32 $0xFFFFE000  }
0x132: {  	[tilespmem:s9], [sflag:$0x7] =	stream.linear.gather [spmem:s4], $0x2000, $0x38;
	[tilespmem:$0x1E140] =	vst v63  }
0x133: {  	_ =	swait.ge [sflag:s10], $0x2000  }
0x134: {  	[sflag:s10] =	ssyncset.done $0x0  }
0x135: {  	s5 =	rddreg [dreg:$0xa];
	[sflag:s10] =	ssyncadd.s32 $0xFFFFE000  }
0x136: {  	[hbm4b:s5+s11] =	stream.linear.scatter [tilespmem:s9], [sflag:$0x7], $0x2000, $0x38;
	[tilespmem:$0x1E140] =	vst v63  }
0x137: {  	_ =	swait.ge [sflag:s10], $0x2000  }
0x138: {  	[sflag:s10] =	ssyncset.done $0x0  }
0x139: {  	s6 =	rddreg [dreg:$0x17];
	[sflag:s10] =	ssyncadd.s32 $0xFFFFE000  }
0x13a: {  	[tilespmem:s9], [sflag:$0x7] =	stream.linear.gather [spmem:s6], $0x2000, $0x38;
	[tilespmem:$0x1E140] =	vst v63  }
0x13b: {  	_ =	swait.ge [sflag:s10], $0x2000  }
0x13c: {  	[sflag:s10] =	ssyncset.done $0x0  }
0x13d: {  	s7 =	rddreg [dreg:$0xb];
	[sflag:s10] =	ssyncadd.s32 $0xFFFFE000  }
0x13e: {  	[hbm4b:s7+s11] =	stream.linear.scatter [tilespmem:s9], [sflag:$0x7], $0x2000, $0x38;
	[tilespmem:$0x1E140] =	vst v63  }
0x13f: {  	_ =	swait.ge [sflag:s10], $0x2000  }
0x140: {  	[sflag:s10] =	ssyncset.done $0x0  }
0x141: {  	s8 =	rddreg [dreg:$0x18];
	[sflag:s10] =	ssyncadd.s32 $0xFFFFE000  }
0x142: {  	[tilespmem:s9], [sflag:$0x7] =	stream.linear.gather [spmem:s8], $0x2000, $0x38;
	[tilespmem:$0x1E140] =	vst v63  }
0x143: {  	_ =	swait.ge [sflag:s10], $0x2000  }
0x144: {  	[sflag:s10] =	ssyncset.done $0x0  }
0x145: {  	s12 =	rddreg [dreg:$0xc];
	[sflag:s10] =	ssyncadd.s32 $0xFFFFE000  }
0x146: {  	[hbm4b:s12+s11] =	stream.linear.scatter [tilespmem:s9], [sflag:$0x7], $0x2000, $0x38;
	[tilespmem:$0x1E140] =	vst v63  }
0x147: {  	_ =	swait.ge [sflag:s10], $0x2000  }
0x148: {  	s1 =	sadd.s32 $0x1, s1;
	s31 =	rddreg [dreg:$0xf]  }
0x149: {  	p0 =	sne.s32 s1, s31  }
.Ltmp1:
0x14a: {  	_ = 	snop;
	(pc) =	sbr.rel @p0 .LBB2_1-.Ltmp1, $3  }
0x14b: {  	_ =	sdelay $0x1  }
0x14c: {  	[sflag:s10] =	ssyncset.done $0x0  }
0x14d: {  	[sflag:s10] =	ssyncadd.s32 $0xFFFFE000  }
0x14e: {  	_ =	sfence.sel $0x180000  }
0x14f: {  	[bflag:$0x0] =	sbarrier.arrive $0xFFFF  }
0x150: {  	_ =	strace $0x90000050  }
0x151: {  	s0 =	stileid.u32;
	[bflag:$0x2] =	sbarrier.arrive $0xFFFF  }
0x152: {  	p0 =	sne.s32 s0, $0x0;
	s0 =	rddreg [dreg:$0x2]  }
0x153: {  	s0 =	sadd.s32 @!p0 $0x100000, s0  }
0x154: {  	[sflag:s0] =	ssyncadd.tile.s32 @!p0 $0x1;
	_ =	shalt  }
.Lfunc_end2:
_tile_overlayer_lowered:
.L_overlay_start_2:
0x155: {  	(tag) =	ssettag $0x2  }
0x156: {  	s0 =	rddreg [dreg:$0x0];
	s2 =	stileid.u32  }
0x157: {  	s1 =	rddreg [dreg:$0x1];
	p0 =	sne.s32 s2, $0x0  }
0x158: {  	s3 =	rddreg [dreg:$0x2];
	[bflag:$0x3] =	sbarrier.arrive $0xFFFF;
	s2 =	simm.s32 @!p0 $0x1C07  }
0x159: {  	[timem:s3], [sflag:s2] =	dma.local @!p0 [hbm:s0], s1  }
0x15a: {  	s0 =	simm.s32 @!p0 $0x7  }
0x15b: {  	_ =	swait.ge @!p0 [sflag:s0], s1  }
0x15c: {  	s1 =	ssub.s32 @!p0 $0x0, s1;
	[sflag:s0] =	ssyncset.done @!p0 $0x0  }
0x15d: {  	[sflag:s0] =	ssyncadd.s32 @!p0 s1  }
0x15e: {  	[bflag:$0x3] =	sbarrier.arrive $0xFFFF  }
0x15f: {  	_ =	shalt  }

// kernel: kernel.26.cloned.1.call-start
scs
__scs_entry_jumppad:
0x0: {  	(pc) =	sbr.rel $0x88, $3  }
0x1: {  	(tag) =	ssettag $0x0;
	lr =	simm.s32 $0x1  }
0x2: {  	[smem:$0x3F97] =	sst lr;
	_ =	strace $0xD0000000  }
0x3: {  	_ = 	snop  }
0x4: {  	_ = 	snop  }
0x5: {  	_ = 	snop  }
0x6: {  	_ = 	snop  }
0x7: {  	_ = 	snop  }
__scs_overlays_trampoline_lowered:
0x8: {  	[smem:$0x3FA6] =	sst s0  }
0x9: {  	[smem:$0x3FA7] =	sst s1  }
0xa: {  	[smem:$0x3FA8] =	sst s2  }
0xb: {  	[smem:$0x3FA9] =	sst s3  }
0xc: {  	[smem:$0x3FAA] =	sst s4  }
0xd: {  	[smem:$0x3FAB] =	sst s5  }
0xe: {  	[smem:$0x3FAC] =	sst s6  }
0xf: {  	[smem:$0x3FAD] =	sst s7  }
0x10: {  	[smem:$0x3FAE] =	sst s8  }
0x11: {  	[smem:$0x3FAF] =	sst s9;
	s0 =	simm.s32 @!p0 $0x0  }
0x12: {  	s1 =	sld [smem:$0x3F95];
	s0 =	simm.s32 @p0 $0x1  }
0x13: {  	[smem:$0x3FB0] =	sst s0;
	s0 =	simm.s32 @!p1 $0x0  }
0x14: {  	s2 =	sld [smem:$0x3F94];
	s0 =	simm.s32 @p1 $0x1  }
0x15: {  	[smem:$0x3FB1] =	sst s0;
	s0 =	simm.s32 @!p2 $0x0  }
0x16: {  	s3 =	sld [smem:$0x3FDB];
	s0 =	simm.s32 @p2 $0x1  }
0x17: {  	s4 =	simm.s32 $0x1BF5;
	[smem:$0x3FB3] =	sst s0  }
0x18: {  	s0 =	sld [smem:$0x3F96];
	_ =	swait.ge [sflag:s4], $0x0  }
0x19: {  	s7 =	sld [smem:$0x3F97]  }
0x1a: {  	s8 =	sadd.s32 $0xFFFFE003, lr  }
0x1b: {  	s9 =	sadd.s32 $0xFFFFFEF7, lr;
	s5 =	simm.s32 $0xFFFFFFFF;
	p2 =	slt.u32 s8, $0xFFFFF086  }
0x1c: {  	p1 =	slt.u32 s9, $0xF7A;
	s5 =	simm.s32 @!p2 $0x0  }
0x1d: {  	s5 =	simm.s32 @p1 $0x1;
	p0 =	seq.s32 s7, s2  }
0x1e: {  	s7 =	smul.u32 @!p0 $0xF7A, s2;
	p2 =	seq.s32 @!p0 s5, $0x0  }
0x1f: {  	s9 =	smul.u32 $0xF7A, s1;
	s8 =	simm.s32 @!p0 $0x1BF5;
	p2 =	por !p2, p0  }
0x20: {  	[sflag:s8] =	ssyncset.s32 @!p0 $0xFFFFF086;
	s6 =	sadd.s32 @!p0 s3, s7;
	s7 =	simm.s32 @!p0 $0x108  }
0x21: {  	s3 =	sadd.s32 s3, s9;
	s6 =	sadd.s32 @!p0 $0x88, s6;
	s7 =	simm.s32 @p2 $0x1082  }
0x22: {  	[simem:s7], [sflag:s8] =	dma.local @!p0 [hbm:s6], $0xF7A  }
0x23: {  	s9 =	sor.u32 $0xD0000000, s2;
	s6 =	simm.s32 $0x108;
	_ =	swait.ge @!p0 [sflag:s8], $0x0  }
0x24: {  	s3 =	sadd.s32 $0x88, s3;
	s6 =	simm.s32 @!p1 $0x1082;
	[sflag:s4] =	ssyncset.s32 $0xFFFFF086  }
0x25: {  	[simem:s6], [sflag:s4] =	dma.local [hbm:s3], $0xF7A  }
0x26: {  	[smem:$0x3F97] =	sst s1;
	(tag) =	ssettag s2;
	_ =	strace s9  }
0x27: {  	s1 =	sld [smem:$0x3FA7]  }
0x28: {  	s2 =	sld [smem:$0x3FA8]  }
0x29: {  	s4 =	sld [smem:$0x3FAA]  }
0x2a: {  	p0 =	seq.s32 s5, $0x0;
	s5 =	sld [smem:$0x3FAB]  }
0x2b: {  	s6 =	sld [smem:$0x3FAC]  }
0x2c: {  	s7 =	sld [smem:$0x3FAD]  }
0x2d: {  	s3 =	simm.s32 $0x108;
	s8 =	sld [smem:$0x3FAE]  }
0x2e: {  	s3 =	simm.s32 @!p0 $0x1082;
	s9 =	sld [smem:$0x3FAF]  }
0x2f: {  	lr =	sadd.s32 s0, s3;
	s0 =	sld [smem:$0x3FA6]  }
0x30: {  	s3 =	sld [smem:$0x3FA9]  }
0x31: {  	[smem:$0x3FB2] =	sst s10  }
0x32: {  	s10 =	sld [smem:$0x3FB0];
	_ =	sdelay $0x3  }
0x33: {  	p0 =	seq.s32 s10, $0x1;
	s10 =	sld [smem:$0x3FB2];
	_ =	sdelay $0x3  }
0x34: {  	[smem:$0x3FB2] =	sst s10  }
0x35: {  	s10 =	sld [smem:$0x3FB1];
	_ =	sdelay $0x3  }
0x36: {  	p1 =	seq.s32 s10, $0x1;
	s10 =	sld [smem:$0x3FB2];
	_ =	sdelay $0x3  }
0x37: {  	[smem:$0x3FB2] =	sst s10  }
0x38: {  	s10 =	sld [smem:$0x3FB3]  }
0x39: {  	_ = 	snop;
	(pc) =	sbr.ind lr, $3  }
0x3a: {  	_ = 	snop  }
0x3b: {  	_ = 	snop  }
0x3c: {  	p2 =	seq.s32 s10, $0x1;
	s10 =	sld [smem:$0x3FB2]  }
0x3d: {  	_ =	shalt  }
0x3e: {  	_ =	shalt  }
0x3f: {  	_ =	shalt  }
0x40: {  	_ =	shalt  }
0x41: {  	_ =	shalt  }
0x42: {  	_ =	shalt  }
0x43: {  	_ =	shalt  }
0x44: {  	_ =	shalt  }
0x45: {  	_ =	shalt  }
0x46: {  	_ =	shalt  }
0x47: {  	_ =	shalt  }
0x48: {  	_ =	shalt  }
0x49: {  	_ =	shalt  }
0x4a: {  	_ =	shalt  }
0x4b: {  	_ =	shalt  }
0x4c: {  	_ =	shalt  }
0x4d: {  	_ =	shalt  }
0x4e: {  	_ =	shalt  }
0x4f: {  	_ =	shalt  }
0x50: {  	_ =	shalt  }
0x51: {  	_ =	shalt  }
0x52: {  	_ =	shalt  }
0x53: {  	_ =	shalt  }
0x54: {  	_ =	shalt  }
0x55: {  	_ =	shalt  }
0x56: {  	_ =	shalt  }
0x57: {  	_ =	shalt  }
0x58: {  	_ =	shalt  }
0x59: {  	_ =	shalt  }
0x5a: {  	_ =	shalt  }
0x5b: {  	_ =	shalt  }
0x5c: {  	_ =	shalt  }
0x5d: {  	_ =	shalt  }
0x5e: {  	_ =	shalt  }
0x5f: {  	_ =	shalt  }
0x60: {  	_ =	shalt  }
0x61: {  	_ =	shalt  }
0x62: {  	_ =	shalt  }
0x63: {  	_ =	shalt  }
0x64: {  	_ =	shalt  }
0x65: {  	_ =	shalt  }
0x66: {  	_ =	shalt  }
0x67: {  	_ =	shalt  }
0x68: {  	_ =	shalt  }
0x69: {  	_ =	shalt  }
0x6a: {  	_ =	shalt  }
0x6b: {  	_ =	shalt  }
0x6c: {  	_ =	shalt  }
0x6d: {  	_ =	shalt  }
0x6e: {  	_ =	shalt  }
0x6f: {  	_ =	shalt  }
0x70: {  	_ =	shalt  }
0x71: {  	_ =	shalt  }
0x72: {  	_ =	shalt  }
0x73: {  	_ =	shalt  }
0x74: {  	_ =	shalt  }
0x75: {  	_ =	shalt  }
0x76: {  	_ =	shalt  }
0x77: {  	_ =	shalt  }
0x78: {  	_ =	shalt  }
0x79: {  	_ =	shalt  }
0x7a: {  	_ =	shalt  }
0x7b: {  	_ =	shalt  }
0x7c: {  	_ =	shalt  }
0x7d: {  	_ =	shalt  }
0x7e: {  	_ =	shalt  }
0x7f: {  	_ =	shalt  }
0x80: {  	_ =	shalt  }
0x81: {  	_ =	shalt  }
0x82: {  	_ =	shalt  }
0x83: {  	_ =	shalt  }
0x84: {  	_ =	shalt  }
0x85: {  	_ =	shalt  }
0x86: {  	_ =	shalt  }
0x87: {  	_ =	shalt  }
.Lfunc_end0:
.L_simem_size_0:
called_computation.4_lowered:
.L_overlay_start_0:
0x88: {  	s2 =	sld [smem:$0x3FD9]  }
0x89: {  	s3 =	sld [smem:$0x3FFE];
	_ =	sdelay $0x1  }
0x8a: {  	s1 =	srdreg.scid  }
0x8b: {  	s0 =	sand.u32 $0x1, s1  }
0x8c: {  	s17 =	sshll.u32 s0, $0xA;
	s2 =	sadd.s32 s3, s2  }
0x8d: {  	s2 =	sadd.s32 s2, s17  }
0x8e: {  	[smem:$0x3FBE] =	sst s2  }
0x8f: {  	_ = 	snop  }
0x90: {  	s2 =	sld [smem:$0x3FD0];
	(tm) =	ssettm $0x1  }
0x91: {  	s18 =	sld [smem:$0x3FFB];
	_ =	sdelay $0x3  }
0x92: {  	_ =	strace s18  }
0x93: {  	s3 =	sld [smem:$0x3FFC];
	_ =	sdelay $0x3  }
0x94: {  	_ =	strace s3  }
0x95: {  	s3 =	sld [smem:$0x3FFD];
	_ =	sdelay $0x3  }
0x96: {  	_ =	strace s3  }
0x97: {  	_ =	strace $0x8FFFFFFF  }
0x98: {  	s19 =	sld [smem:$0x3FDB];
	_ =	sdelay $0x1  }
0x99: {  	s4 =	simm.s32 $_scs_section_size  }
0x9a: {  	s5 =	simm.s32 $_size__tile_overlayer_lowered;
	s6 =	simm.s32 $_tile_overlayer_lowered  }
0x9b: {  	s22 =	simm.s32 $0x1BFF;
	s21 =	sshll.u32 s6, $0x1;
	s3 =	sadd.s32 s4, s19  }
0x9c: {  	s7 =	simm.s32 $0x0;
	s20 =	sshll.u32 s5, $0x1;
	s5 =	sadd.s32 s21, s3  }
0x9d: {  	[timem:s7], [sflag:s22] =	dma.local [hbm:s5], s20  }
0x9e: {  	_ =	swait.ge [sflag:s22], s20  }
0x9f: {  	s4 =	ssub.s32 $0x0, s20;
	[sflag:s22] =	ssyncset.done $0x0  }
0xa0: {  	[sflag:s22] =	ssyncadd.s32 s4;
	_ =	sdelay $0x1  }
0xa1: {  	s23 =	simm.s32 $0x1B8B  }
0xa2: {  	_ =	swait.ge [sflag:s23], $0x1  }
0xa3: {  	[sflag:s23] =	ssyncset.done $0x0  }
0xa4: {  	s25 =	simm.s32 $0x1B8E;
	s24 =	sld [smem:$0x3FFE];
	[sflag:s23] =	ssyncadd.s32 $0xFFFFFFFF  }
0xa5: {  	s26 =	simm.s32 $execute0_lowered;
	[smem:$0x3FD2] =	sst s25  }
0xa6: {  	s5 =	sshll.u32 s26, $0x1;
	_ =	strace $0x80000052;
	[dreg:$0x1] =	wrdreg $0xFFFFFFFF  }
0xa7: {  	s28 =	simm.s32 $_size_execute0_lowered;
	s3 =	sadd.s32 s3, s5;
	[dreg:$0x0] =	wrdreg $0x0  }
0xa8: {  	s5 =	sshll.u32 s28, $0x1;
	[dreg:$0x2] =	wrdreg s3  }
0xa9: {  	[dreg:$0x3] =	wrdreg s5  }
0xaa: {  	[dreg:$0x4] =	wrdreg $0xC0  }
0xab: {  	_ =	task [dreg:s7], $0x5FFFF  }
0xac: {  	[dreg:$0x1] =	wrdreg $0xFFFFFFFF  }
0xad: {  	[dreg:$0x0] =	wrdreg $0x60  }
0xae: {  	[dreg:$0x2] =	wrdreg s2  }
0xaf: {  	[dreg:$0x3] =	wrdreg s24  }
0xb0: {  	[dreg:$0x4] =	wrdreg $0x0  }
0xb1: {  	[dreg:$0x5] =	wrdreg $0x9  }
0xb2: {  	_ =	task.clear_ibuf [dreg:s7], $0x6FFFF;
	_ =	strace $0x90000052  }
0xb3: {  	s29 =	simm.s32 $0x9;
	_ =	strace $0x80000054  }
0xb4: {  	_ =	swait.ge [sflag:s29], $0x1  }
0xb5: {  	[sflag:s29] =	ssyncadd.s32 $0xFFFFFFFF  }
0xb6: {  	_ =	strace $0x90000054  }
0xb7: {  	_ =	sfence  }
0xb8: {  	s30 =	sld [smem:$0x0];
	_ =	sdelay $0x2  }
0xb9: {  	s31 =	sshll.u32 s1, $0xD;
	s1 =	sshrl.u32 s1, $0x2  }
0xba: {  	s3 =	sand.u32 $0x4000, s31;
	s1 =	sadd.s32 s1, s30  }
0xbb: {  	s0 =	sor.u32 s3, s0;
	s1 =	sshll.u32 s1, $0x11  }
0xbc: {  	s0 =	sor.u32 s1, s0  }
0xbd: {  	s0 =	sadd.s32 $0x8F2B, s0  }
0xbe: {  	[sflag:s0] =	ssyncadd.remote.s32 $0x1  }
0xbf: {  	_ =	sfence.sel $0xFFFF  }
0xc0: {  	[dreg:$0x0] =	wrdreg $0xFFFFFFFF;
	(pc) =	sbr.abs _section_cstart, $3  }
0xc1: {  	[dreg:$0x1] =	wrdreg $0xFFFFFFFF  }
0xc2: {  	_ =	task.clear_ibuf [dreg:s7], $0x2FFFF;
	_ =	strace $0x9FFFFFFF  }
0xc3: {  	(tm) =	ssettm $0x7FFFFFFF  }
tec
execute0_lowered:
.L_overlay_start_1:
0x0: {  	(tag) =	ssettag $0x1  }
0x1: {  	s16 =	stileid.u32  }
0x2: {  	s0 =	srdreg.scid;
	s2 =	smul.u32 $0x14A0, s16  }
0x3: {  	s1 =	sand.u32 $0x1, s0;
	s4 =	smul.u32 $0x280, s16  }
0x4: {  	s28 =	simm.s32 $0x6;
	s0 =	rddreg [dreg:$0x1];
	s3 =	smul.u32 $0x14A00, s1  }
0x5: {  	s5 =	smul.u32 $0x2800, s1;
	s18 =	sadd.s32 $0x46E800, s0;
	s6 =	ssub.s32 $0x2, s1  }
0x6: {  	s7 =	sshll.u32 s1, $0x4;
	s1 =	smul.u32 $0x5280, s1;
	s9 =	sshrl.u32 s6, $0x1  }
0x7: {  	s7 =	sor.u32 s16, s7;
	s10 =	sadd.s32 $0xC0, s4;
	s17 =	sadd.s32 $0x180, s4  }
0x8: {  	s19 =	sadd.s32 $0x1C0, s4;
	s2 =	sadd.s32 s2, s3;
	s8 =	sadd.s32 s5, s4  }
0x9: {  	s6 =	ssub.s32 s6, s9;
	s7 =	smul.u32 $0x528, s7;
	s9 =	sadd.s32 $0x80, s4  }
0xa: {  	s13 =	sadd.s32 s5, s10;
	s15 =	sadd.s32 s5, s17;
	s25 =	sadd.s32 s5, s19  }
0xb: {  	s8 =	sshll.u32 s8, $0x4;
	s12 =	sadd.s32 s5, s9;
	s13 =	sshll.u32 s13, $0x4  }
0xc: {  	s15 =	sshll.u32 s15, $0x4;
	s8 =	sadd.s32 s18, s8;
	s12 =	sshll.u32 s12, $0x4  }
0xd: {  	s21 =	sadd.s32 s18, s13;
	s13 =	sadd.s32 $0x140, s4;
	[dreg:$0x4] =	wrdreg s8  }
0xe: {  	s24 =	sadd.s32 s18, s15;
	s8 =	sor.u32 $0x40, s4;
	[dreg:$0x7] =	wrdreg s21  }
0xf: {  	s20 =	sadd.s32 s18, s12;
	s12 =	sadd.s32 $0x100, s4;
	[dreg:$0xa] =	wrdreg s24  }
0x10: {  	s14 =	sadd.s32 s5, s13;
	s11 =	sadd.s32 s5, s8;
	[dreg:$0x6] =	wrdreg s20  }
0x11: {  	s22 =	sadd.s32 s5, s12;
	s14 =	sshll.u32 s14, $0x4;
	s20 =	sadd.s32 $0x200, s4  }
0x12: {  	s4 =	sadd.s32 $0x240, s4;
	s11 =	sshll.u32 s11, $0x4;
	s23 =	sadd.s32 s18, s14  }
0x13: {  	s26 =	sadd.s32 s5, s20;
	s11 =	sadd.s32 s18, s11;
	[dreg:$0x9] =	wrdreg s23  }
0x14: {  	s5 =	sadd.s32 s5, s4;
	s14 =	sshll.u32 s26, $0x4;
	[dreg:$0x5] =	wrdreg s11  }
0x15: {  	s5 =	sshll.u32 s5, $0x4;
	s31 =	sadd.s32 s18, s14;
	s14 =	rddreg [dreg:$0x0]  }
0x16: {  	s11 =	sshll.u32 s22, $0x4;
	s3 =	sadd.s32 s18, s5;
	[dreg:$0xc] =	wrdreg s31  }
0x17: {  	s21 =	smul.u32 $0x50000, s16;
	s11 =	sadd.s32 s18, s11;
	[dreg:$0xd] =	wrdreg s3  }
0x18: {  	s15 =	sadd.s32 s14, s7;
	s1 =	sadd.s32 s1, s14;
	s14 =	rddreg [dreg:$0x2]  }
0x19: {  	s24 =	smax.u32 s6, $0x1;
	[dreg:$0x8] =	wrdreg s11;
	s11 =	sshll.u32 s25, $0x4  }
0x1a: {  	s26 =	sshll.u32 s9, $0x7;
	[dreg:$0xe] =	wrdreg s15;
	s11 =	sadd.s32 s18, s11  }
0x1b: {  	s18 =	smul.u32 $0x528, s16;
	[dreg:$0xb] =	wrdreg s11;
	s11 =	simm.s32 $0x0  }
0x1c: {  	s22 =	sshll.u32 s2, $0x4;
	s16 =	sadd.s32 $0x4E00, s0;
	[smem:$0x7FF] =	sst s11  }
0x1d: {  	s15 =	sadd.s32 s18, s1;
	s1 =	sadd.s32 s22, s0;
	s0 =	sadd.s32 $0x11B000, s0  }
0x1e: {  	s9 =	sshll.u32 s20, $0x7;
	_ =	strace $0x80000053;
	[dreg:$0xf] =	wrdreg s0  }
0x1f: {  	s5 =	sshll.u32 s13, $0x7;
	s31 =	sadd.s32 s26, s14;
	[dreg:$0x10] =	wrdreg s24  }
0x20: {  	s2 =	sshll.u32 s10, $0x7;
	s6 =	sadd.s32 s5, s14;
	[dreg:$0x12] =	wrdreg s31  }
0x21: {  	s25 =	sshll.u32 s8, $0x7;
	s10 =	sadd.s32 s9, s14;
	[dreg:$0x15] =	wrdreg s6  }
0x22: {  	s23 =	sshrl.u32 s21, $0x2;
	s0 =	sadd.s32 s25, s14;
	[dreg:$0x18] =	wrdreg s10  }
0x23: {  	s7 =	sshll.u32 s17, $0x7;
	s13 =	sadd.s32 $0x1DA800, s1;
	[dreg:$0x11] =	wrdreg s0  }
0x24: {  	s18 =	sadd.s32 s23, s14;
	s17 =	sadd.s32 $0x1DAD00, s1;
	[dreg:$0x1a] =	wrdreg s13  }
0x25: {  	s8 =	sshll.u32 s19, $0x7;
	s19 =	sadd.s32 $0x2000, s18;
	[dreg:$0x1b] =	wrdreg s17  }
0x26: {  	s29 =	simm.s32 $0x3;
	s20 =	sadd.s32 $0x4000, s18;
	[dreg:$0x1c] =	wrdreg s19  }
0x27: {  	s30 =	simm.s32 $0x4;
	s21 =	sadd.s32 $0x6000, s18;
	[dreg:$0x1d] =	wrdreg s20  }
0x28: {  	s3 =	sshll.u32 s12, $0x7;
	s22 =	sadd.s32 $0x8000, s18;
	[dreg:$0x1e] =	wrdreg s21  }
0x29: {  	s12 =	sshll.u32 s4, $0x7;
	s23 =	sadd.s32 $0xA000, s18;
	[dreg:$0x1f] =	wrdreg s22  }
0x2a: {  	s9 =	simm.s32 $0x14140;
	s24 =	sadd.s32 $0xC000, s18;
	[smem:$0x7F9] =	sst s23  }
0x2b: {  	s25 =	sadd.s32 $0xE000, s18;
	s26 =	sadd.s32 $0x10000, s18;
	[smem:$0x7FA] =	sst s24  }
0x2c: {  	s31 =	sadd.s32 $0x12000, s18;
	s10 =	simm.s32 $0x7;
	[smem:$0x7FB] =	sst s25  }
0x2d: {  	s0 =	sadd.s32 s2, s14;
	s13 =	sadd.s32 $0x1DB200, s1;
	[smem:$0x7FC] =	sst s26  }
0x2e: {  	[smem:$0x7FD] =	sst s31;
	s17 =	simm.s32 $0x50;
	s19 =	simm.s32 $0x16940  }
0x2f: {  	s20 =	simm.s32 $0x140A0;
	s21 =	simm.s32 $0x19140;
	s22 =	simm.s32 $0x1B940  }
0x30: {  	s23 =	simm.s32 $0x1;
	[dreg:$0x13] =	wrdreg s0;
	s0 =	sadd.s32 s3, s14  }
0x31: {  	s24 =	simm.s32 $0x2;
	[dreg:$0x14] =	wrdreg s0;
	s0 =	sadd.s32 s7, s14  }
0x32: {  	s25 =	simm.s32 $0x14050;
	[dreg:$0x16] =	wrdreg s0;
	s0 =	sadd.s32 s8, s14  }
0x33: {  	s26 =	simm.s32 $0x5;
	[dreg:$0x17] =	wrdreg s0;
	s0 =	sadd.s32 s12, s14  }
0x34: {  	s1 =	simm.s32 $0x0;
	[dreg:$0x19] =	wrdreg s0;
	s0 =	simm.s32 $0x140F0  }
.LBB2_1:
0x35: {  	s2 =	rddreg [dreg:$0xf]  }
0x36: {  	[tilespmem:s9], [sflag:$0x7] =	stream.linear.gather [hbm4b:s2+s11], $0x2000, $0x38;
	[tilespmem:$0x1E140] =	vst v63  }
0x37: {  	_ =	swait.ge [sflag:s10], $0x2000  }
0x38: {  	[sflag:s10] =	ssyncset.done $0x0  }
0x39: {  	[sflag:s10] =	ssyncadd.s32 $0xFFFFE000  }
0x3a: {  	[spmem:s18] =	stream.linear.scatter [tilespmem:s9], [sflag:$0x7], $0x2000, $0x38;
	[tilespmem:$0x1E140] =	vst v63  }
0x3b: {  	_ =	swait.ge [sflag:s10], $0x2000  }
0x3c: {  	[sflag:s10] =	ssyncset.done $0x0  }
0x3d: {  	s7 =	rddreg [dreg:$0x1c];
	[sflag:s10] =	ssyncadd.s32 $0xFFFFE000  }
0x3e: {  	[spmem:s7] =	stream.linear.scatter [tilespmem:s9], [sflag:$0x7], $0x2000, $0x38;
	[tilespmem:$0x1E140] =	vst v63  }
0x3f: {  	_ =	swait.ge [sflag:s10], $0x2000  }
0x40: {  	[sflag:s10] =	ssyncset.done $0x0  }
0x41: {  	s8 =	rddreg [dreg:$0x1d];
	[sflag:s10] =	ssyncadd.s32 $0xFFFFE000  }
0x42: {  	[spmem:s8] =	stream.linear.scatter [tilespmem:s9], [sflag:$0x7], $0x2000, $0x38;
	[tilespmem:$0x1E140] =	vst v63  }
0x43: {  	_ =	swait.ge [sflag:s10], $0x2000  }
0x44: {  	[sflag:s10] =	ssyncset.done $0x0  }
0x45: {  	s12 =	rddreg [dreg:$0x1e];
	[sflag:s10] =	ssyncadd.s32 $0xFFFFE000  }
0x46: {  	[spmem:s12] =	stream.linear.scatter [tilespmem:s9], [sflag:$0x7], $0x2000, $0x38;
	[tilespmem:$0x1E140] =	vst v63  }
0x47: {  	_ =	swait.ge [sflag:s10], $0x2000  }
0x48: {  	[sflag:s10] =	ssyncset.done $0x0  }
0x49: {  	s31 =	rddreg [dreg:$0x1f];
	[sflag:s10] =	ssyncadd.s32 $0xFFFFE000  }
0x4a: {  	[spmem:s31] =	stream.linear.scatter [tilespmem:s9], [sflag:$0x7], $0x2000, $0x38;
	[tilespmem:$0x1E140] =	vst v63  }
0x4b: {  	_ =	swait.ge [sflag:s10], $0x2000  }
0x4c: {  	s3 =	sld [smem:$0x7F9]  }
0x4d: {  	[sflag:s10] =	ssyncset.done $0x0  }
0x4e: {  	[sflag:s10] =	ssyncadd.s32 $0xFFFFE000  }
0x4f: {  	[spmem:s3] =	stream.linear.scatter [tilespmem:s9], [sflag:$0x7], $0x2000, $0x38;
	[tilespmem:$0x1E140] =	vst v63  }
0x50: {  	_ =	swait.ge [sflag:s10], $0x2000  }
0x51: {  	s4 =	sld [smem:$0x7FA]  }
0x52: {  	[sflag:s10] =	ssyncset.done $0x0  }
0x53: {  	[sflag:s10] =	ssyncadd.s32 $0xFFFFE000  }
0x54: {  	[spmem:s4] =	stream.linear.scatter [tilespmem:s9], [sflag:$0x7], $0x2000, $0x38;
	[tilespmem:$0x1E140] =	vst v63  }
0x55: {  	_ =	swait.ge [sflag:s10], $0x2000  }
0x56: {  	s5 =	sld [smem:$0x7FB]  }
0x57: {  	[sflag:s10] =	ssyncset.done $0x0  }
0x58: {  	[sflag:s10] =	ssyncadd.s32 $0xFFFFE000  }
0x59: {  	[spmem:s5] =	stream.linear.scatter [tilespmem:s9], [sflag:$0x7], $0x2000, $0x38;
	[tilespmem:$0x1E140] =	vst v63  }
0x5a: {  	_ =	swait.ge [sflag:s10], $0x2000  }
0x5b: {  	s6 =	sld [smem:$0x7FC]  }
0x5c: {  	[sflag:s10] =	ssyncset.done $0x0  }
0x5d: {  	[sflag:s10] =	ssyncadd.s32 $0xFFFFE000  }
0x5e: {  	[spmem:s6] =	stream.linear.scatter [tilespmem:s9], [sflag:$0x7], $0x2000, $0x38;
	[tilespmem:$0x1E140] =	vst v63  }
0x5f: {  	_ =	swait.ge [sflag:s10], $0x2000  }
0x60: {  	s7 =	sld [smem:$0x7FD]  }
0x61: {  	[sflag:s10] =	ssyncset.done $0x0  }
0x62: {  	[sflag:s10] =	ssyncadd.s32 $0xFFFFE000  }
0x63: {  	[spmem:s7] =	stream.linear.scatter [tilespmem:s9], [sflag:$0x7], $0x2000, $0x38;
	[tilespmem:$0x1E140] =	vst v63  }
0x64: {  	_ =	swait.ge [sflag:s10], $0x2000  }
0x65: {  	[sflag:s10] =	ssyncset.done $0x0  }
0x66: {  	[sflag:s10] =	ssyncadd.s32 $0xFFFFE000  }
0x67: {  	[bflag:$0x0] =	sbarrier.arrive $0xFFFF  }
0x68: {  	s3 =	simm.s32 $0x14000;
	s8 =	rddreg [dreg:$0xe]  }
0x69: {  	[tilespmem:s3], [sflag:$0x7] =	stream.linear.gather [hbm4b:s8+s11], $0xA0, $0x38;
	[tilespmem:$0x1E140] =	vst v63  }
0x6a: {  	_ =	swait.ge [sflag:s10], $0xA0  }
0x6b: {  	[sflag:s10] =	ssyncset.done $0x0  }
0x6c: {  	[sflag:s10] =	ssyncadd.s32 $0xFFFFFF60  }
0x6d: {  	[tilespmem:s9], [sflag:$0x1] =	stream.indirect.gather [hbm4b:s16+s17], $0x80, s3, s17, $0xb8;
	[tilespmem:$0x1E140] =	vst v63  }
0x6e: {  	s31 =	sadd.s32 $0x0, s15;
	s12 =	rddreg [dreg:$0x1a]  }
0x6f: {  	[tilespmem:s19], [sflag:$0x2] =	stream.linear.gather [hbm4b:s12+s11], $0x2800, $0x38;
	[tilespmem:$0x1E140] =	vst v63  }
0x70: {  	s2 =	sadd.s32 $0x14, s31  }
0x71: {  	[tilespmem:s20], [sflag:$0x7] =	stream.linear.gather [hbm4b:s2+s11], $0xA0, $0x38;
	[tilespmem:$0x1E140] =	vst v63  }
0x72: {  	_ =	swait.ge [sflag:s10], $0xA0  }
0x73: {  	[sflag:s10] =	ssyncset.done $0x0  }
0x74: {  	[sflag:s10] =	ssyncadd.s32 $0xFFFFFF60  }
0x75: {  	[tilespmem:s21], [sflag:$0x3] =	stream.indirect.gather [hbm4b:s16+s17], $0x80, s20, s17, $0xb8;
	[tilespmem:$0x1E140] =	vst v63  }
0x76: {  	s6 =	rddreg [dreg:$0x1b]  }
0x77: {  	[tilespmem:s22], [sflag:$0x4] =	stream.linear.gather [hbm4b:s6+s11], $0x2800, $0x38;
	[tilespmem:$0x1E140] =	vst v63  }
0x78: {  	_ =	swait.ge [sflag:s23], $0x2800  }
0x79: {  	[sflag:s23] =	ssyncset.done $0x0  }
0x7a: {  	[sflag:s23] =	ssyncadd.s32 $0xFFFFD800  }
0x7b: {  	_ =	swait.ge [sflag:s24], $0x2800  }
0x7c: {  	[sflag:s24] =	ssyncset.done $0x0  }
0x7d: {  	[sflag:s24] =	ssyncadd.s32 $0xFFFFD800  }
0x7e: {  	[spmem:s14] =	stream.indirect.scatter.add.f32 [tilespmem:s9], [sflag:$0x5], $0x80, s25, s17, $0xb8;
	[tilespmem:$0x1E140] =	vst v63  }
0x7f: {  	_ = 	snop  }
0x80: {  	[spmem:s14] =	stream.indirect.scatter.add.f32 [tilespmem:s19], [sflag:$0x6], $0x80, s25, s17, $0xb8;
	[tilespmem:$0x1E140] =	vst v63  }
0x81: {  	_ =	swait.ge [sflag:s26], $0x2800  }
0x82: {  	[sflag:s26] =	ssyncset.done $0x0  }
0x83: {  	[sflag:s26] =	ssyncadd.s32 $0xFFFFD800  }
0x84: {  	p0 =	por $0x0, $0x0;
	_ =	swait.ge [sflag:s28], $0x2800  }
0x85: {  	s4 =	simm.s32 @!p0 $0x14000;
	s2 =	sadd.s32 @!p0 $0x0, s15;
	[sflag:s28] =	ssyncset.done $0x0  }
0x86: {  	s3 =	simm.s32 @!p0 $0x0;
	s2 =	sadd.s32 @!p0 $0x28, s2;
	[sflag:s28] =	ssyncadd.s32 $0xFFFFD800  }
0x87: {  	[tilespmem:s4], [sflag:$0x7] =	stream.linear.gather @!p0 [hbm4b:s2+s3], $0xA0, $0x38;
	[tilespmem:$0x1E140] =	vst v63  }
0x88: {  	s2 =	simm.s32 @!p0 $0x7  }
0x89: {  	_ =	swait.ge @!p0 [sflag:s2], $0xA0  }
0x8a: {  	[sflag:s2] =	ssyncset.done @!p0 $0x0  }
0x8b: {  	s5 =	simm.s32 @!p0 $0x50;
	[sflag:s2] =	ssyncadd.s32 @!p0 $0xFFFFFF60;
	s2 =	simm.s32 @!p0 $0x14140  }
0x8c: {  	[tilespmem:s2], [sflag:$0x1] =	stream.indirect.gather @!p0 [hbm4b:s16+s5], $0x80, s4, s5, $0xb8;
	[tilespmem:$0x1E140] =	vst v63  }
0x8d: {  	s2 =	simm.s32 @!p0 $0x16940  }
0x8e: {  	[tilespmem:s2], [sflag:$0x2] =	stream.linear.gather @!p0 [hbm4b:s13+s3], $0x2800, $0x38;
	[tilespmem:$0x1E140] =	vst v63  }
0x8f: {  	_ =	swait.ge [sflag:s29], $0x2800  }
0x90: {  	[sflag:s29] =	ssyncset.done $0x0  }
0x91: {  	[sflag:s29] =	ssyncadd.s32 $0xFFFFD800  }
0x92: {  	_ =	swait.ge [sflag:s30], $0x2800  }
0x93: {  	[sflag:s30] =	ssyncset.done $0x0  }
0x94: {  	[sflag:s30] =	ssyncadd.s32 $0xFFFFD800  }
0x95: {  	[spmem:s14] =	stream.indirect.scatter.add.f32 [tilespmem:s21], [sflag:$0x5], $0x80, s0, s17, $0xb8;
	[tilespmem:$0x1E140] =	vst v63  }
0x96: {  	_ = 	snop  }
0x97: {  	[spmem:s14] =	stream.indirect.scatter.add.f32 [tilespmem:s22], [sflag:$0x6], $0x80, s0, s17, $0xb8;
	[tilespmem:$0x1E140] =	vst v63  }
0x98: {  	_ =	swait.ge [sflag:s26], $0x2800  }
0x99: {  	[sflag:s26] =	ssyncset.done $0x0  }
0x9a: {  	s5 =	simm.s32 $0x50;
	s4 =	sadd.s32 $0xA00, s6;
	[sflag:s26] =	ssyncadd.s32 $0xFFFFD800  }
0x9b: {  	s3 =	simm.s32 $0x28;
	s2 =	sadd.s32 $0xA00, s13;
	_ =	swait.ge [sflag:s28], $0x2800  }
.LBB2_2:
0x9c: {  	s12 =	sadd.s32 s3, s15  }
0x9d: {  	[sflag:s28] =	ssyncset.done $0x0;
	s6 =	smov.u32 s5;
	s5 =	sadd.s32 $0x28, s5  }
0x9e: {  	p0 =	sne.s32 s5, $0x528;
	s12 =	sadd.s32 $0x14, s12;
	[sflag:s28] =	ssyncadd.s32 $0xFFFFD800  }
0x9f: {  	[tilespmem:s20], [sflag:$0x7] =	stream.linear.gather [hbm4b:s12+s11], $0xA0, $0x38;
	[tilespmem:$0x1E140] =	vst v63  }
0xa0: {  	_ =	swait.ge [sflag:s10], $0xA0  }
0xa1: {  	[sflag:s10] =	ssyncset.done $0x0  }
0xa2: {  	[sflag:s10] =	ssyncadd.s32 $0xFFFFFF60  }
0xa3: {  	[tilespmem:s21], [sflag:$0x3] =	stream.indirect.gather [hbm4b:s16+s17], $0x80, s20, s17, $0xb8;
	[tilespmem:$0x1E140] =	vst v63  }
0xa4: {  	_ = 	snop  }
0xa5: {  	[tilespmem:s22], [sflag:$0x4] =	stream.linear.gather [hbm4b:s4+s11], $0x2800, $0x38;
	[tilespmem:$0x1E140] =	vst v63  }
0xa6: {  	_ =	swait.ge [sflag:s23], $0x2800  }
0xa7: {  	[sflag:s23] =	ssyncset.done $0x0  }
0xa8: {  	[sflag:s23] =	ssyncadd.s32 $0xFFFFD800  }
0xa9: {  	_ =	swait.ge [sflag:s24], $0x2800  }
0xaa: {  	[sflag:s24] =	ssyncset.done $0x0  }
0xab: {  	[sflag:s24] =	ssyncadd.s32 $0xFFFFD800  }
0xac: {  	[spmem:s14] =	stream.indirect.scatter.add.f32 [tilespmem:s9], [sflag:$0x5], $0x80, s25, s17, $0xb8;
	[tilespmem:$0x1E140] =	vst v63  }
0xad: {  	_ = 	snop  }
0xae: {  	[spmem:s14] =	stream.indirect.scatter.add.f32 [tilespmem:s19], [sflag:$0x6], $0x80, s25, s17, $0xb8;
	[tilespmem:$0x1E140] =	vst v63  }
0xaf: {  	_ =	swait.ge [sflag:s26], $0x2800  }
0xb0: {  	[sflag:s26] =	ssyncset.done $0x0  }
0xb1: {  	[sflag:s26] =	ssyncadd.s32 $0xFFFFD800  }
0xb2: {  	p1 =	seq.s32 s3, $0x500;
	_ =	swait.ge [sflag:s28], $0x2800  }
0xb3: {  	s3 =	sadd.s32 @!p1 s3, s15;
	s12 =	simm.s32 @!p1 $0x0;
	[sflag:s28] =	ssyncset.done $0x0  }
0xb4: {  	s7 =	simm.s32 @!p1 $0x14000;
	s3 =	sadd.s32 @!p1 $0x28, s3;
	[sflag:s28] =	ssyncadd.s32 $0xFFFFD800  }
0xb5: {  	[tilespmem:s7], [sflag:$0x7] =	stream.linear.gather @!p1 [hbm4b:s3+s12], $0xA0, $0x38;
	[tilespmem:$0x1E140] =	vst v63  }
0xb6: {  	s8 =	simm.s32 @!p1 $0x7;
	s3 =	smov.u32 s6  }
0xb7: {  	_ =	swait.ge @!p1 [sflag:s8], $0xA0  }
0xb8: {  	s31 =	simm.s32 @!p1 $0x14140;
	s6 =	simm.s32 @!p1 $0x50;
	[sflag:s8] =	ssyncset.done @!p1 $0x0  }
0xb9: {  	[sflag:s8] =	ssyncadd.s32 @!p1 $0xFFFFFF60;
	s8 =	simm.s32 @!p1 $0x16940  }
0xba: {  	[tilespmem:s31], [sflag:$0x1] =	stream.indirect.gather @!p1 [hbm4b:s16+s6], $0x80, s7, s6, $0xb8;
	[tilespmem:$0x1E140] =	vst v63  }
0xbb: {  	_ = 	snop  }
0xbc: {  	[tilespmem:s8], [sflag:$0x2] =	stream.linear.gather @!p1 [hbm4b:s2+s12], $0x2800, $0x38;
	[tilespmem:$0x1E140] =	vst v63  }
0xbd: {  	_ =	swait.ge [sflag:s29], $0x2800  }
0xbe: {  	[sflag:s29] =	ssyncset.done $0x0  }
0xbf: {  	[sflag:s29] =	ssyncadd.s32 $0xFFFFD800  }
0xc0: {  	_ =	swait.ge [sflag:s30], $0x2800  }
0xc1: {  	[sflag:s30] =	ssyncset.done $0x0  }
0xc2: {  	[sflag:s30] =	ssyncadd.s32 $0xFFFFD800  }
0xc3: {  	[spmem:s14] =	stream.indirect.scatter.add.f32 [tilespmem:s21], [sflag:$0x5], $0x80, s0, s17, $0xb8;
	[tilespmem:$0x1E140] =	vst v63  }
0xc4: {  	_ = 	snop  }
0xc5: {  	[spmem:s14] =	stream.indirect.scatter.add.f32 [tilespmem:s22], [sflag:$0x6], $0x80, s0, s17, $0xb8;
	[tilespmem:$0x1E140] =	vst v63  }
.Ltmp0:
0xc6: {  	_ = 	snop;
	(pc) =	sbr.rel @p0 .LBB2_2-.Ltmp0, $4  }
0xc7: {  	_ =	swait.ge [sflag:s26], $0x2800  }
0xc8: {  	[sflag:s26] =	ssyncset.done $0x0  }
0xc9: {  	[sflag:s26] =	ssyncadd.s32 $0xFFFFD800  }
0xca: {  	s4 =	sadd.s32 $0xA00, s4;
	s2 =	sadd.s32 $0xA00, s2;
	_ =	swait.ge [sflag:s28], $0x2800  }
0xcb: {  	s5 =	sadd.s32 s3, s15;
	[sflag:s28] =	ssyncset.done $0x0  }
0xcc: {  	s5 =	sadd.s32 $0x14, s5;
	[sflag:s28] =	ssyncadd.s32 $0xFFFFD800  }
0xcd: {  	[tilespmem:s20], [sflag:$0x7] =	stream.linear.gather [hbm4b:s5+s11], $0xA0, $0x38;
	[tilespmem:$0x1E140] =	vst v63  }
0xce: {  	_ =	swait.ge [sflag:s10], $0xA0  }
0xcf: {  	[sflag:s10] =	ssyncset.done $0x0  }
0xd0: {  	[sflag:s10] =	ssyncadd.s32 $0xFFFFFF60  }
0xd1: {  	[tilespmem:s21], [sflag:$0x3] =	stream.indirect.gather [hbm4b:s16+s17], $0x80, s20, s17, $0xb8;
	[tilespmem:$0x1E140] =	vst v63  }
0xd2: {  	_ = 	snop  }
0xd3: {  	[tilespmem:s22], [sflag:$0x4] =	stream.linear.gather [hbm4b:s4+s11], $0x2800, $0x38;
	[tilespmem:$0x1E140] =	vst v63  }
0xd4: {  	_ =	swait.ge [sflag:s23], $0x2800  }
0xd5: {  	[sflag:s23] =	ssyncset.done $0x0  }
0xd6: {  	[sflag:s23] =	ssyncadd.s32 $0xFFFFD800  }
0xd7: {  	_ =	swait.ge [sflag:s24], $0x2800  }
0xd8: {  	[sflag:s24] =	ssyncset.done $0x0  }
0xd9: {  	[sflag:s24] =	ssyncadd.s32 $0xFFFFD800  }
0xda: {  	[spmem:s14] =	stream.indirect.scatter.add.f32 [tilespmem:s9], [sflag:$0x5], $0x80, s25, s17, $0xb8;
	[tilespmem:$0x1E140] =	vst v63  }
0xdb: {  	_ = 	snop  }
0xdc: {  	[spmem:s14] =	stream.indirect.scatter.add.f32 [tilespmem:s19], [sflag:$0x6], $0x80, s25, s17, $0xb8;
	[tilespmem:$0x1E140] =	vst v63  }
0xdd: {  	_ =	swait.ge [sflag:s26], $0x2800  }
0xde: {  	[sflag:s26] =	ssyncset.done $0x0  }
0xdf: {  	p0 =	seq.s32 s3, $0x500;
	[sflag:s26] =	ssyncadd.s32 $0xFFFFD800  }
0xe0: {  	s3 =	sadd.s32 @!p0 s3, s15;
	_ =	swait.ge [sflag:s28], $0x2800  }
0xe1: {  	s3 =	sadd.s32 @!p0 $0x28, s3;
	[sflag:s28] =	ssyncset.done $0x0  }
0xe2: {  	s5 =	simm.s32 @!p0 $0x14000;
	s4 =	simm.s32 @!p0 $0x0;
	[sflag:s28] =	ssyncadd.s32 $0xFFFFD800  }
0xe3: {  	[tilespmem:s5], [sflag:$0x7] =	stream.linear.gather @!p0 [hbm4b:s3+s4], $0xA0, $0x38;
	[tilespmem:$0x1E140] =	vst v63  }
0xe4: {  	s3 =	simm.s32 @!p0 $0x7  }
0xe5: {  	_ =	swait.ge @!p0 [sflag:s3], $0xA0  }
0xe6: {  	[sflag:s3] =	ssyncset.done @!p0 $0x0  }
0xe7: {  	s6 =	simm.s32 @!p0 $0x50;
	[sflag:s3] =	ssyncadd.s32 @!p0 $0xFFFFFF60;
	s3 =	simm.s32 @!p0 $0x14140  }
0xe8: {  	[tilespmem:s3], [sflag:$0x1] =	stream.indirect.gather @!p0 [hbm4b:s16+s6], $0x80, s5, s6, $0xb8;
	[tilespmem:$0x1E140] =	vst v63  }
0xe9: {  	s3 =	simm.s32 @!p0 $0x16940  }
0xea: {  	[tilespmem:s3], [sflag:$0x2] =	stream.linear.gather @!p0 [hbm4b:s2+s4], $0x2800, $0x38;
	[tilespmem:$0x1E140] =	vst v63  }
0xeb: {  	_ =	swait.ge [sflag:s29], $0x2800  }
0xec: {  	[sflag:s29] =	ssyncset.done $0x0  }
0xed: {  	[sflag:s29] =	ssyncadd.s32 $0xFFFFD800  }
0xee: {  	_ =	swait.ge [sflag:s30], $0x2800  }
0xef: {  	[sflag:s30] =	ssyncset.done $0x0  }
0xf0: {  	[sflag:s30] =	ssyncadd.s32 $0xFFFFD800  }
0xf1: {  	[spmem:s14] =	stream.indirect.scatter.add.f32 [tilespmem:s21], [sflag:$0x5], $0x80, s0, s17, $0xb8;
	[tilespmem:$0x1E140] =	vst v63  }
0xf2: {  	_ = 	snop  }
0xf3: {  	[spmem:s14] =	stream.indirect.scatter.add.f32 [tilespmem:s22], [sflag:$0x6], $0x80, s0, s17, $0xb8;
	[tilespmem:$0x1E140] =	vst v63  }
0xf4: {  	_ =	swait.ge [sflag:s26], $0x2800  }
0xf5: {  	[sflag:s26] =	ssyncset.done $0x0  }
0xf6: {  	[sflag:s26] =	ssyncadd.s32 $0xFFFFD800  }
0xf7: {  	_ =	swait.ge [sflag:s28], $0x2800  }
0xf8: {  	[sflag:s28] =	ssyncset.done $0x0  }
0xf9: {  	[sflag:s28] =	ssyncadd.s32 $0xFFFFD800  }
0xfa: {  	[bflag:$0x0] =	sbarrier.arrive $0xFFFF  }
0xfb: {  	[tilespmem:s9], [sflag:$0x7] =	stream.linear.gather [spmem:s18], $0x2000, $0x38;
	[tilespmem:$0x1E140] =	vst v63  }
0xfc: {  	_ =	swait.ge [sflag:s10], $0x2000  }
0xfd: {  	[sflag:s10] =	ssyncset.done $0x0  }
0xfe: {  	s7 =	rddreg [dreg:$0x4];
	[sflag:s10] =	ssyncadd.s32 $0xFFFFE000  }
0xff: {  	[hbm4b:s7+s11] =	stream.linear.scatter [tilespmem:s9], [sflag:$0x7], $0x2000, $0x38;
	[tilespmem:$0x1E140] =	vst v63  }
0x100: {  	_ =	swait.ge [sflag:s10], $0x2000  }
0x101: {  	[sflag:s10] =	ssyncset.done $0x0  }
0x102: {  	s8 =	rddreg [dreg:$0x11];
	[sflag:s10] =	ssyncadd.s32 $0xFFFFE000  }
0x103: {  	[tilespmem:s9], [sflag:$0x7] =	stream.linear.gather [spmem:s8], $0x2000, $0x38;
	[tilespmem:$0x1E140] =	vst v63  }
0x104: {  	_ =	swait.ge [sflag:s10], $0x2000  }
0x105: {  	[sflag:s10] =	ssyncset.done $0x0  }
0x106: {  	s12 =	rddreg [dreg:$0x5];
	[sflag:s10] =	ssyncadd.s32 $0xFFFFE000  }
0x107: {  	[hbm4b:s12+s11] =	stream.linear.scatter [tilespmem:s9], [sflag:$0x7], $0x2000, $0x38;
	[tilespmem:$0x1E140] =	vst v63  }
0x108: {  	_ =	swait.ge [sflag:s10], $0x2000  }
0x109: {  	[sflag:s10] =	ssyncset.done $0x0  }
0x10a: {  	s31 =	rddreg [dreg:$0x12];
	[sflag:s10] =	ssyncadd.s32 $0xFFFFE000  }
0x10b: {  	[tilespmem:s9], [sflag:$0x7] =	stream.linear.gather [spmem:s31], $0x2000, $0x38;
	[tilespmem:$0x1E140] =	vst v63  }
0x10c: {  	_ =	swait.ge [sflag:s10], $0x2000  }
0x10d: {  	[sflag:s10] =	ssyncset.done $0x0  }
0x10e: {  	s3 =	rddreg [dreg:$0x6];
	[sflag:s10] =	ssyncadd.s32 $0xFFFFE000  }
0x10f: {  	[hbm4b:s3+s11] =	stream.linear.scatter [tilespmem:s9], [sflag:$0x7], $0x2000, $0x38;
	[tilespmem:$0x1E140] =	vst v63  }
0x110: {  	_ =	swait.ge [sflag:s10], $0x2000  }
0x111: {  	[sflag:s10] =	ssyncset.done $0x0  }
0x112: {  	s4 =	rddreg [dreg:$0x13];
	[sflag:s10] =	ssyncadd.s32 $0xFFFFE000  }
0x113: {  	[tilespmem:s9], [sflag:$0x7] =	stream.linear.gather [spmem:s4], $0x2000, $0x38;
	[tilespmem:$0x1E140] =	vst v63  }
0x114: {  	_ =	swait.ge [sflag:s10], $0x2000  }
0x115: {  	[sflag:s10] =	ssyncset.done $0x0  }
0x116: {  	s5 =	rddreg [dreg:$0x7];
	[sflag:s10] =	ssyncadd.s32 $0xFFFFE000  }
0x117: {  	[hbm4b:s5+s11] =	stream.linear.scatter [tilespmem:s9], [sflag:$0x7], $0x2000, $0x38;
	[tilespmem:$0x1E140] =	vst v63  }
0x118: {  	_ =	swait.ge [sflag:s10], $0x2000  }
0x119: {  	[sflag:s10] =	ssyncset.done $0x0  }
0x11a: {  	s6 =	rddreg [dreg:$0x14];
	[sflag:s10] =	ssyncadd.s32 $0xFFFFE000  }
0x11b: {  	[tilespmem:s9], [sflag:$0x7] =	stream.linear.gather [spmem:s6], $0x2000, $0x38;
	[tilespmem:$0x1E140] =	vst v63  }
0x11c: {  	_ =	swait.ge [sflag:s10], $0x2000  }
0x11d: {  	[sflag:s10] =	ssyncset.done $0x0  }
0x11e: {  	s7 =	rddreg [dreg:$0x8];
	[sflag:s10] =	ssyncadd.s32 $0xFFFFE000  }
0x11f: {  	[hbm4b:s7+s11] =	stream.linear.scatter [tilespmem:s9], [sflag:$0x7], $0x2000, $0x38;
	[tilespmem:$0x1E140] =	vst v63  }
0x120: {  	_ =	swait.ge [sflag:s10], $0x2000  }
0x121: {  	[sflag:s10] =	ssyncset.done $0x0  }
0x122: {  	s8 =	rddreg [dreg:$0x15];
	[sflag:s10] =	ssyncadd.s32 $0xFFFFE000  }
0x123: {  	[tilespmem:s9], [sflag:$0x7] =	stream.linear.gather [spmem:s8], $0x2000, $0x38;
	[tilespmem:$0x1E140] =	vst v63  }
0x124: {  	_ =	swait.ge [sflag:s10], $0x2000  }
0x125: {  	[sflag:s10] =	ssyncset.done $0x0  }
0x126: {  	s12 =	rddreg [dreg:$0x9];
	[sflag:s10] =	ssyncadd.s32 $0xFFFFE000  }
0x127: {  	[hbm4b:s12+s11] =	stream.linear.scatter [tilespmem:s9], [sflag:$0x7], $0x2000, $0x38;
	[tilespmem:$0x1E140] =	vst v63  }
0x128: {  	_ =	swait.ge [sflag:s10], $0x2000  }
0x129: {  	[sflag:s10] =	ssyncset.done $0x0  }
0x12a: {  	s31 =	rddreg [dreg:$0x16];
	[sflag:s10] =	ssyncadd.s32 $0xFFFFE000  }
0x12b: {  	[tilespmem:s9], [sflag:$0x7] =	stream.linear.gather [spmem:s31], $0x2000, $0x38;
	[tilespmem:$0x1E140] =	vst v63  }
0x12c: {  	_ =	swait.ge [sflag:s10], $0x2000  }
0x12d: {  	[sflag:s10] =	ssyncset.done $0x0  }
0x12e: {  	s3 =	rddreg [dreg:$0xa];
	[sflag:s10] =	ssyncadd.s32 $0xFFFFE000  }
0x12f: {  	[hbm4b:s3+s11] =	stream.linear.scatter [tilespmem:s9], [sflag:$0x7], $0x2000, $0x38;
	[tilespmem:$0x1E140] =	vst v63  }
0x130: {  	_ =	swait.ge [sflag:s10], $0x2000  }
0x131: {  	[sflag:s10] =	ssyncset.done $0x0  }
0x132: {  	s4 =	rddreg [dreg:$0x17];
	[sflag:s10] =	ssyncadd.s32 $0xFFFFE000  }
0x133: {  	[tilespmem:s9], [sflag:$0x7] =	stream.linear.gather [spmem:s4], $0x2000, $0x38;
	[tilespmem:$0x1E140] =	vst v63  }
0x134: {  	_ =	swait.ge [sflag:s10], $0x2000  }
0x135: {  	[sflag:s10] =	ssyncset.done $0x0  }
0x136: {  	s5 =	rddreg [dreg:$0xb];
	[sflag:s10] =	ssyncadd.s32 $0xFFFFE000  }
0x137: {  	[hbm4b:s5+s11] =	stream.linear.scatter [tilespmem:s9], [sflag:$0x7], $0x2000, $0x38;
	[tilespmem:$0x1E140] =	vst v63  }
0x138: {  	_ =	swait.ge [sflag:s10], $0x2000  }
0x139: {  	[sflag:s10] =	ssyncset.done $0x0  }
0x13a: {  	s6 =	rddreg [dreg:$0x18];
	[sflag:s10] =	ssyncadd.s32 $0xFFFFE000  }
0x13b: {  	[tilespmem:s9], [sflag:$0x7] =	stream.linear.gather [spmem:s6], $0x2000, $0x38;
	[tilespmem:$0x1E140] =	vst v63  }
0x13c: {  	_ =	swait.ge [sflag:s10], $0x2000  }
0x13d: {  	[sflag:s10] =	ssyncset.done $0x0  }
0x13e: {  	s7 =	rddreg [dreg:$0xc];
	[sflag:s10] =	ssyncadd.s32 $0xFFFFE000  }
0x13f: {  	[hbm4b:s7+s11] =	stream.linear.scatter [tilespmem:s9], [sflag:$0x7], $0x2000, $0x38;
	[tilespmem:$0x1E140] =	vst v63  }
0x140: {  	_ =	swait.ge [sflag:s10], $0x2000  }
0x141: {  	[sflag:s10] =	ssyncset.done $0x0  }
0x142: {  	s8 =	rddreg [dreg:$0x19];
	[sflag:s10] =	ssyncadd.s32 $0xFFFFE000  }
0x143: {  	[tilespmem:s9], [sflag:$0x7] =	stream.linear.gather [spmem:s8], $0x2000, $0x38;
	[tilespmem:$0x1E140] =	vst v63  }
0x144: {  	_ =	swait.ge [sflag:s10], $0x2000  }
0x145: {  	[sflag:s10] =	ssyncset.done $0x0  }
0x146: {  	s12 =	rddreg [dreg:$0xd];
	[sflag:s10] =	ssyncadd.s32 $0xFFFFE000  }
0x147: {  	[hbm4b:s12+s11] =	stream.linear.scatter [tilespmem:s9], [sflag:$0x7], $0x2000, $0x38;
	[tilespmem:$0x1E140] =	vst v63  }
0x148: {  	_ =	swait.ge [sflag:s10], $0x2000  }
0x149: {  	s1 =	sadd.s32 $0x1, s1;
	s31 =	rddreg [dreg:$0x10]  }
0x14a: {  	p0 =	sne.s32 s1, s31  }
.Ltmp1:
0x14b: {  	_ = 	snop;
	(pc) =	sbr.rel @p0 .LBB2_1-.Ltmp1, $3  }
0x14c: {  	_ =	sdelay $0x1  }
0x14d: {  	[sflag:s10] =	ssyncset.done $0x0  }
0x14e: {  	[sflag:s10] =	ssyncadd.s32 $0xFFFFE000  }
0x14f: {  	_ =	sfence.sel $0x180000  }
0x150: {  	[bflag:$0x0] =	sbarrier.arrive $0xFFFF  }
0x151: {  	_ =	strace $0x90000053  }
0x152: {  	s0 =	stileid.u32;
	[bflag:$0x2] =	sbarrier.arrive $0xFFFF  }
0x153: {  	p0 =	sne.s32 s0, $0x0;
	s0 =	rddreg [dreg:$0x3]  }
0x154: {  	s0 =	sadd.s32 @!p0 $0x100000, s0  }
0x155: {  	[sflag:s0] =	ssyncadd.tile.s32 @!p0 $0x1;
	_ =	shalt  }
.Lfunc_end2:
_tile_overlayer_lowered:
.L_overlay_start_2:
0x156: {  	(tag) =	ssettag $0x2  }
0x157: {  	s0 =	rddreg [dreg:$0x0];
	s2 =	stileid.u32  }
0x158: {  	s1 =	rddreg [dreg:$0x1];
	p0 =	sne.s32 s2, $0x0  }
0x159: {  	s3 =	rddreg [dreg:$0x2];
	[bflag:$0x3] =	sbarrier.arrive $0xFFFF;
	s2 =	simm.s32 @!p0 $0x1C07  }
0x15a: {  	[timem:s3], [sflag:s2] =	dma.local @!p0 [hbm:s0], s1  }
0x15b: {  	s0 =	simm.s32 @!p0 $0x7  }
0x15c: {  	_ =	swait.ge @!p0 [sflag:s0], s1  }
0x15d: {  	s1 =	ssub.s32 @!p0 $0x0, s1;
	[sflag:s0] =	ssyncset.done @!p0 $0x0  }
0x15e: {  	[sflag:s0] =	ssyncadd.s32 @!p0 s1  }
0x15f: {  	[bflag:$0x3] =	sbarrier.arrive $0xFFFF  }
0x160: {  	_ =	shalt  }

</sc_bundles>
